<compile_context>
chip_gen: v7x
topology: tpu7x:2x2x1
jax: 0.10.2.dev20260603
libtpu: 0.0.44.dev20260713+nightly
codegen_flags: <defaults>
</compile_context>

<pallas_src>
import functools

import jax
import jax.numpy as jnp
from jax import lax
from jax.experimental import pallas as pl
from jax.experimental.pallas import tpu as pltpu
from jax.experimental.pallas import tpu_sc as plsc

N = 10000
NPAD = 10240
E = 320000
D = 128
G = 64
NC = 2
NS = 16
L = 16
NW = NC * NS
EPW = E // NW
ECH = 80
NCHUNK = EPW // ECH
NPW = NPAD // NW
CN = G * NPAD

_mesh = plsc.VectorSubcoreMesh(core_axis_name="c", subcore_axis_name="s")


def _zero_1d(ref, n):
    z = jnp.zeros((L,), ref.dtype)

    def body(i, _):
        ref[pl.ds(i * L, L)] = z
        return 0

    lax.fori_loop(0, n // L, body, 0)


@functools.partial(
    pl.kernel,
    out_type=(
        jax.ShapeDtypeStruct((NC, NPAD), jnp.float32),
        jax.ShapeDtypeStruct((NC, G), jnp.float32),
    ),
    mesh=_mesh,
    scratch_types=(
        pltpu.VMEM_SHARED((NPAD,), jnp.float32),
        pltpu.VMEM_SHARED((G,), jnp.float32),
        pltpu.VMEM((NCHUNK, ECH), jnp.int32),
        pltpu.VMEM((ECH,), jnp.float32),
        pltpu.VMEM((ECH,), jnp.int32),
        pltpu.VMEM((ECH,), jnp.float32),
        pltpu.VMEM((NPAD // NS,), jnp.float32),
        pltpu.SemaphoreType.DMA,
    ),
)
def _sc_hist(dst_hbm, batch_hbm, deg_out, cnt_out,
             dacc, cacc, dblk, onev, bidx, bval, zbuf, sem):
    c = lax.axis_index("c")
    s = lax.axis_index("s")
    wid = s * NC + c

    dcp = pltpu.async_copy(dst_hbm.at[wid], dblk, sem)

    _zero_1d(zbuf, NPAD // NS)
    pltpu.sync_copy(zbuf.at[pl.ds(0, NPAD // NS)], dacc.at[pl.ds(s * (NPAD // NS), NPAD // NS)])

    @pl.when(s == 0)
    def _():
        pltpu.sync_copy(zbuf.at[pl.ds(0, G)], cacc)

    one = jnp.ones((L,), jnp.float32)
    for k in range(ECH // L):
        onev[pl.ds(k * L, L)] = one

    dcp.wait()
    plsc.subcore_barrier()

    def deg_body(j, _):
        pltpu.sync_copy(onev, dacc.at[dblk.at[j]], add=True)
        return 0

    lax.fori_loop(0, NCHUNK, deg_body, 0)

    nb = wid * NPW
    for q in range(NPW // ECH):
        pltpu.sync_copy(batch_hbm.at[pl.ds(nb + q * ECH, ECH)], bidx)
        for k in range(ECH // L):
            b16 = bidx[pl.ds(k * L, L)]
            m = b16 < G
            bidx[pl.ds(k * L, L)] = jnp.where(m, b16, 0)
            bval[pl.ds(k * L, L)] = jnp.where(m, 1.0, 0.0)
        pltpu.sync_copy(bval, cacc.at[bidx], add=True)

    plsc.subcore_barrier()

    pltpu.sync_copy(dacc.at[pl.ds(s * (NPAD // NS), NPAD // NS)],
                    deg_out.at[c, pl.ds(s * (NPAD // NS), NPAD // NS)])

    @pl.when(s == 0)
    def _():
        pltpu.sync_copy(cacc, cnt_out.at[c])


_BLK = 512
_NB = NPAD // _BLK


def _k0_body(deg_ref, dinv_ref):
    dinv_ref[...] = lax.rsqrt(deg_ref[0] + deg_ref[1] + 1.0)


def _k0(deg_part):
    return pl.pallas_call(
        _k0_body,
        in_specs=[pl.BlockSpec((NC, NPAD, 1), lambda: (0, 0, 0))],
        out_specs=pl.BlockSpec((NPAD, 1), lambda: (0, 0)),
        out_shape=jax.ShapeDtypeStruct((NPAD, 1), jnp.float32),
    )(deg_part)


def _k1_body(dinv_ref, x_ref, w1_ref, h1p_ref):
    h1p_ref[...] = dinv_ref[...] * jnp.dot(x_ref[...], w1_ref[...],
                                           preferred_element_type=jnp.float32)


def _k1(dinv, x, W1):
    return pl.pallas_call(
        _k1_body,
        grid=(_NB,),
        in_specs=[
            pl.BlockSpec((_BLK, 1), lambda b: (b, 0)),
            pl.BlockSpec((_BLK, D), lambda b: (b, 0)),
            pl.BlockSpec((D, D), lambda b: (0, 0)),
        ],
        out_specs=pl.BlockSpec((_BLK, D), lambda b: (b, 0)),
        out_shape=jax.ShapeDtypeStruct((NPAD, D), jnp.float32),
    )(dinv, x, W1)


_RB = 3
_IR = _RB + 1


@functools.partial(
    pl.kernel,
    out_type=jax.ShapeDtypeStruct((NC, NPAD, D), jnp.float32),
    mesh=_mesh,
    scratch_types=(
        pltpu.VMEM_SHARED((NPAD, D), jnp.float32),
        pltpu.VMEM((_RB, ECH, D), jnp.float32),
        pltpu.VMEM((_IR, ECH), jnp.int32),
        pltpu.VMEM((_IR, ECH), jnp.int32),
        pltpu.SemaphoreType.DMA((_RB,)),
        pltpu.SemaphoreType.DMA((_IR,)),
        pltpu.SemaphoreType.DMA((_IR,)),
    ),
)
def _sc_rows(h1p_hbm, src_hbm, dst_hbm, out1_part,
             acc, rowsb, sring, dring, gsem, ssem, dsem):
    c = lax.axis_index("c")
    s = lax.axis_index("s")
    wid = s * NC + c
    rpt = NPAD // NS
    base = wid * NCHUNK

    def load_idx(j):
        r = lax.rem(j, _IR) if not isinstance(j, int) else j % _IR
        e0 = (base + j) * ECH
        pltpu.async_copy(src_hbm.at[pl.ds(e0, ECH)], sring.at[r], ssem.at[r])
        pltpu.async_copy(dst_hbm.at[pl.ds(e0, ECH)], dring.at[r], dsem.at[r])

    def wait_idx(j):
        r = lax.rem(j, _IR) if not isinstance(j, int) else j % _IR
        e0 = (base + j) * ECH
        pltpu.make_async_copy(src_hbm.at[pl.ds(e0, ECH)], sring.at[r],
                              ssem.at[r]).wait()
        pltpu.make_async_copy(dst_hbm.at[pl.ds(e0, ECH)], dring.at[r],
                              dsem.at[r]).wait()

    def issue_gather(j):
        ri = lax.rem(j, _IR) if not isinstance(j, int) else j % _IR
        b = lax.rem(j, _RB) if not isinstance(j, int) else j % _RB
        pltpu.async_copy(h1p_hbm.at[sring.at[ri]], rowsb.at[b], gsem.at[b])

    for j0 in range(_RB):
        load_idx(j0)

    def zr_body(i, _):
        for k in range(D // L):
            rowsb[0, i, pl.ds(k * L, L)] = jnp.zeros((L,), jnp.float32)
        return 0

    lax.fori_loop(0, ECH, zr_body, 0)
    for q in range(rpt // ECH):
        pltpu.sync_copy(rowsb.at[0], acc.at[pl.ds(s * rpt + q * ECH, ECH)])

    plsc.subcore_barrier()

    for j0 in range(_RB - 1):
        wait_idx(j0)
        issue_gather(j0)

    def inner(j, _):
        jn = j + _RB - 1

        @pl.when(jn < NCHUNK)
        def _():
            wait_idx(jn)
            issue_gather(jn)

            @pl.when(jn + 1 < NCHUNK)
            def _():
                load_idx(jn + 1)

        b = lax.rem(j, _RB)
        ri = lax.rem(j, _IR)
        pltpu.make_async_copy(h1p_hbm.at[sring.at[ri]], rowsb.at[b],
                              gsem.at[b]).wait()
        pltpu.sync_copy(rowsb.at[b], acc.at[dring.at[ri]], add=True)
        return 0

    lax.fori_loop(0, NCHUNK, inner, 0)

    plsc.subcore_barrier()
    pltpu.sync_copy(acc.at[pl.ds(s * rpt, rpt)],
                    out1_part.at[c, pl.ds(s * rpt, rpt)])


_NR = NPAD // 128


@functools.partial(
    pl.kernel,
    out_type=jax.ShapeDtypeStruct((NC, CN), jnp.float32),
    mesh=_mesh,
    scratch_types=(
        pltpu.VMEM_SHARED((CN,), jnp.float32),
        pltpu.VMEM((NCHUNK, ECH), jnp.int32),
        pltpu.VMEM((NCHUNK, ECH), jnp.int32),
        pltpu.VMEM((ECH,), jnp.int32),
        pltpu.VMEM((ECH,), jnp.float32),
        pltpu.VMEM((2, ECH), jnp.int32),
        pltpu.VMEM((2, ECH), jnp.float32),
        pltpu.VMEM((NPW,), jnp.int32),
        pltpu.VMEM((NPW,), jnp.float32),
        pltpu.VMEM((NPAD,), jnp.float32),
        pltpu.SemaphoreType.DMA((4,)),
        pltpu.SemaphoreType.DMA((2,)),
        pltpu.SemaphoreType.DMA((2,)),
    ),
)
def _sc_cmat(src_hbm, dst_hbm, dinv_hbm, batch_hbm,
             c_part, cacc, sblk, dblk, cidx, cval, gbv, wbv,
             bsl, dsl, zbuf, isem, gsem, wsem):
    c = lax.axis_index("c")
    s = lax.axis_index("s")
    wid = s * NC + c
    cpt = CN // NS

    scp = pltpu.async_copy(src_hbm.at[wid], sblk, isem.at[0])
    dcp = pltpu.async_copy(dst_hbm.at[wid], dblk, isem.at[1])

    _zero_1d(zbuf, NPAD)
    for q in range(cpt // NPAD):
        pltpu.sync_copy(zbuf, cacc.at[pl.ds(s * cpt + q * NPAD, NPAD)])

    scp.wait()
    dcp.wait()
    plsc.subcore_barrier()

    def issue(j, r):
        pltpu.async_copy(batch_hbm.at[dblk.at[j]], gbv.at[r], gsem.at[r])
        pltpu.async_copy(dinv_hbm.at[dblk.at[j]], wbv.at[r], wsem.at[r])

    issue(0, 0)

    def chunk(j, _):
        r = lax.rem(j, 2)

        @pl.when(j + 1 < NCHUNK)
        def _():
            issue(j + 1, lax.rem(j + 1, 2))

        pltpu.make_async_copy(batch_hbm.at[dblk.at[j]], gbv.at[r],
                              gsem.at[r]).wait()
        pltpu.make_async_copy(dinv_hbm.at[dblk.at[j]], wbv.at[r],
                              wsem.at[r]).wait()
        for k in range(ECH // L):
            sl = pl.ds(k * L, L)
            cidx[sl] = gbv[r, sl] * NPAD + sblk[j, sl]
            cval[sl] = wbv[r, sl]
        pltpu.sync_copy(cval, cacc.at[cidx], add=True)
        return 0

    lax.fori_loop(0, NCHUNK, chunk, 0)

    nb = wid * NPW
    pltpu.sync_copy(batch_hbm.at[pl.ds(nb, NPW)], bsl)
    pltpu.sync_copy(dinv_hbm.at[pl.ds(nb, NPW)], dsl)
    for q in range(NPW // ECH):
        for k in range(ECH // L):
            off = q * ECH + k * L
            b16 = bsl[pl.ds(off, L)]
            w16 = dsl[pl.ds(off, L)]
            i16 = lax.iota(jnp.int32, L) + (nb + off)
            m = b16 < G
            cidx[pl.ds(k * L, L)] = jnp.where(m, b16 * NPAD + i16, 0)
            cval[pl.ds(k * L, L)] = jnp.where(m, w16, 0.0)
        pltpu.sync_copy(cval, cacc.at[cidx], add=True)

    plsc.subcore_barrier()
    pltpu.sync_copy(cacc.at[pl.ds(s * cpt, cpt)],
                    c_part.at[c, pl.ds(s * cpt, cpt)])


def _k2_body(o_ref, h1p_ref, dinv_ref, w2_ref, b1_ref, c_ref, cnt_ref, b2_ref,
             out_ref, accs_ref):
    b = pl.program_id(0)
    t = (o_ref[0] + o_ref[1] + h1p_ref[...]) * dinv_ref[...] + b1_ref[...]
    a = jnp.where(t > 0, t, 0.01 * t)
    h2p = jnp.dot(a, w2_ref[...], preferred_element_type=jnp.float32)
    h2p = h2p * dinv_ref[...]
    cblk = c_ref[0] + c_ref[1]
    p = jnp.dot(cblk, h2p, preferred_element_type=jnp.float32)

    @pl.when(b == 0)
    def _():
        accs_ref[...] = jnp.zeros_like(accs_ref)

    accs_ref[...] += p

    @pl.when(b == _NB - 1)
    def _():
        cnt = cnt_ref[0] + cnt_ref[1]
        out_ref[...] = (accs_ref[...] / jnp.maximum(cnt, 1.0)
                        + b2_ref[...] * (cnt >= 1.0))


def _k2(out1_part, h1p, dinv, W2, b1, c_part, cnt_part, b2):
    return pl.pallas_call(
        _k2_body,
        grid=(_NB,),
        in_specs=[
            pl.BlockSpec((NC, _BLK, D), lambda b: (0, b, 0)),
            pl.BlockSpec((_BLK, D), lambda b: (b, 0)),
            pl.BlockSpec((_BLK, 1), lambda b: (b, 0)),
            pl.BlockSpec((D, D), lambda b: (0, 0)),
            pl.BlockSpec((1, D), lambda b: (0, 0)),
            pl.BlockSpec((NC, G, _BLK), lambda b: (0, 0, b)),
            pl.BlockSpec((NC, G, 1), lambda b: (0, 0, 0)),
            pl.BlockSpec((1, D), lambda b: (0, 0)),
        ],
        out_specs=pl.BlockSpec((G, D), lambda b: (0, 0)),
        out_shape=jax.ShapeDtypeStruct((G, D), jnp.float32),
        scratch_shapes=[pltpu.VMEM((G, D), jnp.float32)],
    )(out1_part, h1p, dinv, W2, b1, c_part, cnt_part, b2)


def kernel(x, edge_index, batch, W1, b1, W2, b2):
    src = edge_index[0].astype(jnp.int32)
    dst = edge_index[1].astype(jnp.int32)
    batch_p = jnp.concatenate(
        [batch.astype(jnp.int32), jnp.full((NPAD - N,), G, jnp.int32)])
    x_p = jnp.concatenate([x, jnp.zeros((NPAD - N, D), x.dtype)])

    src2 = src.reshape(NW, NCHUNK, ECH)
    dst2 = dst.reshape(NW, NCHUNK, ECH)
    deg_part, cnt_part = _sc_hist(dst2, batch_p)
    dinv = _k0(deg_part.reshape(NC, NPAD, 1))
    h1p = _k1(dinv, x_p, W1)
    out1_part = _sc_rows(h1p, src, dst)
    c_part = _sc_cmat(src2, dst2, dinv.reshape(NPAD), batch_p)
    emb = _k2(out1_part, h1p, dinv, W2, b1.reshape(1, D),
              c_part.reshape(NC, G, NPAD), cnt_part.reshape(NC, G, 1),
              b2.reshape(1, D))
    return emb

# --- scband reference (transcript-rebuilt; emitter-appended) ---
"""Pipeline reference for scband-gnn-9680856285887 (READ-ONLY COPY).

The authoritative reference and input builder live on the scoring server;
editing this copy changes nothing except your own understanding.
"""

import jax, jax.numpy as jnp
import numpy as np

N = 10000
E = 320000
D = 128
G = 64


def gcn_conv(x, src, dst, W, b):
    # GCNConv: add self-loops, symmetric normalization D^-1/2 (A+I) D^-1/2 X W + b
    n = x.shape[0]
    loop = jnp.arange(n, dtype=src.dtype)
    s = jnp.concatenate([src, loop])
    d = jnp.concatenate([dst, loop])
    deg = jax.ops.segment_sum(jnp.ones(s.shape[0], dtype=x.dtype), d, num_segments=n)
    dinv = jax.lax.rsqrt(jnp.maximum(deg, 1e-12))
    norm = dinv[s] * dinv[d]
    h = x @ W
    msg = h[s] * norm[:, None]
    out = jax.ops.segment_sum(msg, d, num_segments=n)
    return out + b


def setup_inputs(seed: int = 0) -> dict:
    key = jax.random.key(seed)
    ks = jax.random.split(key, 8)
    x = jax.random.normal(ks[0], (N, D), dtype=jnp.float32)
    edge_index = jax.random.randint(ks[1], (2, E), 0, N)
    batch = jnp.sort(jax.random.randint(ks[2], (N,), 0, G))
    scale = 1.0 / np.sqrt(D)
    W1 = jax.random.normal(ks[3], (D, D), dtype=jnp.float32) * scale
    b1 = jnp.zeros((D,), dtype=jnp.float32)
    W2 = jax.random.normal(ks[4], (D, D), dtype=jnp.float32) * scale
    b2 = jnp.zeros((D,), dtype=jnp.float32)
    return {"x": x, "edge_index": edge_index, "batch": batch,
            "W1": W1, "b1": b1, "W2": W2, "b2": b2}


def reference(x, edge_index, batch, W1, b1, W2, b2):
    src = edge_index[0]
    dst = edge_index[1]
    h = gcn_conv(x, src, dst, W1, b1)
    h = jax.nn.leaky_relu(h, negative_slope=0.01)
    # dropout is identity in eval mode
    node_emb = gcn_conv(h, src, dst, W2, b2)
    # global_mean_pool over batch assignment
    summ = jax.ops.segment_sum(node_emb, batch, num_segments=G)
    cnt = jax.ops.segment_sum(jnp.ones((node_emb.shape[0],), node_emb.dtype), batch, num_segments=G)
    graph_emb = summ / jnp.maximum(cnt, 1.0)[:, None]
    return graph_emb

if __name__ == "__main__":
    import jax
    _d = setup_inputs()
    print(jax.jit(kernel)(*tuple(_d.values())))

</pallas_src>

<mosaic_0001>
#map = affine_map<(d0, d1) -> (0, 0, 0)>
#map1 = affine_map<(d0, d1) -> (0)>
#map2 = affine_map<(d0, d1) -> (0, 0)>
module attributes {stable_mosaic.version = 14 : i64} {
  func.func @_sc_hist(%arg0: i32, %arg1: i32, %arg2: memref<32x125x80xi32, #tpu.memory_space<hbm>>, %arg3: memref<10240xi32, #tpu.memory_space<hbm>>, %arg4: memref<2x10240xf32, #tpu.memory_space<hbm>>, %arg5: memref<2x64xf32, #tpu.memory_space<hbm>>, %arg6: memref<10240xf32, #tpu.memory_space<vmem_shared>>, %arg7: memref<64xf32, #tpu.memory_space<vmem_shared>>, %arg8: memref<125x80xi32, #tpu.memory_space<vmem>>, %arg9: memref<80xf32, #tpu.memory_space<vmem>>, %arg10: memref<80xi32, #tpu.memory_space<vmem>>, %arg11: memref<80xf32, #tpu.memory_space<vmem>>, %arg12: memref<640xf32, #tpu.memory_space<vmem>>, %arg13: memref<!tpu.dma_semaphore, #tpu.memory_space<semaphore_mem>>) attributes {dimension_semantics = [#tpu.dimension_semantics<core_parallel>, #tpu.dimension_semantics<subcore_parallel>], iteration_bounds = array<i64: 2, 16>, scalar_prefetch = 0 : i64, scratch_operands = 8 : i64, tpu.core_type = #tpu.core_type<sc_vector_subcore>, window_params = [{transform_indices = #map}, {transform_indices = #map1}, {transform_indices = #map2}, {transform_indices = #map2}]} {
    %mul3A = arith.constant 2 : i32
    %mul3A_0 = arith.muli %arg1, %mul3A : i32
    %add3A = arith.addi %mul3A_0, %arg0 : i32
    %dma_start3A = arith.constant 0 : i32
    %dma_start3A_1 = arith.constant 0 : i32
    %dma_start3A_2 = tpu.memref_slice %arg2[%add3A, %dma_start3A, %dma_start3A_1] : memref<32x125x80xi32, #tpu.memory_space<hbm>> -> memref<1x125x80xi32, #tpu.memory_space<hbm>>
    %dma_start3A_3 = tpu.memref_squeeze %dma_start3A_2 : memref<1x125x80xi32, #tpu.memory_space<hbm>> -> memref<125x80xi32, #tpu.memory_space<hbm>>
    %dma_start3A_4 = arith.constant 0 : i32
    %dma_start3A_5 = arith.constant 0 : i32
    %dma_start3A_6 = tpu.memref_slice %arg2[%add3A, %dma_start3A_4, %dma_start3A_5] : memref<32x125x80xi32, #tpu.memory_space<hbm>> -> memref<1x125x80xi32, #tpu.memory_space<hbm>>
    %dma_start3A_7 = tpu.memref_squeeze %dma_start3A_6 : memref<1x125x80xi32, #tpu.memory_space<hbm>> -> memref<125x80xi32, #tpu.memory_space<hbm>>
    tpu.enqueue_dma source(%dma_start3A_7 : memref<125x80xi32, #tpu.memory_space<hbm>>) target(%arg8 : memref<125x80xi32, #tpu.memory_space<vmem>>) target_semaphore(%arg13 : memref<!tpu.dma_semaphore, #tpu.memory_space<semaphore_mem>>)
    %broadcast_in_dim3A = arith.constant 0.000000e+00 : f32
    %broadcast_in_dim3A_8 = vector.broadcast %broadcast_in_dim3A : f32 to vector<16xf32>
    %scan3A = arith.constant 0 : i32
    %scan3A_9 = arith.constant 0 : i32
    %scan3A_10 = arith.constant 40 : i32
    %scan3A_11 = arith.addi %scan3A_9, %scan3A_10 : i32
    %scan3A_12 = arith.constant 1 : i32
    %scan3A_13 = scf.for %scan3A_510 = %scan3A_9 to %scan3A_11 step %scan3A_12 iter_args(%scan3A_511 = %scan3A) -> (i32)  : i32 {
      %mul3A_512 = arith.constant 16 : i32
      %mul3A_513 = arith.muli %scan3A_510, %mul3A_512 : i32
      %swap3A_514 = arith.index_cast %mul3A_513 : i32 to index
      %swap3A_515 = tpu.vector_load %arg12[%swap3A_514] {strides = array<i32>} : memref<640xf32, #tpu.memory_space<vmem>>, vector<16xf32>,
      %swap3A_516 = vector.shape_cast %swap3A_515 : vector<16xf32> to vector<16xf32>
      %swap3A_517 = vector.shape_cast %broadcast_in_dim3A_8 : vector<16xf32> to vector<16xf32>
      tpu.vector_store %arg12[%swap3A_514], %swap3A_517 {strides = array<i32>} : memref<640xf32, #tpu.memory_space<vmem>>, vector<16xf32>,
      %scan3A_518 = arith.constant 0 : i32
      scf.yield %scan3A_518 : i32
    }
    %scan3A_14 = arith.constant 40 : i32
    %mul3A_15 = arith.constant 640 : i32
    %mul3A_16 = arith.muli %arg1, %mul3A_15 : i32
    "tpu.region"() ({
      %run_scoped3A = tpu.sem_alloc : memref<!tpu.dma_semaphore, #tpu.memory_space<semaphore_mem>>
      %dma_start3A_510 = arith.constant 0 : i32
      %dma_start3A_511 = tpu.memref_slice %arg12[%dma_start3A_510] : memref<640xf32, #tpu.memory_space<vmem>> -> memref<640xf32, #tpu.memory_space<vmem>>
      %dma_start3A_512 = tpu.memref_slice %arg6[%mul3A_16] : memref<10240xf32, #tpu.memory_space<vmem_shared>> -> memref<640xf32, #tpu.memory_space<vmem_shared>>
      %dma_start3A_513 = tpu.memref_slice %arg6[%mul3A_16] : memref<10240xf32, #tpu.memory_space<vmem_shared>> -> memref<640xf32, #tpu.memory_space<vmem_shared>>
      %dma_start3A_514 = arith.constant 0 : i32
      %dma_start3A_515 = tpu.memref_slice %arg12[%dma_start3A_514] : memref<640xf32, #tpu.memory_space<vmem>> -> memref<640xf32, #tpu.memory_space<vmem>>
      tpu.enqueue_dma source(%dma_start3A_515 : memref<640xf32, #tpu.memory_space<vmem>>) target(%dma_start3A_513 : memref<640xf32, #tpu.memory_space<vmem_shared>>) target_semaphore(%run_scoped3A : memref<!tpu.dma_semaphore, #tpu.memory_space<semaphore_mem>>)
      %dma_wait3A_516 = arith.constant 0 : i32
      %dma_wait3A_517 = tpu.memref_slice %arg12[%dma_wait3A_516] : memref<640xf32, #tpu.memory_space<vmem>> -> memref<640xf32, #tpu.memory_space<vmem>>
      %dma_wait3A_518 = tpu.memref_slice %arg6[%mul3A_16] : memref<10240xf32, #tpu.memory_space<vmem_shared>> -> memref<640xf32, #tpu.memory_space<vmem_shared>>
      %dma_wait3A_519 = tpu.memref_slice %arg6[%mul3A_16] : memref<10240xf32, #tpu.memory_space<vmem_shared>> -> memref<640xf32, #tpu.memory_space<vmem_shared>>
      %dma_wait3A_520 = arith.constant 0 : i32
      %dma_wait3A_521 = tpu.memref_slice %arg12[%dma_wait3A_520] : memref<640xf32, #tpu.memory_space<vmem>> -> memref<640xf32, #tpu.memory_space<vmem>>
      tpu.wait_dma2 semaphore(%run_scoped3A : memref<!tpu.dma_semaphore, #tpu.memory_space<semaphore_mem>>) src(%dma_wait3A_521 : memref<640xf32, #tpu.memory_space<vmem>>) dst(%dma_wait3A_519 : memref<640xf32, #tpu.memory_space<vmem_shared>>)
      tpu.yield
    }) : () -> ()
    %eq3A = arith.constant 0 : i32
    %eq3A_17 = arith.cmpi eq, %arg1, %eq3A : i32
    %convert_element_type3A = arith.extui %eq3A_17 : i1 to i32
    %cond3A = arith.constant 0 : i32
    %cond3A_18 = arith.cmpi ne, %convert_element_type3A, %cond3A : i32
    scf.if %cond3A_18 {
      "tpu.region"() ({
        %run_scoped3A = tpu.sem_alloc : memref<!tpu.dma_semaphore, #tpu.memory_space<semaphore_mem>>
        %dma_start3A_510 = arith.constant 0 : i32
        %dma_start3A_511 = tpu.memref_slice %arg12[%dma_start3A_510] : memref<640xf32, #tpu.memory_space<vmem>> -> memref<64xf32, #tpu.memory_space<vmem>>
        %dma_start3A_512 = arith.constant 0 : i32
        %dma_start3A_513 = tpu.memref_slice %arg12[%dma_start3A_512] : memref<640xf32, #tpu.memory_space<vmem>> -> memref<64xf32, #tpu.memory_space<vmem>>
        tpu.enqueue_dma source(%dma_start3A_513 : memref<64xf32, #tpu.memory_space<vmem>>) target(%arg7 : memref<64xf32, #tpu.memory_space<vmem_shared>>) target_semaphore(%run_scoped3A : memref<!tpu.dma_semaphore, #tpu.memory_space<semaphore_mem>>)
        %dma_wait3A_514 = arith.constant 0 : i32
        %dma_wait3A_515 = tpu.memref_slice %arg12[%dma_wait3A_514] : memref<640xf32, #tpu.memory_space<vmem>> -> memref<64xf32, #tpu.memory_space<vmem>>
        %dma_wait3A_516 = arith.constant 0 : i32
        %dma_wait3A_517 = tpu.memref_slice %arg12[%dma_wait3A_516] : memref<640xf32, #tpu.memory_space<vmem>> -> memref<64xf32, #tpu.memory_space<vmem>>
        tpu.wait_dma2 semaphore(%run_scoped3A : memref<!tpu.dma_semaphore, #tpu.memory_space<semaphore_mem>>) src(%dma_wait3A_517 : memref<64xf32, #tpu.memory_space<vmem>>) dst(%arg7 : memref<64xf32, #tpu.memory_space<vmem_shared>>)
        tpu.yield
      }) : () -> ()
    } else {
    }
    %broadcast_in_dim3A_19 = arith.constant 1.000000e+00 : f32
    %broadcast_in_dim3A_20 = vector.broadcast %broadcast_in_dim3A_19 : f32 to vector<16xf32>
    %swap3A = arith.constant 0 : index
    %swap3A_21 = tpu.vector_load %arg9[%swap3A] {strides = array<i32>} : memref<80xf32, #tpu.memory_space<vmem>>, vector<16xf32>,
    %swap3A_22 = vector.shape_cast %swap3A_21 : vector<16xf32> to vector<16xf32>
    %swap3A_23 = vector.shape_cast %broadcast_in_dim3A_20 : vector<16xf32> to vector<16xf32>
    tpu.vector_store %arg9[%swap3A], %swap3A_23 {strides = array<i32>} : memref<80xf32, #tpu.memory_space<vmem>>, vector<16xf32>,
    %swap3A_24 = arith.constant 16 : index
    %swap3A_25 = tpu.vector_load %arg9[%swap3A_24] {strides = array<i32>} : memref<80xf32, #tpu.memory_space<vmem>>, vector<16xf32>,
    %swap3A_26 = vector.shape_cast %swap3A_25 : vector<16xf32> to vector<16xf32>
    %swap3A_27 = vector.shape_cast %broadcast_in_dim3A_20 : vector<16xf32> to vector<16xf32>
    tpu.vector_store %arg9[%swap3A_24], %swap3A_27 {strides = array<i32>} : memref<80xf32, #tpu.memory_space<vmem>>, vector<16xf32>,
    %swap3A_28 = arith.constant 32 : index
    %swap3A_29 = tpu.vector_load %arg9[%swap3A_28] {strides = array<i32>} : memref<80xf32, #tpu.memory_space<vmem>>, vector<16xf32>,
    %swap3A_30 = vector.shape_cast %swap3A_29 : vector<16xf32> to vector<16xf32>
    %swap3A_31 = vector.shape_cast %broadcast_in_dim3A_20 : vector<16xf32> to vector<16xf32>
    tpu.vector_store %arg9[%swap3A_28], %swap3A_31 {strides = array<i32>} : memref<80xf32, #tpu.memory_space<vmem>>, vector<16xf32>,
    %swap3A_32 = arith.constant 48 : index
    %swap3A_33 = tpu.vector_load %arg9[%swap3A_32] {strides = array<i32>} : memref<80xf32, #tpu.memory_space<vmem>>, vector<16xf32>,
    %swap3A_34 = vector.shape_cast %swap3A_33 : vector<16xf32> to vector<16xf32>
    %swap3A_35 = vector.shape_cast %broadcast_in_dim3A_20 : vector<16xf32> to vector<16xf32>
    tpu.vector_store %arg9[%swap3A_32], %swap3A_35 {strides = array<i32>} : memref<80xf32, #tpu.memory_space<vmem>>, vector<16xf32>,
    %swap3A_36 = arith.constant 64 : index
    %swap3A_37 = tpu.vector_load %arg9[%swap3A_36] {strides = array<i32>} : memref<80xf32, #tpu.memory_space<vmem>>, vector<16xf32>,
    %swap3A_38 = vector.shape_cast %swap3A_37 : vector<16xf32> to vector<16xf32>
    %swap3A_39 = vector.shape_cast %broadcast_in_dim3A_20 : vector<16xf32> to vector<16xf32>
    tpu.vector_store %arg9[%swap3A_36], %swap3A_39 {strides = array<i32>} : memref<80xf32, #tpu.memory_space<vmem>>, vector<16xf32>,
    %dma_wait3A = arith.constant 0 : i32
    %dma_wait3A_40 = arith.constant 0 : i32
    %dma_wait3A_41 = tpu.memref_slice %arg2[%add3A, %dma_wait3A, %dma_wait3A_40] : memref<32x125x80xi32, #tpu.memory_space<hbm>> -> memref<1x125x80xi32, #tpu.memory_space<hbm>>
    %dma_wait3A_42 = tpu.memref_squeeze %dma_wait3A_41 : memref<1x125x80xi32, #tpu.memory_space<hbm>> -> memref<125x80xi32, #tpu.memory_space<hbm>>
    %dma_wait3A_43 = arith.constant 0 : i32
    %dma_wait3A_44 = arith.constant 0 : i32
    %dma_wait3A_45 = tpu.memref_slice %arg2[%add3A, %dma_wait3A_43, %dma_wait3A_44] : memref<32x125x80xi32, #tpu.memory_space<hbm>> -> memref<1x125x80xi32, #tpu.memory_space<hbm>>
    %dma_wait3A_46 = tpu.memref_squeeze %dma_wait3A_45 : memref<1x125x80xi32, #tpu.memory_space<hbm>> -> memref<125x80xi32, #tpu.memory_space<hbm>>
    tpu.wait_dma2 semaphore(%arg13 : memref<!tpu.dma_semaphore, #tpu.memory_space<semaphore_mem>>) src(%dma_wait3A_46 : memref<125x80xi32, #tpu.memory_space<hbm>>) dst(%arg8 : memref<125x80xi32, #tpu.memory_space<vmem>>)
    %barrier3A = arith.constant 0 : index
    tpu.barrier barrier_id(%barrier3A)
    %scan3A_47 = arith.constant 0 : i32
    %scan3A_48 = arith.constant 0 : i32
    %scan3A_49 = arith.constant 125 : i32
    %scan3A_50 = arith.addi %scan3A_48, %scan3A_49 : i32
    %scan3A_51 = arith.constant 1 : i32
    %scan3A_52 = scf.for %scan3A_510 = %scan3A_48 to %scan3A_50 step %scan3A_51 iter_args(%scan3A_511 = %scan3A_47) -> (i32)  : i32 {
      "tpu.region"() ({
        %run_scoped3A = tpu.sem_alloc : memref<!tpu.dma_semaphore, #tpu.memory_space<semaphore_mem>>
        %dma_start3A_513 = arith.constant 0 : i32
        %dma_start3A_514 = tpu.memref_slice %arg8[%scan3A_510, %dma_start3A_513] : memref<125x80xi32, #tpu.memory_space<vmem>> -> memref<1x80xi32, #tpu.memory_space<vmem>>
        %dma_start3A_515 = tpu.memref_squeeze %dma_start3A_514 : memref<1x80xi32, #tpu.memory_space<vmem>> -> memref<80xi32, #tpu.memory_space<vmem>>
        %dma_start3A_516 = arith.constant 0 : i32
        %dma_start3A_517 = tpu.memref_slice %arg6[%dma_start3A_516] : memref<10240xf32, #tpu.memory_space<vmem_shared>> -> memref<10240xf32, #tpu.memory_space<vmem_shared>>
        tpu.enqueue_indirect_dma source(%arg9 : memref<80xf32, #tpu.memory_space<vmem>>) target(%dma_start3A_517 : memref<10240xf32, #tpu.memory_space<vmem_shared>>) offsets(%dma_start3A_515 : memref<80xi32, #tpu.memory_space<vmem>>) semaphore(%run_scoped3A : memref<!tpu.dma_semaphore, #tpu.memory_space<semaphore_mem>>) {add = true}
        %dma_wait3A_518 = arith.constant 0 : i32
        %dma_wait3A_519 = tpu.memref_slice %arg8[%scan3A_510, %dma_wait3A_518] : memref<125x80xi32, #tpu.memory_space<vmem>> -> memref<1x80xi32, #tpu.memory_space<vmem>>
        %dma_wait3A_520 = tpu.memref_squeeze %dma_wait3A_519 : memref<1x80xi32, #tpu.memory_space<vmem>> -> memref<80xi32, #tpu.memory_space<vmem>>
        %dma_wait3A_521 = arith.constant 0 : i32
        %dma_wait3A_522 = tpu.memref_slice %arg6[%dma_wait3A_521] : memref<10240xf32, #tpu.memory_space<vmem_shared>> -> memref<10240xf32, #tpu.memory_space<vmem_shared>>
        tpu.wait_indirect_dma semaphore(%run_scoped3A : memref<!tpu.dma_semaphore, #tpu.memory_space<semaphore_mem>>) src(%arg9 : memref<80xf32, #tpu.memory_space<vmem>>) dst(%dma_wait3A_522 : memref<10240xf32, #tpu.memory_space<vmem_shared>>)
        tpu.yield
      }) : () -> ()
      %scan3A_512 = arith.constant 0 : i32
      scf.yield %scan3A_512 : i32
    }
    %scan3A_53 = arith.constant 125 : i32
    %mul3A_54 = arith.constant 320 : i32
    %mul3A_55 = arith.muli %add3A, %mul3A_54 : i32
    %add3A_56 = arith.constant 0 : i32
    %add3A_57 = arith.addi %mul3A_55, %add3A_56 : i32
    "tpu.region"() ({
      %run_scoped3A = tpu.sem_alloc : memref<!tpu.dma_semaphore, #tpu.memory_space<semaphore_mem>>
      %dma_start3A_510 = tpu.memref_slice %arg3[%add3A_57] : memref<10240xi32, #tpu.memory_space<hbm>> -> memref<80xi32, #tpu.memory_space<hbm>>
      %dma_start3A_511 = tpu.memref_slice %arg3[%add3A_57] : memref<10240xi32, #tpu.memory_space<hbm>> -> memref<80xi32, #tpu.memory_space<hbm>>
      tpu.enqueue_dma source(%dma_start3A_511 : memref<80xi32, #tpu.memory_space<hbm>>) target(%arg10 : memref<80xi32, #tpu.memory_space<vmem>>) target_semaphore(%run_scoped3A : memref<!tpu.dma_semaphore, #tpu.memory_space<semaphore_mem>>)
      %dma_wait3A_512 = tpu.memref_slice %arg3[%add3A_57] : memref<10240xi32, #tpu.memory_space<hbm>> -> memref<80xi32, #tpu.memory_space<hbm>>
      %dma_wait3A_513 = tpu.memref_slice %arg3[%add3A_57] : memref<10240xi32, #tpu.memory_space<hbm>> -> memref<80xi32, #tpu.memory_space<hbm>>
      tpu.wait_dma2 semaphore(%run_scoped3A : memref<!tpu.dma_semaphore, #tpu.memory_space<semaphore_mem>>) src(%dma_wait3A_513 : memref<80xi32, #tpu.memory_space<hbm>>) dst(%arg10 : memref<80xi32, #tpu.memory_space<vmem>>)
      tpu.yield
    }) : () -> ()
    %get3A = arith.constant 0 : index
    %get3A_58 = tpu.vector_load %arg10[%get3A] {strides = array<i32>} : memref<80xi32, #tpu.memory_space<vmem>>, vector<16xi32>,
    %get3A_59 = vector.shape_cast %get3A_58 : vector<16xi32> to vector<16xi32>
    %lt3A = arith.constant 64 : i32
    %lt3A_60 = vector.broadcast %lt3A : i32 to vector<16xi32>
    %lt3A_61 = arith.cmpi slt, %get3A_59, %lt3A_60 : vector<16xi32>
    %jit3A = arith.constant 0 : i32
    %broadcast_in_dim3A_62 = vector.broadcast %jit3A : i32 to vector<16xi32>
    %select_n3A = arith.select %lt3A_61, %get3A_59, %broadcast_in_dim3A_62 : vector<16xi1>, vector<16xi32>
    %swap3A_63 = arith.constant 0 : index
    %swap3A_64 = tpu.vector_load %arg10[%swap3A_63] {strides = array<i32>} : memref<80xi32, #tpu.memory_space<vmem>>, vector<16xi32>,
    %swap3A_65 = vector.shape_cast %swap3A_64 : vector<16xi32> to vector<16xi32>
    %swap3A_66 = vector.shape_cast %select_n3A : vector<16xi32> to vector<16xi32>
    tpu.vector_store %arg10[%swap3A_63], %swap3A_66 {strides = array<i32>} : memref<80xi32, #tpu.memory_space<vmem>>, vector<16xi32>,
    %jit3A_67 = arith.constant 1.000000e+00 : f32
    %jit3A_68 = arith.constant 0.000000e+00 : f32
    %broadcast_in_dim3A_69 = vector.broadcast %jit3A_67 : f32 to vector<16xf32>
    %broadcast_in_dim3A_70 = vector.broadcast %jit3A_68 : f32 to vector<16xf32>
    %select_n3A_71 = arith.select %lt3A_61, %broadcast_in_dim3A_69, %broadcast_in_dim3A_70 : vector<16xi1>, vector<16xf32>
    %swap3A_72 = arith.constant 0 : index
    %swap3A_73 = tpu.vector_load %arg11[%swap3A_72] {strides = array<i32>} : memref<80xf32, #tpu.memory_space<vmem>>, vector<16xf32>,
    %swap3A_74 = vector.shape_cast %swap3A_73 : vector<16xf32> to vector<16xf32>
    %swap3A_75 = vector.shape_cast %select_n3A_71 : vector<16xf32> to vector<16xf32>
    tpu.vector_store %arg11[%swap3A_72], %swap3A_75 {strides = array<i32>} : memref<80xf32, #tpu.memory_space<vmem>>, vector<16xf32>,
    %get3A_76 = arith.constant 16 : index
    %get3A_77 = tpu.vector_load %arg10[%get3A_76] {strides = array<i32>} : memref<80xi32, #tpu.memory_space<vmem>>, vector<16xi32>,
    %get3A_78 = vector.shape_cast %get3A_77 : vector<16xi32> to vector<16xi32>
    %lt3A_79 = arith.constant 64 : i32
    %lt3A_80 = vector.broadcast %lt3A_79 : i32 to vector<16xi32>
    %lt3A_81 = arith.cmpi slt, %get3A_78, %lt3A_80 : vector<16xi32>
    %jit3A_82 = arith.constant 0 : i32
    %broadcast_in_dim3A_83 = vector.broadcast %jit3A_82 : i32 to vector<16xi32>
    %select_n3A_84 = arith.select %lt3A_81, %get3A_78, %broadcast_in_dim3A_83 : vector<16xi1>, vector<16xi32>
    %swap3A_85 = arith.constant 16 : index
    %swap3A_86 = tpu.vector_load %arg10[%swap3A_85] {strides = array<i32>} : memref<80xi32, #tpu.memory_space<vmem>>, vector<16xi32>,
    %swap3A_87 = vector.shape_cast %swap3A_86 : vector<16xi32> to vector<16xi32>
    %swap3A_88 = vector.shape_cast %select_n3A_84 : vector<16xi32> to vector<16xi32>
    tpu.vector_store %arg10[%swap3A_85], %swap3A_88 {strides = array<i32>} : memref<80xi32, #tpu.memory_space<vmem>>, vector<16xi32>,
    %jit3A_89 = arith.constant 1.000000e+00 : f32
    %jit3A_90 = arith.constant 0.000000e+00 : f32
    %broadcast_in_dim3A_91 = vector.broadcast %jit3A_89 : f32 to vector<16xf32>
    %broadcast_in_dim3A_92 = vector.broadcast %jit3A_90 : f32 to vector<16xf32>
    %select_n3A_93 = arith.select %lt3A_81, %broadcast_in_dim3A_91, %broadcast_in_dim3A_92 : vector<16xi1>, vector<16xf32>
    %swap3A_94 = arith.constant 16 : index
    %swap3A_95 = tpu.vector_load %arg11[%swap3A_94] {strides = array<i32>} : memref<80xf32, #tpu.memory_space<vmem>>, vector<16xf32>,
    %swap3A_96 = vector.shape_cast %swap3A_95 : vector<16xf32> to vector<16xf32>
    %swap3A_97 = vector.shape_cast %select_n3A_93 : vector<16xf32> to vector<16xf32>
    tpu.vector_store %arg11[%swap3A_94], %swap3A_97 {strides = array<i32>} : memref<80xf32, #tpu.memory_space<vmem>>, vector<16xf32>,
    %get3A_98 = arith.constant 32 : index
    %get3A_99 = tpu.vector_load %arg10[%get3A_98] {strides = array<i32>} : memref<80xi32, #tpu.memory_space<vmem>>, vector<16xi32>,
    %get3A_100 = vector.shape_cast %get3A_99 : vector<16xi32> to vector<16xi32>
    %lt3A_101 = arith.constant 64 : i32
    %lt3A_102 = vector.broadcast %lt3A_101 : i32 to vector<16xi32>
    %lt3A_103 = arith.cmpi slt, %get3A_100, %lt3A_102 : vector<16xi32>
    %jit3A_104 = arith.constant 0 : i32
    %broadcast_in_dim3A_105 = vector.broadcast %jit3A_104 : i32 to vector<16xi32>
    %select_n3A_106 = arith.select %lt3A_103, %get3A_100, %broadcast_in_dim3A_105 : vector<16xi1>, vector<16xi32>
    %swap3A_107 = arith.constant 32 : index
    %swap3A_108 = tpu.vector_load %arg10[%swap3A_107] {strides = array<i32>} : memref<80xi32, #tpu.memory_space<vmem>>, vector<16xi32>,
    %swap3A_109 = vector.shape_cast %swap3A_108 : vector<16xi32> to vector<16xi32>
    %swap3A_110 = vector.shape_cast %select_n3A_106 : vector<16xi32> to vector<16xi32>
    tpu.vector_store %arg10[%swap3A_107], %swap3A_110 {strides = array<i32>} : memref<80xi32, #tpu.memory_space<vmem>>, vector<16xi32>,
    %jit3A_111 = arith.constant 1.000000e+00 : f32
    %jit3A_112 = arith.constant 0.000000e+00 : f32
    %broadcast_in_dim3A_113 = vector.broadcast %jit3A_111 : f32 to vector<16xf32>
    %broadcast_in_dim3A_114 = vector.broadcast %jit3A_112 : f32 to vector<16xf32>
    %select_n3A_115 = arith.select %lt3A_103, %broadcast_in_dim3A_113, %broadcast_in_dim3A_114 : vector<16xi1>, vector<16xf32>
    %swap3A_116 = arith.constant 32 : index
    %swap3A_117 = tpu.vector_load %arg11[%swap3A_116] {strides = array<i32>} : memref<80xf32, #tpu.memory_space<vmem>>, vector<16xf32>,
    %swap3A_118 = vector.shape_cast %swap3A_117 : vector<16xf32> to vector<16xf32>
    %swap3A_119 = vector.shape_cast %select_n3A_115 : vector<16xf32> to vector<16xf32>
    tpu.vector_store %arg11[%swap3A_116], %swap3A_119 {strides = array<i32>} : memref<80xf32, #tpu.memory_space<vmem>>, vector<16xf32>,
    %get3A_120 = arith.constant 48 : index
    %get3A_121 = tpu.vector_load %arg10[%get3A_120] {strides = array<i32>} : memref<80xi32, #tpu.memory_space<vmem>>, vector<16xi32>,
    %get3A_122 = vector.shape_cast %get3A_121 : vector<16xi32> to vector<16xi32>
    %lt3A_123 = arith.constant 64 : i32
    %lt3A_124 = vector.broadcast %lt3A_123 : i32 to vector<16xi32>
    %lt3A_125 = arith.cmpi slt, %get3A_122, %lt3A_124 : vector<16xi32>
    %jit3A_126 = arith.constant 0 : i32
    %broadcast_in_dim3A_127 = vector.broadcast %jit3A_126 : i32 to vector<16xi32>
    %select_n3A_128 = arith.select %lt3A_125, %get3A_122, %broadcast_in_dim3A_127 : vector<16xi1>, vector<16xi32>
    %swap3A_129 = arith.constant 48 : index
    %swap3A_130 = tpu.vector_load %arg10[%swap3A_129] {strides = array<i32>} : memref<80xi32, #tpu.memory_space<vmem>>, vector<16xi32>,
    %swap3A_131 = vector.shape_cast %swap3A_130 : vector<16xi32> to vector<16xi32>
    %swap3A_132 = vector.shape_cast %select_n3A_128 : vector<16xi32> to vector<16xi32>
    tpu.vector_store %arg10[%swap3A_129], %swap3A_132 {strides = array<i32>} : memref<80xi32, #tpu.memory_space<vmem>>, vector<16xi32>,
    %jit3A_133 = arith.constant 1.000000e+00 : f32
    %jit3A_134 = arith.constant 0.000000e+00 : f32
    %broadcast_in_dim3A_135 = vector.broadcast %jit3A_133 : f32 to vector<16xf32>
    %broadcast_in_dim3A_136 = vector.broadcast %jit3A_134 : f32 to vector<16xf32>
    %select_n3A_137 = arith.select %lt3A_125, %broadcast_in_dim3A_135, %broadcast_in_dim3A_136 : vector<16xi1>, vector<16xf32>
    %swap3A_138 = arith.constant 48 : index
    %swap3A_139 = tpu.vector_load %arg11[%swap3A_138] {strides = array<i32>} : memref<80xf32, #tpu.memory_space<vmem>>, vector<16xf32>,
    %swap3A_140 = vector.shape_cast %swap3A_139 : vector<16xf32> to vector<16xf32>
    %swap3A_141 = vector.shape_cast %select_n3A_137 : vector<16xf32> to vector<16xf32>
    tpu.vector_store %arg11[%swap3A_138], %swap3A_141 {strides = array<i32>} : memref<80xf32, #tpu.memory_space<vmem>>, vector<16xf32>,
    %get3A_142 = arith.constant 64 : index
    %get3A_143 = tpu.vector_load %arg10[%get3A_142] {strides = array<i32>} : memref<80xi32, #tpu.memory_space<vmem>>, vector<16xi32>,
    %get3A_144 = vector.shape_cast %get3A_143 : vector<16xi32> to vector<16xi32>
    %lt3A_145 = arith.constant 64 : i32
    %lt3A_146 = vector.broadcast %lt3A_145 : i32 to vector<16xi32>
    %lt3A_147 = arith.cmpi slt, %get3A_144, %lt3A_146 : vector<16xi32>
    %jit3A_148 = arith.constant 0 : i32
    %broadcast_in_dim3A_149 = vector.broadcast %jit3A_148 : i32 to vector<16xi32>
    %select_n3A_150 = arith.select %lt3A_147, %get3A_144, %broadcast_in_dim3A_149 : vector<16xi1>, vector<16xi32>
    %swap3A_151 = arith.constant 64 : index
    %swap3A_152 = tpu.vector_load %arg10[%swap3A_151] {strides = array<i32>} : memref<80xi32, #tpu.memory_space<vmem>>, vector<16xi32>,
    %swap3A_153 = vector.shape_cast %swap3A_152 : vector<16xi32> to vector<16xi32>
    %swap3A_154 = vector.shape_cast %select_n3A_150 : vector<16xi32> to vector<16xi32>
    tpu.vector_store %arg10[%swap3A_151], %swap3A_154 {strides = array<i32>} : memref<80xi32, #tpu.memory_space<vmem>>, vector<16xi32>,
    %jit3A_155 = arith.constant 1.000000e+00 : f32
    %jit3A_156 = arith.constant 0.000000e+00 : f32
    %broadcast_in_dim3A_157 = vector.broadcast %jit3A_155 : f32 to vector<16xf32>
    %broadcast_in_dim3A_158 = vector.broadcast %jit3A_156 : f32 to vector<16xf32>
    %select_n3A_159 = arith.select %lt3A_147, %broadcast_in_dim3A_157, %broadcast_in_dim3A_158 : vector<16xi1>, vector<16xf32>
    %swap3A_160 = arith.constant 64 : index
    %swap3A_161 = tpu.vector_load %arg11[%swap3A_160] {strides = array<i32>} : memref<80xf32, #tpu.memory_space<vmem>>, vector<16xf32>,
    %swap3A_162 = vector.shape_cast %swap3A_161 : vector<16xf32> to vector<16xf32>
    %swap3A_163 = vector.shape_cast %select_n3A_159 : vector<16xf32> to vector<16xf32>
    tpu.vector_store %arg11[%swap3A_160], %swap3A_163 {strides = array<i32>} : memref<80xf32, #tpu.memory_space<vmem>>, vector<16xf32>,
    "tpu.region"() ({
      %run_scoped3A = tpu.sem_alloc : memref<!tpu.dma_semaphore, #tpu.memory_space<semaphore_mem>>
      %dma_start3A_510 = arith.constant 0 : i32
      %dma_start3A_511 = tpu.memref_slice %arg7[%dma_start3A_510] : memref<64xf32, #tpu.memory_space<vmem_shared>> -> memref<64xf32, #tpu.memory_space<vmem_shared>>
      tpu.enqueue_indirect_dma source(%arg11 : memref<80xf32, #tpu.memory_space<vmem>>) target(%dma_start3A_511 : memref<64xf32, #tpu.memory_space<vmem_shared>>) offsets(%arg10 : memref<80xi32, #tpu.memory_space<vmem>>) semaphore(%run_scoped3A : memref<!tpu.dma_semaphore, #tpu.memory_space<semaphore_mem>>) {add = true}
      %dma_wait3A_512 = arith.constant 0 : i32
      %dma_wait3A_513 = tpu.memref_slice %arg7[%dma_wait3A_512] : memref<64xf32, #tpu.memory_space<vmem_shared>> -> memref<64xf32, #tpu.memory_space<vmem_shared>>
      tpu.wait_indirect_dma semaphore(%run_scoped3A : memref<!tpu.dma_semaphore, #tpu.memory_space<semaphore_mem>>) src(%arg11 : memref<80xf32, #tpu.memory_space<vmem>>) dst(%dma_wait3A_513 : memref<64xf32, #tpu.memory_space<vmem_shared>>)
      tpu.yield
    }) : () -> ()
    %add3A_164 = arith.constant 80 : i32
    %add3A_165 = arith.addi %mul3A_55, %add3A_164 : i32
    "tpu.region"() ({
      %run_scoped3A = tpu.sem_alloc : memref<!tpu.dma_semaphore, #tpu.memory_space<semaphore_mem>>
      %dma_start3A_510 = tpu.memref_slice %arg3[%add3A_165] : memref<10240xi32, #tpu.memory_space<hbm>> -> memref<80xi32, #tpu.memory_space<hbm>>
      %dma_start3A_511 = tpu.memref_slice %arg3[%add3A_165] : memref<10240xi32, #tpu.memory_space<hbm>> -> memref<80xi32, #tpu.memory_space<hbm>>
      tpu.enqueue_dma source(%dma_start3A_511 : memref<80xi32, #tpu.memory_space<hbm>>) target(%arg10 : memref<80xi32, #tpu.memory_space<vmem>>) target_semaphore(%run_scoped3A : memref<!tpu.dma_semaphore, #tpu.memory_space<semaphore_mem>>)
      %dma_wait3A_512 = tpu.memref_slice %arg3[%add3A_165] : memref<10240xi32, #tpu.memory_space<hbm>> -> memref<80xi32, #tpu.memory_space<hbm>>
      %dma_wait3A_513 = tpu.memref_slice %arg3[%add3A_165] : memref<10240xi32, #tpu.memory_space<hbm>> -> memref<80xi32, #tpu.memory_space<hbm>>
      tpu.wait_dma2 semaphore(%run_scoped3A : memref<!tpu.dma_semaphore, #tpu.memory_space<semaphore_mem>>) src(%dma_wait3A_513 : memref<80xi32, #tpu.memory_space<hbm>>) dst(%arg10 : memref<80xi32, #tpu.memory_space<vmem>>)
      tpu.yield
    }) : () -> ()
    %get3A_166 = arith.constant 0 : index
    %get3A_167 = tpu.vector_load %arg10[%get3A_166] {strides = array<i32>} : memref<80xi32, #tpu.memory_space<vmem>>, vector<16xi32>,
    %get3A_168 = vector.shape_cast %get3A_167 : vector<16xi32> to vector<16xi32>
    %lt3A_169 = arith.constant 64 : i32
    %lt3A_170 = vector.broadcast %lt3A_169 : i32 to vector<16xi32>
    %lt3A_171 = arith.cmpi slt, %get3A_168, %lt3A_170 : vector<16xi32>
    %jit3A_172 = arith.constant 0 : i32
    %broadcast_in_dim3A_173 = vector.broadcast %jit3A_172 : i32 to vector<16xi32>
    %select_n3A_174 = arith.select %lt3A_171, %get3A_168, %broadcast_in_dim3A_173 : vector<16xi1>, vector<16xi32>
    %swap3A_175 = arith.constant 0 : index
    %swap3A_176 = tpu.vector_load %arg10[%swap3A_175] {strides = array<i32>} : memref<80xi32, #tpu.memory_space<vmem>>, vector<16xi32>,
    %swap3A_177 = vector.shape_cast %swap3A_176 : vector<16xi32> to vector<16xi32>
    %swap3A_178 = vector.shape_cast %select_n3A_174 : vector<16xi32> to vector<16xi32>
    tpu.vector_store %arg10[%swap3A_175], %swap3A_178 {strides = array<i32>} : memref<80xi32, #tpu.memory_space<vmem>>, vector<16xi32>,
    %jit3A_179 = arith.constant 1.000000e+00 : f32
    %jit3A_180 = arith.constant 0.000000e+00 : f32
    %broadcast_in_dim3A_181 = vector.broadcast %jit3A_179 : f32 to vector<16xf32>
    %broadcast_in_dim3A_182 = vector.broadcast %jit3A_180 : f32 to vector<16xf32>
    %select_n3A_183 = arith.select %lt3A_171, %broadcast_in_dim3A_181, %broadcast_in_dim3A_182 : vector<16xi1>, vector<16xf32>
    %swap3A_184 = arith.constant 0 : index
    %swap3A_185 = tpu.vector_load %arg11[%swap3A_184] {strides = array<i32>} : memref<80xf32, #tpu.memory_space<vmem>>, vector<16xf32>,
    %swap3A_186 = vector.shape_cast %swap3A_185 : vector<16xf32> to vector<16xf32>
    %swap3A_187 = vector.shape_cast %select_n3A_183 : vector<16xf32> to vector<16xf32>
    tpu.vector_store %arg11[%swap3A_184], %swap3A_187 {strides = array<i32>} : memref<80xf32, #tpu.memory_space<vmem>>, vector<16xf32>,
    %get3A_188 = arith.constant 16 : index
    %get3A_189 = tpu.vector_load %arg10[%get3A_188] {strides = array<i32>} : memref<80xi32, #tpu.memory_space<vmem>>, vector<16xi32>,
    %get3A_190 = vector.shape_cast %get3A_189 : vector<16xi32> to vector<16xi32>
    %lt3A_191 = arith.constant 64 : i32
    %lt3A_192 = vector.broadcast %lt3A_191 : i32 to vector<16xi32>
    %lt3A_193 = arith.cmpi slt, %get3A_190, %lt3A_192 : vector<16xi32>
    %jit3A_194 = arith.constant 0 : i32
    %broadcast_in_dim3A_195 = vector.broadcast %jit3A_194 : i32 to vector<16xi32>
    %select_n3A_196 = arith.select %lt3A_193, %get3A_190, %broadcast_in_dim3A_195 : vector<16xi1>, vector<16xi32>
    %swap3A_197 = arith.constant 16 : index
    %swap3A_198 = tpu.vector_load %arg10[%swap3A_197] {strides = array<i32>} : memref<80xi32, #tpu.memory_space<vmem>>, vector<16xi32>,
    %swap3A_199 = vector.shape_cast %swap3A_198 : vector<16xi32> to vector<16xi32>
    %swap3A_200 = vector.shape_cast %select_n3A_196 : vector<16xi32> to vector<16xi32>
    tpu.vector_store %arg10[%swap3A_197], %swap3A_200 {strides = array<i32>} : memref<80xi32, #tpu.memory_space<vmem>>, vector<16xi32>,
    %jit3A_201 = arith.constant 1.000000e+00 : f32
    %jit3A_202 = arith.constant 0.000000e+00 : f32
    %broadcast_in_dim3A_203 = vector.broadcast %jit3A_201 : f32 to vector<16xf32>
    %broadcast_in_dim3A_204 = vector.broadcast %jit3A_202 : f32 to vector<16xf32>
    %select_n3A_205 = arith.select %lt3A_193, %broadcast_in_dim3A_203, %broadcast_in_dim3A_204 : vector<16xi1>, vector<16xf32>
    %swap3A_206 = arith.constant 16 : index
    %swap3A_207 = tpu.vector_load %arg11[%swap3A_206] {strides = array<i32>} : memref<80xf32, #tpu.memory_space<vmem>>, vector<16xf32>,
    %swap3A_208 = vector.shape_cast %swap3A_207 : vector<16xf32> to vector<16xf32>
    %swap3A_209 = vector.shape_cast %select_n3A_205 : vector<16xf32> to vector<16xf32>
    tpu.vector_store %arg11[%swap3A_206], %swap3A_209 {strides = array<i32>} : memref<80xf32, #tpu.memory_space<vmem>>, vector<16xf32>,
    %get3A_210 = arith.constant 32 : index
    %get3A_211 = tpu.vector_load %arg10[%get3A_210] {strides = array<i32>} : memref<80xi32, #tpu.memory_space<vmem>>, vector<16xi32>,
    %get3A_212 = vector.shape_cast %get3A_211 : vector<16xi32> to vector<16xi32>
    %lt3A_213 = arith.constant 64 : i32
    %lt3A_214 = vector.broadcast %lt3A_213 : i32 to vector<16xi32>
    %lt3A_215 = arith.cmpi slt, %get3A_212, %lt3A_214 : vector<16xi32>
    %jit3A_216 = arith.constant 0 : i32
    %broadcast_in_dim3A_217 = vector.broadcast %jit3A_216 : i32 to vector<16xi32>
    %select_n3A_218 = arith.select %lt3A_215, %get3A_212, %broadcast_in_dim3A_217 : vector<16xi1>, vector<16xi32>
    %swap3A_219 = arith.constant 32 : index
    %swap3A_220 = tpu.vector_load %arg10[%swap3A_219] {strides = array<i32>} : memref<80xi32, #tpu.memory_space<vmem>>, vector<16xi32>,
    %swap3A_221 = vector.shape_cast %swap3A_220 : vector<16xi32> to vector<16xi32>
    %swap3A_222 = vector.shape_cast %select_n3A_218 : vector<16xi32> to vector<16xi32>
    tpu.vector_store %arg10[%swap3A_219], %swap3A_222 {strides = array<i32>} : memref<80xi32, #tpu.memory_space<vmem>>, vector<16xi32>,
    %jit3A_223 = arith.constant 1.000000e+00 : f32
    %jit3A_224 = arith.constant 0.000000e+00 : f32
    %broadcast_in_dim3A_225 = vector.broadcast %jit3A_223 : f32 to vector<16xf32>
    %broadcast_in_dim3A_226 = vector.broadcast %jit3A_224 : f32 to vector<16xf32>
    %select_n3A_227 = arith.select %lt3A_215, %broadcast_in_dim3A_225, %broadcast_in_dim3A_226 : vector<16xi1>, vector<16xf32>
    %swap3A_228 = arith.constant 32 : index
    %swap3A_229 = tpu.vector_load %arg11[%swap3A_228] {strides = array<i32>} : memref<80xf32, #tpu.memory_space<vmem>>, vector<16xf32>,
    %swap3A_230 = vector.shape_cast %swap3A_229 : vector<16xf32> to vector<16xf32>
    %swap3A_231 = vector.shape_cast %select_n3A_227 : vector<16xf32> to vector<16xf32>
    tpu.vector_store %arg11[%swap3A_228], %swap3A_231 {strides = array<i32>} : memref<80xf32, #tpu.memory_space<vmem>>, vector<16xf32>,
    %get3A_232 = arith.constant 48 : index
    %get3A_233 = tpu.vector_load %arg10[%get3A_232] {strides = array<i32>} : memref<80xi32, #tpu.memory_space<vmem>>, vector<16xi32>,
    %get3A_234 = vector.shape_cast %get3A_233 : vector<16xi32> to vector<16xi32>
    %lt3A_235 = arith.constant 64 : i32
    %lt3A_236 = vector.broadcast %lt3A_235 : i32 to vector<16xi32>
    %lt3A_237 = arith.cmpi slt, %get3A_234, %lt3A_236 : vector<16xi32>
    %jit3A_238 = arith.constant 0 : i32
    %broadcast_in_dim3A_239 = vector.broadcast %jit3A_238 : i32 to vector<16xi32>
    %select_n3A_240 = arith.select %lt3A_237, %get3A_234, %broadcast_in_dim3A_239 : vector<16xi1>, vector<16xi32>
    %swap3A_241 = arith.constant 48 : index
    %swap3A_242 = tpu.vector_load %arg10[%swap3A_241] {strides = array<i32>} : memref<80xi32, #tpu.memory_space<vmem>>, vector<16xi32>,
    %swap3A_243 = vector.shape_cast %swap3A_242 : vector<16xi32> to vector<16xi32>
    %swap3A_244 = vector.shape_cast %select_n3A_240 : vector<16xi32> to vector<16xi32>
    tpu.vector_store %arg10[%swap3A_241], %swap3A_244 {strides = array<i32>} : memref<80xi32, #tpu.memory_space<vmem>>, vector<16xi32>,
    %jit3A_245 = arith.constant 1.000000e+00 : f32
    %jit3A_246 = arith.constant 0.000000e+00 : f32
    %broadcast_in_dim3A_247 = vector.broadcast %jit3A_245 : f32 to vector<16xf32>
    %broadcast_in_dim3A_248 = vector.broadcast %jit3A_246 : f32 to vector<16xf32>
    %select_n3A_249 = arith.select %lt3A_237, %broadcast_in_dim3A_247, %broadcast_in_dim3A_248 : vector<16xi1>, vector<16xf32>
    %swap3A_250 = arith.constant 48 : index
    %swap3A_251 = tpu.vector_load %arg11[%swap3A_250] {strides = array<i32>} : memref<80xf32, #tpu.memory_space<vmem>>, vector<16xf32>,
    %swap3A_252 = vector.shape_cast %swap3A_251 : vector<16xf32> to vector<16xf32>
    %swap3A_253 = vector.shape_cast %select_n3A_249 : vector<16xf32> to vector<16xf32>
    tpu.vector_store %arg11[%swap3A_250], %swap3A_253 {strides = array<i32>} : memref<80xf32, #tpu.memory_space<vmem>>, vector<16xf32>,
    %get3A_254 = arith.constant 64 : index
    %get3A_255 = tpu.vector_load %arg10[%get3A_254] {strides = array<i32>} : memref<80xi32, #tpu.memory_space<vmem>>, vector<16xi32>,
    %get3A_256 = vector.shape_cast %get3A_255 : vector<16xi32> to vector<16xi32>
    %lt3A_257 = arith.constant 64 : i32
    %lt3A_258 = vector.broadcast %lt3A_257 : i32 to vector<16xi32>
    %lt3A_259 = arith.cmpi slt, %get3A_256, %lt3A_258 : vector<16xi32>
    %jit3A_260 = arith.constant 0 : i32
    %broadcast_in_dim3A_261 = vector.broadcast %jit3A_260 : i32 to vector<16xi32>
    %select_n3A_262 = arith.select %lt3A_259, %get3A_256, %broadcast_in_dim3A_261 : vector<16xi1>, vector<16xi32>
    %swap3A_263 = arith.constant 64 : index
    %swap3A_264 = tpu.vector_load %arg10[%swap3A_263] {strides = array<i32>} : memref<80xi32, #tpu.memory_space<vmem>>, vector<16xi32>,
    %swap3A_265 = vector.shape_cast %swap3A_264 : vector<16xi32> to vector<16xi32>
    %swap3A_266 = vector.shape_cast %select_n3A_262 : vector<16xi32> to vector<16xi32>
    tpu.vector_store %arg10[%swap3A_263], %swap3A_266 {strides = array<i32>} : memref<80xi32, #tpu.memory_space<vmem>>, vector<16xi32>,
    %jit3A_267 = arith.constant 1.000000e+00 : f32
    %jit3A_268 = arith.constant 0.000000e+00 : f32
    %broadcast_in_dim3A_269 = vector.broadcast %jit3A_267 : f32 to vector<16xf32>
    %broadcast_in_dim3A_270 = vector.broadcast %jit3A_268 : f32 to vector<16xf32>
    %select_n3A_271 = arith.select %lt3A_259, %broadcast_in_dim3A_269, %broadcast_in_dim3A_270 : vector<16xi1>, vector<16xf32>
    %swap3A_272 = arith.constant 64 : index
    %swap3A_273 = tpu.vector_load %arg11[%swap3A_272] {strides = array<i32>} : memref<80xf32, #tpu.memory_space<vmem>>, vector<16xf32>,
    %swap3A_274 = vector.shape_cast %swap3A_273 : vector<16xf32> to vector<16xf32>
    %swap3A_275 = vector.shape_cast %select_n3A_271 : vector<16xf32> to vector<16xf32>
    tpu.vector_store %arg11[%swap3A_272], %swap3A_275 {strides = array<i32>} : memref<80xf32, #tpu.memory_space<vmem>>, vector<16xf32>,
    "tpu.region"() ({
      %run_scoped3A = tpu.sem_alloc : memref<!tpu.dma_semaphore, #tpu.memory_space<semaphore_mem>>
      %dma_start3A_510 = arith.constant 0 : i32
      %dma_start3A_511 = tpu.memref_slice %arg7[%dma_start3A_510] : memref<64xf32, #tpu.memory_space<vmem_shared>> -> memref<64xf32, #tpu.memory_space<vmem_shared>>
      tpu.enqueue_indirect_dma source(%arg11 : memref<80xf32, #tpu.memory_space<vmem>>) target(%dma_start3A_511 : memref<64xf32, #tpu.memory_space<vmem_shared>>) offsets(%arg10 : memref<80xi32, #tpu.memory_space<vmem>>) semaphore(%run_scoped3A : memref<!tpu.dma_semaphore, #tpu.memory_space<semaphore_mem>>) {add = true}
      %dma_wait3A_512 = arith.constant 0 : i32
      %dma_wait3A_513 = tpu.memref_slice %arg7[%dma_wait3A_512] : memref<64xf32, #tpu.memory_space<vmem_shared>> -> memref<64xf32, #tpu.memory_space<vmem_shared>>
      tpu.wait_indirect_dma semaphore(%run_scoped3A : memref<!tpu.dma_semaphore, #tpu.memory_space<semaphore_mem>>) src(%arg11 : memref<80xf32, #tpu.memory_space<vmem>>) dst(%dma_wait3A_513 : memref<64xf32, #tpu.memory_space<vmem_shared>>)
      tpu.yield
    }) : () -> ()
    %add3A_276 = arith.constant 160 : i32
    %add3A_277 = arith.addi %mul3A_55, %add3A_276 : i32
    "tpu.region"() ({
      %run_scoped3A = tpu.sem_alloc : memref<!tpu.dma_semaphore, #tpu.memory_space<semaphore_mem>>
      %dma_start3A_510 = tpu.memref_slice %arg3[%add3A_277] : memref<10240xi32, #tpu.memory_space<hbm>> -> memref<80xi32, #tpu.memory_space<hbm>>
      %dma_start3A_511 = tpu.memref_slice %arg3[%add3A_277] : memref<10240xi32, #tpu.memory_space<hbm>> -> memref<80xi32, #tpu.memory_space<hbm>>
      tpu.enqueue_dma source(%dma_start3A_511 : memref<80xi32, #tpu.memory_space<hbm>>) target(%arg10 : memref<80xi32, #tpu.memory_space<vmem>>) target_semaphore(%run_scoped3A : memref<!tpu.dma_semaphore, #tpu.memory_space<semaphore_mem>>)
      %dma_wait3A_512 = tpu.memref_slice %arg3[%add3A_277] : memref<10240xi32, #tpu.memory_space<hbm>> -> memref<80xi32, #tpu.memory_space<hbm>>
      %dma_wait3A_513 = tpu.memref_slice %arg3[%add3A_277] : memref<10240xi32, #tpu.memory_space<hbm>> -> memref<80xi32, #tpu.memory_space<hbm>>
      tpu.wait_dma2 semaphore(%run_scoped3A : memref<!tpu.dma_semaphore, #tpu.memory_space<semaphore_mem>>) src(%dma_wait3A_513 : memref<80xi32, #tpu.memory_space<hbm>>) dst(%arg10 : memref<80xi32, #tpu.memory_space<vmem>>)
      tpu.yield
    }) : () -> ()
    %get3A_278 = arith.constant 0 : index
    %get3A_279 = tpu.vector_load %arg10[%get3A_278] {strides = array<i32>} : memref<80xi32, #tpu.memory_space<vmem>>, vector<16xi32>,
    %get3A_280 = vector.shape_cast %get3A_279 : vector<16xi32> to vector<16xi32>
    %lt3A_281 = arith.constant 64 : i32
    %lt3A_282 = vector.broadcast %lt3A_281 : i32 to vector<16xi32>
    %lt3A_283 = arith.cmpi slt, %get3A_280, %lt3A_282 : vector<16xi32>
    %jit3A_284 = arith.constant 0 : i32
    %broadcast_in_dim3A_285 = vector.broadcast %jit3A_284 : i32 to vector<16xi32>
    %select_n3A_286 = arith.select %lt3A_283, %get3A_280, %broadcast_in_dim3A_285 : vector<16xi1>, vector<16xi32>
    %swap3A_287 = arith.constant 0 : index
    %swap3A_288 = tpu.vector_load %arg10[%swap3A_287] {strides = array<i32>} : memref<80xi32, #tpu.memory_space<vmem>>, vector<16xi32>,
    %swap3A_289 = vector.shape_cast %swap3A_288 : vector<16xi32> to vector<16xi32>
    %swap3A_290 = vector.shape_cast %select_n3A_286 : vector<16xi32> to vector<16xi32>
    tpu.vector_store %arg10[%swap3A_287], %swap3A_290 {strides = array<i32>} : memref<80xi32, #tpu.memory_space<vmem>>, vector<16xi32>,
    %jit3A_291 = arith.constant 1.000000e+00 : f32
    %jit3A_292 = arith.constant 0.000000e+00 : f32
    %broadcast_in_dim3A_293 = vector.broadcast %jit3A_291 : f32 to vector<16xf32>
    %broadcast_in_dim3A_294 = vector.broadcast %jit3A_292 : f32 to vector<16xf32>
    %select_n3A_295 = arith.select %lt3A_283, %broadcast_in_dim3A_293, %broadcast_in_dim3A_294 : vector<16xi1>, vector<16xf32>
    %swap3A_296 = arith.constant 0 : index
    %swap3A_297 = tpu.vector_load %arg11[%swap3A_296] {strides = array<i32>} : memref<80xf32, #tpu.memory_space<vmem>>, vector<16xf32>,
    %swap3A_298 = vector.shape_cast %swap3A_297 : vector<16xf32> to vector<16xf32>
    %swap3A_299 = vector.shape_cast %select_n3A_295 : vector<16xf32> to vector<16xf32>
    tpu.vector_store %arg11[%swap3A_296], %swap3A_299 {strides = array<i32>} : memref<80xf32, #tpu.memory_space<vmem>>, vector<16xf32>,
    %get3A_300 = arith.constant 16 : index
    %get3A_301 = tpu.vector_load %arg10[%get3A_300] {strides = array<i32>} : memref<80xi32, #tpu.memory_space<vmem>>, vector<16xi32>,
    %get3A_302 = vector.shape_cast %get3A_301 : vector<16xi32> to vector<16xi32>
    %lt3A_303 = arith.constant 64 : i32
    %lt3A_304 = vector.broadcast %lt3A_303 : i32 to vector<16xi32>
    %lt3A_305 = arith.cmpi slt, %get3A_302, %lt3A_304 : vector<16xi32>
    %jit3A_306 = arith.constant 0 : i32
    %broadcast_in_dim3A_307 = vector.broadcast %jit3A_306 : i32 to vector<16xi32>
    %select_n3A_308 = arith.select %lt3A_305, %get3A_302, %broadcast_in_dim3A_307 : vector<16xi1>, vector<16xi32>
    %swap3A_309 = arith.constant 16 : index
    %swap3A_310 = tpu.vector_load %arg10[%swap3A_309] {strides = array<i32>} : memref<80xi32, #tpu.memory_space<vmem>>, vector<16xi32>,
    %swap3A_311 = vector.shape_cast %swap3A_310 : vector<16xi32> to vector<16xi32>
    %swap3A_312 = vector.shape_cast %select_n3A_308 : vector<16xi32> to vector<16xi32>
    tpu.vector_store %arg10[%swap3A_309], %swap3A_312 {strides = array<i32>} : memref<80xi32, #tpu.memory_space<vmem>>, vector<16xi32>,
    %jit3A_313 = arith.constant 1.000000e+00 : f32
    %jit3A_314 = arith.constant 0.000000e+00 : f32
    %broadcast_in_dim3A_315 = vector.broadcast %jit3A_313 : f32 to vector<16xf32>
    %broadcast_in_dim3A_316 = vector.broadcast %jit3A_314 : f32 to vector<16xf32>
    %select_n3A_317 = arith.select %lt3A_305, %broadcast_in_dim3A_315, %broadcast_in_dim3A_316 : vector<16xi1>, vector<16xf32>
    %swap3A_318 = arith.constant 16 : index
    %swap3A_319 = tpu.vector_load %arg11[%swap3A_318] {strides = array<i32>} : memref<80xf32, #tpu.memory_space<vmem>>, vector<16xf32>,
    %swap3A_320 = vector.shape_cast %swap3A_319 : vector<16xf32> to vector<16xf32>
    %swap3A_321 = vector.shape_cast %select_n3A_317 : vector<16xf32> to vector<16xf32>
    tpu.vector_store %arg11[%swap3A_318], %swap3A_321 {strides = array<i32>} : memref<80xf32, #tpu.memory_space<vmem>>, vector<16xf32>,
    %get3A_322 = arith.constant 32 : index
    %get3A_323 = tpu.vector_load %arg10[%get3A_322] {strides = array<i32>} : memref<80xi32, #tpu.memory_space<vmem>>, vector<16xi32>,
    %get3A_324 = vector.shape_cast %get3A_323 : vector<16xi32> to vector<16xi32>
    %lt3A_325 = arith.constant 64 : i32
    %lt3A_326 = vector.broadcast %lt3A_325 : i32 to vector<16xi32>
    %lt3A_327 = arith.cmpi slt, %get3A_324, %lt3A_326 : vector<16xi32>
    %jit3A_328 = arith.constant 0 : i32
    %broadcast_in_dim3A_329 = vector.broadcast %jit3A_328 : i32 to vector<16xi32>
    %select_n3A_330 = arith.select %lt3A_327, %get3A_324, %broadcast_in_dim3A_329 : vector<16xi1>, vector<16xi32>
    %swap3A_331 = arith.constant 32 : index
    %swap3A_332 = tpu.vector_load %arg10[%swap3A_331] {strides = array<i32>} : memref<80xi32, #tpu.memory_space<vmem>>, vector<16xi32>,
    %swap3A_333 = vector.shape_cast %swap3A_332 : vector<16xi32> to vector<16xi32>
    %swap3A_334 = vector.shape_cast %select_n3A_330 : vector<16xi32> to vector<16xi32>
    tpu.vector_store %arg10[%swap3A_331], %swap3A_334 {strides = array<i32>} : memref<80xi32, #tpu.memory_space<vmem>>, vector<16xi32>,
    %jit3A_335 = arith.constant 1.000000e+00 : f32
    %jit3A_336 = arith.constant 0.000000e+00 : f32
    %broadcast_in_dim3A_337 = vector.broadcast %jit3A_335 : f32 to vector<16xf32>
    %broadcast_in_dim3A_338 = vector.broadcast %jit3A_336 : f32 to vector<16xf32>
    %select_n3A_339 = arith.select %lt3A_327, %broadcast_in_dim3A_337, %broadcast_in_dim3A_338 : vector<16xi1>, vector<16xf32>
    %swap3A_340 = arith.constant 32 : index
    %swap3A_341 = tpu.vector_load %arg11[%swap3A_340] {strides = array<i32>} : memref<80xf32, #tpu.memory_space<vmem>>, vector<16xf32>,
    %swap3A_342 = vector.shape_cast %swap3A_341 : vector<16xf32> to vector<16xf32>
    %swap3A_343 = vector.shape_cast %select_n3A_339 : vector<16xf32> to vector<16xf32>
    tpu.vector_store %arg11[%swap3A_340], %swap3A_343 {strides = array<i32>} : memref<80xf32, #tpu.memory_space<vmem>>, vector<16xf32>,
    %get3A_344 = arith.constant 48 : index
    %get3A_345 = tpu.vector_load %arg10[%get3A_344] {strides = array<i32>} : memref<80xi32, #tpu.memory_space<vmem>>, vector<16xi32>,
    %get3A_346 = vector.shape_cast %get3A_345 : vector<16xi32> to vector<16xi32>
    %lt3A_347 = arith.constant 64 : i32
    %lt3A_348 = vector.broadcast %lt3A_347 : i32 to vector<16xi32>
    %lt3A_349 = arith.cmpi slt, %get3A_346, %lt3A_348 : vector<16xi32>
    %jit3A_350 = arith.constant 0 : i32
    %broadcast_in_dim3A_351 = vector.broadcast %jit3A_350 : i32 to vector<16xi32>
    %select_n3A_352 = arith.select %lt3A_349, %get3A_346, %broadcast_in_dim3A_351 : vector<16xi1>, vector<16xi32>
    %swap3A_353 = arith.constant 48 : index
    %swap3A_354 = tpu.vector_load %arg10[%swap3A_353] {strides = array<i32>} : memref<80xi32, #tpu.memory_space<vmem>>, vector<16xi32>,
    %swap3A_355 = vector.shape_cast %swap3A_354 : vector<16xi32> to vector<16xi32>
    %swap3A_356 = vector.shape_cast %select_n3A_352 : vector<16xi32> to vector<16xi32>
    tpu.vector_store %arg10[%swap3A_353], %swap3A_356 {strides = array<i32>} : memref<80xi32, #tpu.memory_space<vmem>>, vector<16xi32>,
    %jit3A_357 = arith.constant 1.000000e+00 : f32
    %jit3A_358 = arith.constant 0.000000e+00 : f32
    %broadcast_in_dim3A_359 = vector.broadcast %jit3A_357 : f32 to vector<16xf32>
    %broadcast_in_dim3A_360 = vector.broadcast %jit3A_358 : f32 to vector<16xf32>
    %select_n3A_361 = arith.select %lt3A_349, %broadcast_in_dim3A_359, %broadcast_in_dim3A_360 : vector<16xi1>, vector<16xf32>
    %swap3A_362 = arith.constant 48 : index
    %swap3A_363 = tpu.vector_load %arg11[%swap3A_362] {strides = array<i32>} : memref<80xf32, #tpu.memory_space<vmem>>, vector<16xf32>,
    %swap3A_364 = vector.shape_cast %swap3A_363 : vector<16xf32> to vector<16xf32>
    %swap3A_365 = vector.shape_cast %select_n3A_361 : vector<16xf32> to vector<16xf32>
    tpu.vector_store %arg11[%swap3A_362], %swap3A_365 {strides = array<i32>} : memref<80xf32, #tpu.memory_space<vmem>>, vector<16xf32>,
    %get3A_366 = arith.constant 64 : index
    %get3A_367 = tpu.vector_load %arg10[%get3A_366] {strides = array<i32>} : memref<80xi32, #tpu.memory_space<vmem>>, vector<16xi32>,
    %get3A_368 = vector.shape_cast %get3A_367 : vector<16xi32> to vector<16xi32>
    %lt3A_369 = arith.constant 64 : i32
    %lt3A_370 = vector.broadcast %lt3A_369 : i32 to vector<16xi32>
    %lt3A_371 = arith.cmpi slt, %get3A_368, %lt3A_370 : vector<16xi32>
    %jit3A_372 = arith.constant 0 : i32
    %broadcast_in_dim3A_373 = vector.broadcast %jit3A_372 : i32 to vector<16xi32>
    %select_n3A_374 = arith.select %lt3A_371, %get3A_368, %broadcast_in_dim3A_373 : vector<16xi1>, vector<16xi32>
    %swap3A_375 = arith.constant 64 : index
    %swap3A_376 = tpu.vector_load %arg10[%swap3A_375] {strides = array<i32>} : memref<80xi32, #tpu.memory_space<vmem>>, vector<16xi32>,
    %swap3A_377 = vector.shape_cast %swap3A_376 : vector<16xi32> to vector<16xi32>
    %swap3A_378 = vector.shape_cast %select_n3A_374 : vector<16xi32> to vector<16xi32>
    tpu.vector_store %arg10[%swap3A_375], %swap3A_378 {strides = array<i32>} : memref<80xi32, #tpu.memory_space<vmem>>, vector<16xi32>,
    %jit3A_379 = arith.constant 1.000000e+00 : f32
    %jit3A_380 = arith.constant 0.000000e+00 : f32
    %broadcast_in_dim3A_381 = vector.broadcast %jit3A_379 : f32 to vector<16xf32>
    %broadcast_in_dim3A_382 = vector.broadcast %jit3A_380 : f32 to vector<16xf32>
    %select_n3A_383 = arith.select %lt3A_371, %broadcast_in_dim3A_381, %broadcast_in_dim3A_382 : vector<16xi1>, vector<16xf32>
    %swap3A_384 = arith.constant 64 : index
    %swap3A_385 = tpu.vector_load %arg11[%swap3A_384] {strides = array<i32>} : memref<80xf32, #tpu.memory_space<vmem>>, vector<16xf32>,
    %swap3A_386 = vector.shape_cast %swap3A_385 : vector<16xf32> to vector<16xf32>
    %swap3A_387 = vector.shape_cast %select_n3A_383 : vector<16xf32> to vector<16xf32>
    tpu.vector_store %arg11[%swap3A_384], %swap3A_387 {strides = array<i32>} : memref<80xf32, #tpu.memory_space<vmem>>, vector<16xf32>,
    "tpu.region"() ({
      %run_scoped3A = tpu.sem_alloc : memref<!tpu.dma_semaphore, #tpu.memory_space<semaphore_mem>>
      %dma_start3A_510 = arith.constant 0 : i32
      %dma_start3A_511 = tpu.memref_slice %arg7[%dma_start3A_510] : memref<64xf32, #tpu.memory_space<vmem_shared>> -> memref<64xf32, #tpu.memory_space<vmem_shared>>
      tpu.enqueue_indirect_dma source(%arg11 : memref<80xf32, #tpu.memory_space<vmem>>) target(%dma_start3A_511 : memref<64xf32, #tpu.memory_space<vmem_shared>>) offsets(%arg10 : memref<80xi32, #tpu.memory_space<vmem>>) semaphore(%run_scoped3A : memref<!tpu.dma_semaphore, #tpu.memory_space<semaphore_mem>>) {add = true}
      %dma_wait3A_512 = arith.constant 0 : i32
      %dma_wait3A_513 = tpu.memref_slice %arg7[%dma_wait3A_512] : memref<64xf32, #tpu.memory_space<vmem_shared>> -> memref<64xf32, #tpu.memory_space<vmem_shared>>
      tpu.wait_indirect_dma semaphore(%run_scoped3A : memref<!tpu.dma_semaphore, #tpu.memory_space<semaphore_mem>>) src(%arg11 : memref<80xf32, #tpu.memory_space<vmem>>) dst(%dma_wait3A_513 : memref<64xf32, #tpu.memory_space<vmem_shared>>)
      tpu.yield
    }) : () -> ()
    %add3A_388 = arith.constant 240 : i32
    %add3A_389 = arith.addi %mul3A_55, %add3A_388 : i32
    "tpu.region"() ({
      %run_scoped3A = tpu.sem_alloc : memref<!tpu.dma_semaphore, #tpu.memory_space<semaphore_mem>>
      %dma_start3A_510 = tpu.memref_slice %arg3[%add3A_389] : memref<10240xi32, #tpu.memory_space<hbm>> -> memref<80xi32, #tpu.memory_space<hbm>>
      %dma_start3A_511 = tpu.memref_slice %arg3[%add3A_389] : memref<10240xi32, #tpu.memory_space<hbm>> -> memref<80xi32, #tpu.memory_space<hbm>>
      tpu.enqueue_dma source(%dma_start3A_511 : memref<80xi32, #tpu.memory_space<hbm>>) target(%arg10 : memref<80xi32, #tpu.memory_space<vmem>>) target_semaphore(%run_scoped3A : memref<!tpu.dma_semaphore, #tpu.memory_space<semaphore_mem>>)
      %dma_wait3A_512 = tpu.memref_slice %arg3[%add3A_389] : memref<10240xi32, #tpu.memory_space<hbm>> -> memref<80xi32, #tpu.memory_space<hbm>>
      %dma_wait3A_513 = tpu.memref_slice %arg3[%add3A_389] : memref<10240xi32, #tpu.memory_space<hbm>> -> memref<80xi32, #tpu.memory_space<hbm>>
      tpu.wait_dma2 semaphore(%run_scoped3A : memref<!tpu.dma_semaphore, #tpu.memory_space<semaphore_mem>>) src(%dma_wait3A_513 : memref<80xi32, #tpu.memory_space<hbm>>) dst(%arg10 : memref<80xi32, #tpu.memory_space<vmem>>)
      tpu.yield
    }) : () -> ()
    %get3A_390 = arith.constant 0 : index
    %get3A_391 = tpu.vector_load %arg10[%get3A_390] {strides = array<i32>} : memref<80xi32, #tpu.memory_space<vmem>>, vector<16xi32>,
    %get3A_392 = vector.shape_cast %get3A_391 : vector<16xi32> to vector<16xi32>
    %lt3A_393 = arith.constant 64 : i32
    %lt3A_394 = vector.broadcast %lt3A_393 : i32 to vector<16xi32>
    %lt3A_395 = arith.cmpi slt, %get3A_392, %lt3A_394 : vector<16xi32>
    %jit3A_396 = arith.constant 0 : i32
    %broadcast_in_dim3A_397 = vector.broadcast %jit3A_396 : i32 to vector<16xi32>
    %select_n3A_398 = arith.select %lt3A_395, %get3A_392, %broadcast_in_dim3A_397 : vector<16xi1>, vector<16xi32>
    %swap3A_399 = arith.constant 0 : index
    %swap3A_400 = tpu.vector_load %arg10[%swap3A_399] {strides = array<i32>} : memref<80xi32, #tpu.memory_space<vmem>>, vector<16xi32>,
    %swap3A_401 = vector.shape_cast %swap3A_400 : vector<16xi32> to vector<16xi32>
    %swap3A_402 = vector.shape_cast %select_n3A_398 : vector<16xi32> to vector<16xi32>
    tpu.vector_store %arg10[%swap3A_399], %swap3A_402 {strides = array<i32>} : memref<80xi32, #tpu.memory_space<vmem>>, vector<16xi32>,
    %jit3A_403 = arith.constant 1.000000e+00 : f32
    %jit3A_404 = arith.constant 0.000000e+00 : f32
    %broadcast_in_dim3A_405 = vector.broadcast %jit3A_403 : f32 to vector<16xf32>
    %broadcast_in_dim3A_406 = vector.broadcast %jit3A_404 : f32 to vector<16xf32>
    %select_n3A_407 = arith.select %lt3A_395, %broadcast_in_dim3A_405, %broadcast_in_dim3A_406 : vector<16xi1>, vector<16xf32>
    %swap3A_408 = arith.constant 0 : index
    %swap3A_409 = tpu.vector_load %arg11[%swap3A_408] {strides = array<i32>} : memref<80xf32, #tpu.memory_space<vmem>>, vector<16xf32>,
    %swap3A_410 = vector.shape_cast %swap3A_409 : vector<16xf32> to vector<16xf32>
    %swap3A_411 = vector.shape_cast %select_n3A_407 : vector<16xf32> to vector<16xf32>
    tpu.vector_store %arg11[%swap3A_408], %swap3A_411 {strides = array<i32>} : memref<80xf32, #tpu.memory_space<vmem>>, vector<16xf32>,
    %get3A_412 = arith.constant 16 : index
    %get3A_413 = tpu.vector_load %arg10[%get3A_412] {strides = array<i32>} : memref<80xi32, #tpu.memory_space<vmem>>, vector<16xi32>,
    %get3A_414 = vector.shape_cast %get3A_413 : vector<16xi32> to vector<16xi32>
    %lt3A_415 = arith.constant 64 : i32
    %lt3A_416 = vector.broadcast %lt3A_415 : i32 to vector<16xi32>
    %lt3A_417 = arith.cmpi slt, %get3A_414, %lt3A_416 : vector<16xi32>
    %jit3A_418 = arith.constant 0 : i32
    %broadcast_in_dim3A_419 = vector.broadcast %jit3A_418 : i32 to vector<16xi32>
    %select_n3A_420 = arith.select %lt3A_417, %get3A_414, %broadcast_in_dim3A_419 : vector<16xi1>, vector<16xi32>
    %swap3A_421 = arith.constant 16 : index
    %swap3A_422 = tpu.vector_load %arg10[%swap3A_421] {strides = array<i32>} : memref<80xi32, #tpu.memory_space<vmem>>, vector<16xi32>,
    %swap3A_423 = vector.shape_cast %swap3A_422 : vector<16xi32> to vector<16xi32>
    %swap3A_424 = vector.shape_cast %select_n3A_420 : vector<16xi32> to vector<16xi32>
    tpu.vector_store %arg10[%swap3A_421], %swap3A_424 {strides = array<i32>} : memref<80xi32, #tpu.memory_space<vmem>>, vector<16xi32>,
    %jit3A_425 = arith.constant 1.000000e+00 : f32
    %jit3A_426 = arith.constant 0.000000e+00 : f32
    %broadcast_in_dim3A_427 = vector.broadcast %jit3A_425 : f32 to vector<16xf32>
    %broadcast_in_dim3A_428 = vector.broadcast %jit3A_426 : f32 to vector<16xf32>
    %select_n3A_429 = arith.select %lt3A_417, %broadcast_in_dim3A_427, %broadcast_in_dim3A_428 : vector<16xi1>, vector<16xf32>
    %swap3A_430 = arith.constant 16 : index
    %swap3A_431 = tpu.vector_load %arg11[%swap3A_430] {strides = array<i32>} : memref<80xf32, #tpu.memory_space<vmem>>, vector<16xf32>,
    %swap3A_432 = vector.shape_cast %swap3A_431 : vector<16xf32> to vector<16xf32>
    %swap3A_433 = vector.shape_cast %select_n3A_429 : vector<16xf32> to vector<16xf32>
    tpu.vector_store %arg11[%swap3A_430], %swap3A_433 {strides = array<i32>} : memref<80xf32, #tpu.memory_space<vmem>>, vector<16xf32>,
    %get3A_434 = arith.constant 32 : index
    %get3A_435 = tpu.vector_load %arg10[%get3A_434] {strides = array<i32>} : memref<80xi32, #tpu.memory_space<vmem>>, vector<16xi32>,
    %get3A_436 = vector.shape_cast %get3A_435 : vector<16xi32> to vector<16xi32>
    %lt3A_437 = arith.constant 64 : i32
    %lt3A_438 = vector.broadcast %lt3A_437 : i32 to vector<16xi32>
    %lt3A_439 = arith.cmpi slt, %get3A_436, %lt3A_438 : vector<16xi32>
    %jit3A_440 = arith.constant 0 : i32
    %broadcast_in_dim3A_441 = vector.broadcast %jit3A_440 : i32 to vector<16xi32>
    %select_n3A_442 = arith.select %lt3A_439, %get3A_436, %broadcast_in_dim3A_441 : vector<16xi1>, vector<16xi32>
    %swap3A_443 = arith.constant 32 : index
    %swap3A_444 = tpu.vector_load %arg10[%swap3A_443] {strides = array<i32>} : memref<80xi32, #tpu.memory_space<vmem>>, vector<16xi32>,
    %swap3A_445 = vector.shape_cast %swap3A_444 : vector<16xi32> to vector<16xi32>
    %swap3A_446 = vector.shape_cast %select_n3A_442 : vector<16xi32> to vector<16xi32>
    tpu.vector_store %arg10[%swap3A_443], %swap3A_446 {strides = array<i32>} : memref<80xi32, #tpu.memory_space<vmem>>, vector<16xi32>,
    %jit3A_447 = arith.constant 1.000000e+00 : f32
    %jit3A_448 = arith.constant 0.000000e+00 : f32
    %broadcast_in_dim3A_449 = vector.broadcast %jit3A_447 : f32 to vector<16xf32>
    %broadcast_in_dim3A_450 = vector.broadcast %jit3A_448 : f32 to vector<16xf32>
    %select_n3A_451 = arith.select %lt3A_439, %broadcast_in_dim3A_449, %broadcast_in_dim3A_450 : vector<16xi1>, vector<16xf32>
    %swap3A_452 = arith.constant 32 : index
    %swap3A_453 = tpu.vector_load %arg11[%swap3A_452] {strides = array<i32>} : memref<80xf32, #tpu.memory_space<vmem>>, vector<16xf32>,
    %swap3A_454 = vector.shape_cast %swap3A_453 : vector<16xf32> to vector<16xf32>
    %swap3A_455 = vector.shape_cast %select_n3A_451 : vector<16xf32> to vector<16xf32>
    tpu.vector_store %arg11[%swap3A_452], %swap3A_455 {strides = array<i32>} : memref<80xf32, #tpu.memory_space<vmem>>, vector<16xf32>,
    %get3A_456 = arith.constant 48 : index
    %get3A_457 = tpu.vector_load %arg10[%get3A_456] {strides = array<i32>} : memref<80xi32, #tpu.memory_space<vmem>>, vector<16xi32>,
    %get3A_458 = vector.shape_cast %get3A_457 : vector<16xi32> to vector<16xi32>
    %lt3A_459 = arith.constant 64 : i32
    %lt3A_460 = vector.broadcast %lt3A_459 : i32 to vector<16xi32>
    %lt3A_461 = arith.cmpi slt, %get3A_458, %lt3A_460 : vector<16xi32>
    %jit3A_462 = arith.constant 0 : i32
    %broadcast_in_dim3A_463 = vector.broadcast %jit3A_462 : i32 to vector<16xi32>
    %select_n3A_464 = arith.select %lt3A_461, %get3A_458, %broadcast_in_dim3A_463 : vector<16xi1>, vector<16xi32>
    %swap3A_465 = arith.constant 48 : index
    %swap3A_466 = tpu.vector_load %arg10[%swap3A_465] {strides = array<i32>} : memref<80xi32, #tpu.memory_space<vmem>>, vector<16xi32>,
    %swap3A_467 = vector.shape_cast %swap3A_466 : vector<16xi32> to vector<16xi32>
    %swap3A_468 = vector.shape_cast %select_n3A_464 : vector<16xi32> to vector<16xi32>
    tpu.vector_store %arg10[%swap3A_465], %swap3A_468 {strides = array<i32>} : memref<80xi32, #tpu.memory_space<vmem>>, vector<16xi32>,
    %jit3A_469 = arith.constant 1.000000e+00 : f32
    %jit3A_470 = arith.constant 0.000000e+00 : f32
    %broadcast_in_dim3A_471 = vector.broadcast %jit3A_469 : f32 to vector<16xf32>
    %broadcast_in_dim3A_472 = vector.broadcast %jit3A_470 : f32 to vector<16xf32>
    %select_n3A_473 = arith.select %lt3A_461, %broadcast_in_dim3A_471, %broadcast_in_dim3A_472 : vector<16xi1>, vector<16xf32>
    %swap3A_474 = arith.constant 48 : index
    %swap3A_475 = tpu.vector_load %arg11[%swap3A_474] {strides = array<i32>} : memref<80xf32, #tpu.memory_space<vmem>>, vector<16xf32>,
    %swap3A_476 = vector.shape_cast %swap3A_475 : vector<16xf32> to vector<16xf32>
    %swap3A_477 = vector.shape_cast %select_n3A_473 : vector<16xf32> to vector<16xf32>
    tpu.vector_store %arg11[%swap3A_474], %swap3A_477 {strides = array<i32>} : memref<80xf32, #tpu.memory_space<vmem>>, vector<16xf32>,
    %get3A_478 = arith.constant 64 : index
    %get3A_479 = tpu.vector_load %arg10[%get3A_478] {strides = array<i32>} : memref<80xi32, #tpu.memory_space<vmem>>, vector<16xi32>,
    %get3A_480 = vector.shape_cast %get3A_479 : vector<16xi32> to vector<16xi32>
    %lt3A_481 = arith.constant 64 : i32
    %lt3A_482 = vector.broadcast %lt3A_481 : i32 to vector<16xi32>
    %lt3A_483 = arith.cmpi slt, %get3A_480, %lt3A_482 : vector<16xi32>
    %jit3A_484 = arith.constant 0 : i32
    %broadcast_in_dim3A_485 = vector.broadcast %jit3A_484 : i32 to vector<16xi32>
    %select_n3A_486 = arith.select %lt3A_483, %get3A_480, %broadcast_in_dim3A_485 : vector<16xi1>, vector<16xi32>
    %swap3A_487 = arith.constant 64 : index
    %swap3A_488 = tpu.vector_load %arg10[%swap3A_487] {strides = array<i32>} : memref<80xi32, #tpu.memory_space<vmem>>, vector<16xi32>,
    %swap3A_489 = vector.shape_cast %swap3A_488 : vector<16xi32> to vector<16xi32>
    %swap3A_490 = vector.shape_cast %select_n3A_486 : vector<16xi32> to vector<16xi32>
    tpu.vector_store %arg10[%swap3A_487], %swap3A_490 {strides = array<i32>} : memref<80xi32, #tpu.memory_space<vmem>>, vector<16xi32>,
    %jit3A_491 = arith.constant 1.000000e+00 : f32
    %jit3A_492 = arith.constant 0.000000e+00 : f32
    %broadcast_in_dim3A_493 = vector.broadcast %jit3A_491 : f32 to vector<16xf32>
    %broadcast_in_dim3A_494 = vector.broadcast %jit3A_492 : f32 to vector<16xf32>
    %select_n3A_495 = arith.select %lt3A_483, %broadcast_in_dim3A_493, %broadcast_in_dim3A_494 : vector<16xi1>, vector<16xf32>
    %swap3A_496 = arith.constant 64 : index
    %swap3A_497 = tpu.vector_load %arg11[%swap3A_496] {strides = array<i32>} : memref<80xf32, #tpu.memory_space<vmem>>, vector<16xf32>,
    %swap3A_498 = vector.shape_cast %swap3A_497 : vector<16xf32> to vector<16xf32>
    %swap3A_499 = vector.shape_cast %select_n3A_495 : vector<16xf32> to vector<16xf32>
    tpu.vector_store %arg11[%swap3A_496], %swap3A_499 {strides = array<i32>} : memref<80xf32, #tpu.memory_space<vmem>>, vector<16xf32>,
    "tpu.region"() ({
      %run_scoped3A = tpu.sem_alloc : memref<!tpu.dma_semaphore, #tpu.memory_space<semaphore_mem>>
      %dma_start3A_510 = arith.constant 0 : i32
      %dma_start3A_511 = tpu.memref_slice %arg7[%dma_start3A_510] : memref<64xf32, #tpu.memory_space<vmem_shared>> -> memref<64xf32, #tpu.memory_space<vmem_shared>>
      tpu.enqueue_indirect_dma source(%arg11 : memref<80xf32, #tpu.memory_space<vmem>>) target(%dma_start3A_511 : memref<64xf32, #tpu.memory_space<vmem_shared>>) offsets(%arg10 : memref<80xi32, #tpu.memory_space<vmem>>) semaphore(%run_scoped3A : memref<!tpu.dma_semaphore, #tpu.memory_space<semaphore_mem>>) {add = true}
      %dma_wait3A_512 = arith.constant 0 : i32
      %dma_wait3A_513 = tpu.memref_slice %arg7[%dma_wait3A_512] : memref<64xf32, #tpu.memory_space<vmem_shared>> -> memref<64xf32, #tpu.memory_space<vmem_shared>>
      tpu.wait_indirect_dma semaphore(%run_scoped3A : memref<!tpu.dma_semaphore, #tpu.memory_space<semaphore_mem>>) src(%arg11 : memref<80xf32, #tpu.memory_space<vmem>>) dst(%dma_wait3A_513 : memref<64xf32, #tpu.memory_space<vmem_shared>>)
      tpu.yield
    }) : () -> ()
    %barrier3A_500 = arith.constant 0 : index
    tpu.barrier barrier_id(%barrier3A_500)
    %mul3A_501 = arith.constant 640 : i32
    %mul3A_502 = arith.muli %arg1, %mul3A_501 : i32
    %mul3A_503 = arith.constant 640 : i32
    %mul3A_504 = arith.muli %arg1, %mul3A_503 : i32
    "tpu.region"() ({
      %run_scoped3A = tpu.sem_alloc : memref<!tpu.dma_semaphore, #tpu.memory_space<semaphore_mem>>
      %dma_start3A_510 = tpu.memref_slice %arg4[%arg0, %mul3A_504] : memref<2x10240xf32, #tpu.memory_space<hbm>> -> memref<1x640xf32, #tpu.memory_space<hbm>>
      %dma_start3A_511 = tpu.memref_squeeze %dma_start3A_510 : memref<1x640xf32, #tpu.memory_space<hbm>> -> memref<640xf32, #tpu.memory_space<hbm>>
      %dma_start3A_512 = tpu.memref_slice %arg6[%mul3A_502] : memref<10240xf32, #tpu.memory_space<vmem_shared>> -> memref<640xf32, #tpu.memory_space<vmem_shared>>
      tpu.enqueue_dma source(%dma_start3A_512 : memref<640xf32, #tpu.memory_space<vmem_shared>>) target(%dma_start3A_511 : memref<640xf32, #tpu.memory_space<hbm>>) target_semaphore(%run_scoped3A : memref<!tpu.dma_semaphore, #tpu.memory_space<semaphore_mem>>)
      %dma_wait3A_513 = tpu.memref_slice %arg4[%arg0, %mul3A_504] : memref<2x10240xf32, #tpu.memory_space<hbm>> -> memref<1x640xf32, #tpu.memory_space<hbm>>
      %dma_wait3A_514 = tpu.memref_squeeze %dma_wait3A_513 : memref<1x640xf32, #tpu.memory_space<hbm>> -> memref<640xf32, #tpu.memory_space<hbm>>
      %dma_wait3A_515 = tpu.memref_slice %arg6[%mul3A_502] : memref<10240xf32, #tpu.memory_space<vmem_shared>> -> memref<640xf32, #tpu.memory_space<vmem_shared>>
      tpu.wait_dma2 semaphore(%run_scoped3A : memref<!tpu.dma_semaphore, #tpu.memory_space<semaphore_mem>>) src(%dma_wait3A_515 : memref<640xf32, #tpu.memory_space<vmem_shared>>) dst(%dma_wait3A_514 : memref<640xf32, #tpu.memory_space<hbm>>)
      tpu.yield
    }) : () -> ()
    %eq3A_505 = arith.constant 0 : i32
    %eq3A_506 = arith.cmpi eq, %arg1, %eq3A_505 : i32
    %convert_element_type3A_507 = arith.extui %eq3A_506 : i1 to i32
    %cond3A_508 = arith.constant 0 : i32
    %cond3A_509 = arith.cmpi ne, %convert_element_type3A_507, %cond3A_508 : i32
    scf.if %cond3A_509 {
      "tpu.region"() ({
        %run_scoped3A = tpu.sem_alloc : memref<!tpu.dma_semaphore, #tpu.memory_space<semaphore_mem>>
        %dma_start3A_510 = arith.constant 0 : i32
        %dma_start3A_511 = tpu.memref_slice %arg5[%arg0, %dma_start3A_510] : memref<2x64xf32, #tpu.memory_space<hbm>> -> memref<1x64xf32, #tpu.memory_space<hbm>>
        %dma_start3A_512 = tpu.memref_squeeze %dma_start3A_511 : memref<1x64xf32, #tpu.memory_space<hbm>> -> memref<64xf32, #tpu.memory_space<hbm>>
        tpu.enqueue_dma source(%arg7 : memref<64xf32, #tpu.memory_space<vmem_shared>>) target(%dma_start3A_512 : memref<64xf32, #tpu.memory_space<hbm>>) target_semaphore(%run_scoped3A : memref<!tpu.dma_semaphore, #tpu.memory_space<semaphore_mem>>)
        %dma_wait3A_513 = arith.constant 0 : i32
        %dma_wait3A_514 = tpu.memref_slice %arg5[%arg0, %dma_wait3A_513] : memref<2x64xf32, #tpu.memory_space<hbm>> -> memref<1x64xf32, #tpu.memory_space<hbm>>
        %dma_wait3A_515 = tpu.memref_squeeze %dma_wait3A_514 : memref<1x64xf32, #tpu.memory_space<hbm>> -> memref<64xf32, #tpu.memory_space<hbm>>
        tpu.wait_dma2 semaphore(%run_scoped3A : memref<!tpu.dma_semaphore, #tpu.memory_space<semaphore_mem>>) src(%arg7 : memref<64xf32, #tpu.memory_space<vmem_shared>>) dst(%dma_wait3A_515 : memref<64xf32, #tpu.memory_space<hbm>>)
        tpu.yield
      }) : () -> ()
    } else {
    }
    return
  }
}

#map = affine_map<(d0, d1) -> (0, 0)>
#map1 = affine_map<(d0, d1) -> (0)>
#map2 = affine_map<(d0, d1) -> (0, 0, 0)>
module attributes {stable_mosaic.version = 14 : i64} {
  func.func @_sc_rows(%arg0: i32, %arg1: i32, %arg2: memref<10240x128xf32, #tpu.memory_space<hbm>>, %arg3: memref<320000xi32, #tpu.memory_space<hbm>>, %arg4: memref<320000xi32, #tpu.memory_space<hbm>>, %arg5: memref<2x10240x128xf32, #tpu.memory_space<hbm>>, %arg6: memref<10240x128xf32, #tpu.memory_space<vmem_shared>>, %arg7: memref<3x80x128xf32, #tpu.memory_space<vmem>>, %arg8: memref<4x80xi32, #tpu.memory_space<vmem>>, %arg9: memref<4x80xi32, #tpu.memory_space<vmem>>, %arg10: memref<3x!tpu.dma_semaphore, #tpu.memory_space<semaphore_mem>>, %arg11: memref<4x!tpu.dma_semaphore, #tpu.memory_space<semaphore_mem>>, %arg12: memref<4x!tpu.dma_semaphore, #tpu.memory_space<semaphore_mem>>) attributes {dimension_semantics = [#tpu.dimension_semantics<core_parallel>, #tpu.dimension_semantics<subcore_parallel>], iteration_bounds = array<i64: 2, 16>, scalar_prefetch = 0 : i64, scratch_operands = 7 : i64, tpu.core_type = #tpu.core_type<sc_vector_subcore>, window_params = [{transform_indices = #map}, {transform_indices = #map1}, {transform_indices = #map1}, {transform_indices = #map2}]} {
    %mul3A = arith.constant 2 : i32
    %mul3A_0 = arith.muli %arg1, %mul3A : i32
    %add3A = arith.addi %mul3A_0, %arg0 : i32
    %mul3A_1 = arith.constant 125 : i32
    %mul3A_2 = arith.muli %add3A, %mul3A_1 : i32
    %add3A_3 = arith.constant 0 : i32
    %add3A_4 = arith.addi %mul3A_2, %add3A_3 : i32
    %mul3A_5 = arith.constant 80 : i32
    %mul3A_6 = arith.muli %add3A_4, %mul3A_5 : i32
    %dma_start3A = arith.constant 0 : i32
    %dma_start3A_7 = arith.constant 0 : i32
    %dma_start3A_8 = arith.constant 0 : i32
    %dma_start3A_9 = tpu.memref_slice %arg8[%dma_start3A, %dma_start3A_8] : memref<4x80xi32, #tpu.memory_space<vmem>> -> memref<1x80xi32, #tpu.memory_space<vmem>>
    %dma_start3A_10 = tpu.memref_squeeze %dma_start3A_9 : memref<1x80xi32, #tpu.memory_space<vmem>> -> memref<80xi32, #tpu.memory_space<vmem>>
    %dma_start3A_11 = tpu.memref_slice %arg3[%mul3A_6] : memref<320000xi32, #tpu.memory_space<hbm>> -> memref<80xi32, #tpu.memory_space<hbm>>
    %dma_start3A_12 = tpu.memref_slice %arg11[%dma_start3A_7] : memref<4x!tpu.dma_semaphore, #tpu.memory_space<semaphore_mem>> -> memref<1x!tpu.dma_semaphore, #tpu.memory_space<semaphore_mem>>
    %dma_start3A_13 = tpu.memref_squeeze %dma_start3A_12 : memref<1x!tpu.dma_semaphore, #tpu.memory_space<semaphore_mem>> -> memref<!tpu.dma_semaphore, #tpu.memory_space<semaphore_mem>>
    %dma_start3A_14 = arith.constant 0 : i32
    %dma_start3A_15 = tpu.memref_slice %arg8[%dma_start3A, %dma_start3A_14] : memref<4x80xi32, #tpu.memory_space<vmem>> -> memref<1x80xi32, #tpu.memory_space<vmem>>
    %dma_start3A_16 = tpu.memref_squeeze %dma_start3A_15 : memref<1x80xi32, #tpu.memory_space<vmem>> -> memref<80xi32, #tpu.memory_space<vmem>>
    %dma_start3A_17 = tpu.memref_slice %arg3[%mul3A_6] : memref<320000xi32, #tpu.memory_space<hbm>> -> memref<80xi32, #tpu.memory_space<hbm>>
    tpu.enqueue_dma source(%dma_start3A_17 : memref<80xi32, #tpu.memory_space<hbm>>) target(%dma_start3A_16 : memref<80xi32, #tpu.memory_space<vmem>>) target_semaphore(%dma_start3A_13 : memref<!tpu.dma_semaphore, #tpu.memory_space<semaphore_mem>>)
    %dma_start3A_18 = arith.constant 0 : i32
    %dma_start3A_19 = arith.constant 0 : i32
    %dma_start3A_20 = arith.constant 0 : i32
    %dma_start3A_21 = tpu.memref_slice %arg9[%dma_start3A_18, %dma_start3A_20] : memref<4x80xi32, #tpu.memory_space<vmem>> -> memref<1x80xi32, #tpu.memory_space<vmem>>
    %dma_start3A_22 = tpu.memref_squeeze %dma_start3A_21 : memref<1x80xi32, #tpu.memory_space<vmem>> -> memref<80xi32, #tpu.memory_space<vmem>>
    %dma_start3A_23 = tpu.memref_slice %arg4[%mul3A_6] : memref<320000xi32, #tpu.memory_space<hbm>> -> memref<80xi32, #tpu.memory_space<hbm>>
    %dma_start3A_24 = tpu.memref_slice %arg12[%dma_start3A_19] : memref<4x!tpu.dma_semaphore, #tpu.memory_space<semaphore_mem>> -> memref<1x!tpu.dma_semaphore, #tpu.memory_space<semaphore_mem>>
    %dma_start3A_25 = tpu.memref_squeeze %dma_start3A_24 : memref<1x!tpu.dma_semaphore, #tpu.memory_space<semaphore_mem>> -> memref<!tpu.dma_semaphore, #tpu.memory_space<semaphore_mem>>
    %dma_start3A_26 = arith.constant 0 : i32
    %dma_start3A_27 = tpu.memref_slice %arg9[%dma_start3A_18, %dma_start3A_26] : memref<4x80xi32, #tpu.memory_space<vmem>> -> memref<1x80xi32, #tpu.memory_space<vmem>>
    %dma_start3A_28 = tpu.memref_squeeze %dma_start3A_27 : memref<1x80xi32, #tpu.memory_space<vmem>> -> memref<80xi32, #tpu.memory_space<vmem>>
    %dma_start3A_29 = tpu.memref_slice %arg4[%mul3A_6] : memref<320000xi32, #tpu.memory_space<hbm>> -> memref<80xi32, #tpu.memory_space<hbm>>
    tpu.enqueue_dma source(%dma_start3A_29 : memref<80xi32, #tpu.memory_space<hbm>>) target(%dma_start3A_28 : memref<80xi32, #tpu.memory_space<vmem>>) target_semaphore(%dma_start3A_25 : memref<!tpu.dma_semaphore, #tpu.memory_space<semaphore_mem>>)
    %add3A_30 = arith.constant 1 : i32
    %add3A_31 = arith.addi %mul3A_2, %add3A_30 : i32
    %mul3A_32 = arith.constant 80 : i32
    %mul3A_33 = arith.muli %add3A_31, %mul3A_32 : i32
    %dma_start3A_34 = arith.constant 1 : i32
    %dma_start3A_35 = arith.constant 1 : i32
    %dma_start3A_36 = arith.constant 0 : i32
    %dma_start3A_37 = tpu.memref_slice %arg8[%dma_start3A_34, %dma_start3A_36] : memref<4x80xi32, #tpu.memory_space<vmem>> -> memref<1x80xi32, #tpu.memory_space<vmem>>
    %dma_start3A_38 = tpu.memref_squeeze %dma_start3A_37 : memref<1x80xi32, #tpu.memory_space<vmem>> -> memref<80xi32, #tpu.memory_space<vmem>>
    %dma_start3A_39 = tpu.memref_slice %arg3[%mul3A_33] : memref<320000xi32, #tpu.memory_space<hbm>> -> memref<80xi32, #tpu.memory_space<hbm>>
    %dma_start3A_40 = tpu.memref_slice %arg11[%dma_start3A_35] : memref<4x!tpu.dma_semaphore, #tpu.memory_space<semaphore_mem>> -> memref<1x!tpu.dma_semaphore, #tpu.memory_space<semaphore_mem>>
    %dma_start3A_41 = tpu.memref_squeeze %dma_start3A_40 : memref<1x!tpu.dma_semaphore, #tpu.memory_space<semaphore_mem>> -> memref<!tpu.dma_semaphore, #tpu.memory_space<semaphore_mem>>
    %dma_start3A_42 = arith.constant 0 : i32
    %dma_start3A_43 = tpu.memref_slice %arg8[%dma_start3A_34, %dma_start3A_42] : memref<4x80xi32, #tpu.memory_space<vmem>> -> memref<1x80xi32, #tpu.memory_space<vmem>>
    %dma_start3A_44 = tpu.memref_squeeze %dma_start3A_43 : memref<1x80xi32, #tpu.memory_space<vmem>> -> memref<80xi32, #tpu.memory_space<vmem>>
    %dma_start3A_45 = tpu.memref_slice %arg3[%mul3A_33] : memref<320000xi32, #tpu.memory_space<hbm>> -> memref<80xi32, #tpu.memory_space<hbm>>
    tpu.enqueue_dma source(%dma_start3A_45 : memref<80xi32, #tpu.memory_space<hbm>>) target(%dma_start3A_44 : memref<80xi32, #tpu.memory_space<vmem>>) target_semaphore(%dma_start3A_41 : memref<!tpu.dma_semaphore, #tpu.memory_space<semaphore_mem>>)
    %dma_start3A_46 = arith.constant 1 : i32
    %dma_start3A_47 = arith.constant 1 : i32
    %dma_start3A_48 = arith.constant 0 : i32
    %dma_start3A_49 = tpu.memref_slice %arg9[%dma_start3A_46, %dma_start3A_48] : memref<4x80xi32, #tpu.memory_space<vmem>> -> memref<1x80xi32, #tpu.memory_space<vmem>>
    %dma_start3A_50 = tpu.memref_squeeze %dma_start3A_49 : memref<1x80xi32, #tpu.memory_space<vmem>> -> memref<80xi32, #tpu.memory_space<vmem>>
    %dma_start3A_51 = tpu.memref_slice %arg4[%mul3A_33] : memref<320000xi32, #tpu.memory_space<hbm>> -> memref<80xi32, #tpu.memory_space<hbm>>
    %dma_start3A_52 = tpu.memref_slice %arg12[%dma_start3A_47] : memref<4x!tpu.dma_semaphore, #tpu.memory_space<semaphore_mem>> -> memref<1x!tpu.dma_semaphore, #tpu.memory_space<semaphore_mem>>
    %dma_start3A_53 = tpu.memref_squeeze %dma_start3A_52 : memref<1x!tpu.dma_semaphore, #tpu.memory_space<semaphore_mem>> -> memref<!tpu.dma_semaphore, #tpu.memory_space<semaphore_mem>>
    %dma_start3A_54 = arith.constant 0 : i32
    %dma_start3A_55 = tpu.memref_slice %arg9[%dma_start3A_46, %dma_start3A_54] : memref<4x80xi32, #tpu.memory_space<vmem>> -> memref<1x80xi32, #tpu.memory_space<vmem>>
    %dma_start3A_56 = tpu.memref_squeeze %dma_start3A_55 : memref<1x80xi32, #tpu.memory_space<vmem>> -> memref<80xi32, #tpu.memory_space<vmem>>
    %dma_start3A_57 = tpu.memref_slice %arg4[%mul3A_33] : memref<320000xi32, #tpu.memory_space<hbm>> -> memref<80xi32, #tpu.memory_space<hbm>>
    tpu.enqueue_dma source(%dma_start3A_57 : memref<80xi32, #tpu.memory_space<hbm>>) target(%dma_start3A_56 : memref<80xi32, #tpu.memory_space<vmem>>) target_semaphore(%dma_start3A_53 : memref<!tpu.dma_semaphore, #tpu.memory_space<semaphore_mem>>)
    %add3A_58 = arith.constant 2 : i32
    %add3A_59 = arith.addi %mul3A_2, %add3A_58 : i32
    %mul3A_60 = arith.constant 80 : i32
    %mul3A_61 = arith.muli %add3A_59, %mul3A_60 : i32
    %dma_start3A_62 = arith.constant 2 : i32
    %dma_start3A_63 = arith.constant 2 : i32
    %dma_start3A_64 = arith.constant 0 : i32
    %dma_start3A_65 = tpu.memref_slice %arg8[%dma_start3A_62, %dma_start3A_64] : memref<4x80xi32, #tpu.memory_space<vmem>> -> memref<1x80xi32, #tpu.memory_space<vmem>>
    %dma_start3A_66 = tpu.memref_squeeze %dma_start3A_65 : memref<1x80xi32, #tpu.memory_space<vmem>> -> memref<80xi32, #tpu.memory_space<vmem>>
    %dma_start3A_67 = tpu.memref_slice %arg3[%mul3A_61] : memref<320000xi32, #tpu.memory_space<hbm>> -> memref<80xi32, #tpu.memory_space<hbm>>
    %dma_start3A_68 = tpu.memref_slice %arg11[%dma_start3A_63] : memref<4x!tpu.dma_semaphore, #tpu.memory_space<semaphore_mem>> -> memref<1x!tpu.dma_semaphore, #tpu.memory_space<semaphore_mem>>
    %dma_start3A_69 = tpu.memref_squeeze %dma_start3A_68 : memref<1x!tpu.dma_semaphore, #tpu.memory_space<semaphore_mem>> -> memref<!tpu.dma_semaphore, #tpu.memory_space<semaphore_mem>>
    %dma_start3A_70 = arith.constant 0 : i32
    %dma_start3A_71 = tpu.memref_slice %arg8[%dma_start3A_62, %dma_start3A_70] : memref<4x80xi32, #tpu.memory_space<vmem>> -> memref<1x80xi32, #tpu.memory_space<vmem>>
    %dma_start3A_72 = tpu.memref_squeeze %dma_start3A_71 : memref<1x80xi32, #tpu.memory_space<vmem>> -> memref<80xi32, #tpu.memory_space<vmem>>
    %dma_start3A_73 = tpu.memref_slice %arg3[%mul3A_61] : memref<320000xi32, #tpu.memory_space<hbm>> -> memref<80xi32, #tpu.memory_space<hbm>>
    tpu.enqueue_dma source(%dma_start3A_73 : memref<80xi32, #tpu.memory_space<hbm>>) target(%dma_start3A_72 : memref<80xi32, #tpu.memory_space<vmem>>) target_semaphore(%dma_start3A_69 : memref<!tpu.dma_semaphore, #tpu.memory_space<semaphore_mem>>)
    %dma_start3A_74 = arith.constant 2 : i32
    %dma_start3A_75 = arith.constant 2 : i32
    %dma_start3A_76 = arith.constant 0 : i32
    %dma_start3A_77 = tpu.memref_slice %arg9[%dma_start3A_74, %dma_start3A_76] : memref<4x80xi32, #tpu.memory_space<vmem>> -> memref<1x80xi32, #tpu.memory_space<vmem>>
    %dma_start3A_78 = tpu.memref_squeeze %dma_start3A_77 : memref<1x80xi32, #tpu.memory_space<vmem>> -> memref<80xi32, #tpu.memory_space<vmem>>
    %dma_start3A_79 = tpu.memref_slice %arg4[%mul3A_61] : memref<320000xi32, #tpu.memory_space<hbm>> -> memref<80xi32, #tpu.memory_space<hbm>>
    %dma_start3A_80 = tpu.memref_slice %arg12[%dma_start3A_75] : memref<4x!tpu.dma_semaphore, #tpu.memory_space<semaphore_mem>> -> memref<1x!tpu.dma_semaphore, #tpu.memory_space<semaphore_mem>>
    %dma_start3A_81 = tpu.memref_squeeze %dma_start3A_80 : memref<1x!tpu.dma_semaphore, #tpu.memory_space<semaphore_mem>> -> memref<!tpu.dma_semaphore, #tpu.memory_space<semaphore_mem>>
    %dma_start3A_82 = arith.constant 0 : i32
    %dma_start3A_83 = tpu.memref_slice %arg9[%dma_start3A_74, %dma_start3A_82] : memref<4x80xi32, #tpu.memory_space<vmem>> -> memref<1x80xi32, #tpu.memory_space<vmem>>
    %dma_start3A_84 = tpu.memref_squeeze %dma_start3A_83 : memref<1x80xi32, #tpu.memory_space<vmem>> -> memref<80xi32, #tpu.memory_space<vmem>>
    %dma_start3A_85 = tpu.memref_slice %arg4[%mul3A_61] : memref<320000xi32, #tpu.memory_space<hbm>> -> memref<80xi32, #tpu.memory_space<hbm>>
    tpu.enqueue_dma source(%dma_start3A_85 : memref<80xi32, #tpu.memory_space<hbm>>) target(%dma_start3A_84 : memref<80xi32, #tpu.memory_space<vmem>>) target_semaphore(%dma_start3A_81 : memref<!tpu.dma_semaphore, #tpu.memory_space<semaphore_mem>>)
    %scan3A = arith.constant 0 : i32
    %scan3A_86 = arith.constant 0 : i32
    %scan3A_87 = arith.constant 80 : i32
    %scan3A_88 = arith.addi %scan3A_86, %scan3A_87 : i32
    %scan3A_89 = arith.constant 1 : i32
    %scan3A_90 = scf.for %scan3A_228 = %scan3A_86 to %scan3A_88 step %scan3A_89 iter_args(%scan3A_229 = %scan3A) -> (i32)  : i32 {
      %broadcast_in_dim3A = arith.constant 0.000000e+00 : f32
      %broadcast_in_dim3A_230 = vector.broadcast %broadcast_in_dim3A : f32 to vector<16xf32>
      %swap3A = arith.constant 0 : i32
      %swap3A_231 = arith.index_cast %swap3A : i32 to index
      %swap3A_232 = arith.index_cast %scan3A_228 : i32 to index
      %swap3A_233 = arith.constant 0 : index
      %swap3A_234 = tpu.vector_load %arg7[%swap3A_231, %swap3A_232, %swap3A_233] {strides = array<i32>} : memref<3x80x128xf32, #tpu.memory_space<vmem>>, vector<1x1x16xf32>,
      %swap3A_235 = vector.shape_cast %swap3A_234 : vector<1x1x16xf32> to vector<16xf32>
      %swap3A_236 = vector.shape_cast %broadcast_in_dim3A_230 : vector<16xf32> to vector<1x1x16xf32>
      tpu.vector_store %arg7[%swap3A_231, %swap3A_232, %swap3A_233], %swap3A_236 {strides = array<i32>} : memref<3x80x128xf32, #tpu.memory_space<vmem>>, vector<1x1x16xf32>,
      %broadcast_in_dim3A_237 = arith.constant 0.000000e+00 : f32
      %broadcast_in_dim3A_238 = vector.broadcast %broadcast_in_dim3A_237 : f32 to vector<16xf32>
      %swap3A_239 = arith.constant 0 : i32
      %swap3A_240 = arith.index_cast %swap3A_239 : i32 to index
      %swap3A_241 = arith.index_cast %scan3A_228 : i32 to index
      %swap3A_242 = arith.constant 16 : index
      %swap3A_243 = tpu.vector_load %arg7[%swap3A_240, %swap3A_241, %swap3A_242] {strides = array<i32>} : memref<3x80x128xf32, #tpu.memory_space<vmem>>, vector<1x1x16xf32>,
      %swap3A_244 = vector.shape_cast %swap3A_243 : vector<1x1x16xf32> to vector<16xf32>
      %swap3A_245 = vector.shape_cast %broadcast_in_dim3A_238 : vector<16xf32> to vector<1x1x16xf32>
      tpu.vector_store %arg7[%swap3A_240, %swap3A_241, %swap3A_242], %swap3A_245 {strides = array<i32>} : memref<3x80x128xf32, #tpu.memory_space<vmem>>, vector<1x1x16xf32>,
      %broadcast_in_dim3A_246 = arith.constant 0.000000e+00 : f32
      %broadcast_in_dim3A_247 = vector.broadcast %broadcast_in_dim3A_246 : f32 to vector<16xf32>
      %swap3A_248 = arith.constant 0 : i32
      %swap3A_249 = arith.index_cast %swap3A_248 : i32 to index
      %swap3A_250 = arith.index_cast %scan3A_228 : i32 to index
      %swap3A_251 = arith.constant 32 : index
      %swap3A_252 = tpu.vector_load %arg7[%swap3A_249, %swap3A_250, %swap3A_251] {strides = array<i32>} : memref<3x80x128xf32, #tpu.memory_space<vmem>>, vector<1x1x16xf32>,
      %swap3A_253 = vector.shape_cast %swap3A_252 : vector<1x1x16xf32> to vector<16xf32>
      %swap3A_254 = vector.shape_cast %broadcast_in_dim3A_247 : vector<16xf32> to vector<1x1x16xf32>
      tpu.vector_store %arg7[%swap3A_249, %swap3A_250, %swap3A_251], %swap3A_254 {strides = array<i32>} : memref<3x80x128xf32, #tpu.memory_space<vmem>>, vector<1x1x16xf32>,
      %broadcast_in_dim3A_255 = arith.constant 0.000000e+00 : f32
      %broadcast_in_dim3A_256 = vector.broadcast %broadcast_in_dim3A_255 : f32 to vector<16xf32>
      %swap3A_257 = arith.constant 0 : i32
      %swap3A_258 = arith.index_cast %swap3A_257 : i32 to index
      %swap3A_259 = arith.index_cast %scan3A_228 : i32 to index
      %swap3A_260 = arith.constant 48 : index
      %swap3A_261 = tpu.vector_load %arg7[%swap3A_258, %swap3A_259, %swap3A_260] {strides = array<i32>} : memref<3x80x128xf32, #tpu.memory_space<vmem>>, vector<1x1x16xf32>,
      %swap3A_262 = vector.shape_cast %swap3A_261 : vector<1x1x16xf32> to vector<16xf32>
      %swap3A_263 = vector.shape_cast %broadcast_in_dim3A_256 : vector<16xf32> to vector<1x1x16xf32>
      tpu.vector_store %arg7[%swap3A_258, %swap3A_259, %swap3A_260], %swap3A_263 {strides = array<i32>} : memref<3x80x128xf32, #tpu.memory_space<vmem>>, vector<1x1x16xf32>,
      %broadcast_in_dim3A_264 = arith.constant 0.000000e+00 : f32
      %broadcast_in_dim3A_265 = vector.broadcast %broadcast_in_dim3A_264 : f32 to vector<16xf32>
      %swap3A_266 = arith.constant 0 : i32
      %swap3A_267 = arith.index_cast %swap3A_266 : i32 to index
      %swap3A_268 = arith.index_cast %scan3A_228 : i32 to index
      %swap3A_269 = arith.constant 64 : index
      %swap3A_270 = tpu.vector_load %arg7[%swap3A_267, %swap3A_268, %swap3A_269] {strides = array<i32>} : memref<3x80x128xf32, #tpu.memory_space<vmem>>, vector<1x1x16xf32>,
      %swap3A_271 = vector.shape_cast %swap3A_270 : vector<1x1x16xf32> to vector<16xf32>
      %swap3A_272 = vector.shape_cast %broadcast_in_dim3A_265 : vector<16xf32> to vector<1x1x16xf32>
      tpu.vector_store %arg7[%swap3A_267, %swap3A_268, %swap3A_269], %swap3A_272 {strides = array<i32>} : memref<3x80x128xf32, #tpu.memory_space<vmem>>, vector<1x1x16xf32>,
      %broadcast_in_dim3A_273 = arith.constant 0.000000e+00 : f32
      %broadcast_in_dim3A_274 = vector.broadcast %broadcast_in_dim3A_273 : f32 to vector<16xf32>
      %swap3A_275 = arith.constant 0 : i32
      %swap3A_276 = arith.index_cast %swap3A_275 : i32 to index
      %swap3A_277 = arith.index_cast %scan3A_228 : i32 to index
      %swap3A_278 = arith.constant 80 : index
      %swap3A_279 = tpu.vector_load %arg7[%swap3A_276, %swap3A_277, %swap3A_278] {strides = array<i32>} : memref<3x80x128xf32, #tpu.memory_space<vmem>>, vector<1x1x16xf32>,
      %swap3A_280 = vector.shape_cast %swap3A_279 : vector<1x1x16xf32> to vector<16xf32>
      %swap3A_281 = vector.shape_cast %broadcast_in_dim3A_274 : vector<16xf32> to vector<1x1x16xf32>
      tpu.vector_store %arg7[%swap3A_276, %swap3A_277, %swap3A_278], %swap3A_281 {strides = array<i32>} : memref<3x80x128xf32, #tpu.memory_space<vmem>>, vector<1x1x16xf32>,
      %broadcast_in_dim3A_282 = arith.constant 0.000000e+00 : f32
      %broadcast_in_dim3A_283 = vector.broadcast %broadcast_in_dim3A_282 : f32 to vector<16xf32>
      %swap3A_284 = arith.constant 0 : i32
      %swap3A_285 = arith.index_cast %swap3A_284 : i32 to index
      %swap3A_286 = arith.index_cast %scan3A_228 : i32 to index
      %swap3A_287 = arith.constant 96 : index
      %swap3A_288 = tpu.vector_load %arg7[%swap3A_285, %swap3A_286, %swap3A_287] {strides = array<i32>} : memref<3x80x128xf32, #tpu.memory_space<vmem>>, vector<1x1x16xf32>,
      %swap3A_289 = vector.shape_cast %swap3A_288 : vector<1x1x16xf32> to vector<16xf32>
      %swap3A_290 = vector.shape_cast %broadcast_in_dim3A_283 : vector<16xf32> to vector<1x1x16xf32>
      tpu.vector_store %arg7[%swap3A_285, %swap3A_286, %swap3A_287], %swap3A_290 {strides = array<i32>} : memref<3x80x128xf32, #tpu.memory_space<vmem>>, vector<1x1x16xf32>,
      %broadcast_in_dim3A_291 = arith.constant 0.000000e+00 : f32
      %broadcast_in_dim3A_292 = vector.broadcast %broadcast_in_dim3A_291 : f32 to vector<16xf32>
      %swap3A_293 = arith.constant 0 : i32
      %swap3A_294 = arith.index_cast %swap3A_293 : i32 to index
      %swap3A_295 = arith.index_cast %scan3A_228 : i32 to index
      %swap3A_296 = arith.constant 112 : index
      %swap3A_297 = tpu.vector_load %arg7[%swap3A_294, %swap3A_295, %swap3A_296] {strides = array<i32>} : memref<3x80x128xf32, #tpu.memory_space<vmem>>, vector<1x1x16xf32>,
      %swap3A_298 = vector.shape_cast %swap3A_297 : vector<1x1x16xf32> to vector<16xf32>
      %swap3A_299 = vector.shape_cast %broadcast_in_dim3A_292 : vector<16xf32> to vector<1x1x16xf32>
      tpu.vector_store %arg7[%swap3A_294, %swap3A_295, %swap3A_296], %swap3A_299 {strides = array<i32>} : memref<3x80x128xf32, #tpu.memory_space<vmem>>, vector<1x1x16xf32>,
      %scan3A_300 = arith.constant 0 : i32
      scf.yield %scan3A_300 : i32
    }
    %scan3A_91 = arith.constant 80 : i32
    %mul3A_92 = arith.constant 640 : i32
    %mul3A_93 = arith.muli %arg1, %mul3A_92 : i32
    %add3A_94 = arith.constant 0 : i32
    %add3A_95 = arith.addi %mul3A_93, %add3A_94 : i32
    %run_scoped3A = arith.constant 0 : i32
    "tpu.region"() ({
      %run_scoped3A_228 = tpu.sem_alloc : memref<!tpu.dma_semaphore, #tpu.memory_space<semaphore_mem>>
      %dma_start3A_229 = arith.constant 0 : i32
      %dma_start3A_230 = arith.constant 0 : i32
      %dma_start3A_231 = tpu.memref_slice %arg7[%run_scoped3A, %dma_start3A_229, %dma_start3A_230] : memref<3x80x128xf32, #tpu.memory_space<vmem>> -> memref<1x80x128xf32, #tpu.memory_space<vmem>>
      %dma_start3A_232 = tpu.memref_squeeze %dma_start3A_231 : memref<1x80x128xf32, #tpu.memory_space<vmem>> -> memref<80x128xf32, #tpu.memory_space<vmem>>
      %dma_start3A_233 = arith.constant 0 : i32
      %dma_start3A_234 = tpu.memref_slice %arg6[%add3A_95, %dma_start3A_233] : memref<10240x128xf32, #tpu.memory_space<vmem_shared>> -> memref<80x128xf32, #tpu.memory_space<vmem_shared>>
      %dma_start3A_235 = arith.constant 0 : i32
      %dma_start3A_236 = tpu.memref_slice %arg6[%add3A_95, %dma_start3A_235] : memref<10240x128xf32, #tpu.memory_space<vmem_shared>> -> memref<80x128xf32, #tpu.memory_space<vmem_shared>>
      %dma_start3A_237 = arith.constant 0 : i32
      %dma_start3A_238 = arith.constant 0 : i32
      %dma_start3A_239 = tpu.memref_slice %arg7[%run_scoped3A, %dma_start3A_237, %dma_start3A_238] : memref<3x80x128xf32, #tpu.memory_space<vmem>> -> memref<1x80x128xf32, #tpu.memory_space<vmem>>
      %dma_start3A_240 = tpu.memref_squeeze %dma_start3A_239 : memref<1x80x128xf32, #tpu.memory_space<vmem>> -> memref<80x128xf32, #tpu.memory_space<vmem>>
      tpu.enqueue_dma source(%dma_start3A_240 : memref<80x128xf32, #tpu.memory_space<vmem>>) target(%dma_start3A_236 : memref<80x128xf32, #tpu.memory_space<vmem_shared>>) target_semaphore(%run_scoped3A_228 : memref<!tpu.dma_semaphore, #tpu.memory_space<semaphore_mem>>)
      %dma_wait3A_241 = arith.constant 0 : i32
      %dma_wait3A_242 = arith.constant 0 : i32
      %dma_wait3A_243 = tpu.memref_slice %arg7[%run_scoped3A, %dma_wait3A_241, %dma_wait3A_242] : memref<3x80x128xf32, #tpu.memory_space<vmem>> -> memref<1x80x128xf32, #tpu.memory_space<vmem>>
      %dma_wait3A_244 = tpu.memref_squeeze %dma_wait3A_243 : memref<1x80x128xf32, #tpu.memory_space<vmem>> -> memref<80x128xf32, #tpu.memory_space<vmem>>
      %dma_wait3A_245 = arith.constant 0 : i32
      %dma_wait3A_246 = tpu.memref_slice %arg6[%add3A_95, %dma_wait3A_245] : memref<10240x128xf32, #tpu.memory_space<vmem_shared>> -> memref<80x128xf32, #tpu.memory_space<vmem_shared>>
      %dma_wait3A_247 = arith.constant 0 : i32
      %dma_wait3A_248 = tpu.memref_slice %arg6[%add3A_95, %dma_wait3A_247] : memref<10240x128xf32, #tpu.memory_space<vmem_shared>> -> memref<80x128xf32, #tpu.memory_space<vmem_shared>>
      %dma_wait3A_249 = arith.constant 0 : i32
      %dma_wait3A_250 = arith.constant 0 : i32
      %dma_wait3A_251 = tpu.memref_slice %arg7[%run_scoped3A, %dma_wait3A_249, %dma_wait3A_250] : memref<3x80x128xf32, #tpu.memory_space<vmem>> -> memref<1x80x128xf32, #tpu.memory_space<vmem>>
      %dma_wait3A_252 = tpu.memref_squeeze %dma_wait3A_251 : memref<1x80x128xf32, #tpu.memory_space<vmem>> -> memref<80x128xf32, #tpu.memory_space<vmem>>
      tpu.wait_dma2 semaphore(%run_scoped3A_228 : memref<!tpu.dma_semaphore, #tpu.memory_space<semaphore_mem>>) src(%dma_wait3A_252 : memref<80x128xf32, #tpu.memory_space<vmem>>) dst(%dma_wait3A_248 : memref<80x128xf32, #tpu.memory_space<vmem_shared>>)
      tpu.yield
    }) : () -> ()
    %mul3A_96 = arith.constant 640 : i32
    %mul3A_97 = arith.muli %arg1, %mul3A_96 : i32
    %add3A_98 = arith.constant 80 : i32
    %add3A_99 = arith.addi %mul3A_97, %add3A_98 : i32
    %run_scoped3A_100 = arith.constant 0 : i32
    "tpu.region"() ({
      %run_scoped3A_228 = tpu.sem_alloc : memref<!tpu.dma_semaphore, #tpu.memory_space<semaphore_mem>>
      %dma_start3A_229 = arith.constant 0 : i32
      %dma_start3A_230 = arith.constant 0 : i32
      %dma_start3A_231 = tpu.memref_slice %arg7[%run_scoped3A_100, %dma_start3A_229, %dma_start3A_230] : memref<3x80x128xf32, #tpu.memory_space<vmem>> -> memref<1x80x128xf32, #tpu.memory_space<vmem>>
      %dma_start3A_232 = tpu.memref_squeeze %dma_start3A_231 : memref<1x80x128xf32, #tpu.memory_space<vmem>> -> memref<80x128xf32, #tpu.memory_space<vmem>>
      %dma_start3A_233 = arith.constant 0 : i32
      %dma_start3A_234 = tpu.memref_slice %arg6[%add3A_99, %dma_start3A_233] : memref<10240x128xf32, #tpu.memory_space<vmem_shared>> -> memref<80x128xf32, #tpu.memory_space<vmem_shared>>
      %dma_start3A_235 = arith.constant 0 : i32
      %dma_start3A_236 = tpu.memref_slice %arg6[%add3A_99, %dma_start3A_235] : memref<10240x128xf32, #tpu.memory_space<vmem_shared>> -> memref<80x128xf32, #tpu.memory_space<vmem_shared>>
      %dma_start3A_237 = arith.constant 0 : i32
      %dma_start3A_238 = arith.constant 0 : i32
      %dma_start3A_239 = tpu.memref_slice %arg7[%run_scoped3A_100, %dma_start3A_237, %dma_start3A_238] : memref<3x80x128xf32, #tpu.memory_space<vmem>> -> memref<1x80x128xf32, #tpu.memory_space<vmem>>
      %dma_start3A_240 = tpu.memref_squeeze %dma_start3A_239 : memref<1x80x128xf32, #tpu.memory_space<vmem>> -> memref<80x128xf32, #tpu.memory_space<vmem>>
      tpu.enqueue_dma source(%dma_start3A_240 : memref<80x128xf32, #tpu.memory_space<vmem>>) target(%dma_start3A_236 : memref<80x128xf32, #tpu.memory_space<vmem_shared>>) target_semaphore(%run_scoped3A_228 : memref<!tpu.dma_semaphore, #tpu.memory_space<semaphore_mem>>)
      %dma_wait3A_241 = arith.constant 0 : i32
      %dma_wait3A_242 = arith.constant 0 : i32
      %dma_wait3A_243 = tpu.memref_slice %arg7[%run_scoped3A_100, %dma_wait3A_241, %dma_wait3A_242] : memref<3x80x128xf32, #tpu.memory_space<vmem>> -> memref<1x80x128xf32, #tpu.memory_space<vmem>>
      %dma_wait3A_244 = tpu.memref_squeeze %dma_wait3A_243 : memref<1x80x128xf32, #tpu.memory_space<vmem>> -> memref<80x128xf32, #tpu.memory_space<vmem>>
      %dma_wait3A_245 = arith.constant 0 : i32
      %dma_wait3A_246 = tpu.memref_slice %arg6[%add3A_99, %dma_wait3A_245] : memref<10240x128xf32, #tpu.memory_space<vmem_shared>> -> memref<80x128xf32, #tpu.memory_space<vmem_shared>>
      %dma_wait3A_247 = arith.constant 0 : i32
      %dma_wait3A_248 = tpu.memref_slice %arg6[%add3A_99, %dma_wait3A_247] : memref<10240x128xf32, #tpu.memory_space<vmem_shared>> -> memref<80x128xf32, #tpu.memory_space<vmem_shared>>
      %dma_wait3A_249 = arith.constant 0 : i32
      %dma_wait3A_250 = arith.constant 0 : i32
      %dma_wait3A_251 = tpu.memref_slice %arg7[%run_scoped3A_100, %dma_wait3A_249, %dma_wait3A_250] : memref<3x80x128xf32, #tpu.memory_space<vmem>> -> memref<1x80x128xf32, #tpu.memory_space<vmem>>
      %dma_wait3A_252 = tpu.memref_squeeze %dma_wait3A_251 : memref<1x80x128xf32, #tpu.memory_space<vmem>> -> memref<80x128xf32, #tpu.memory_space<vmem>>
      tpu.wait_dma2 semaphore(%run_scoped3A_228 : memref<!tpu.dma_semaphore, #tpu.memory_space<semaphore_mem>>) src(%dma_wait3A_252 : memref<80x128xf32, #tpu.memory_space<vmem>>) dst(%dma_wait3A_248 : memref<80x128xf32, #tpu.memory_space<vmem_shared>>)
      tpu.yield
    }) : () -> ()
    %mul3A_101 = arith.constant 640 : i32
    %mul3A_102 = arith.muli %arg1, %mul3A_101 : i32
    %add3A_103 = arith.constant 160 : i32
    %add3A_104 = arith.addi %mul3A_102, %add3A_103 : i32
    %run_scoped3A_105 = arith.constant 0 : i32
    "tpu.region"() ({
      %run_scoped3A_228 = tpu.sem_alloc : memref<!tpu.dma_semaphore, #tpu.memory_space<semaphore_mem>>
      %dma_start3A_229 = arith.constant 0 : i32
      %dma_start3A_230 = arith.constant 0 : i32
      %dma_start3A_231 = tpu.memref_slice %arg7[%run_scoped3A_105, %dma_start3A_229, %dma_start3A_230] : memref<3x80x128xf32, #tpu.memory_space<vmem>> -> memref<1x80x128xf32, #tpu.memory_space<vmem>>
      %dma_start3A_232 = tpu.memref_squeeze %dma_start3A_231 : memref<1x80x128xf32, #tpu.memory_space<vmem>> -> memref<80x128xf32, #tpu.memory_space<vmem>>
      %dma_start3A_233 = arith.constant 0 : i32
      %dma_start3A_234 = tpu.memref_slice %arg6[%add3A_104, %dma_start3A_233] : memref<10240x128xf32, #tpu.memory_space<vmem_shared>> -> memref<80x128xf32, #tpu.memory_space<vmem_shared>>
      %dma_start3A_235 = arith.constant 0 : i32
      %dma_start3A_236 = tpu.memref_slice %arg6[%add3A_104, %dma_start3A_235] : memref<10240x128xf32, #tpu.memory_space<vmem_shared>> -> memref<80x128xf32, #tpu.memory_space<vmem_shared>>
      %dma_start3A_237 = arith.constant 0 : i32
      %dma_start3A_238 = arith.constant 0 : i32
      %dma_start3A_239 = tpu.memref_slice %arg7[%run_scoped3A_105, %dma_start3A_237, %dma_start3A_238] : memref<3x80x128xf32, #tpu.memory_space<vmem>> -> memref<1x80x128xf32, #tpu.memory_space<vmem>>
      %dma_start3A_240 = tpu.memref_squeeze %dma_start3A_239 : memref<1x80x128xf32, #tpu.memory_space<vmem>> -> memref<80x128xf32, #tpu.memory_space<vmem>>
      tpu.enqueue_dma source(%dma_start3A_240 : memref<80x128xf32, #tpu.memory_space<vmem>>) target(%dma_start3A_236 : memref<80x128xf32, #tpu.memory_space<vmem_shared>>) target_semaphore(%run_scoped3A_228 : memref<!tpu.dma_semaphore, #tpu.memory_space<semaphore_mem>>)
      %dma_wait3A_241 = arith.constant 0 : i32
      %dma_wait3A_242 = arith.constant 0 : i32
      %dma_wait3A_243 = tpu.memref_slice %arg7[%run_scoped3A_105, %dma_wait3A_241, %dma_wait3A_242] : memref<3x80x128xf32, #tpu.memory_space<vmem>> -> memref<1x80x128xf32, #tpu.memory_space<vmem>>
      %dma_wait3A_244 = tpu.memref_squeeze %dma_wait3A_243 : memref<1x80x128xf32, #tpu.memory_space<vmem>> -> memref<80x128xf32, #tpu.memory_space<vmem>>
      %dma_wait3A_245 = arith.constant 0 : i32
      %dma_wait3A_246 = tpu.memref_slice %arg6[%add3A_104, %dma_wait3A_245] : memref<10240x128xf32, #tpu.memory_space<vmem_shared>> -> memref<80x128xf32, #tpu.memory_space<vmem_shared>>
      %dma_wait3A_247 = arith.constant 0 : i32
      %dma_wait3A_248 = tpu.memref_slice %arg6[%add3A_104, %dma_wait3A_247] : memref<10240x128xf32, #tpu.memory_space<vmem_shared>> -> memref<80x128xf32, #tpu.memory_space<vmem_shared>>
      %dma_wait3A_249 = arith.constant 0 : i32
      %dma_wait3A_250 = arith.constant 0 : i32
      %dma_wait3A_251 = tpu.memref_slice %arg7[%run_scoped3A_105, %dma_wait3A_249, %dma_wait3A_250] : memref<3x80x128xf32, #tpu.memory_space<vmem>> -> memref<1x80x128xf32, #tpu.memory_space<vmem>>
      %dma_wait3A_252 = tpu.memref_squeeze %dma_wait3A_251 : memref<1x80x128xf32, #tpu.memory_space<vmem>> -> memref<80x128xf32, #tpu.memory_space<vmem>>
      tpu.wait_dma2 semaphore(%run_scoped3A_228 : memref<!tpu.dma_semaphore, #tpu.memory_space<semaphore_mem>>) src(%dma_wait3A_252 : memref<80x128xf32, #tpu.memory_space<vmem>>) dst(%dma_wait3A_248 : memref<80x128xf32, #tpu.memory_space<vmem_shared>>)
      tpu.yield
    }) : () -> ()
    %mul3A_106 = arith.constant 640 : i32
    %mul3A_107 = arith.muli %arg1, %mul3A_106 : i32
    %add3A_108 = arith.constant 240 : i32
    %add3A_109 = arith.addi %mul3A_107, %add3A_108 : i32
    %run_scoped3A_110 = arith.constant 0 : i32
    "tpu.region"() ({
      %run_scoped3A_228 = tpu.sem_alloc : memref<!tpu.dma_semaphore, #tpu.memory_space<semaphore_mem>>
      %dma_start3A_229 = arith.constant 0 : i32
      %dma_start3A_230 = arith.constant 0 : i32
      %dma_start3A_231 = tpu.memref_slice %arg7[%run_scoped3A_110, %dma_start3A_229, %dma_start3A_230] : memref<3x80x128xf32, #tpu.memory_space<vmem>> -> memref<1x80x128xf32, #tpu.memory_space<vmem>>
      %dma_start3A_232 = tpu.memref_squeeze %dma_start3A_231 : memref<1x80x128xf32, #tpu.memory_space<vmem>> -> memref<80x128xf32, #tpu.memory_space<vmem>>
      %dma_start3A_233 = arith.constant 0 : i32
      %dma_start3A_234 = tpu.memref_slice %arg6[%add3A_109, %dma_start3A_233] : memref<10240x128xf32, #tpu.memory_space<vmem_shared>> -> memref<80x128xf32, #tpu.memory_space<vmem_shared>>
      %dma_start3A_235 = arith.constant 0 : i32
      %dma_start3A_236 = tpu.memref_slice %arg6[%add3A_109, %dma_start3A_235] : memref<10240x128xf32, #tpu.memory_space<vmem_shared>> -> memref<80x128xf32, #tpu.memory_space<vmem_shared>>
      %dma_start3A_237 = arith.constant 0 : i32
      %dma_start3A_238 = arith.constant 0 : i32
      %dma_start3A_239 = tpu.memref_slice %arg7[%run_scoped3A_110, %dma_start3A_237, %dma_start3A_238] : memref<3x80x128xf32, #tpu.memory_space<vmem>> -> memref<1x80x128xf32, #tpu.memory_space<vmem>>
      %dma_start3A_240 = tpu.memref_squeeze %dma_start3A_239 : memref<1x80x128xf32, #tpu.memory_space<vmem>> -> memref<80x128xf32, #tpu.memory_space<vmem>>
      tpu.enqueue_dma source(%dma_start3A_240 : memref<80x128xf32, #tpu.memory_space<vmem>>) target(%dma_start3A_236 : memref<80x128xf32, #tpu.memory_space<vmem_shared>>) target_semaphore(%run_scoped3A_228 : memref<!tpu.dma_semaphore, #tpu.memory_space<semaphore_mem>>)
      %dma_wait3A_241 = arith.constant 0 : i32
      %dma_wait3A_242 = arith.constant 0 : i32
      %dma_wait3A_243 = tpu.memref_slice %arg7[%run_scoped3A_110, %dma_wait3A_241, %dma_wait3A_242] : memref<3x80x128xf32, #tpu.memory_space<vmem>> -> memref<1x80x128xf32, #tpu.memory_space<vmem>>
      %dma_wait3A_244 = tpu.memref_squeeze %dma_wait3A_243 : memref<1x80x128xf32, #tpu.memory_space<vmem>> -> memref<80x128xf32, #tpu.memory_space<vmem>>
      %dma_wait3A_245 = arith.constant 0 : i32
      %dma_wait3A_246 = tpu.memref_slice %arg6[%add3A_109, %dma_wait3A_245] : memref<10240x128xf32, #tpu.memory_space<vmem_shared>> -> memref<80x128xf32, #tpu.memory_space<vmem_shared>>
      %dma_wait3A_247 = arith.constant 0 : i32
      %dma_wait3A_248 = tpu.memref_slice %arg6[%add3A_109, %dma_wait3A_247] : memref<10240x128xf32, #tpu.memory_space<vmem_shared>> -> memref<80x128xf32, #tpu.memory_space<vmem_shared>>
      %dma_wait3A_249 = arith.constant 0 : i32
      %dma_wait3A_250 = arith.constant 0 : i32
      %dma_wait3A_251 = tpu.memref_slice %arg7[%run_scoped3A_110, %dma_wait3A_249, %dma_wait3A_250] : memref<3x80x128xf32, #tpu.memory_space<vmem>> -> memref<1x80x128xf32, #tpu.memory_space<vmem>>
      %dma_wait3A_252 = tpu.memref_squeeze %dma_wait3A_251 : memref<1x80x128xf32, #tpu.memory_space<vmem>> -> memref<80x128xf32, #tpu.memory_space<vmem>>
      tpu.wait_dma2 semaphore(%run_scoped3A_228 : memref<!tpu.dma_semaphore, #tpu.memory_space<semaphore_mem>>) src(%dma_wait3A_252 : memref<80x128xf32, #tpu.memory_space<vmem>>) dst(%dma_wait3A_248 : memref<80x128xf32, #tpu.memory_space<vmem_shared>>)
      tpu.yield
    }) : () -> ()
    %mul3A_111 = arith.constant 640 : i32
    %mul3A_112 = arith.muli %arg1, %mul3A_111 : i32
    %add3A_113 = arith.constant 320 : i32
    %add3A_114 = arith.addi %mul3A_112, %add3A_113 : i32
    %run_scoped3A_115 = arith.constant 0 : i32
    "tpu.region"() ({
      %run_scoped3A_228 = tpu.sem_alloc : memref<!tpu.dma_semaphore, #tpu.memory_space<semaphore_mem>>
      %dma_start3A_229 = arith.constant 0 : i32
      %dma_start3A_230 = arith.constant 0 : i32
      %dma_start3A_231 = tpu.memref_slice %arg7[%run_scoped3A_115, %dma_start3A_229, %dma_start3A_230] : memref<3x80x128xf32, #tpu.memory_space<vmem>> -> memref<1x80x128xf32, #tpu.memory_space<vmem>>
      %dma_start3A_232 = tpu.memref_squeeze %dma_start3A_231 : memref<1x80x128xf32, #tpu.memory_space<vmem>> -> memref<80x128xf32, #tpu.memory_space<vmem>>
      %dma_start3A_233 = arith.constant 0 : i32
      %dma_start3A_234 = tpu.memref_slice %arg6[%add3A_114, %dma_start3A_233] : memref<10240x128xf32, #tpu.memory_space<vmem_shared>> -> memref<80x128xf32, #tpu.memory_space<vmem_shared>>
      %dma_start3A_235 = arith.constant 0 : i32
      %dma_start3A_236 = tpu.memref_slice %arg6[%add3A_114, %dma_start3A_235] : memref<10240x128xf32, #tpu.memory_space<vmem_shared>> -> memref<80x128xf32, #tpu.memory_space<vmem_shared>>
      %dma_start3A_237 = arith.constant 0 : i32
      %dma_start3A_238 = arith.constant 0 : i32
      %dma_start3A_239 = tpu.memref_slice %arg7[%run_scoped3A_115, %dma_start3A_237, %dma_start3A_238] : memref<3x80x128xf32, #tpu.memory_space<vmem>> -> memref<1x80x128xf32, #tpu.memory_space<vmem>>
      %dma_start3A_240 = tpu.memref_squeeze %dma_start3A_239 : memref<1x80x128xf32, #tpu.memory_space<vmem>> -> memref<80x128xf32, #tpu.memory_space<vmem>>
      tpu.enqueue_dma source(%dma_start3A_240 : memref<80x128xf32, #tpu.memory_space<vmem>>) target(%dma_start3A_236 : memref<80x128xf32, #tpu.memory_space<vmem_shared>>) target_semaphore(%run_scoped3A_228 : memref<!tpu.dma_semaphore, #tpu.memory_space<semaphore_mem>>)
      %dma_wait3A_241 = arith.constant 0 : i32
      %dma_wait3A_242 = arith.constant 0 : i32
      %dma_wait3A_243 = tpu.memref_slice %arg7[%run_scoped3A_115, %dma_wait3A_241, %dma_wait3A_242] : memref<3x80x128xf32, #tpu.memory_space<vmem>> -> memref<1x80x128xf32, #tpu.memory_space<vmem>>
      %dma_wait3A_244 = tpu.memref_squeeze %dma_wait3A_243 : memref<1x80x128xf32, #tpu.memory_space<vmem>> -> memref<80x128xf32, #tpu.memory_space<vmem>>
      %dma_wait3A_245 = arith.constant 0 : i32
      %dma_wait3A_246 = tpu.memref_slice %arg6[%add3A_114, %dma_wait3A_245] : memref<10240x128xf32, #tpu.memory_space<vmem_shared>> -> memref<80x128xf32, #tpu.memory_space<vmem_shared>>
      %dma_wait3A_247 = arith.constant 0 : i32
      %dma_wait3A_248 = tpu.memref_slice %arg6[%add3A_114, %dma_wait3A_247] : memref<10240x128xf32, #tpu.memory_space<vmem_shared>> -> memref<80x128xf32, #tpu.memory_space<vmem_shared>>
      %dma_wait3A_249 = arith.constant 0 : i32
      %dma_wait3A_250 = arith.constant 0 : i32
      %dma_wait3A_251 = tpu.memref_slice %arg7[%run_scoped3A_115, %dma_wait3A_249, %dma_wait3A_250] : memref<3x80x128xf32, #tpu.memory_space<vmem>> -> memref<1x80x128xf32, #tpu.memory_space<vmem>>
      %dma_wait3A_252 = tpu.memref_squeeze %dma_wait3A_251 : memref<1x80x128xf32, #tpu.memory_space<vmem>> -> memref<80x128xf32, #tpu.memory_space<vmem>>
      tpu.wait_dma2 semaphore(%run_scoped3A_228 : memref<!tpu.dma_semaphore, #tpu.memory_space<semaphore_mem>>) src(%dma_wait3A_252 : memref<80x128xf32, #tpu.memory_space<vmem>>) dst(%dma_wait3A_248 : memref<80x128xf32, #tpu.memory_space<vmem_shared>>)
      tpu.yield
    }) : () -> ()
    %mul3A_116 = arith.constant 640 : i32
    %mul3A_117 = arith.muli %arg1, %mul3A_116 : i32
    %add3A_118 = arith.constant 400 : i32
    %add3A_119 = arith.addi %mul3A_117, %add3A_118 : i32
    %run_scoped3A_120 = arith.constant 0 : i32
    "tpu.region"() ({
      %run_scoped3A_228 = tpu.sem_alloc : memref<!tpu.dma_semaphore, #tpu.memory_space<semaphore_mem>>
      %dma_start3A_229 = arith.constant 0 : i32
      %dma_start3A_230 = arith.constant 0 : i32
      %dma_start3A_231 = tpu.memref_slice %arg7[%run_scoped3A_120, %dma_start3A_229, %dma_start3A_230] : memref<3x80x128xf32, #tpu.memory_space<vmem>> -> memref<1x80x128xf32, #tpu.memory_space<vmem>>
      %dma_start3A_232 = tpu.memref_squeeze %dma_start3A_231 : memref<1x80x128xf32, #tpu.memory_space<vmem>> -> memref<80x128xf32, #tpu.memory_space<vmem>>
      %dma_start3A_233 = arith.constant 0 : i32
      %dma_start3A_234 = tpu.memref_slice %arg6[%add3A_119, %dma_start3A_233] : memref<10240x128xf32, #tpu.memory_space<vmem_shared>> -> memref<80x128xf32, #tpu.memory_space<vmem_shared>>
      %dma_start3A_235 = arith.constant 0 : i32
      %dma_start3A_236 = tpu.memref_slice %arg6[%add3A_119, %dma_start3A_235] : memref<10240x128xf32, #tpu.memory_space<vmem_shared>> -> memref<80x128xf32, #tpu.memory_space<vmem_shared>>
      %dma_start3A_237 = arith.constant 0 : i32
      %dma_start3A_238 = arith.constant 0 : i32
      %dma_start3A_239 = tpu.memref_slice %arg7[%run_scoped3A_120, %dma_start3A_237, %dma_start3A_238] : memref<3x80x128xf32, #tpu.memory_space<vmem>> -> memref<1x80x128xf32, #tpu.memory_space<vmem>>
      %dma_start3A_240 = tpu.memref_squeeze %dma_start3A_239 : memref<1x80x128xf32, #tpu.memory_space<vmem>> -> memref<80x128xf32, #tpu.memory_space<vmem>>
      tpu.enqueue_dma source(%dma_start3A_240 : memref<80x128xf32, #tpu.memory_space<vmem>>) target(%dma_start3A_236 : memref<80x128xf32, #tpu.memory_space<vmem_shared>>) target_semaphore(%run_scoped3A_228 : memref<!tpu.dma_semaphore, #tpu.memory_space<semaphore_mem>>)
      %dma_wait3A_241 = arith.constant 0 : i32
      %dma_wait3A_242 = arith.constant 0 : i32
      %dma_wait3A_243 = tpu.memref_slice %arg7[%run_scoped3A_120, %dma_wait3A_241, %dma_wait3A_242] : memref<3x80x128xf32, #tpu.memory_space<vmem>> -> memref<1x80x128xf32, #tpu.memory_space<vmem>>
      %dma_wait3A_244 = tpu.memref_squeeze %dma_wait3A_243 : memref<1x80x128xf32, #tpu.memory_space<vmem>> -> memref<80x128xf32, #tpu.memory_space<vmem>>
      %dma_wait3A_245 = arith.constant 0 : i32
      %dma_wait3A_246 = tpu.memref_slice %arg6[%add3A_119, %dma_wait3A_245] : memref<10240x128xf32, #tpu.memory_space<vmem_shared>> -> memref<80x128xf32, #tpu.memory_space<vmem_shared>>
      %dma_wait3A_247 = arith.constant 0 : i32
      %dma_wait3A_248 = tpu.memref_slice %arg6[%add3A_119, %dma_wait3A_247] : memref<10240x128xf32, #tpu.memory_space<vmem_shared>> -> memref<80x128xf32, #tpu.memory_space<vmem_shared>>
      %dma_wait3A_249 = arith.constant 0 : i32
      %dma_wait3A_250 = arith.constant 0 : i32
      %dma_wait3A_251 = tpu.memref_slice %arg7[%run_scoped3A_120, %dma_wait3A_249, %dma_wait3A_250] : memref<3x80x128xf32, #tpu.memory_space<vmem>> -> memref<1x80x128xf32, #tpu.memory_space<vmem>>
      %dma_wait3A_252 = tpu.memref_squeeze %dma_wait3A_251 : memref<1x80x128xf32, #tpu.memory_space<vmem>> -> memref<80x128xf32, #tpu.memory_space<vmem>>
      tpu.wait_dma2 semaphore(%run_scoped3A_228 : memref<!tpu.dma_semaphore, #tpu.memory_space<semaphore_mem>>) src(%dma_wait3A_252 : memref<80x128xf32, #tpu.memory_space<vmem>>) dst(%dma_wait3A_248 : memref<80x128xf32, #tpu.memory_space<vmem_shared>>)
      tpu.yield
    }) : () -> ()
    %mul3A_121 = arith.constant 640 : i32
    %mul3A_122 = arith.muli %arg1, %mul3A_121 : i32
    %add3A_123 = arith.constant 480 : i32
    %add3A_124 = arith.addi %mul3A_122, %add3A_123 : i32
    %run_scoped3A_125 = arith.constant 0 : i32
    "tpu.region"() ({
      %run_scoped3A_228 = tpu.sem_alloc : memref<!tpu.dma_semaphore, #tpu.memory_space<semaphore_mem>>
      %dma_start3A_229 = arith.constant 0 : i32
      %dma_start3A_230 = arith.constant 0 : i32
      %dma_start3A_231 = tpu.memref_slice %arg7[%run_scoped3A_125, %dma_start3A_229, %dma_start3A_230] : memref<3x80x128xf32, #tpu.memory_space<vmem>> -> memref<1x80x128xf32, #tpu.memory_space<vmem>>
      %dma_start3A_232 = tpu.memref_squeeze %dma_start3A_231 : memref<1x80x128xf32, #tpu.memory_space<vmem>> -> memref<80x128xf32, #tpu.memory_space<vmem>>
      %dma_start3A_233 = arith.constant 0 : i32
      %dma_start3A_234 = tpu.memref_slice %arg6[%add3A_124, %dma_start3A_233] : memref<10240x128xf32, #tpu.memory_space<vmem_shared>> -> memref<80x128xf32, #tpu.memory_space<vmem_shared>>
      %dma_start3A_235 = arith.constant 0 : i32
      %dma_start3A_236 = tpu.memref_slice %arg6[%add3A_124, %dma_start3A_235] : memref<10240x128xf32, #tpu.memory_space<vmem_shared>> -> memref<80x128xf32, #tpu.memory_space<vmem_shared>>
      %dma_start3A_237 = arith.constant 0 : i32
      %dma_start3A_238 = arith.constant 0 : i32
      %dma_start3A_239 = tpu.memref_slice %arg7[%run_scoped3A_125, %dma_start3A_237, %dma_start3A_238] : memref<3x80x128xf32, #tpu.memory_space<vmem>> -> memref<1x80x128xf32, #tpu.memory_space<vmem>>
      %dma_start3A_240 = tpu.memref_squeeze %dma_start3A_239 : memref<1x80x128xf32, #tpu.memory_space<vmem>> -> memref<80x128xf32, #tpu.memory_space<vmem>>
      tpu.enqueue_dma source(%dma_start3A_240 : memref<80x128xf32, #tpu.memory_space<vmem>>) target(%dma_start3A_236 : memref<80x128xf32, #tpu.memory_space<vmem_shared>>) target_semaphore(%run_scoped3A_228 : memref<!tpu.dma_semaphore, #tpu.memory_space<semaphore_mem>>)
      %dma_wait3A_241 = arith.constant 0 : i32
      %dma_wait3A_242 = arith.constant 0 : i32
      %dma_wait3A_243 = tpu.memref_slice %arg7[%run_scoped3A_125, %dma_wait3A_241, %dma_wait3A_242] : memref<3x80x128xf32, #tpu.memory_space<vmem>> -> memref<1x80x128xf32, #tpu.memory_space<vmem>>
      %dma_wait3A_244 = tpu.memref_squeeze %dma_wait3A_243 : memref<1x80x128xf32, #tpu.memory_space<vmem>> -> memref<80x128xf32, #tpu.memory_space<vmem>>
      %dma_wait3A_245 = arith.constant 0 : i32
      %dma_wait3A_246 = tpu.memref_slice %arg6[%add3A_124, %dma_wait3A_245] : memref<10240x128xf32, #tpu.memory_space<vmem_shared>> -> memref<80x128xf32, #tpu.memory_space<vmem_shared>>
      %dma_wait3A_247 = arith.constant 0 : i32
      %dma_wait3A_248 = tpu.memref_slice %arg6[%add3A_124, %dma_wait3A_247] : memref<10240x128xf32, #tpu.memory_space<vmem_shared>> -> memref<80x128xf32, #tpu.memory_space<vmem_shared>>
      %dma_wait3A_249 = arith.constant 0 : i32
      %dma_wait3A_250 = arith.constant 0 : i32
      %dma_wait3A_251 = tpu.memref_slice %arg7[%run_scoped3A_125, %dma_wait3A_249, %dma_wait3A_250] : memref<3x80x128xf32, #tpu.memory_space<vmem>> -> memref<1x80x128xf32, #tpu.memory_space<vmem>>
      %dma_wait3A_252 = tpu.memref_squeeze %dma_wait3A_251 : memref<1x80x128xf32, #tpu.memory_space<vmem>> -> memref<80x128xf32, #tpu.memory_space<vmem>>
      tpu.wait_dma2 semaphore(%run_scoped3A_228 : memref<!tpu.dma_semaphore, #tpu.memory_space<semaphore_mem>>) src(%dma_wait3A_252 : memref<80x128xf32, #tpu.memory_space<vmem>>) dst(%dma_wait3A_248 : memref<80x128xf32, #tpu.memory_space<vmem_shared>>)
      tpu.yield
    }) : () -> ()
    %mul3A_126 = arith.constant 640 : i32
    %mul3A_127 = arith.muli %arg1, %mul3A_126 : i32
    %add3A_128 = arith.constant 560 : i32
    %add3A_129 = arith.addi %mul3A_127, %add3A_128 : i32
    %run_scoped3A_130 = arith.constant 0 : i32
    "tpu.region"() ({
      %run_scoped3A_228 = tpu.sem_alloc : memref<!tpu.dma_semaphore, #tpu.memory_space<semaphore_mem>>
      %dma_start3A_229 = arith.constant 0 : i32
      %dma_start3A_230 = arith.constant 0 : i32
      %dma_start3A_231 = tpu.memref_slice %arg7[%run_scoped3A_130, %dma_start3A_229, %dma_start3A_230] : memref<3x80x128xf32, #tpu.memory_space<vmem>> -> memref<1x80x128xf32, #tpu.memory_space<vmem>>
      %dma_start3A_232 = tpu.memref_squeeze %dma_start3A_231 : memref<1x80x128xf32, #tpu.memory_space<vmem>> -> memref<80x128xf32, #tpu.memory_space<vmem>>
      %dma_start3A_233 = arith.constant 0 : i32
      %dma_start3A_234 = tpu.memref_slice %arg6[%add3A_129, %dma_start3A_233] : memref<10240x128xf32, #tpu.memory_space<vmem_shared>> -> memref<80x128xf32, #tpu.memory_space<vmem_shared>>
      %dma_start3A_235 = arith.constant 0 : i32
      %dma_start3A_236 = tpu.memref_slice %arg6[%add3A_129, %dma_start3A_235] : memref<10240x128xf32, #tpu.memory_space<vmem_shared>> -> memref<80x128xf32, #tpu.memory_space<vmem_shared>>
      %dma_start3A_237 = arith.constant 0 : i32
      %dma_start3A_238 = arith.constant 0 : i32
      %dma_start3A_239 = tpu.memref_slice %arg7[%run_scoped3A_130, %dma_start3A_237, %dma_start3A_238] : memref<3x80x128xf32, #tpu.memory_space<vmem>> -> memref<1x80x128xf32, #tpu.memory_space<vmem>>
      %dma_start3A_240 = tpu.memref_squeeze %dma_start3A_239 : memref<1x80x128xf32, #tpu.memory_space<vmem>> -> memref<80x128xf32, #tpu.memory_space<vmem>>
      tpu.enqueue_dma source(%dma_start3A_240 : memref<80x128xf32, #tpu.memory_space<vmem>>) target(%dma_start3A_236 : memref<80x128xf32, #tpu.memory_space<vmem_shared>>) target_semaphore(%run_scoped3A_228 : memref<!tpu.dma_semaphore, #tpu.memory_space<semaphore_mem>>)
      %dma_wait3A_241 = arith.constant 0 : i32
      %dma_wait3A_242 = arith.constant 0 : i32
      %dma_wait3A_243 = tpu.memref_slice %arg7[%run_scoped3A_130, %dma_wait3A_241, %dma_wait3A_242] : memref<3x80x128xf32, #tpu.memory_space<vmem>> -> memref<1x80x128xf32, #tpu.memory_space<vmem>>
      %dma_wait3A_244 = tpu.memref_squeeze %dma_wait3A_243 : memref<1x80x128xf32, #tpu.memory_space<vmem>> -> memref<80x128xf32, #tpu.memory_space<vmem>>
      %dma_wait3A_245 = arith.constant 0 : i32
      %dma_wait3A_246 = tpu.memref_slice %arg6[%add3A_129, %dma_wait3A_245] : memref<10240x128xf32, #tpu.memory_space<vmem_shared>> -> memref<80x128xf32, #tpu.memory_space<vmem_shared>>
      %dma_wait3A_247 = arith.constant 0 : i32
      %dma_wait3A_248 = tpu.memref_slice %arg6[%add3A_129, %dma_wait3A_247] : memref<10240x128xf32, #tpu.memory_space<vmem_shared>> -> memref<80x128xf32, #tpu.memory_space<vmem_shared>>
      %dma_wait3A_249 = arith.constant 0 : i32
      %dma_wait3A_250 = arith.constant 0 : i32
      %dma_wait3A_251 = tpu.memref_slice %arg7[%run_scoped3A_130, %dma_wait3A_249, %dma_wait3A_250] : memref<3x80x128xf32, #tpu.memory_space<vmem>> -> memref<1x80x128xf32, #tpu.memory_space<vmem>>
      %dma_wait3A_252 = tpu.memref_squeeze %dma_wait3A_251 : memref<1x80x128xf32, #tpu.memory_space<vmem>> -> memref<80x128xf32, #tpu.memory_space<vmem>>
      tpu.wait_dma2 semaphore(%run_scoped3A_228 : memref<!tpu.dma_semaphore, #tpu.memory_space<semaphore_mem>>) src(%dma_wait3A_252 : memref<80x128xf32, #tpu.memory_space<vmem>>) dst(%dma_wait3A_248 : memref<80x128xf32, #tpu.memory_space<vmem_shared>>)
      tpu.yield
    }) : () -> ()
    %barrier3A = arith.constant 0 : index
    tpu.barrier barrier_id(%barrier3A)
    %add3A_131 = arith.constant 0 : i32
    %add3A_132 = arith.addi %mul3A_2, %add3A_131 : i32
    %mul3A_133 = arith.constant 80 : i32
    %mul3A_134 = arith.muli %add3A_132, %mul3A_133 : i32
    %dma_wait3A = arith.constant 0 : i32
    %dma_wait3A_135 = arith.constant 0 : i32
    %dma_wait3A_136 = arith.constant 0 : i32
    %dma_wait3A_137 = tpu.memref_slice %arg8[%dma_wait3A, %dma_wait3A_136] : memref<4x80xi32, #tpu.memory_space<vmem>> -> memref<1x80xi32, #tpu.memory_space<vmem>>
    %dma_wait3A_138 = tpu.memref_squeeze %dma_wait3A_137 : memref<1x80xi32, #tpu.memory_space<vmem>> -> memref<80xi32, #tpu.memory_space<vmem>>
    %dma_wait3A_139 = tpu.memref_slice %arg3[%mul3A_134] : memref<320000xi32, #tpu.memory_space<hbm>> -> memref<80xi32, #tpu.memory_space<hbm>>
    %dma_wait3A_140 = tpu.memref_slice %arg11[%dma_wait3A_135] : memref<4x!tpu.dma_semaphore, #tpu.memory_space<semaphore_mem>> -> memref<1x!tpu.dma_semaphore, #tpu.memory_space<semaphore_mem>>
    %dma_wait3A_141 = tpu.memref_squeeze %dma_wait3A_140 : memref<1x!tpu.dma_semaphore, #tpu.memory_space<semaphore_mem>> -> memref<!tpu.dma_semaphore, #tpu.memory_space<semaphore_mem>>
    %dma_wait3A_142 = arith.constant 0 : i32
    %dma_wait3A_143 = tpu.memref_slice %arg8[%dma_wait3A, %dma_wait3A_142] : memref<4x80xi32, #tpu.memory_space<vmem>> -> memref<1x80xi32, #tpu.memory_space<vmem>>
    %dma_wait3A_144 = tpu.memref_squeeze %dma_wait3A_143 : memref<1x80xi32, #tpu.memory_space<vmem>> -> memref<80xi32, #tpu.memory_space<vmem>>
    %dma_wait3A_145 = tpu.memref_slice %arg3[%mul3A_134] : memref<320000xi32, #tpu.memory_space<hbm>> -> memref<80xi32, #tpu.memory_space<hbm>>
    tpu.wait_dma2 semaphore(%dma_wait3A_141 : memref<!tpu.dma_semaphore, #tpu.memory_space<semaphore_mem>>) src(%dma_wait3A_145 : memref<80xi32, #tpu.memory_space<hbm>>) dst(%dma_wait3A_144 : memref<80xi32, #tpu.memory_space<vmem>>)
    %dma_wait3A_146 = arith.constant 0 : i32
    %dma_wait3A_147 = arith.constant 0 : i32
    %dma_wait3A_148 = arith.constant 0 : i32
    %dma_wait3A_149 = tpu.memref_slice %arg9[%dma_wait3A_146, %dma_wait3A_148] : memref<4x80xi32, #tpu.memory_space<vmem>> -> memref<1x80xi32, #tpu.memory_space<vmem>>
    %dma_wait3A_150 = tpu.memref_squeeze %dma_wait3A_149 : memref<1x80xi32, #tpu.memory_space<vmem>> -> memref<80xi32, #tpu.memory_space<vmem>>
    %dma_wait3A_151 = tpu.memref_slice %arg4[%mul3A_134] : memref<320000xi32, #tpu.memory_space<hbm>> -> memref<80xi32, #tpu.memory_space<hbm>>
    %dma_wait3A_152 = tpu.memref_slice %arg12[%dma_wait3A_147] : memref<4x!tpu.dma_semaphore, #tpu.memory_space<semaphore_mem>> -> memref<1x!tpu.dma_semaphore, #tpu.memory_space<semaphore_mem>>
    %dma_wait3A_153 = tpu.memref_squeeze %dma_wait3A_152 : memref<1x!tpu.dma_semaphore, #tpu.memory_space<semaphore_mem>> -> memref<!tpu.dma_semaphore, #tpu.memory_space<semaphore_mem>>
    %dma_wait3A_154 = arith.constant 0 : i32
    %dma_wait3A_155 = tpu.memref_slice %arg9[%dma_wait3A_146, %dma_wait3A_154] : memref<4x80xi32, #tpu.memory_space<vmem>> -> memref<1x80xi32, #tpu.memory_space<vmem>>
    %dma_wait3A_156 = tpu.memref_squeeze %dma_wait3A_155 : memref<1x80xi32, #tpu.memory_space<vmem>> -> memref<80xi32, #tpu.memory_space<vmem>>
    %dma_wait3A_157 = tpu.memref_slice %arg4[%mul3A_134] : memref<320000xi32, #tpu.memory_space<hbm>> -> memref<80xi32, #tpu.memory_space<hbm>>
    tpu.wait_dma2 semaphore(%dma_wait3A_153 : memref<!tpu.dma_semaphore, #tpu.memory_space<semaphore_mem>>) src(%dma_wait3A_157 : memref<80xi32, #tpu.memory_space<hbm>>) dst(%dma_wait3A_156 : memref<80xi32, #tpu.memory_space<vmem>>)
    %dma_start3A_158 = arith.constant 0 : i32
    %dma_start3A_159 = arith.constant 0 : i32
    %dma_start3A_160 = arith.constant 0 : i32
    %dma_start3A_161 = arith.constant 0 : i32
    %dma_start3A_162 = arith.constant 0 : i32
    %dma_start3A_163 = tpu.memref_slice %arg7[%dma_start3A_159, %dma_start3A_161, %dma_start3A_162] : memref<3x80x128xf32, #tpu.memory_space<vmem>> -> memref<1x80x128xf32, #tpu.memory_space<vmem>>
    %dma_start3A_164 = tpu.memref_squeeze %dma_start3A_163 : memref<1x80x128xf32, #tpu.memory_space<vmem>> -> memref<80x128xf32, #tpu.memory_space<vmem>>
    %dma_start3A_165 = arith.constant 0 : i32
    %dma_start3A_166 = tpu.memref_slice %arg8[%dma_start3A_158, %dma_start3A_165] : memref<4x80xi32, #tpu.memory_space<vmem>> -> memref<1x80xi32, #tpu.memory_space<vmem>>
    %dma_start3A_167 = tpu.memref_squeeze %dma_start3A_166 : memref<1x80xi32, #tpu.memory_space<vmem>> -> memref<80xi32, #tpu.memory_space<vmem>>
    %dma_start3A_168 = arith.constant 0 : i32
    %dma_start3A_169 = arith.constant 0 : i32
    %dma_start3A_170 = tpu.memref_slice %arg2[%dma_start3A_168, %dma_start3A_169] : memref<10240x128xf32, #tpu.memory_space<hbm>> -> memref<10240x128xf32, #tpu.memory_space<hbm>>
    %dma_start3A_171 = tpu.memref_slice %arg10[%dma_start3A_160] : memref<3x!tpu.dma_semaphore, #tpu.memory_space<semaphore_mem>> -> memref<1x!tpu.dma_semaphore, #tpu.memory_space<semaphore_mem>>
    %dma_start3A_172 = tpu.memref_squeeze %dma_start3A_171 : memref<1x!tpu.dma_semaphore, #tpu.memory_space<semaphore_mem>> -> memref<!tpu.dma_semaphore, #tpu.memory_space<semaphore_mem>>
    tpu.enqueue_indirect_dma source(%dma_start3A_170 : memref<10240x128xf32, #tpu.memory_space<hbm>>) target(%dma_start3A_164 : memref<80x128xf32, #tpu.memory_space<vmem>>) offsets(%dma_start3A_167 : memref<80xi32, #tpu.memory_space<vmem>>) semaphore(%dma_start3A_172 : memref<!tpu.dma_semaphore, #tpu.memory_space<semaphore_mem>>)
    %add3A_173 = arith.constant 1 : i32
    %add3A_174 = arith.addi %mul3A_2, %add3A_173 : i32
    %mul3A_175 = arith.constant 80 : i32
    %mul3A_176 = arith.muli %add3A_174, %mul3A_175 : i32
    %dma_wait3A_177 = arith.constant 1 : i32
    %dma_wait3A_178 = arith.constant 1 : i32
    %dma_wait3A_179 = arith.constant 0 : i32
    %dma_wait3A_180 = tpu.memref_slice %arg8[%dma_wait3A_177, %dma_wait3A_179] : memref<4x80xi32, #tpu.memory_space<vmem>> -> memref<1x80xi32, #tpu.memory_space<vmem>>
    %dma_wait3A_181 = tpu.memref_squeeze %dma_wait3A_180 : memref<1x80xi32, #tpu.memory_space<vmem>> -> memref<80xi32, #tpu.memory_space<vmem>>
    %dma_wait3A_182 = tpu.memref_slice %arg3[%mul3A_176] : memref<320000xi32, #tpu.memory_space<hbm>> -> memref<80xi32, #tpu.memory_space<hbm>>
    %dma_wait3A_183 = tpu.memref_slice %arg11[%dma_wait3A_178] : memref<4x!tpu.dma_semaphore, #tpu.memory_space<semaphore_mem>> -> memref<1x!tpu.dma_semaphore, #tpu.memory_space<semaphore_mem>>
    %dma_wait3A_184 = tpu.memref_squeeze %dma_wait3A_183 : memref<1x!tpu.dma_semaphore, #tpu.memory_space<semaphore_mem>> -> memref<!tpu.dma_semaphore, #tpu.memory_space<semaphore_mem>>
    %dma_wait3A_185 = arith.constant 0 : i32
    %dma_wait3A_186 = tpu.memref_slice %arg8[%dma_wait3A_177, %dma_wait3A_185] : memref<4x80xi32, #tpu.memory_space<vmem>> -> memref<1x80xi32, #tpu.memory_space<vmem>>
    %dma_wait3A_187 = tpu.memref_squeeze %dma_wait3A_186 : memref<1x80xi32, #tpu.memory_space<vmem>> -> memref<80xi32, #tpu.memory_space<vmem>>
    %dma_wait3A_188 = tpu.memref_slice %arg3[%mul3A_176] : memref<320000xi32, #tpu.memory_space<hbm>> -> memref<80xi32, #tpu.memory_space<hbm>>
    tpu.wait_dma2 semaphore(%dma_wait3A_184 : memref<!tpu.dma_semaphore, #tpu.memory_space<semaphore_mem>>) src(%dma_wait3A_188 : memref<80xi32, #tpu.memory_space<hbm>>) dst(%dma_wait3A_187 : memref<80xi32, #tpu.memory_space<vmem>>)
    %dma_wait3A_189 = arith.constant 1 : i32
    %dma_wait3A_190 = arith.constant 1 : i32
    %dma_wait3A_191 = arith.constant 0 : i32
    %dma_wait3A_192 = tpu.memref_slice %arg9[%dma_wait3A_189, %dma_wait3A_191] : memref<4x80xi32, #tpu.memory_space<vmem>> -> memref<1x80xi32, #tpu.memory_space<vmem>>
    %dma_wait3A_193 = tpu.memref_squeeze %dma_wait3A_192 : memref<1x80xi32, #tpu.memory_space<vmem>> -> memref<80xi32, #tpu.memory_space<vmem>>
    %dma_wait3A_194 = tpu.memref_slice %arg4[%mul3A_176] : memref<320000xi32, #tpu.memory_space<hbm>> -> memref<80xi32, #tpu.memory_space<hbm>>
    %dma_wait3A_195 = tpu.memref_slice %arg12[%dma_wait3A_190] : memref<4x!tpu.dma_semaphore, #tpu.memory_space<semaphore_mem>> -> memref<1x!tpu.dma_semaphore, #tpu.memory_space<semaphore_mem>>
    %dma_wait3A_196 = tpu.memref_squeeze %dma_wait3A_195 : memref<1x!tpu.dma_semaphore, #tpu.memory_space<semaphore_mem>> -> memref<!tpu.dma_semaphore, #tpu.memory_space<semaphore_mem>>
    %dma_wait3A_197 = arith.constant 0 : i32
    %dma_wait3A_198 = tpu.memref_slice %arg9[%dma_wait3A_189, %dma_wait3A_197] : memref<4x80xi32, #tpu.memory_space<vmem>> -> memref<1x80xi32, #tpu.memory_space<vmem>>
    %dma_wait3A_199 = tpu.memref_squeeze %dma_wait3A_198 : memref<1x80xi32, #tpu.memory_space<vmem>> -> memref<80xi32, #tpu.memory_space<vmem>>
    %dma_wait3A_200 = tpu.memref_slice %arg4[%mul3A_176] : memref<320000xi32, #tpu.memory_space<hbm>> -> memref<80xi32, #tpu.memory_space<hbm>>
    tpu.wait_dma2 semaphore(%dma_wait3A_196 : memref<!tpu.dma_semaphore, #tpu.memory_space<semaphore_mem>>) src(%dma_wait3A_200 : memref<80xi32, #tpu.memory_space<hbm>>) dst(%dma_wait3A_199 : memref<80xi32, #tpu.memory_space<vmem>>)
    %dma_start3A_201 = arith.constant 1 : i32
    %dma_start3A_202 = arith.constant 1 : i32
    %dma_start3A_203 = arith.constant 1 : i32
    %dma_start3A_204 = arith.constant 0 : i32
    %dma_start3A_205 = arith.constant 0 : i32
    %dma_start3A_206 = tpu.memref_slice %arg7[%dma_start3A_202, %dma_start3A_204, %dma_start3A_205] : memref<3x80x128xf32, #tpu.memory_space<vmem>> -> memref<1x80x128xf32, #tpu.memory_space<vmem>>
    %dma_start3A_207 = tpu.memref_squeeze %dma_start3A_206 : memref<1x80x128xf32, #tpu.memory_space<vmem>> -> memref<80x128xf32, #tpu.memory_space<vmem>>
    %dma_start3A_208 = arith.constant 0 : i32
    %dma_start3A_209 = tpu.memref_slice %arg8[%dma_start3A_201, %dma_start3A_208] : memref<4x80xi32, #tpu.memory_space<vmem>> -> memref<1x80xi32, #tpu.memory_space<vmem>>
    %dma_start3A_210 = tpu.memref_squeeze %dma_start3A_209 : memref<1x80xi32, #tpu.memory_space<vmem>> -> memref<80xi32, #tpu.memory_space<vmem>>
    %dma_start3A_211 = arith.constant 0 : i32
    %dma_start3A_212 = arith.constant 0 : i32
    %dma_start3A_213 = tpu.memref_slice %arg2[%dma_start3A_211, %dma_start3A_212] : memref<10240x128xf32, #tpu.memory_space<hbm>> -> memref<10240x128xf32, #tpu.memory_space<hbm>>
    %dma_start3A_214 = tpu.memref_slice %arg10[%dma_start3A_203] : memref<3x!tpu.dma_semaphore, #tpu.memory_space<semaphore_mem>> -> memref<1x!tpu.dma_semaphore, #tpu.memory_space<semaphore_mem>>
    %dma_start3A_215 = tpu.memref_squeeze %dma_start3A_214 : memref<1x!tpu.dma_semaphore, #tpu.memory_space<semaphore_mem>> -> memref<!tpu.dma_semaphore, #tpu.memory_space<semaphore_mem>>
    tpu.enqueue_indirect_dma source(%dma_start3A_213 : memref<10240x128xf32, #tpu.memory_space<hbm>>) target(%dma_start3A_207 : memref<80x128xf32, #tpu.memory_space<vmem>>) offsets(%dma_start3A_210 : memref<80xi32, #tpu.memory_space<vmem>>) semaphore(%dma_start3A_215 : memref<!tpu.dma_semaphore, #tpu.memory_space<semaphore_mem>>)
    %scan3A_216 = arith.constant 0 : i32
    %scan3A_217 = arith.constant 0 : i32
    %scan3A_218 = arith.constant 125 : i32
    %scan3A_219 = arith.addi %scan3A_217, %scan3A_218 : i32
    %scan3A_220 = arith.constant 1 : i32
    %scan3A_221 = scf.for %scan3A_228 = %scan3A_217 to %scan3A_219 step %scan3A_220 iter_args(%scan3A_229 = %scan3A_216) -> (i32)  : i32 {
      %add3A_230 = arith.constant 3 : i32
      %add3A_231 = arith.addi %scan3A_228, %add3A_230 : i32
      %sub3A = arith.constant 1 : i32
      %sub3A_232 = arith.subi %add3A_231, %sub3A : i32
      %lt3A = arith.constant 125 : i32
      %lt3A_233 = arith.cmpi slt, %sub3A_232, %lt3A : i32
      %convert_element_type3A = arith.extui %lt3A_233 : i1 to i32
      %cond3A = arith.constant 0 : i32
      %cond3A_234 = arith.cmpi ne, %convert_element_type3A, %cond3A : i32
      scf.if %cond3A_234 {
        %rem3A_251 = arith.constant 4 : i32
        %rem3A_252 = arith.remsi %sub3A_232, %rem3A_251 : i32
        %add3A_253 = arith.addi %mul3A_2, %sub3A_232 : i32
        %mul3A_254 = arith.constant 80 : i32
        %mul3A_255 = arith.muli %add3A_253, %mul3A_254 : i32
        %dma_wait3A_256 = arith.constant 0 : i32
        %dma_wait3A_257 = tpu.memref_slice %arg8[%rem3A_252, %dma_wait3A_256] : memref<4x80xi32, #tpu.memory_space<vmem>> -> memref<1x80xi32, #tpu.memory_space<vmem>>
        %dma_wait3A_258 = tpu.memref_squeeze %dma_wait3A_257 : memref<1x80xi32, #tpu.memory_space<vmem>> -> memref<80xi32, #tpu.memory_space<vmem>>
        %dma_wait3A_259 = tpu.memref_slice %arg3[%mul3A_255] : memref<320000xi32, #tpu.memory_space<hbm>> -> memref<80xi32, #tpu.memory_space<hbm>>
        %dma_wait3A_260 = tpu.memref_slice %arg11[%rem3A_252] : memref<4x!tpu.dma_semaphore, #tpu.memory_space<semaphore_mem>> -> memref<1x!tpu.dma_semaphore, #tpu.memory_space<semaphore_mem>>
        %dma_wait3A_261 = tpu.memref_squeeze %dma_wait3A_260 : memref<1x!tpu.dma_semaphore, #tpu.memory_space<semaphore_mem>> -> memref<!tpu.dma_semaphore, #tpu.memory_space<semaphore_mem>>
        %dma_wait3A_262 = arith.constant 0 : i32
        %dma_wait3A_263 = tpu.memref_slice %arg8[%rem3A_252, %dma_wait3A_262] : memref<4x80xi32, #tpu.memory_space<vmem>> -> memref<1x80xi32, #tpu.memory_space<vmem>>
        %dma_wait3A_264 = tpu.memref_squeeze %dma_wait3A_263 : memref<1x80xi32, #tpu.memory_space<vmem>> -> memref<80xi32, #tpu.memory_space<vmem>>
        %dma_wait3A_265 = tpu.memref_slice %arg3[%mul3A_255] : memref<320000xi32, #tpu.memory_space<hbm>> -> memref<80xi32, #tpu.memory_space<hbm>>
        tpu.wait_dma2 semaphore(%dma_wait3A_261 : memref<!tpu.dma_semaphore, #tpu.memory_space<semaphore_mem>>) src(%dma_wait3A_265 : memref<80xi32, #tpu.memory_space<hbm>>) dst(%dma_wait3A_264 : memref<80xi32, #tpu.memory_space<vmem>>)
        %dma_wait3A_266 = arith.constant 0 : i32
        %dma_wait3A_267 = tpu.memref_slice %arg9[%rem3A_252, %dma_wait3A_266] : memref<4x80xi32, #tpu.memory_space<vmem>> -> memref<1x80xi32, #tpu.memory_space<vmem>>
        %dma_wait3A_268 = tpu.memref_squeeze %dma_wait3A_267 : memref<1x80xi32, #tpu.memory_space<vmem>> -> memref<80xi32, #tpu.memory_space<vmem>>
        %dma_wait3A_269 = tpu.memref_slice %arg4[%mul3A_255] : memref<320000xi32, #tpu.memory_space<hbm>> -> memref<80xi32, #tpu.memory_space<hbm>>
        %dma_wait3A_270 = tpu.memref_slice %arg12[%rem3A_252] : memref<4x!tpu.dma_semaphore, #tpu.memory_space<semaphore_mem>> -> memref<1x!tpu.dma_semaphore, #tpu.memory_space<semaphore_mem>>
        %dma_wait3A_271 = tpu.memref_squeeze %dma_wait3A_270 : memref<1x!tpu.dma_semaphore, #tpu.memory_space<semaphore_mem>> -> memref<!tpu.dma_semaphore, #tpu.memory_space<semaphore_mem>>
        %dma_wait3A_272 = arith.constant 0 : i32
        %dma_wait3A_273 = tpu.memref_slice %arg9[%rem3A_252, %dma_wait3A_272] : memref<4x80xi32, #tpu.memory_space<vmem>> -> memref<1x80xi32, #tpu.memory_space<vmem>>
        %dma_wait3A_274 = tpu.memref_squeeze %dma_wait3A_273 : memref<1x80xi32, #tpu.memory_space<vmem>> -> memref<80xi32, #tpu.memory_space<vmem>>
        %dma_wait3A_275 = tpu.memref_slice %arg4[%mul3A_255] : memref<320000xi32, #tpu.memory_space<hbm>> -> memref<80xi32, #tpu.memory_space<hbm>>
        tpu.wait_dma2 semaphore(%dma_wait3A_271 : memref<!tpu.dma_semaphore, #tpu.memory_space<semaphore_mem>>) src(%dma_wait3A_275 : memref<80xi32, #tpu.memory_space<hbm>>) dst(%dma_wait3A_274 : memref<80xi32, #tpu.memory_space<vmem>>)
        %rem3A_276 = arith.constant 4 : i32
        %rem3A_277 = arith.remsi %sub3A_232, %rem3A_276 : i32
        %rem3A_278 = arith.constant 3 : i32
        %rem3A_279 = arith.remsi %sub3A_232, %rem3A_278 : i32
        %dma_start3A_280 = arith.constant 0 : i32
        %dma_start3A_281 = arith.constant 0 : i32
        %dma_start3A_282 = tpu.memref_slice %arg7[%rem3A_279, %dma_start3A_280, %dma_start3A_281] : memref<3x80x128xf32, #tpu.memory_space<vmem>> -> memref<1x80x128xf32, #tpu.memory_space<vmem>>
        %dma_start3A_283 = tpu.memref_squeeze %dma_start3A_282 : memref<1x80x128xf32, #tpu.memory_space<vmem>> -> memref<80x128xf32, #tpu.memory_space<vmem>>
        %dma_start3A_284 = arith.constant 0 : i32
        %dma_start3A_285 = tpu.memref_slice %arg8[%rem3A_277, %dma_start3A_284] : memref<4x80xi32, #tpu.memory_space<vmem>> -> memref<1x80xi32, #tpu.memory_space<vmem>>
        %dma_start3A_286 = tpu.memref_squeeze %dma_start3A_285 : memref<1x80xi32, #tpu.memory_space<vmem>> -> memref<80xi32, #tpu.memory_space<vmem>>
        %dma_start3A_287 = arith.constant 0 : i32
        %dma_start3A_288 = arith.constant 0 : i32
        %dma_start3A_289 = tpu.memref_slice %arg2[%dma_start3A_287, %dma_start3A_288] : memref<10240x128xf32, #tpu.memory_space<hbm>> -> memref<10240x128xf32, #tpu.memory_space<hbm>>
        %dma_start3A_290 = tpu.memref_slice %arg10[%rem3A_279] : memref<3x!tpu.dma_semaphore, #tpu.memory_space<semaphore_mem>> -> memref<1x!tpu.dma_semaphore, #tpu.memory_space<semaphore_mem>>
        %dma_start3A_291 = tpu.memref_squeeze %dma_start3A_290 : memref<1x!tpu.dma_semaphore, #tpu.memory_space<semaphore_mem>> -> memref<!tpu.dma_semaphore, #tpu.memory_space<semaphore_mem>>
        tpu.enqueue_indirect_dma source(%dma_start3A_289 : memref<10240x128xf32, #tpu.memory_space<hbm>>) target(%dma_start3A_283 : memref<80x128xf32, #tpu.memory_space<vmem>>) offsets(%dma_start3A_286 : memref<80xi32, #tpu.memory_space<vmem>>) semaphore(%dma_start3A_291 : memref<!tpu.dma_semaphore, #tpu.memory_space<semaphore_mem>>)
        %add3A_292 = arith.constant 1 : i32
        %add3A_293 = arith.addi %sub3A_232, %add3A_292 : i32
        %lt3A_294 = arith.constant 125 : i32
        %lt3A_295 = arith.cmpi slt, %add3A_293, %lt3A_294 : i32
        %convert_element_type3A_296 = arith.extui %lt3A_295 : i1 to i32
        %cond3A_297 = arith.constant 0 : i32
        %cond3A_298 = arith.cmpi ne, %convert_element_type3A_296, %cond3A_297 : i32
        scf.if %cond3A_298 {
          %add3A_299 = arith.constant 1 : i32
          %add3A_300 = arith.addi %sub3A_232, %add3A_299 : i32
          %rem3A_301 = arith.constant 4 : i32
          %rem3A_302 = arith.remsi %add3A_300, %rem3A_301 : i32
          %add3A_303 = arith.addi %mul3A_2, %add3A_300 : i32
          %mul3A_304 = arith.constant 80 : i32
          %mul3A_305 = arith.muli %add3A_303, %mul3A_304 : i32
          %dma_start3A_306 = arith.constant 0 : i32
          %dma_start3A_307 = tpu.memref_slice %arg8[%rem3A_302, %dma_start3A_306] : memref<4x80xi32, #tpu.memory_space<vmem>> -> memref<1x80xi32, #tpu.memory_space<vmem>>
          %dma_start3A_308 = tpu.memref_squeeze %dma_start3A_307 : memref<1x80xi32, #tpu.memory_space<vmem>> -> memref<80xi32, #tpu.memory_space<vmem>>
          %dma_start3A_309 = tpu.memref_slice %arg3[%mul3A_305] : memref<320000xi32, #tpu.memory_space<hbm>> -> memref<80xi32, #tpu.memory_space<hbm>>
          %dma_start3A_310 = tpu.memref_slice %arg11[%rem3A_302] : memref<4x!tpu.dma_semaphore, #tpu.memory_space<semaphore_mem>> -> memref<1x!tpu.dma_semaphore, #tpu.memory_space<semaphore_mem>>
          %dma_start3A_311 = tpu.memref_squeeze %dma_start3A_310 : memref<1x!tpu.dma_semaphore, #tpu.memory_space<semaphore_mem>> -> memref<!tpu.dma_semaphore, #tpu.memory_space<semaphore_mem>>
          %dma_start3A_312 = arith.constant 0 : i32
          %dma_start3A_313 = tpu.memref_slice %arg8[%rem3A_302, %dma_start3A_312] : memref<4x80xi32, #tpu.memory_space<vmem>> -> memref<1x80xi32, #tpu.memory_space<vmem>>
          %dma_start3A_314 = tpu.memref_squeeze %dma_start3A_313 : memref<1x80xi32, #tpu.memory_space<vmem>> -> memref<80xi32, #tpu.memory_space<vmem>>
          %dma_start3A_315 = tpu.memref_slice %arg3[%mul3A_305] : memref<320000xi32, #tpu.memory_space<hbm>> -> memref<80xi32, #tpu.memory_space<hbm>>
          tpu.enqueue_dma source(%dma_start3A_315 : memref<80xi32, #tpu.memory_space<hbm>>) target(%dma_start3A_314 : memref<80xi32, #tpu.memory_space<vmem>>) target_semaphore(%dma_start3A_311 : memref<!tpu.dma_semaphore, #tpu.memory_space<semaphore_mem>>)
          %dma_start3A_316 = arith.constant 0 : i32
          %dma_start3A_317 = tpu.memref_slice %arg9[%rem3A_302, %dma_start3A_316] : memref<4x80xi32, #tpu.memory_space<vmem>> -> memref<1x80xi32, #tpu.memory_space<vmem>>
          %dma_start3A_318 = tpu.memref_squeeze %dma_start3A_317 : memref<1x80xi32, #tpu.memory_space<vmem>> -> memref<80xi32, #tpu.memory_space<vmem>>
          %dma_start3A_319 = tpu.memref_slice %arg4[%mul3A_305] : memref<320000xi32, #tpu.memory_space<hbm>> -> memref<80xi32, #tpu.memory_space<hbm>>
          %dma_start3A_320 = tpu.memref_slice %arg12[%rem3A_302] : memref<4x!tpu.dma_semaphore, #tpu.memory_space<semaphore_mem>> -> memref<1x!tpu.dma_semaphore, #tpu.memory_space<semaphore_mem>>
          %dma_start3A_321 = tpu.memref_squeeze %dma_start3A_320 : memref<1x!tpu.dma_semaphore, #tpu.memory_space<semaphore_mem>> -> memref<!tpu.dma_semaphore, #tpu.memory_space<semaphore_mem>>
          %dma_start3A_322 = arith.constant 0 : i32
          %dma_start3A_323 = tpu.memref_slice %arg9[%rem3A_302, %dma_start3A_322] : memref<4x80xi32, #tpu.memory_space<vmem>> -> memref<1x80xi32, #tpu.memory_space<vmem>>
          %dma_start3A_324 = tpu.memref_squeeze %dma_start3A_323 : memref<1x80xi32, #tpu.memory_space<vmem>> -> memref<80xi32, #tpu.memory_space<vmem>>
          %dma_start3A_325 = tpu.memref_slice %arg4[%mul3A_305] : memref<320000xi32, #tpu.memory_space<hbm>> -> memref<80xi32, #tpu.memory_space<hbm>>
          tpu.enqueue_dma source(%dma_start3A_325 : memref<80xi32, #tpu.memory_space<hbm>>) target(%dma_start3A_324 : memref<80xi32, #tpu.memory_space<vmem>>) target_semaphore(%dma_start3A_321 : memref<!tpu.dma_semaphore, #tpu.memory_space<semaphore_mem>>)
        } else {
        }
      } else {
      }
      %rem3A = arith.constant 3 : i32
      %rem3A_235 = arith.remsi %scan3A_228, %rem3A : i32
      %rem3A_236 = arith.constant 4 : i32
      %rem3A_237 = arith.remsi %scan3A_228, %rem3A_236 : i32
      %dma_wait3A_238 = arith.constant 0 : i32
      %dma_wait3A_239 = arith.constant 0 : i32
      %dma_wait3A_240 = tpu.memref_slice %arg7[%rem3A_235, %dma_wait3A_238, %dma_wait3A_239] : memref<3x80x128xf32, #tpu.memory_space<vmem>> -> memref<1x80x128xf32, #tpu.memory_space<vmem>>
      %dma_wait3A_241 = tpu.memref_squeeze %dma_wait3A_240 : memref<1x80x128xf32, #tpu.memory_space<vmem>> -> memref<80x128xf32, #tpu.memory_space<vmem>>
      %dma_wait3A_242 = arith.constant 0 : i32
      %dma_wait3A_243 = tpu.memref_slice %arg8[%rem3A_237, %dma_wait3A_242] : memref<4x80xi32, #tpu.memory_space<vmem>> -> memref<1x80xi32, #tpu.memory_space<vmem>>
      %dma_wait3A_244 = tpu.memref_squeeze %dma_wait3A_243 : memref<1x80xi32, #tpu.memory_space<vmem>> -> memref<80xi32, #tpu.memory_space<vmem>>
      %dma_wait3A_245 = arith.constant 0 : i32
      %dma_wait3A_246 = arith.constant 0 : i32
      %dma_wait3A_247 = tpu.memref_slice %arg2[%dma_wait3A_245, %dma_wait3A_246] : memref<10240x128xf32, #tpu.memory_space<hbm>> -> memref<10240x128xf32, #tpu.memory_space<hbm>>
      %dma_wait3A_248 = tpu.memref_slice %arg10[%rem3A_235] : memref<3x!tpu.dma_semaphore, #tpu.memory_space<semaphore_mem>> -> memref<1x!tpu.dma_semaphore, #tpu.memory_space<semaphore_mem>>
      %dma_wait3A_249 = tpu.memref_squeeze %dma_wait3A_248 : memref<1x!tpu.dma_semaphore, #tpu.memory_space<semaphore_mem>> -> memref<!tpu.dma_semaphore, #tpu.memory_space<semaphore_mem>>
      tpu.wait_indirect_dma semaphore(%dma_wait3A_249 : memref<!tpu.dma_semaphore, #tpu.memory_space<semaphore_mem>>) src(%dma_wait3A_247 : memref<10240x128xf32, #tpu.memory_space<hbm>>) dst(%dma_wait3A_241 : memref<80x128xf32, #tpu.memory_space<vmem>>)
      "tpu.region"() ({
        %run_scoped3A_251 = tpu.sem_alloc : memref<!tpu.dma_semaphore, #tpu.memory_space<semaphore_mem>>
        %dma_start3A_252 = arith.constant 0 : i32
        %dma_start3A_253 = arith.constant 0 : i32
        %dma_start3A_254 = tpu.memref_slice %arg7[%rem3A_235, %dma_start3A_252, %dma_start3A_253] : memref<3x80x128xf32, #tpu.memory_space<vmem>> -> memref<1x80x128xf32, #tpu.memory_space<vmem>>
        %dma_start3A_255 = tpu.memref_squeeze %dma_start3A_254 : memref<1x80x128xf32, #tpu.memory_space<vmem>> -> memref<80x128xf32, #tpu.memory_space<vmem>>
        %dma_start3A_256 = arith.constant 0 : i32
        %dma_start3A_257 = tpu.memref_slice %arg9[%rem3A_237, %dma_start3A_256] : memref<4x80xi32, #tpu.memory_space<vmem>> -> memref<1x80xi32, #tpu.memory_space<vmem>>
        %dma_start3A_258 = tpu.memref_squeeze %dma_start3A_257 : memref<1x80xi32, #tpu.memory_space<vmem>> -> memref<80xi32, #tpu.memory_space<vmem>>
        %dma_start3A_259 = arith.constant 0 : i32
        %dma_start3A_260 = arith.constant 0 : i32
        %dma_start3A_261 = tpu.memref_slice %arg6[%dma_start3A_259, %dma_start3A_260] : memref<10240x128xf32, #tpu.memory_space<vmem_shared>> -> memref<10240x128xf32, #tpu.memory_space<vmem_shared>>
        tpu.enqueue_indirect_dma source(%dma_start3A_255 : memref<80x128xf32, #tpu.memory_space<vmem>>) target(%dma_start3A_261 : memref<10240x128xf32, #tpu.memory_space<vmem_shared>>) offsets(%dma_start3A_258 : memref<80xi32, #tpu.memory_space<vmem>>) semaphore(%run_scoped3A_251 : memref<!tpu.dma_semaphore, #tpu.memory_space<semaphore_mem>>) {add = true}
        %dma_wait3A_262 = arith.constant 0 : i32
        %dma_wait3A_263 = arith.constant 0 : i32
        %dma_wait3A_264 = tpu.memref_slice %arg7[%rem3A_235, %dma_wait3A_262, %dma_wait3A_263] : memref<3x80x128xf32, #tpu.memory_space<vmem>> -> memref<1x80x128xf32, #tpu.memory_space<vmem>>
        %dma_wait3A_265 = tpu.memref_squeeze %dma_wait3A_264 : memref<1x80x128xf32, #tpu.memory_space<vmem>> -> memref<80x128xf32, #tpu.memory_space<vmem>>
        %dma_wait3A_266 = arith.constant 0 : i32
        %dma_wait3A_267 = tpu.memref_slice %arg9[%rem3A_237, %dma_wait3A_266] : memref<4x80xi32, #tpu.memory_space<vmem>> -> memref<1x80xi32, #tpu.memory_space<vmem>>
        %dma_wait3A_268 = tpu.memref_squeeze %dma_wait3A_267 : memref<1x80xi32, #tpu.memory_space<vmem>> -> memref<80xi32, #tpu.memory_space<vmem>>
        %dma_wait3A_269 = arith.constant 0 : i32
        %dma_wait3A_270 = arith.constant 0 : i32
        %dma_wait3A_271 = tpu.memref_slice %arg6[%dma_wait3A_269, %dma_wait3A_270] : memref<10240x128xf32, #tpu.memory_space<vmem_shared>> -> memref<10240x128xf32, #tpu.memory_space<vmem_shared>>
        tpu.wait_indirect_dma semaphore(%run_scoped3A_251 : memref<!tpu.dma_semaphore, #tpu.memory_space<semaphore_mem>>) src(%dma_wait3A_265 : memref<80x128xf32, #tpu.memory_space<vmem>>) dst(%dma_wait3A_271 : memref<10240x128xf32, #tpu.memory_space<vmem_shared>>)
        tpu.yield
      }) : () -> ()
      %scan3A_250 = arith.constant 0 : i32
      scf.yield %scan3A_250 : i32
    }
    %scan3A_222 = arith.constant 125 : i32
    %barrier3A_223 = arith.constant 0 : index
    tpu.barrier barrier_id(%barrier3A_223)
    %mul3A_224 = arith.constant 640 : i32
    %mul3A_225 = arith.muli %arg1, %mul3A_224 : i32
    %mul3A_226 = arith.constant 640 : i32
    %mul3A_227 = arith.muli %arg1, %mul3A_226 : i32
    "tpu.region"() ({
      %run_scoped3A_228 = tpu.sem_alloc : memref<!tpu.dma_semaphore, #tpu.memory_space<semaphore_mem>>
      %dma_start3A_229 = arith.constant 0 : i32
      %dma_start3A_230 = tpu.memref_slice %arg5[%arg0, %mul3A_227, %dma_start3A_229] : memref<2x10240x128xf32, #tpu.memory_space<hbm>> -> memref<1x640x128xf32, #tpu.memory_space<hbm>>
      %dma_start3A_231 = tpu.memref_squeeze %dma_start3A_230 : memref<1x640x128xf32, #tpu.memory_space<hbm>> -> memref<640x128xf32, #tpu.memory_space<hbm>>
      %dma_start3A_232 = arith.constant 0 : i32
      %dma_start3A_233 = tpu.memref_slice %arg6[%mul3A_225, %dma_start3A_232] : memref<10240x128xf32, #tpu.memory_space<vmem_shared>> -> memref<640x128xf32, #tpu.memory_space<vmem_shared>>
      tpu.enqueue_dma source(%dma_start3A_233 : memref<640x128xf32, #tpu.memory_space<vmem_shared>>) target(%dma_start3A_231 : memref<640x128xf32, #tpu.memory_space<hbm>>) target_semaphore(%run_scoped3A_228 : memref<!tpu.dma_semaphore, #tpu.memory_space<semaphore_mem>>)
      %dma_wait3A_234 = arith.constant 0 : i32
      %dma_wait3A_235 = tpu.memref_slice %arg5[%arg0, %mul3A_227, %dma_wait3A_234] : memref<2x10240x128xf32, #tpu.memory_space<hbm>> -> memref<1x640x128xf32, #tpu.memory_space<hbm>>
      %dma_wait3A_236 = tpu.memref_squeeze %dma_wait3A_235 : memref<1x640x128xf32, #tpu.memory_space<hbm>> -> memref<640x128xf32, #tpu.memory_space<hbm>>
      %dma_wait3A_237 = arith.constant 0 : i32
      %dma_wait3A_238 = tpu.memref_slice %arg6[%mul3A_225, %dma_wait3A_237] : memref<10240x128xf32, #tpu.memory_space<vmem_shared>> -> memref<640x128xf32, #tpu.memory_space<vmem_shared>>
      tpu.wait_dma2 semaphore(%run_scoped3A_228 : memref<!tpu.dma_semaphore, #tpu.memory_space<semaphore_mem>>) src(%dma_wait3A_238 : memref<640x128xf32, #tpu.memory_space<vmem_shared>>) dst(%dma_wait3A_236 : memref<640x128xf32, #tpu.memory_space<hbm>>)
      tpu.yield
    }) : () -> ()
    return
  }
}

#map = affine_map<(d0, d1) -> (0, 0, 0)>
#map1 = affine_map<(d0, d1) -> (0)>
#map2 = affine_map<(d0, d1) -> (0, 0)>
module attributes {stable_mosaic.version = 14 : i64} {
  func.func @_sc_cmat(%arg0: i32, %arg1: i32, %arg2: memref<32x125x80xi32, #tpu.memory_space<hbm>>, %arg3: memref<32x125x80xi32, #tpu.memory_space<hbm>>, %arg4: memref<10240xf32, #tpu.memory_space<hbm>>, %arg5: memref<10240xi32, #tpu.memory_space<hbm>>, %arg6: memref<2x655360xf32, #tpu.memory_space<hbm>>, %arg7: memref<655360xf32, #tpu.memory_space<vmem_shared>>, %arg8: memref<125x80xi32, #tpu.memory_space<vmem>>, %arg9: memref<125x80xi32, #tpu.memory_space<vmem>>, %arg10: memref<80xi32, #tpu.memory_space<vmem>>, %arg11: memref<80xf32, #tpu.memory_space<vmem>>, %arg12: memref<2x80xi32, #tpu.memory_space<vmem>>, %arg13: memref<2x80xf32, #tpu.memory_space<vmem>>, %arg14: memref<320xi32, #tpu.memory_space<vmem>>, %arg15: memref<320xf32, #tpu.memory_space<vmem>>, %arg16: memref<10240xf32, #tpu.memory_space<vmem>>, %arg17: memref<4x!tpu.dma_semaphore, #tpu.memory_space<semaphore_mem>>, %arg18: memref<2x!tpu.dma_semaphore, #tpu.memory_space<semaphore_mem>>, %arg19: memref<2x!tpu.dma_semaphore, #tpu.memory_space<semaphore_mem>>) attributes {dimension_semantics = [#tpu.dimension_semantics<core_parallel>, #tpu.dimension_semantics<subcore_parallel>], iteration_bounds = array<i64: 2, 16>, scalar_prefetch = 0 : i64, scratch_operands = 13 : i64, tpu.core_type = #tpu.core_type<sc_vector_subcore>, window_params = [{transform_indices = #map}, {transform_indices = #map}, {transform_indices = #map1}, {transform_indices = #map1}, {transform_indices = #map2}]} {
    %mul3A = arith.constant 2 : i32
    %mul3A_0 = arith.muli %arg1, %mul3A : i32
    %add3A = arith.addi %mul3A_0, %arg0 : i32
    %dma_start3A = arith.constant 0 : i32
    %dma_start3A_1 = arith.constant 0 : i32
    %dma_start3A_2 = arith.constant 0 : i32
    %dma_start3A_3 = tpu.memref_slice %arg2[%add3A, %dma_start3A_1, %dma_start3A_2] : memref<32x125x80xi32, #tpu.memory_space<hbm>> -> memref<1x125x80xi32, #tpu.memory_space<hbm>>
    %dma_start3A_4 = tpu.memref_squeeze %dma_start3A_3 : memref<1x125x80xi32, #tpu.memory_space<hbm>> -> memref<125x80xi32, #tpu.memory_space<hbm>>
    %dma_start3A_5 = tpu.memref_slice %arg17[%dma_start3A] : memref<4x!tpu.dma_semaphore, #tpu.memory_space<semaphore_mem>> -> memref<1x!tpu.dma_semaphore, #tpu.memory_space<semaphore_mem>>
    %dma_start3A_6 = tpu.memref_squeeze %dma_start3A_5 : memref<1x!tpu.dma_semaphore, #tpu.memory_space<semaphore_mem>> -> memref<!tpu.dma_semaphore, #tpu.memory_space<semaphore_mem>>
    %dma_start3A_7 = arith.constant 0 : i32
    %dma_start3A_8 = arith.constant 0 : i32
    %dma_start3A_9 = tpu.memref_slice %arg2[%add3A, %dma_start3A_7, %dma_start3A_8] : memref<32x125x80xi32, #tpu.memory_space<hbm>> -> memref<1x125x80xi32, #tpu.memory_space<hbm>>
    %dma_start3A_10 = tpu.memref_squeeze %dma_start3A_9 : memref<1x125x80xi32, #tpu.memory_space<hbm>> -> memref<125x80xi32, #tpu.memory_space<hbm>>
    tpu.enqueue_dma source(%dma_start3A_10 : memref<125x80xi32, #tpu.memory_space<hbm>>) target(%arg8 : memref<125x80xi32, #tpu.memory_space<vmem>>) target_semaphore(%dma_start3A_6 : memref<!tpu.dma_semaphore, #tpu.memory_space<semaphore_mem>>)
    %dma_start3A_11 = arith.constant 1 : i32
    %dma_start3A_12 = arith.constant 0 : i32
    %dma_start3A_13 = arith.constant 0 : i32
    %dma_start3A_14 = tpu.memref_slice %arg3[%add3A, %dma_start3A_12, %dma_start3A_13] : memref<32x125x80xi32, #tpu.memory_space<hbm>> -> memref<1x125x80xi32, #tpu.memory_space<hbm>>
    %dma_start3A_15 = tpu.memref_squeeze %dma_start3A_14 : memref<1x125x80xi32, #tpu.memory_space<hbm>> -> memref<125x80xi32, #tpu.memory_space<hbm>>
    %dma_start3A_16 = tpu.memref_slice %arg17[%dma_start3A_11] : memref<4x!tpu.dma_semaphore, #tpu.memory_space<semaphore_mem>> -> memref<1x!tpu.dma_semaphore, #tpu.memory_space<semaphore_mem>>
    %dma_start3A_17 = tpu.memref_squeeze %dma_start3A_16 : memref<1x!tpu.dma_semaphore, #tpu.memory_space<semaphore_mem>> -> memref<!tpu.dma_semaphore, #tpu.memory_space<semaphore_mem>>
    %dma_start3A_18 = arith.constant 0 : i32
    %dma_start3A_19 = arith.constant 0 : i32
    %dma_start3A_20 = tpu.memref_slice %arg3[%add3A, %dma_start3A_18, %dma_start3A_19] : memref<32x125x80xi32, #tpu.memory_space<hbm>> -> memref<1x125x80xi32, #tpu.memory_space<hbm>>
    %dma_start3A_21 = tpu.memref_squeeze %dma_start3A_20 : memref<1x125x80xi32, #tpu.memory_space<hbm>> -> memref<125x80xi32, #tpu.memory_space<hbm>>
    tpu.enqueue_dma source(%dma_start3A_21 : memref<125x80xi32, #tpu.memory_space<hbm>>) target(%arg9 : memref<125x80xi32, #tpu.memory_space<vmem>>) target_semaphore(%dma_start3A_17 : memref<!tpu.dma_semaphore, #tpu.memory_space<semaphore_mem>>)
    %broadcast_in_dim3A = arith.constant 0.000000e+00 : f32
    %broadcast_in_dim3A_22 = vector.broadcast %broadcast_in_dim3A : f32 to vector<16xf32>
    %scan3A = arith.constant 0 : i32
    %scan3A_23 = arith.constant 0 : i32
    %scan3A_24 = arith.constant 640 : i32
    %scan3A_25 = arith.addi %scan3A_23, %scan3A_24 : i32
    %scan3A_26 = arith.constant 1 : i32
    %scan3A_27 = scf.for %scan3A_740 = %scan3A_23 to %scan3A_25 step %scan3A_26 iter_args(%scan3A_741 = %scan3A) -> (i32)  : i32 {
      %mul3A_742 = arith.constant 16 : i32
      %mul3A_743 = arith.muli %scan3A_740, %mul3A_742 : i32
      %swap3A_744 = arith.index_cast %mul3A_743 : i32 to index
      %swap3A_745 = tpu.vector_load %arg16[%swap3A_744] {strides = array<i32>} : memref<10240xf32, #tpu.memory_space<vmem>>, vector<16xf32>,
      %swap3A_746 = vector.shape_cast %swap3A_745 : vector<16xf32> to vector<16xf32>
      %swap3A_747 = vector.shape_cast %broadcast_in_dim3A_22 : vector<16xf32> to vector<16xf32>
      tpu.vector_store %arg16[%swap3A_744], %swap3A_747 {strides = array<i32>} : memref<10240xf32, #tpu.memory_space<vmem>>, vector<16xf32>,
      %scan3A_748 = arith.constant 0 : i32
      scf.yield %scan3A_748 : i32
    }
    %scan3A_28 = arith.constant 640 : i32
    %mul3A_29 = arith.constant 40960 : i32
    %mul3A_30 = arith.muli %arg1, %mul3A_29 : i32
    %add3A_31 = arith.constant 0 : i32
    %add3A_32 = arith.addi %mul3A_30, %add3A_31 : i32
    "tpu.region"() ({
      %run_scoped3A = tpu.sem_alloc : memref<!tpu.dma_semaphore, #tpu.memory_space<semaphore_mem>>
      %dma_start3A_740 = tpu.memref_slice %arg7[%add3A_32] : memref<655360xf32, #tpu.memory_space<vmem_shared>> -> memref<10240xf32, #tpu.memory_space<vmem_shared>>
      %dma_start3A_741 = tpu.memref_slice %arg7[%add3A_32] : memref<655360xf32, #tpu.memory_space<vmem_shared>> -> memref<10240xf32, #tpu.memory_space<vmem_shared>>
      tpu.enqueue_dma source(%arg16 : memref<10240xf32, #tpu.memory_space<vmem>>) target(%dma_start3A_741 : memref<10240xf32, #tpu.memory_space<vmem_shared>>) target_semaphore(%run_scoped3A : memref<!tpu.dma_semaphore, #tpu.memory_space<semaphore_mem>>)
      %dma_wait3A_742 = tpu.memref_slice %arg7[%add3A_32] : memref<655360xf32, #tpu.memory_space<vmem_shared>> -> memref<10240xf32, #tpu.memory_space<vmem_shared>>
      %dma_wait3A_743 = tpu.memref_slice %arg7[%add3A_32] : memref<655360xf32, #tpu.memory_space<vmem_shared>> -> memref<10240xf32, #tpu.memory_space<vmem_shared>>
      tpu.wait_dma2 semaphore(%run_scoped3A : memref<!tpu.dma_semaphore, #tpu.memory_space<semaphore_mem>>) src(%arg16 : memref<10240xf32, #tpu.memory_space<vmem>>) dst(%dma_wait3A_743 : memref<10240xf32, #tpu.memory_space<vmem_shared>>)
      tpu.yield
    }) : () -> ()
    %mul3A_33 = arith.constant 40960 : i32
    %mul3A_34 = arith.muli %arg1, %mul3A_33 : i32
    %add3A_35 = arith.constant 10240 : i32
    %add3A_36 = arith.addi %mul3A_34, %add3A_35 : i32
    "tpu.region"() ({
      %run_scoped3A = tpu.sem_alloc : memref<!tpu.dma_semaphore, #tpu.memory_space<semaphore_mem>>
      %dma_start3A_740 = tpu.memref_slice %arg7[%add3A_36] : memref<655360xf32, #tpu.memory_space<vmem_shared>> -> memref<10240xf32, #tpu.memory_space<vmem_shared>>
      %dma_start3A_741 = tpu.memref_slice %arg7[%add3A_36] : memref<655360xf32, #tpu.memory_space<vmem_shared>> -> memref<10240xf32, #tpu.memory_space<vmem_shared>>
      tpu.enqueue_dma source(%arg16 : memref<10240xf32, #tpu.memory_space<vmem>>) target(%dma_start3A_741 : memref<10240xf32, #tpu.memory_space<vmem_shared>>) target_semaphore(%run_scoped3A : memref<!tpu.dma_semaphore, #tpu.memory_space<semaphore_mem>>)
      %dma_wait3A_742 = tpu.memref_slice %arg7[%add3A_36] : memref<655360xf32, #tpu.memory_space<vmem_shared>> -> memref<10240xf32, #tpu.memory_space<vmem_shared>>
      %dma_wait3A_743 = tpu.memref_slice %arg7[%add3A_36] : memref<655360xf32, #tpu.memory_space<vmem_shared>> -> memref<10240xf32, #tpu.memory_space<vmem_shared>>
      tpu.wait_dma2 semaphore(%run_scoped3A : memref<!tpu.dma_semaphore, #tpu.memory_space<semaphore_mem>>) src(%arg16 : memref<10240xf32, #tpu.memory_space<vmem>>) dst(%dma_wait3A_743 : memref<10240xf32, #tpu.memory_space<vmem_shared>>)
      tpu.yield
    }) : () -> ()
    %mul3A_37 = arith.constant 40960 : i32
    %mul3A_38 = arith.muli %arg1, %mul3A_37 : i32
    %add3A_39 = arith.constant 20480 : i32
    %add3A_40 = arith.addi %mul3A_38, %add3A_39 : i32
    "tpu.region"() ({
      %run_scoped3A = tpu.sem_alloc : memref<!tpu.dma_semaphore, #tpu.memory_space<semaphore_mem>>
      %dma_start3A_740 = tpu.memref_slice %arg7[%add3A_40] : memref<655360xf32, #tpu.memory_space<vmem_shared>> -> memref<10240xf32, #tpu.memory_space<vmem_shared>>
      %dma_start3A_741 = tpu.memref_slice %arg7[%add3A_40] : memref<655360xf32, #tpu.memory_space<vmem_shared>> -> memref<10240xf32, #tpu.memory_space<vmem_shared>>
      tpu.enqueue_dma source(%arg16 : memref<10240xf32, #tpu.memory_space<vmem>>) target(%dma_start3A_741 : memref<10240xf32, #tpu.memory_space<vmem_shared>>) target_semaphore(%run_scoped3A : memref<!tpu.dma_semaphore, #tpu.memory_space<semaphore_mem>>)
      %dma_wait3A_742 = tpu.memref_slice %arg7[%add3A_40] : memref<655360xf32, #tpu.memory_space<vmem_shared>> -> memref<10240xf32, #tpu.memory_space<vmem_shared>>
      %dma_wait3A_743 = tpu.memref_slice %arg7[%add3A_40] : memref<655360xf32, #tpu.memory_space<vmem_shared>> -> memref<10240xf32, #tpu.memory_space<vmem_shared>>
      tpu.wait_dma2 semaphore(%run_scoped3A : memref<!tpu.dma_semaphore, #tpu.memory_space<semaphore_mem>>) src(%arg16 : memref<10240xf32, #tpu.memory_space<vmem>>) dst(%dma_wait3A_743 : memref<10240xf32, #tpu.memory_space<vmem_shared>>)
      tpu.yield
    }) : () -> ()
    %mul3A_41 = arith.constant 40960 : i32
    %mul3A_42 = arith.muli %arg1, %mul3A_41 : i32
    %add3A_43 = arith.constant 30720 : i32
    %add3A_44 = arith.addi %mul3A_42, %add3A_43 : i32
    "tpu.region"() ({
      %run_scoped3A = tpu.sem_alloc : memref<!tpu.dma_semaphore, #tpu.memory_space<semaphore_mem>>
      %dma_start3A_740 = tpu.memref_slice %arg7[%add3A_44] : memref<655360xf32, #tpu.memory_space<vmem_shared>> -> memref<10240xf32, #tpu.memory_space<vmem_shared>>
      %dma_start3A_741 = tpu.memref_slice %arg7[%add3A_44] : memref<655360xf32, #tpu.memory_space<vmem_shared>> -> memref<10240xf32, #tpu.memory_space<vmem_shared>>
      tpu.enqueue_dma source(%arg16 : memref<10240xf32, #tpu.memory_space<vmem>>) target(%dma_start3A_741 : memref<10240xf32, #tpu.memory_space<vmem_shared>>) target_semaphore(%run_scoped3A : memref<!tpu.dma_semaphore, #tpu.memory_space<semaphore_mem>>)
      %dma_wait3A_742 = tpu.memref_slice %arg7[%add3A_44] : memref<655360xf32, #tpu.memory_space<vmem_shared>> -> memref<10240xf32, #tpu.memory_space<vmem_shared>>
      %dma_wait3A_743 = tpu.memref_slice %arg7[%add3A_44] : memref<655360xf32, #tpu.memory_space<vmem_shared>> -> memref<10240xf32, #tpu.memory_space<vmem_shared>>
      tpu.wait_dma2 semaphore(%run_scoped3A : memref<!tpu.dma_semaphore, #tpu.memory_space<semaphore_mem>>) src(%arg16 : memref<10240xf32, #tpu.memory_space<vmem>>) dst(%dma_wait3A_743 : memref<10240xf32, #tpu.memory_space<vmem_shared>>)
      tpu.yield
    }) : () -> ()
    %dma_wait3A = arith.constant 0 : i32
    %dma_wait3A_45 = arith.constant 0 : i32
    %dma_wait3A_46 = arith.constant 0 : i32
    %dma_wait3A_47 = tpu.memref_slice %arg2[%add3A, %dma_wait3A_45, %dma_wait3A_46] : memref<32x125x80xi32, #tpu.memory_space<hbm>> -> memref<1x125x80xi32, #tpu.memory_space<hbm>>
    %dma_wait3A_48 = tpu.memref_squeeze %dma_wait3A_47 : memref<1x125x80xi32, #tpu.memory_space<hbm>> -> memref<125x80xi32, #tpu.memory_space<hbm>>
    %dma_wait3A_49 = tpu.memref_slice %arg17[%dma_wait3A] : memref<4x!tpu.dma_semaphore, #tpu.memory_space<semaphore_mem>> -> memref<1x!tpu.dma_semaphore, #tpu.memory_space<semaphore_mem>>
    %dma_wait3A_50 = tpu.memref_squeeze %dma_wait3A_49 : memref<1x!tpu.dma_semaphore, #tpu.memory_space<semaphore_mem>> -> memref<!tpu.dma_semaphore, #tpu.memory_space<semaphore_mem>>
    %dma_wait3A_51 = arith.constant 0 : i32
    %dma_wait3A_52 = arith.constant 0 : i32
    %dma_wait3A_53 = tpu.memref_slice %arg2[%add3A, %dma_wait3A_51, %dma_wait3A_52] : memref<32x125x80xi32, #tpu.memory_space<hbm>> -> memref<1x125x80xi32, #tpu.memory_space<hbm>>
    %dma_wait3A_54 = tpu.memref_squeeze %dma_wait3A_53 : memref<1x125x80xi32, #tpu.memory_space<hbm>> -> memref<125x80xi32, #tpu.memory_space<hbm>>
    tpu.wait_dma2 semaphore(%dma_wait3A_50 : memref<!tpu.dma_semaphore, #tpu.memory_space<semaphore_mem>>) src(%dma_wait3A_54 : memref<125x80xi32, #tpu.memory_space<hbm>>) dst(%arg8 : memref<125x80xi32, #tpu.memory_space<vmem>>)
    %dma_wait3A_55 = arith.constant 1 : i32
    %dma_wait3A_56 = arith.constant 0 : i32
    %dma_wait3A_57 = arith.constant 0 : i32
    %dma_wait3A_58 = tpu.memref_slice %arg3[%add3A, %dma_wait3A_56, %dma_wait3A_57] : memref<32x125x80xi32, #tpu.memory_space<hbm>> -> memref<1x125x80xi32, #tpu.memory_space<hbm>>
    %dma_wait3A_59 = tpu.memref_squeeze %dma_wait3A_58 : memref<1x125x80xi32, #tpu.memory_space<hbm>> -> memref<125x80xi32, #tpu.memory_space<hbm>>
    %dma_wait3A_60 = tpu.memref_slice %arg17[%dma_wait3A_55] : memref<4x!tpu.dma_semaphore, #tpu.memory_space<semaphore_mem>> -> memref<1x!tpu.dma_semaphore, #tpu.memory_space<semaphore_mem>>
    %dma_wait3A_61 = tpu.memref_squeeze %dma_wait3A_60 : memref<1x!tpu.dma_semaphore, #tpu.memory_space<semaphore_mem>> -> memref<!tpu.dma_semaphore, #tpu.memory_space<semaphore_mem>>
    %dma_wait3A_62 = arith.constant 0 : i32
    %dma_wait3A_63 = arith.constant 0 : i32
    %dma_wait3A_64 = tpu.memref_slice %arg3[%add3A, %dma_wait3A_62, %dma_wait3A_63] : memref<32x125x80xi32, #tpu.memory_space<hbm>> -> memref<1x125x80xi32, #tpu.memory_space<hbm>>
    %dma_wait3A_65 = tpu.memref_squeeze %dma_wait3A_64 : memref<1x125x80xi32, #tpu.memory_space<hbm>> -> memref<125x80xi32, #tpu.memory_space<hbm>>
    tpu.wait_dma2 semaphore(%dma_wait3A_61 : memref<!tpu.dma_semaphore, #tpu.memory_space<semaphore_mem>>) src(%dma_wait3A_65 : memref<125x80xi32, #tpu.memory_space<hbm>>) dst(%arg9 : memref<125x80xi32, #tpu.memory_space<vmem>>)
    %barrier3A = arith.constant 0 : index
    tpu.barrier barrier_id(%barrier3A)
    %dma_start3A_66 = arith.constant 0 : i32
    %dma_start3A_67 = arith.constant 0 : i32
    %dma_start3A_68 = arith.constant 0 : i32
    %dma_start3A_69 = arith.constant 0 : i32
    %dma_start3A_70 = tpu.memref_slice %arg12[%dma_start3A_67, %dma_start3A_69] : memref<2x80xi32, #tpu.memory_space<vmem>> -> memref<1x80xi32, #tpu.memory_space<vmem>>
    %dma_start3A_71 = tpu.memref_squeeze %dma_start3A_70 : memref<1x80xi32, #tpu.memory_space<vmem>> -> memref<80xi32, #tpu.memory_space<vmem>>
    %dma_start3A_72 = arith.constant 0 : i32
    %dma_start3A_73 = tpu.memref_slice %arg9[%dma_start3A_66, %dma_start3A_72] : memref<125x80xi32, #tpu.memory_space<vmem>> -> memref<1x80xi32, #tpu.memory_space<vmem>>
    %dma_start3A_74 = tpu.memref_squeeze %dma_start3A_73 : memref<1x80xi32, #tpu.memory_space<vmem>> -> memref<80xi32, #tpu.memory_space<vmem>>
    %dma_start3A_75 = arith.constant 0 : i32
    %dma_start3A_76 = tpu.memref_slice %arg5[%dma_start3A_75] : memref<10240xi32, #tpu.memory_space<hbm>> -> memref<10240xi32, #tpu.memory_space<hbm>>
    %dma_start3A_77 = tpu.memref_slice %arg18[%dma_start3A_68] : memref<2x!tpu.dma_semaphore, #tpu.memory_space<semaphore_mem>> -> memref<1x!tpu.dma_semaphore, #tpu.memory_space<semaphore_mem>>
    %dma_start3A_78 = tpu.memref_squeeze %dma_start3A_77 : memref<1x!tpu.dma_semaphore, #tpu.memory_space<semaphore_mem>> -> memref<!tpu.dma_semaphore, #tpu.memory_space<semaphore_mem>>
    tpu.enqueue_indirect_dma source(%dma_start3A_76 : memref<10240xi32, #tpu.memory_space<hbm>>) target(%dma_start3A_71 : memref<80xi32, #tpu.memory_space<vmem>>) offsets(%dma_start3A_74 : memref<80xi32, #tpu.memory_space<vmem>>) semaphore(%dma_start3A_78 : memref<!tpu.dma_semaphore, #tpu.memory_space<semaphore_mem>>)
    %dma_start3A_79 = arith.constant 0 : i32
    %dma_start3A_80 = arith.constant 0 : i32
    %dma_start3A_81 = arith.constant 0 : i32
    %dma_start3A_82 = arith.constant 0 : i32
    %dma_start3A_83 = tpu.memref_slice %arg13[%dma_start3A_80, %dma_start3A_82] : memref<2x80xf32, #tpu.memory_space<vmem>> -> memref<1x80xf32, #tpu.memory_space<vmem>>
    %dma_start3A_84 = tpu.memref_squeeze %dma_start3A_83 : memref<1x80xf32, #tpu.memory_space<vmem>> -> memref<80xf32, #tpu.memory_space<vmem>>
    %dma_start3A_85 = arith.constant 0 : i32
    %dma_start3A_86 = tpu.memref_slice %arg9[%dma_start3A_79, %dma_start3A_85] : memref<125x80xi32, #tpu.memory_space<vmem>> -> memref<1x80xi32, #tpu.memory_space<vmem>>
    %dma_start3A_87 = tpu.memref_squeeze %dma_start3A_86 : memref<1x80xi32, #tpu.memory_space<vmem>> -> memref<80xi32, #tpu.memory_space<vmem>>
    %dma_start3A_88 = arith.constant 0 : i32
    %dma_start3A_89 = tpu.memref_slice %arg4[%dma_start3A_88] : memref<10240xf32, #tpu.memory_space<hbm>> -> memref<10240xf32, #tpu.memory_space<hbm>>
    %dma_start3A_90 = tpu.memref_slice %arg19[%dma_start3A_81] : memref<2x!tpu.dma_semaphore, #tpu.memory_space<semaphore_mem>> -> memref<1x!tpu.dma_semaphore, #tpu.memory_space<semaphore_mem>>
    %dma_start3A_91 = tpu.memref_squeeze %dma_start3A_90 : memref<1x!tpu.dma_semaphore, #tpu.memory_space<semaphore_mem>> -> memref<!tpu.dma_semaphore, #tpu.memory_space<semaphore_mem>>
    tpu.enqueue_indirect_dma source(%dma_start3A_89 : memref<10240xf32, #tpu.memory_space<hbm>>) target(%dma_start3A_84 : memref<80xf32, #tpu.memory_space<vmem>>) offsets(%dma_start3A_87 : memref<80xi32, #tpu.memory_space<vmem>>) semaphore(%dma_start3A_91 : memref<!tpu.dma_semaphore, #tpu.memory_space<semaphore_mem>>)
    %scan3A_92 = arith.constant 0 : i32
    %scan3A_93 = arith.constant 0 : i32
    %scan3A_94 = arith.constant 125 : i32
    %scan3A_95 = arith.addi %scan3A_93, %scan3A_94 : i32
    %scan3A_96 = arith.constant 1 : i32
    %scan3A_97 = scf.for %scan3A_740 = %scan3A_93 to %scan3A_95 step %scan3A_96 iter_args(%scan3A_741 = %scan3A_92) -> (i32)  : i32 {
      %rem3A = arith.constant 2 : i32
      %rem3A_742 = arith.remsi %scan3A_740, %rem3A : i32
      %add3A_743 = arith.constant 1 : i32
      %add3A_744 = arith.addi %scan3A_740, %add3A_743 : i32
      %lt3A_745 = arith.constant 125 : i32
      %lt3A_746 = arith.cmpi slt, %add3A_744, %lt3A_745 : i32
      %convert_element_type3A = arith.extui %lt3A_746 : i1 to i32
      %cond3A = arith.constant 0 : i32
      %cond3A_747 = arith.cmpi ne, %convert_element_type3A, %cond3A : i32
      scf.if %cond3A_747 {
        %add3A_889 = arith.constant 1 : i32
        %add3A_890 = arith.addi %scan3A_740, %add3A_889 : i32
        %add3A_891 = arith.constant 1 : i32
        %add3A_892 = arith.addi %scan3A_740, %add3A_891 : i32
        %rem3A_893 = arith.constant 2 : i32
        %rem3A_894 = arith.remsi %add3A_892, %rem3A_893 : i32
        %dma_start3A_895 = arith.constant 0 : i32
        %dma_start3A_896 = tpu.memref_slice %arg12[%rem3A_894, %dma_start3A_895] : memref<2x80xi32, #tpu.memory_space<vmem>> -> memref<1x80xi32, #tpu.memory_space<vmem>>
        %dma_start3A_897 = tpu.memref_squeeze %dma_start3A_896 : memref<1x80xi32, #tpu.memory_space<vmem>> -> memref<80xi32, #tpu.memory_space<vmem>>
        %dma_start3A_898 = arith.constant 0 : i32
        %dma_start3A_899 = tpu.memref_slice %arg9[%add3A_890, %dma_start3A_898] : memref<125x80xi32, #tpu.memory_space<vmem>> -> memref<1x80xi32, #tpu.memory_space<vmem>>
        %dma_start3A_900 = tpu.memref_squeeze %dma_start3A_899 : memref<1x80xi32, #tpu.memory_space<vmem>> -> memref<80xi32, #tpu.memory_space<vmem>>
        %dma_start3A_901 = arith.constant 0 : i32
        %dma_start3A_902 = tpu.memref_slice %arg5[%dma_start3A_901] : memref<10240xi32, #tpu.memory_space<hbm>> -> memref<10240xi32, #tpu.memory_space<hbm>>
        %dma_start3A_903 = tpu.memref_slice %arg18[%rem3A_894] : memref<2x!tpu.dma_semaphore, #tpu.memory_space<semaphore_mem>> -> memref<1x!tpu.dma_semaphore, #tpu.memory_space<semaphore_mem>>
        %dma_start3A_904 = tpu.memref_squeeze %dma_start3A_903 : memref<1x!tpu.dma_semaphore, #tpu.memory_space<semaphore_mem>> -> memref<!tpu.dma_semaphore, #tpu.memory_space<semaphore_mem>>
        tpu.enqueue_indirect_dma source(%dma_start3A_902 : memref<10240xi32, #tpu.memory_space<hbm>>) target(%dma_start3A_897 : memref<80xi32, #tpu.memory_space<vmem>>) offsets(%dma_start3A_900 : memref<80xi32, #tpu.memory_space<vmem>>) semaphore(%dma_start3A_904 : memref<!tpu.dma_semaphore, #tpu.memory_space<semaphore_mem>>)
        %dma_start3A_905 = arith.constant 0 : i32
        %dma_start3A_906 = tpu.memref_slice %arg13[%rem3A_894, %dma_start3A_905] : memref<2x80xf32, #tpu.memory_space<vmem>> -> memref<1x80xf32, #tpu.memory_space<vmem>>
        %dma_start3A_907 = tpu.memref_squeeze %dma_start3A_906 : memref<1x80xf32, #tpu.memory_space<vmem>> -> memref<80xf32, #tpu.memory_space<vmem>>
        %dma_start3A_908 = arith.constant 0 : i32
        %dma_start3A_909 = tpu.memref_slice %arg9[%add3A_890, %dma_start3A_908] : memref<125x80xi32, #tpu.memory_space<vmem>> -> memref<1x80xi32, #tpu.memory_space<vmem>>
        %dma_start3A_910 = tpu.memref_squeeze %dma_start3A_909 : memref<1x80xi32, #tpu.memory_space<vmem>> -> memref<80xi32, #tpu.memory_space<vmem>>
        %dma_start3A_911 = arith.constant 0 : i32
        %dma_start3A_912 = tpu.memref_slice %arg4[%dma_start3A_911] : memref<10240xf32, #tpu.memory_space<hbm>> -> memref<10240xf32, #tpu.memory_space<hbm>>
        %dma_start3A_913 = tpu.memref_slice %arg19[%rem3A_894] : memref<2x!tpu.dma_semaphore, #tpu.memory_space<semaphore_mem>> -> memref<1x!tpu.dma_semaphore, #tpu.memory_space<semaphore_mem>>
        %dma_start3A_914 = tpu.memref_squeeze %dma_start3A_913 : memref<1x!tpu.dma_semaphore, #tpu.memory_space<semaphore_mem>> -> memref<!tpu.dma_semaphore, #tpu.memory_space<semaphore_mem>>
        tpu.enqueue_indirect_dma source(%dma_start3A_912 : memref<10240xf32, #tpu.memory_space<hbm>>) target(%dma_start3A_907 : memref<80xf32, #tpu.memory_space<vmem>>) offsets(%dma_start3A_910 : memref<80xi32, #tpu.memory_space<vmem>>) semaphore(%dma_start3A_914 : memref<!tpu.dma_semaphore, #tpu.memory_space<semaphore_mem>>)
      } else {
      }
      %dma_wait3A_748 = arith.constant 0 : i32
      %dma_wait3A_749 = tpu.memref_slice %arg12[%rem3A_742, %dma_wait3A_748] : memref<2x80xi32, #tpu.memory_space<vmem>> -> memref<1x80xi32, #tpu.memory_space<vmem>>
      %dma_wait3A_750 = tpu.memref_squeeze %dma_wait3A_749 : memref<1x80xi32, #tpu.memory_space<vmem>> -> memref<80xi32, #tpu.memory_space<vmem>>
      %dma_wait3A_751 = arith.constant 0 : i32
      %dma_wait3A_752 = tpu.memref_slice %arg9[%scan3A_740, %dma_wait3A_751] : memref<125x80xi32, #tpu.memory_space<vmem>> -> memref<1x80xi32, #tpu.memory_space<vmem>>
      %dma_wait3A_753 = tpu.memref_squeeze %dma_wait3A_752 : memref<1x80xi32, #tpu.memory_space<vmem>> -> memref<80xi32, #tpu.memory_space<vmem>>
      %dma_wait3A_754 = arith.constant 0 : i32
      %dma_wait3A_755 = tpu.memref_slice %arg5[%dma_wait3A_754] : memref<10240xi32, #tpu.memory_space<hbm>> -> memref<10240xi32, #tpu.memory_space<hbm>>
      %dma_wait3A_756 = tpu.memref_slice %arg18[%rem3A_742] : memref<2x!tpu.dma_semaphore, #tpu.memory_space<semaphore_mem>> -> memref<1x!tpu.dma_semaphore, #tpu.memory_space<semaphore_mem>>
      %dma_wait3A_757 = tpu.memref_squeeze %dma_wait3A_756 : memref<1x!tpu.dma_semaphore, #tpu.memory_space<semaphore_mem>> -> memref<!tpu.dma_semaphore, #tpu.memory_space<semaphore_mem>>
      tpu.wait_indirect_dma semaphore(%dma_wait3A_757 : memref<!tpu.dma_semaphore, #tpu.memory_space<semaphore_mem>>) src(%dma_wait3A_755 : memref<10240xi32, #tpu.memory_space<hbm>>) dst(%dma_wait3A_750 : memref<80xi32, #tpu.memory_space<vmem>>)
      %dma_wait3A_758 = arith.constant 0 : i32
      %dma_wait3A_759 = tpu.memref_slice %arg13[%rem3A_742, %dma_wait3A_758] : memref<2x80xf32, #tpu.memory_space<vmem>> -> memref<1x80xf32, #tpu.memory_space<vmem>>
      %dma_wait3A_760 = tpu.memref_squeeze %dma_wait3A_759 : memref<1x80xf32, #tpu.memory_space<vmem>> -> memref<80xf32, #tpu.memory_space<vmem>>
      %dma_wait3A_761 = arith.constant 0 : i32
      %dma_wait3A_762 = tpu.memref_slice %arg9[%scan3A_740, %dma_wait3A_761] : memref<125x80xi32, #tpu.memory_space<vmem>> -> memref<1x80xi32, #tpu.memory_space<vmem>>
      %dma_wait3A_763 = tpu.memref_squeeze %dma_wait3A_762 : memref<1x80xi32, #tpu.memory_space<vmem>> -> memref<80xi32, #tpu.memory_space<vmem>>
      %dma_wait3A_764 = arith.constant 0 : i32
      %dma_wait3A_765 = tpu.memref_slice %arg4[%dma_wait3A_764] : memref<10240xf32, #tpu.memory_space<hbm>> -> memref<10240xf32, #tpu.memory_space<hbm>>
      %dma_wait3A_766 = tpu.memref_slice %arg19[%rem3A_742] : memref<2x!tpu.dma_semaphore, #tpu.memory_space<semaphore_mem>> -> memref<1x!tpu.dma_semaphore, #tpu.memory_space<semaphore_mem>>
      %dma_wait3A_767 = tpu.memref_squeeze %dma_wait3A_766 : memref<1x!tpu.dma_semaphore, #tpu.memory_space<semaphore_mem>> -> memref<!tpu.dma_semaphore, #tpu.memory_space<semaphore_mem>>
      tpu.wait_indirect_dma semaphore(%dma_wait3A_767 : memref<!tpu.dma_semaphore, #tpu.memory_space<semaphore_mem>>) src(%dma_wait3A_765 : memref<10240xf32, #tpu.memory_space<hbm>>) dst(%dma_wait3A_760 : memref<80xf32, #tpu.memory_space<vmem>>)
      %get3A_768 = arith.index_cast %rem3A_742 : i32 to index
      %get3A_769 = arith.constant 0 : index
      %get3A_770 = tpu.vector_load %arg12[%get3A_768, %get3A_769] {strides = array<i32>} : memref<2x80xi32, #tpu.memory_space<vmem>>, vector<1x16xi32>,
      %get3A_771 = vector.shape_cast %get3A_770 : vector<1x16xi32> to vector<16xi32>
      %mul3A_772 = arith.constant 10240 : i32
      %mul3A_773 = vector.broadcast %mul3A_772 : i32 to vector<16xi32>
      %mul3A_774 = arith.muli %get3A_771, %mul3A_773 : vector<16xi32>
      %get3A_775 = arith.index_cast %scan3A_740 : i32 to index
      %get3A_776 = arith.constant 0 : index
      %get3A_777 = tpu.vector_load %arg8[%get3A_775, %get3A_776] {strides = array<i32>} : memref<125x80xi32, #tpu.memory_space<vmem>>, vector<1x16xi32>,
      %get3A_778 = vector.shape_cast %get3A_777 : vector<1x16xi32> to vector<16xi32>
      %add3A_779 = arith.addi %mul3A_774, %get3A_778 : vector<16xi32>
      %swap3A_780 = arith.constant 0 : index
      %swap3A_781 = tpu.vector_load %arg10[%swap3A_780] {strides = array<i32>} : memref<80xi32, #tpu.memory_space<vmem>>, vector<16xi32>,
      %swap3A_782 = vector.shape_cast %swap3A_781 : vector<16xi32> to vector<16xi32>
      %swap3A_783 = vector.shape_cast %add3A_779 : vector<16xi32> to vector<16xi32>
      tpu.vector_store %arg10[%swap3A_780], %swap3A_783 {strides = array<i32>} : memref<80xi32, #tpu.memory_space<vmem>>, vector<16xi32>,
      %get3A_784 = arith.index_cast %rem3A_742 : i32 to index
      %get3A_785 = arith.constant 0 : index
      %get3A_786 = tpu.vector_load %arg13[%get3A_784, %get3A_785] {strides = array<i32>} : memref<2x80xf32, #tpu.memory_space<vmem>>, vector<1x16xf32>,
      %get3A_787 = vector.shape_cast %get3A_786 : vector<1x16xf32> to vector<16xf32>
      %swap3A_788 = arith.constant 0 : index
      %swap3A_789 = tpu.vector_load %arg11[%swap3A_788] {strides = array<i32>} : memref<80xf32, #tpu.memory_space<vmem>>, vector<16xf32>,
      %swap3A_790 = vector.shape_cast %swap3A_789 : vector<16xf32> to vector<16xf32>
      %swap3A_791 = vector.shape_cast %get3A_787 : vector<16xf32> to vector<16xf32>
      tpu.vector_store %arg11[%swap3A_788], %swap3A_791 {strides = array<i32>} : memref<80xf32, #tpu.memory_space<vmem>>, vector<16xf32>,
      %get3A_792 = arith.index_cast %rem3A_742 : i32 to index
      %get3A_793 = arith.constant 16 : index
      %get3A_794 = tpu.vector_load %arg12[%get3A_792, %get3A_793] {strides = array<i32>} : memref<2x80xi32, #tpu.memory_space<vmem>>, vector<1x16xi32>,
      %get3A_795 = vector.shape_cast %get3A_794 : vector<1x16xi32> to vector<16xi32>
      %mul3A_796 = arith.constant 10240 : i32
      %mul3A_797 = vector.broadcast %mul3A_796 : i32 to vector<16xi32>
      %mul3A_798 = arith.muli %get3A_795, %mul3A_797 : vector<16xi32>
      %get3A_799 = arith.index_cast %scan3A_740 : i32 to index
      %get3A_800 = arith.constant 16 : index
      %get3A_801 = tpu.vector_load %arg8[%get3A_799, %get3A_800] {strides = array<i32>} : memref<125x80xi32, #tpu.memory_space<vmem>>, vector<1x16xi32>,
      %get3A_802 = vector.shape_cast %get3A_801 : vector<1x16xi32> to vector<16xi32>
      %add3A_803 = arith.addi %mul3A_798, %get3A_802 : vector<16xi32>
      %swap3A_804 = arith.constant 16 : index
      %swap3A_805 = tpu.vector_load %arg10[%swap3A_804] {strides = array<i32>} : memref<80xi32, #tpu.memory_space<vmem>>, vector<16xi32>,
      %swap3A_806 = vector.shape_cast %swap3A_805 : vector<16xi32> to vector<16xi32>
      %swap3A_807 = vector.shape_cast %add3A_803 : vector<16xi32> to vector<16xi32>
      tpu.vector_store %arg10[%swap3A_804], %swap3A_807 {strides = array<i32>} : memref<80xi32, #tpu.memory_space<vmem>>, vector<16xi32>,
      %get3A_808 = arith.index_cast %rem3A_742 : i32 to index
      %get3A_809 = arith.constant 16 : index
      %get3A_810 = tpu.vector_load %arg13[%get3A_808, %get3A_809] {strides = array<i32>} : memref<2x80xf32, #tpu.memory_space<vmem>>, vector<1x16xf32>,
      %get3A_811 = vector.shape_cast %get3A_810 : vector<1x16xf32> to vector<16xf32>
      %swap3A_812 = arith.constant 16 : index
      %swap3A_813 = tpu.vector_load %arg11[%swap3A_812] {strides = array<i32>} : memref<80xf32, #tpu.memory_space<vmem>>, vector<16xf32>,
      %swap3A_814 = vector.shape_cast %swap3A_813 : vector<16xf32> to vector<16xf32>
      %swap3A_815 = vector.shape_cast %get3A_811 : vector<16xf32> to vector<16xf32>
      tpu.vector_store %arg11[%swap3A_812], %swap3A_815 {strides = array<i32>} : memref<80xf32, #tpu.memory_space<vmem>>, vector<16xf32>,
      %get3A_816 = arith.index_cast %rem3A_742 : i32 to index
      %get3A_817 = arith.constant 32 : index
      %get3A_818 = tpu.vector_load %arg12[%get3A_816, %get3A_817] {strides = array<i32>} : memref<2x80xi32, #tpu.memory_space<vmem>>, vector<1x16xi32>,
      %get3A_819 = vector.shape_cast %get3A_818 : vector<1x16xi32> to vector<16xi32>
      %mul3A_820 = arith.constant 10240 : i32
      %mul3A_821 = vector.broadcast %mul3A_820 : i32 to vector<16xi32>
      %mul3A_822 = arith.muli %get3A_819, %mul3A_821 : vector<16xi32>
      %get3A_823 = arith.index_cast %scan3A_740 : i32 to index
      %get3A_824 = arith.constant 32 : index
      %get3A_825 = tpu.vector_load %arg8[%get3A_823, %get3A_824] {strides = array<i32>} : memref<125x80xi32, #tpu.memory_space<vmem>>, vector<1x16xi32>,
      %get3A_826 = vector.shape_cast %get3A_825 : vector<1x16xi32> to vector<16xi32>
      %add3A_827 = arith.addi %mul3A_822, %get3A_826 : vector<16xi32>
      %swap3A_828 = arith.constant 32 : index
      %swap3A_829 = tpu.vector_load %arg10[%swap3A_828] {strides = array<i32>} : memref<80xi32, #tpu.memory_space<vmem>>, vector<16xi32>,
      %swap3A_830 = vector.shape_cast %swap3A_829 : vector<16xi32> to vector<16xi32>
      %swap3A_831 = vector.shape_cast %add3A_827 : vector<16xi32> to vector<16xi32>
      tpu.vector_store %arg10[%swap3A_828], %swap3A_831 {strides = array<i32>} : memref<80xi32, #tpu.memory_space<vmem>>, vector<16xi32>,
      %get3A_832 = arith.index_cast %rem3A_742 : i32 to index
      %get3A_833 = arith.constant 32 : index
      %get3A_834 = tpu.vector_load %arg13[%get3A_832, %get3A_833] {strides = array<i32>} : memref<2x80xf32, #tpu.memory_space<vmem>>, vector<1x16xf32>,
      %get3A_835 = vector.shape_cast %get3A_834 : vector<1x16xf32> to vector<16xf32>
      %swap3A_836 = arith.constant 32 : index
      %swap3A_837 = tpu.vector_load %arg11[%swap3A_836] {strides = array<i32>} : memref<80xf32, #tpu.memory_space<vmem>>, vector<16xf32>,
      %swap3A_838 = vector.shape_cast %swap3A_837 : vector<16xf32> to vector<16xf32>
      %swap3A_839 = vector.shape_cast %get3A_835 : vector<16xf32> to vector<16xf32>
      tpu.vector_store %arg11[%swap3A_836], %swap3A_839 {strides = array<i32>} : memref<80xf32, #tpu.memory_space<vmem>>, vector<16xf32>,
      %get3A_840 = arith.index_cast %rem3A_742 : i32 to index
      %get3A_841 = arith.constant 48 : index
      %get3A_842 = tpu.vector_load %arg12[%get3A_840, %get3A_841] {strides = array<i32>} : memref<2x80xi32, #tpu.memory_space<vmem>>, vector<1x16xi32>,
      %get3A_843 = vector.shape_cast %get3A_842 : vector<1x16xi32> to vector<16xi32>
      %mul3A_844 = arith.constant 10240 : i32
      %mul3A_845 = vector.broadcast %mul3A_844 : i32 to vector<16xi32>
      %mul3A_846 = arith.muli %get3A_843, %mul3A_845 : vector<16xi32>
      %get3A_847 = arith.index_cast %scan3A_740 : i32 to index
      %get3A_848 = arith.constant 48 : index
      %get3A_849 = tpu.vector_load %arg8[%get3A_847, %get3A_848] {strides = array<i32>} : memref<125x80xi32, #tpu.memory_space<vmem>>, vector<1x16xi32>,
      %get3A_850 = vector.shape_cast %get3A_849 : vector<1x16xi32> to vector<16xi32>
      %add3A_851 = arith.addi %mul3A_846, %get3A_850 : vector<16xi32>
      %swap3A_852 = arith.constant 48 : index
      %swap3A_853 = tpu.vector_load %arg10[%swap3A_852] {strides = array<i32>} : memref<80xi32, #tpu.memory_space<vmem>>, vector<16xi32>,
      %swap3A_854 = vector.shape_cast %swap3A_853 : vector<16xi32> to vector<16xi32>
      %swap3A_855 = vector.shape_cast %add3A_851 : vector<16xi32> to vector<16xi32>
      tpu.vector_store %arg10[%swap3A_852], %swap3A_855 {strides = array<i32>} : memref<80xi32, #tpu.memory_space<vmem>>, vector<16xi32>,
      %get3A_856 = arith.index_cast %rem3A_742 : i32 to index
      %get3A_857 = arith.constant 48 : index
      %get3A_858 = tpu.vector_load %arg13[%get3A_856, %get3A_857] {strides = array<i32>} : memref<2x80xf32, #tpu.memory_space<vmem>>, vector<1x16xf32>,
      %get3A_859 = vector.shape_cast %get3A_858 : vector<1x16xf32> to vector<16xf32>
      %swap3A_860 = arith.constant 48 : index
      %swap3A_861 = tpu.vector_load %arg11[%swap3A_860] {strides = array<i32>} : memref<80xf32, #tpu.memory_space<vmem>>, vector<16xf32>,
      %swap3A_862 = vector.shape_cast %swap3A_861 : vector<16xf32> to vector<16xf32>
      %swap3A_863 = vector.shape_cast %get3A_859 : vector<16xf32> to vector<16xf32>
      tpu.vector_store %arg11[%swap3A_860], %swap3A_863 {strides = array<i32>} : memref<80xf32, #tpu.memory_space<vmem>>, vector<16xf32>,
      %get3A_864 = arith.index_cast %rem3A_742 : i32 to index
      %get3A_865 = arith.constant 64 : index
      %get3A_866 = tpu.vector_load %arg12[%get3A_864, %get3A_865] {strides = array<i32>} : memref<2x80xi32, #tpu.memory_space<vmem>>, vector<1x16xi32>,
      %get3A_867 = vector.shape_cast %get3A_866 : vector<1x16xi32> to vector<16xi32>
      %mul3A_868 = arith.constant 10240 : i32
      %mul3A_869 = vector.broadcast %mul3A_868 : i32 to vector<16xi32>
      %mul3A_870 = arith.muli %get3A_867, %mul3A_869 : vector<16xi32>
      %get3A_871 = arith.index_cast %scan3A_740 : i32 to index
      %get3A_872 = arith.constant 64 : index
      %get3A_873 = tpu.vector_load %arg8[%get3A_871, %get3A_872] {strides = array<i32>} : memref<125x80xi32, #tpu.memory_space<vmem>>, vector<1x16xi32>,
      %get3A_874 = vector.shape_cast %get3A_873 : vector<1x16xi32> to vector<16xi32>
      %add3A_875 = arith.addi %mul3A_870, %get3A_874 : vector<16xi32>
      %swap3A_876 = arith.constant 64 : index
      %swap3A_877 = tpu.vector_load %arg10[%swap3A_876] {strides = array<i32>} : memref<80xi32, #tpu.memory_space<vmem>>, vector<16xi32>,
      %swap3A_878 = vector.shape_cast %swap3A_877 : vector<16xi32> to vector<16xi32>
      %swap3A_879 = vector.shape_cast %add3A_875 : vector<16xi32> to vector<16xi32>
      tpu.vector_store %arg10[%swap3A_876], %swap3A_879 {strides = array<i32>} : memref<80xi32, #tpu.memory_space<vmem>>, vector<16xi32>,
      %get3A_880 = arith.index_cast %rem3A_742 : i32 to index
      %get3A_881 = arith.constant 64 : index
      %get3A_882 = tpu.vector_load %arg13[%get3A_880, %get3A_881] {strides = array<i32>} : memref<2x80xf32, #tpu.memory_space<vmem>>, vector<1x16xf32>,
      %get3A_883 = vector.shape_cast %get3A_882 : vector<1x16xf32> to vector<16xf32>
      %swap3A_884 = arith.constant 64 : index
      %swap3A_885 = tpu.vector_load %arg11[%swap3A_884] {strides = array<i32>} : memref<80xf32, #tpu.memory_space<vmem>>, vector<16xf32>,
      %swap3A_886 = vector.shape_cast %swap3A_885 : vector<16xf32> to vector<16xf32>
      %swap3A_887 = vector.shape_cast %get3A_883 : vector<16xf32> to vector<16xf32>
      tpu.vector_store %arg11[%swap3A_884], %swap3A_887 {strides = array<i32>} : memref<80xf32, #tpu.memory_space<vmem>>, vector<16xf32>,
      "tpu.region"() ({
        %run_scoped3A = tpu.sem_alloc : memref<!tpu.dma_semaphore, #tpu.memory_space<semaphore_mem>>
        %dma_start3A_889 = arith.constant 0 : i32
        %dma_start3A_890 = tpu.memref_slice %arg7[%dma_start3A_889] : memref<655360xf32, #tpu.memory_space<vmem_shared>> -> memref<655360xf32, #tpu.memory_space<vmem_shared>>
        tpu.enqueue_indirect_dma source(%arg11 : memref<80xf32, #tpu.memory_space<vmem>>) target(%dma_start3A_890 : memref<655360xf32, #tpu.memory_space<vmem_shared>>) offsets(%arg10 : memref<80xi32, #tpu.memory_space<vmem>>) semaphore(%run_scoped3A : memref<!tpu.dma_semaphore, #tpu.memory_space<semaphore_mem>>) {add = true}
        %dma_wait3A_891 = arith.constant 0 : i32
        %dma_wait3A_892 = tpu.memref_slice %arg7[%dma_wait3A_891] : memref<655360xf32, #tpu.memory_space<vmem_shared>> -> memref<655360xf32, #tpu.memory_space<vmem_shared>>
        tpu.wait_indirect_dma semaphore(%run_scoped3A : memref<!tpu.dma_semaphore, #tpu.memory_space<semaphore_mem>>) src(%arg11 : memref<80xf32, #tpu.memory_space<vmem>>) dst(%dma_wait3A_892 : memref<655360xf32, #tpu.memory_space<vmem_shared>>)
        tpu.yield
      }) : () -> ()
      %scan3A_888 = arith.constant 0 : i32
      scf.yield %scan3A_888 : i32
    }
    %scan3A_98 = arith.constant 125 : i32
    %mul3A_99 = arith.constant 320 : i32
    %mul3A_100 = arith.muli %add3A, %mul3A_99 : i32
    "tpu.region"() ({
      %run_scoped3A = tpu.sem_alloc : memref<!tpu.dma_semaphore, #tpu.memory_space<semaphore_mem>>
      %dma_start3A_740 = tpu.memref_slice %arg5[%mul3A_100] : memref<10240xi32, #tpu.memory_space<hbm>> -> memref<320xi32, #tpu.memory_space<hbm>>
      %dma_start3A_741 = tpu.memref_slice %arg5[%mul3A_100] : memref<10240xi32, #tpu.memory_space<hbm>> -> memref<320xi32, #tpu.memory_space<hbm>>
      tpu.enqueue_dma source(%dma_start3A_741 : memref<320xi32, #tpu.memory_space<hbm>>) target(%arg14 : memref<320xi32, #tpu.memory_space<vmem>>) target_semaphore(%run_scoped3A : memref<!tpu.dma_semaphore, #tpu.memory_space<semaphore_mem>>)
      %dma_wait3A_742 = tpu.memref_slice %arg5[%mul3A_100] : memref<10240xi32, #tpu.memory_space<hbm>> -> memref<320xi32, #tpu.memory_space<hbm>>
      %dma_wait3A_743 = tpu.memref_slice %arg5[%mul3A_100] : memref<10240xi32, #tpu.memory_space<hbm>> -> memref<320xi32, #tpu.memory_space<hbm>>
      tpu.wait_dma2 semaphore(%run_scoped3A : memref<!tpu.dma_semaphore, #tpu.memory_space<semaphore_mem>>) src(%dma_wait3A_743 : memref<320xi32, #tpu.memory_space<hbm>>) dst(%arg14 : memref<320xi32, #tpu.memory_space<vmem>>)
      tpu.yield
    }) : () -> ()
    "tpu.region"() ({
      %run_scoped3A = tpu.sem_alloc : memref<!tpu.dma_semaphore, #tpu.memory_space<semaphore_mem>>
      %dma_start3A_740 = tpu.memref_slice %arg4[%mul3A_100] : memref<10240xf32, #tpu.memory_space<hbm>> -> memref<320xf32, #tpu.memory_space<hbm>>
      %dma_start3A_741 = tpu.memref_slice %arg4[%mul3A_100] : memref<10240xf32, #tpu.memory_space<hbm>> -> memref<320xf32, #tpu.memory_space<hbm>>
      tpu.enqueue_dma source(%dma_start3A_741 : memref<320xf32, #tpu.memory_space<hbm>>) target(%arg15 : memref<320xf32, #tpu.memory_space<vmem>>) target_semaphore(%run_scoped3A : memref<!tpu.dma_semaphore, #tpu.memory_space<semaphore_mem>>)
      %dma_wait3A_742 = tpu.memref_slice %arg4[%mul3A_100] : memref<10240xf32, #tpu.memory_space<hbm>> -> memref<320xf32, #tpu.memory_space<hbm>>
      %dma_wait3A_743 = tpu.memref_slice %arg4[%mul3A_100] : memref<10240xf32, #tpu.memory_space<hbm>> -> memref<320xf32, #tpu.memory_space<hbm>>
      tpu.wait_dma2 semaphore(%run_scoped3A : memref<!tpu.dma_semaphore, #tpu.memory_space<semaphore_mem>>) src(%dma_wait3A_743 : memref<320xf32, #tpu.memory_space<hbm>>) dst(%arg15 : memref<320xf32, #tpu.memory_space<vmem>>)
      tpu.yield
    }) : () -> ()
    %get3A = arith.constant 0 : index
    %get3A_101 = tpu.vector_load %arg14[%get3A] {strides = array<i32>} : memref<320xi32, #tpu.memory_space<vmem>>, vector<16xi32>,
    %get3A_102 = vector.shape_cast %get3A_101 : vector<16xi32> to vector<16xi32>
    %get3A_103 = arith.constant 0 : index
    %get3A_104 = tpu.vector_load %arg15[%get3A_103] {strides = array<i32>} : memref<320xf32, #tpu.memory_space<vmem>>, vector<16xf32>,
    %get3A_105 = vector.shape_cast %get3A_104 : vector<16xf32> to vector<16xf32>
    %iota3A = tpu.iota {dimensions = array<i32: 0>} : vector<16xi32>
    %add3A_106 = arith.constant 0 : i32
    %add3A_107 = arith.addi %mul3A_100, %add3A_106 : i32
    %add3A_108 = vector.broadcast %add3A_107 : i32 to vector<16xi32>
    %add3A_109 = arith.addi %iota3A, %add3A_108 : vector<16xi32>
    %lt3A = arith.constant 64 : i32
    %lt3A_110 = vector.broadcast %lt3A : i32 to vector<16xi32>
    %lt3A_111 = arith.cmpi slt, %get3A_102, %lt3A_110 : vector<16xi32>
    %mul3A_112 = arith.constant 10240 : i32
    %mul3A_113 = vector.broadcast %mul3A_112 : i32 to vector<16xi32>
    %mul3A_114 = arith.muli %get3A_102, %mul3A_113 : vector<16xi32>
    %add3A_115 = arith.addi %mul3A_114, %add3A_109 : vector<16xi32>
    %jit3A = arith.constant 0 : i32
    %broadcast_in_dim3A_116 = vector.broadcast %jit3A : i32 to vector<16xi32>
    %select_n3A = arith.select %lt3A_111, %add3A_115, %broadcast_in_dim3A_116 : vector<16xi1>, vector<16xi32>
    %swap3A = arith.constant 0 : index
    %swap3A_117 = tpu.vector_load %arg10[%swap3A] {strides = array<i32>} : memref<80xi32, #tpu.memory_space<vmem>>, vector<16xi32>,
    %swap3A_118 = vector.shape_cast %swap3A_117 : vector<16xi32> to vector<16xi32>
    %swap3A_119 = vector.shape_cast %select_n3A : vector<16xi32> to vector<16xi32>
    tpu.vector_store %arg10[%swap3A], %swap3A_119 {strides = array<i32>} : memref<80xi32, #tpu.memory_space<vmem>>, vector<16xi32>,
    %jit3A_120 = arith.constant 0.000000e+00 : f32
    %broadcast_in_dim3A_121 = vector.broadcast %jit3A_120 : f32 to vector<16xf32>
    %select_n3A_122 = arith.select %lt3A_111, %get3A_105, %broadcast_in_dim3A_121 : vector<16xi1>, vector<16xf32>
    %swap3A_123 = arith.constant 0 : index
    %swap3A_124 = tpu.vector_load %arg11[%swap3A_123] {strides = array<i32>} : memref<80xf32, #tpu.memory_space<vmem>>, vector<16xf32>,
    %swap3A_125 = vector.shape_cast %swap3A_124 : vector<16xf32> to vector<16xf32>
    %swap3A_126 = vector.shape_cast %select_n3A_122 : vector<16xf32> to vector<16xf32>
    tpu.vector_store %arg11[%swap3A_123], %swap3A_126 {strides = array<i32>} : memref<80xf32, #tpu.memory_space<vmem>>, vector<16xf32>,
    %get3A_127 = arith.constant 16 : index
    %get3A_128 = tpu.vector_load %arg14[%get3A_127] {strides = array<i32>} : memref<320xi32, #tpu.memory_space<vmem>>, vector<16xi32>,
    %get3A_129 = vector.shape_cast %get3A_128 : vector<16xi32> to vector<16xi32>
    %get3A_130 = arith.constant 16 : index
    %get3A_131 = tpu.vector_load %arg15[%get3A_130] {strides = array<i32>} : memref<320xf32, #tpu.memory_space<vmem>>, vector<16xf32>,
    %get3A_132 = vector.shape_cast %get3A_131 : vector<16xf32> to vector<16xf32>
    %iota3A_133 = tpu.iota {dimensions = array<i32: 0>} : vector<16xi32>
    %add3A_134 = arith.constant 16 : i32
    %add3A_135 = arith.addi %mul3A_100, %add3A_134 : i32
    %add3A_136 = vector.broadcast %add3A_135 : i32 to vector<16xi32>
    %add3A_137 = arith.addi %iota3A_133, %add3A_136 : vector<16xi32>
    %lt3A_138 = arith.constant 64 : i32
    %lt3A_139 = vector.broadcast %lt3A_138 : i32 to vector<16xi32>
    %lt3A_140 = arith.cmpi slt, %get3A_129, %lt3A_139 : vector<16xi32>
    %mul3A_141 = arith.constant 10240 : i32
    %mul3A_142 = vector.broadcast %mul3A_141 : i32 to vector<16xi32>
    %mul3A_143 = arith.muli %get3A_129, %mul3A_142 : vector<16xi32>
    %add3A_144 = arith.addi %mul3A_143, %add3A_137 : vector<16xi32>
    %jit3A_145 = arith.constant 0 : i32
    %broadcast_in_dim3A_146 = vector.broadcast %jit3A_145 : i32 to vector<16xi32>
    %select_n3A_147 = arith.select %lt3A_140, %add3A_144, %broadcast_in_dim3A_146 : vector<16xi1>, vector<16xi32>
    %swap3A_148 = arith.constant 16 : index
    %swap3A_149 = tpu.vector_load %arg10[%swap3A_148] {strides = array<i32>} : memref<80xi32, #tpu.memory_space<vmem>>, vector<16xi32>,
    %swap3A_150 = vector.shape_cast %swap3A_149 : vector<16xi32> to vector<16xi32>
    %swap3A_151 = vector.shape_cast %select_n3A_147 : vector<16xi32> to vector<16xi32>
    tpu.vector_store %arg10[%swap3A_148], %swap3A_151 {strides = array<i32>} : memref<80xi32, #tpu.memory_space<vmem>>, vector<16xi32>,
    %jit3A_152 = arith.constant 0.000000e+00 : f32
    %broadcast_in_dim3A_153 = vector.broadcast %jit3A_152 : f32 to vector<16xf32>
    %select_n3A_154 = arith.select %lt3A_140, %get3A_132, %broadcast_in_dim3A_153 : vector<16xi1>, vector<16xf32>
    %swap3A_155 = arith.constant 16 : index
    %swap3A_156 = tpu.vector_load %arg11[%swap3A_155] {strides = array<i32>} : memref<80xf32, #tpu.memory_space<vmem>>, vector<16xf32>,
    %swap3A_157 = vector.shape_cast %swap3A_156 : vector<16xf32> to vector<16xf32>
    %swap3A_158 = vector.shape_cast %select_n3A_154 : vector<16xf32> to vector<16xf32>
    tpu.vector_store %arg11[%swap3A_155], %swap3A_158 {strides = array<i32>} : memref<80xf32, #tpu.memory_space<vmem>>, vector<16xf32>,
    %get3A_159 = arith.constant 32 : index
    %get3A_160 = tpu.vector_load %arg14[%get3A_159] {strides = array<i32>} : memref<320xi32, #tpu.memory_space<vmem>>, vector<16xi32>,
    %get3A_161 = vector.shape_cast %get3A_160 : vector<16xi32> to vector<16xi32>
    %get3A_162 = arith.constant 32 : index
    %get3A_163 = tpu.vector_load %arg15[%get3A_162] {strides = array<i32>} : memref<320xf32, #tpu.memory_space<vmem>>, vector<16xf32>,
    %get3A_164 = vector.shape_cast %get3A_163 : vector<16xf32> to vector<16xf32>
    %iota3A_165 = tpu.iota {dimensions = array<i32: 0>} : vector<16xi32>
    %add3A_166 = arith.constant 32 : i32
    %add3A_167 = arith.addi %mul3A_100, %add3A_166 : i32
    %add3A_168 = vector.broadcast %add3A_167 : i32 to vector<16xi32>
    %add3A_169 = arith.addi %iota3A_165, %add3A_168 : vector<16xi32>
    %lt3A_170 = arith.constant 64 : i32
    %lt3A_171 = vector.broadcast %lt3A_170 : i32 to vector<16xi32>
    %lt3A_172 = arith.cmpi slt, %get3A_161, %lt3A_171 : vector<16xi32>
    %mul3A_173 = arith.constant 10240 : i32
    %mul3A_174 = vector.broadcast %mul3A_173 : i32 to vector<16xi32>
    %mul3A_175 = arith.muli %get3A_161, %mul3A_174 : vector<16xi32>
    %add3A_176 = arith.addi %mul3A_175, %add3A_169 : vector<16xi32>
    %jit3A_177 = arith.constant 0 : i32
    %broadcast_in_dim3A_178 = vector.broadcast %jit3A_177 : i32 to vector<16xi32>
    %select_n3A_179 = arith.select %lt3A_172, %add3A_176, %broadcast_in_dim3A_178 : vector<16xi1>, vector<16xi32>
    %swap3A_180 = arith.constant 32 : index
    %swap3A_181 = tpu.vector_load %arg10[%swap3A_180] {strides = array<i32>} : memref<80xi32, #tpu.memory_space<vmem>>, vector<16xi32>,
    %swap3A_182 = vector.shape_cast %swap3A_181 : vector<16xi32> to vector<16xi32>
    %swap3A_183 = vector.shape_cast %select_n3A_179 : vector<16xi32> to vector<16xi32>
    tpu.vector_store %arg10[%swap3A_180], %swap3A_183 {strides = array<i32>} : memref<80xi32, #tpu.memory_space<vmem>>, vector<16xi32>,
    %jit3A_184 = arith.constant 0.000000e+00 : f32
    %broadcast_in_dim3A_185 = vector.broadcast %jit3A_184 : f32 to vector<16xf32>
    %select_n3A_186 = arith.select %lt3A_172, %get3A_164, %broadcast_in_dim3A_185 : vector<16xi1>, vector<16xf32>
    %swap3A_187 = arith.constant 32 : index
    %swap3A_188 = tpu.vector_load %arg11[%swap3A_187] {strides = array<i32>} : memref<80xf32, #tpu.memory_space<vmem>>, vector<16xf32>,
    %swap3A_189 = vector.shape_cast %swap3A_188 : vector<16xf32> to vector<16xf32>
    %swap3A_190 = vector.shape_cast %select_n3A_186 : vector<16xf32> to vector<16xf32>
    tpu.vector_store %arg11[%swap3A_187], %swap3A_190 {strides = array<i32>} : memref<80xf32, #tpu.memory_space<vmem>>, vector<16xf32>,
    %get3A_191 = arith.constant 48 : index
    %get3A_192 = tpu.vector_load %arg14[%get3A_191] {strides = array<i32>} : memref<320xi32, #tpu.memory_space<vmem>>, vector<16xi32>,
    %get3A_193 = vector.shape_cast %get3A_192 : vector<16xi32> to vector<16xi32>
    %get3A_194 = arith.constant 48 : index
    %get3A_195 = tpu.vector_load %arg15[%get3A_194] {strides = array<i32>} : memref<320xf32, #tpu.memory_space<vmem>>, vector<16xf32>,
    %get3A_196 = vector.shape_cast %get3A_195 : vector<16xf32> to vector<16xf32>
    %iota3A_197 = tpu.iota {dimensions = array<i32: 0>} : vector<16xi32>
    %add3A_198 = arith.constant 48 : i32
    %add3A_199 = arith.addi %mul3A_100, %add3A_198 : i32
    %add3A_200 = vector.broadcast %add3A_199 : i32 to vector<16xi32>
    %add3A_201 = arith.addi %iota3A_197, %add3A_200 : vector<16xi32>
    %lt3A_202 = arith.constant 64 : i32
    %lt3A_203 = vector.broadcast %lt3A_202 : i32 to vector<16xi32>
    %lt3A_204 = arith.cmpi slt, %get3A_193, %lt3A_203 : vector<16xi32>
    %mul3A_205 = arith.constant 10240 : i32
    %mul3A_206 = vector.broadcast %mul3A_205 : i32 to vector<16xi32>
    %mul3A_207 = arith.muli %get3A_193, %mul3A_206 : vector<16xi32>
    %add3A_208 = arith.addi %mul3A_207, %add3A_201 : vector<16xi32>
    %jit3A_209 = arith.constant 0 : i32
    %broadcast_in_dim3A_210 = vector.broadcast %jit3A_209 : i32 to vector<16xi32>
    %select_n3A_211 = arith.select %lt3A_204, %add3A_208, %broadcast_in_dim3A_210 : vector<16xi1>, vector<16xi32>
    %swap3A_212 = arith.constant 48 : index
    %swap3A_213 = tpu.vector_load %arg10[%swap3A_212] {strides = array<i32>} : memref<80xi32, #tpu.memory_space<vmem>>, vector<16xi32>,
    %swap3A_214 = vector.shape_cast %swap3A_213 : vector<16xi32> to vector<16xi32>
    %swap3A_215 = vector.shape_cast %select_n3A_211 : vector<16xi32> to vector<16xi32>
    tpu.vector_store %arg10[%swap3A_212], %swap3A_215 {strides = array<i32>} : memref<80xi32, #tpu.memory_space<vmem>>, vector<16xi32>,
    %jit3A_216 = arith.constant 0.000000e+00 : f32
    %broadcast_in_dim3A_217 = vector.broadcast %jit3A_216 : f32 to vector<16xf32>
    %select_n3A_218 = arith.select %lt3A_204, %get3A_196, %broadcast_in_dim3A_217 : vector<16xi1>, vector<16xf32>
    %swap3A_219 = arith.constant 48 : index
    %swap3A_220 = tpu.vector_load %arg11[%swap3A_219] {strides = array<i32>} : memref<80xf32, #tpu.memory_space<vmem>>, vector<16xf32>,
    %swap3A_221 = vector.shape_cast %swap3A_220 : vector<16xf32> to vector<16xf32>
    %swap3A_222 = vector.shape_cast %select_n3A_218 : vector<16xf32> to vector<16xf32>
    tpu.vector_store %arg11[%swap3A_219], %swap3A_222 {strides = array<i32>} : memref<80xf32, #tpu.memory_space<vmem>>, vector<16xf32>,
    %get3A_223 = arith.constant 64 : index
    %get3A_224 = tpu.vector_load %arg14[%get3A_223] {strides = array<i32>} : memref<320xi32, #tpu.memory_space<vmem>>, vector<16xi32>,
    %get3A_225 = vector.shape_cast %get3A_224 : vector<16xi32> to vector<16xi32>
    %get3A_226 = arith.constant 64 : index
    %get3A_227 = tpu.vector_load %arg15[%get3A_226] {strides = array<i32>} : memref<320xf32, #tpu.memory_space<vmem>>, vector<16xf32>,
    %get3A_228 = vector.shape_cast %get3A_227 : vector<16xf32> to vector<16xf32>
    %iota3A_229 = tpu.iota {dimensions = array<i32: 0>} : vector<16xi32>
    %add3A_230 = arith.constant 64 : i32
    %add3A_231 = arith.addi %mul3A_100, %add3A_230 : i32
    %add3A_232 = vector.broadcast %add3A_231 : i32 to vector<16xi32>
    %add3A_233 = arith.addi %iota3A_229, %add3A_232 : vector<16xi32>
    %lt3A_234 = arith.constant 64 : i32
    %lt3A_235 = vector.broadcast %lt3A_234 : i32 to vector<16xi32>
    %lt3A_236 = arith.cmpi slt, %get3A_225, %lt3A_235 : vector<16xi32>
    %mul3A_237 = arith.constant 10240 : i32
    %mul3A_238 = vector.broadcast %mul3A_237 : i32 to vector<16xi32>
    %mul3A_239 = arith.muli %get3A_225, %mul3A_238 : vector<16xi32>
    %add3A_240 = arith.addi %mul3A_239, %add3A_233 : vector<16xi32>
    %jit3A_241 = arith.constant 0 : i32
    %broadcast_in_dim3A_242 = vector.broadcast %jit3A_241 : i32 to vector<16xi32>
    %select_n3A_243 = arith.select %lt3A_236, %add3A_240, %broadcast_in_dim3A_242 : vector<16xi1>, vector<16xi32>
    %swap3A_244 = arith.constant 64 : index
    %swap3A_245 = tpu.vector_load %arg10[%swap3A_244] {strides = array<i32>} : memref<80xi32, #tpu.memory_space<vmem>>, vector<16xi32>,
    %swap3A_246 = vector.shape_cast %swap3A_245 : vector<16xi32> to vector<16xi32>
    %swap3A_247 = vector.shape_cast %select_n3A_243 : vector<16xi32> to vector<16xi32>
    tpu.vector_store %arg10[%swap3A_244], %swap3A_247 {strides = array<i32>} : memref<80xi32, #tpu.memory_space<vmem>>, vector<16xi32>,
    %jit3A_248 = arith.constant 0.000000e+00 : f32
    %broadcast_in_dim3A_249 = vector.broadcast %jit3A_248 : f32 to vector<16xf32>
    %select_n3A_250 = arith.select %lt3A_236, %get3A_228, %broadcast_in_dim3A_249 : vector<16xi1>, vector<16xf32>
    %swap3A_251 = arith.constant 64 : index
    %swap3A_252 = tpu.vector_load %arg11[%swap3A_251] {strides = array<i32>} : memref<80xf32, #tpu.memory_space<vmem>>, vector<16xf32>,
    %swap3A_253 = vector.shape_cast %swap3A_252 : vector<16xf32> to vector<16xf32>
    %swap3A_254 = vector.shape_cast %select_n3A_250 : vector<16xf32> to vector<16xf32>
    tpu.vector_store %arg11[%swap3A_251], %swap3A_254 {strides = array<i32>} : memref<80xf32, #tpu.memory_space<vmem>>, vector<16xf32>,
    "tpu.region"() ({
      %run_scoped3A = tpu.sem_alloc : memref<!tpu.dma_semaphore, #tpu.memory_space<semaphore_mem>>
      %dma_start3A_740 = arith.constant 0 : i32
      %dma_start3A_741 = tpu.memref_slice %arg7[%dma_start3A_740] : memref<655360xf32, #tpu.memory_space<vmem_shared>> -> memref<655360xf32, #tpu.memory_space<vmem_shared>>
      tpu.enqueue_indirect_dma source(%arg11 : memref<80xf32, #tpu.memory_space<vmem>>) target(%dma_start3A_741 : memref<655360xf32, #tpu.memory_space<vmem_shared>>) offsets(%arg10 : memref<80xi32, #tpu.memory_space<vmem>>) semaphore(%run_scoped3A : memref<!tpu.dma_semaphore, #tpu.memory_space<semaphore_mem>>) {add = true}
      %dma_wait3A_742 = arith.constant 0 : i32
      %dma_wait3A_743 = tpu.memref_slice %arg7[%dma_wait3A_742] : memref<655360xf32, #tpu.memory_space<vmem_shared>> -> memref<655360xf32, #tpu.memory_space<vmem_shared>>
      tpu.wait_indirect_dma semaphore(%run_scoped3A : memref<!tpu.dma_semaphore, #tpu.memory_space<semaphore_mem>>) src(%arg11 : memref<80xf32, #tpu.memory_space<vmem>>) dst(%dma_wait3A_743 : memref<655360xf32, #tpu.memory_space<vmem_shared>>)
      tpu.yield
    }) : () -> ()
    %get3A_255 = arith.constant 80 : index
    %get3A_256 = tpu.vector_load %arg14[%get3A_255] {strides = array<i32>} : memref<320xi32, #tpu.memory_space<vmem>>, vector<16xi32>,
    %get3A_257 = vector.shape_cast %get3A_256 : vector<16xi32> to vector<16xi32>
    %get3A_258 = arith.constant 80 : index
    %get3A_259 = tpu.vector_load %arg15[%get3A_258] {strides = array<i32>} : memref<320xf32, #tpu.memory_space<vmem>>, vector<16xf32>,
    %get3A_260 = vector.shape_cast %get3A_259 : vector<16xf32> to vector<16xf32>
    %iota3A_261 = tpu.iota {dimensions = array<i32: 0>} : vector<16xi32>
    %add3A_262 = arith.constant 80 : i32
    %add3A_263 = arith.addi %mul3A_100, %add3A_262 : i32
    %add3A_264 = vector.broadcast %add3A_263 : i32 to vector<16xi32>
    %add3A_265 = arith.addi %iota3A_261, %add3A_264 : vector<16xi32>
    %lt3A_266 = arith.constant 64 : i32
    %lt3A_267 = vector.broadcast %lt3A_266 : i32 to vector<16xi32>
    %lt3A_268 = arith.cmpi slt, %get3A_257, %lt3A_267 : vector<16xi32>
    %mul3A_269 = arith.constant 10240 : i32
    %mul3A_270 = vector.broadcast %mul3A_269 : i32 to vector<16xi32>
    %mul3A_271 = arith.muli %get3A_257, %mul3A_270 : vector<16xi32>
    %add3A_272 = arith.addi %mul3A_271, %add3A_265 : vector<16xi32>
    %jit3A_273 = arith.constant 0 : i32
    %broadcast_in_dim3A_274 = vector.broadcast %jit3A_273 : i32 to vector<16xi32>
    %select_n3A_275 = arith.select %lt3A_268, %add3A_272, %broadcast_in_dim3A_274 : vector<16xi1>, vector<16xi32>
    %swap3A_276 = arith.constant 0 : index
    %swap3A_277 = tpu.vector_load %arg10[%swap3A_276] {strides = array<i32>} : memref<80xi32, #tpu.memory_space<vmem>>, vector<16xi32>,
    %swap3A_278 = vector.shape_cast %swap3A_277 : vector<16xi32> to vector<16xi32>
    %swap3A_279 = vector.shape_cast %select_n3A_275 : vector<16xi32> to vector<16xi32>
    tpu.vector_store %arg10[%swap3A_276], %swap3A_279 {strides = array<i32>} : memref<80xi32, #tpu.memory_space<vmem>>, vector<16xi32>,
    %jit3A_280 = arith.constant 0.000000e+00 : f32
    %broadcast_in_dim3A_281 = vector.broadcast %jit3A_280 : f32 to vector<16xf32>
    %select_n3A_282 = arith.select %lt3A_268, %get3A_260, %broadcast_in_dim3A_281 : vector<16xi1>, vector<16xf32>
    %swap3A_283 = arith.constant 0 : index
    %swap3A_284 = tpu.vector_load %arg11[%swap3A_283] {strides = array<i32>} : memref<80xf32, #tpu.memory_space<vmem>>, vector<16xf32>,
    %swap3A_285 = vector.shape_cast %swap3A_284 : vector<16xf32> to vector<16xf32>
    %swap3A_286 = vector.shape_cast %select_n3A_282 : vector<16xf32> to vector<16xf32>
    tpu.vector_store %arg11[%swap3A_283], %swap3A_286 {strides = array<i32>} : memref<80xf32, #tpu.memory_space<vmem>>, vector<16xf32>,
    %get3A_287 = arith.constant 96 : index
    %get3A_288 = tpu.vector_load %arg14[%get3A_287] {strides = array<i32>} : memref<320xi32, #tpu.memory_space<vmem>>, vector<16xi32>,
    %get3A_289 = vector.shape_cast %get3A_288 : vector<16xi32> to vector<16xi32>
    %get3A_290 = arith.constant 96 : index
    %get3A_291 = tpu.vector_load %arg15[%get3A_290] {strides = array<i32>} : memref<320xf32, #tpu.memory_space<vmem>>, vector<16xf32>,
    %get3A_292 = vector.shape_cast %get3A_291 : vector<16xf32> to vector<16xf32>
    %iota3A_293 = tpu.iota {dimensions = array<i32: 0>} : vector<16xi32>
    %add3A_294 = arith.constant 96 : i32
    %add3A_295 = arith.addi %mul3A_100, %add3A_294 : i32
    %add3A_296 = vector.broadcast %add3A_295 : i32 to vector<16xi32>
    %add3A_297 = arith.addi %iota3A_293, %add3A_296 : vector<16xi32>
    %lt3A_298 = arith.constant 64 : i32
    %lt3A_299 = vector.broadcast %lt3A_298 : i32 to vector<16xi32>
    %lt3A_300 = arith.cmpi slt, %get3A_289, %lt3A_299 : vector<16xi32>
    %mul3A_301 = arith.constant 10240 : i32
    %mul3A_302 = vector.broadcast %mul3A_301 : i32 to vector<16xi32>
    %mul3A_303 = arith.muli %get3A_289, %mul3A_302 : vector<16xi32>
    %add3A_304 = arith.addi %mul3A_303, %add3A_297 : vector<16xi32>
    %jit3A_305 = arith.constant 0 : i32
    %broadcast_in_dim3A_306 = vector.broadcast %jit3A_305 : i32 to vector<16xi32>
    %select_n3A_307 = arith.select %lt3A_300, %add3A_304, %broadcast_in_dim3A_306 : vector<16xi1>, vector<16xi32>
    %swap3A_308 = arith.constant 16 : index
    %swap3A_309 = tpu.vector_load %arg10[%swap3A_308] {strides = array<i32>} : memref<80xi32, #tpu.memory_space<vmem>>, vector<16xi32>,
    %swap3A_310 = vector.shape_cast %swap3A_309 : vector<16xi32> to vector<16xi32>
    %swap3A_311 = vector.shape_cast %select_n3A_307 : vector<16xi32> to vector<16xi32>
    tpu.vector_store %arg10[%swap3A_308], %swap3A_311 {strides = array<i32>} : memref<80xi32, #tpu.memory_space<vmem>>, vector<16xi32>,
    %jit3A_312 = arith.constant 0.000000e+00 : f32
    %broadcast_in_dim3A_313 = vector.broadcast %jit3A_312 : f32 to vector<16xf32>
    %select_n3A_314 = arith.select %lt3A_300, %get3A_292, %broadcast_in_dim3A_313 : vector<16xi1>, vector<16xf32>
    %swap3A_315 = arith.constant 16 : index
    %swap3A_316 = tpu.vector_load %arg11[%swap3A_315] {strides = array<i32>} : memref<80xf32, #tpu.memory_space<vmem>>, vector<16xf32>,
    %swap3A_317 = vector.shape_cast %swap3A_316 : vector<16xf32> to vector<16xf32>
    %swap3A_318 = vector.shape_cast %select_n3A_314 : vector<16xf32> to vector<16xf32>
    tpu.vector_store %arg11[%swap3A_315], %swap3A_318 {strides = array<i32>} : memref<80xf32, #tpu.memory_space<vmem>>, vector<16xf32>,
    %get3A_319 = arith.constant 112 : index
    %get3A_320 = tpu.vector_load %arg14[%get3A_319] {strides = array<i32>} : memref<320xi32, #tpu.memory_space<vmem>>, vector<16xi32>,
    %get3A_321 = vector.shape_cast %get3A_320 : vector<16xi32> to vector<16xi32>
    %get3A_322 = arith.constant 112 : index
    %get3A_323 = tpu.vector_load %arg15[%get3A_322] {strides = array<i32>} : memref<320xf32, #tpu.memory_space<vmem>>, vector<16xf32>,
    %get3A_324 = vector.shape_cast %get3A_323 : vector<16xf32> to vector<16xf32>
    %iota3A_325 = tpu.iota {dimensions = array<i32: 0>} : vector<16xi32>
    %add3A_326 = arith.constant 112 : i32
    %add3A_327 = arith.addi %mul3A_100, %add3A_326 : i32
    %add3A_328 = vector.broadcast %add3A_327 : i32 to vector<16xi32>
    %add3A_329 = arith.addi %iota3A_325, %add3A_328 : vector<16xi32>
    %lt3A_330 = arith.constant 64 : i32
    %lt3A_331 = vector.broadcast %lt3A_330 : i32 to vector<16xi32>
    %lt3A_332 = arith.cmpi slt, %get3A_321, %lt3A_331 : vector<16xi32>
    %mul3A_333 = arith.constant 10240 : i32
    %mul3A_334 = vector.broadcast %mul3A_333 : i32 to vector<16xi32>
    %mul3A_335 = arith.muli %get3A_321, %mul3A_334 : vector<16xi32>
    %add3A_336 = arith.addi %mul3A_335, %add3A_329 : vector<16xi32>
    %jit3A_337 = arith.constant 0 : i32
    %broadcast_in_dim3A_338 = vector.broadcast %jit3A_337 : i32 to vector<16xi32>
    %select_n3A_339 = arith.select %lt3A_332, %add3A_336, %broadcast_in_dim3A_338 : vector<16xi1>, vector<16xi32>
    %swap3A_340 = arith.constant 32 : index
    %swap3A_341 = tpu.vector_load %arg10[%swap3A_340] {strides = array<i32>} : memref<80xi32, #tpu.memory_space<vmem>>, vector<16xi32>,
    %swap3A_342 = vector.shape_cast %swap3A_341 : vector<16xi32> to vector<16xi32>
    %swap3A_343 = vector.shape_cast %select_n3A_339 : vector<16xi32> to vector<16xi32>
    tpu.vector_store %arg10[%swap3A_340], %swap3A_343 {strides = array<i32>} : memref<80xi32, #tpu.memory_space<vmem>>, vector<16xi32>,
    %jit3A_344 = arith.constant 0.000000e+00 : f32
    %broadcast_in_dim3A_345 = vector.broadcast %jit3A_344 : f32 to vector<16xf32>
    %select_n3A_346 = arith.select %lt3A_332, %get3A_324, %broadcast_in_dim3A_345 : vector<16xi1>, vector<16xf32>
    %swap3A_347 = arith.constant 32 : index
    %swap3A_348 = tpu.vector_load %arg11[%swap3A_347] {strides = array<i32>} : memref<80xf32, #tpu.memory_space<vmem>>, vector<16xf32>,
    %swap3A_349 = vector.shape_cast %swap3A_348 : vector<16xf32> to vector<16xf32>
    %swap3A_350 = vector.shape_cast %select_n3A_346 : vector<16xf32> to vector<16xf32>
    tpu.vector_store %arg11[%swap3A_347], %swap3A_350 {strides = array<i32>} : memref<80xf32, #tpu.memory_space<vmem>>, vector<16xf32>,
    %get3A_351 = arith.constant 128 : index
    %get3A_352 = tpu.vector_load %arg14[%get3A_351] {strides = array<i32>} : memref<320xi32, #tpu.memory_space<vmem>>, vector<16xi32>,
    %get3A_353 = vector.shape_cast %get3A_352 : vector<16xi32> to vector<16xi32>
    %get3A_354 = arith.constant 128 : index
    %get3A_355 = tpu.vector_load %arg15[%get3A_354] {strides = array<i32>} : memref<320xf32, #tpu.memory_space<vmem>>, vector<16xf32>,
    %get3A_356 = vector.shape_cast %get3A_355 : vector<16xf32> to vector<16xf32>
    %iota3A_357 = tpu.iota {dimensions = array<i32: 0>} : vector<16xi32>
    %add3A_358 = arith.constant 128 : i32
    %add3A_359 = arith.addi %mul3A_100, %add3A_358 : i32
    %add3A_360 = vector.broadcast %add3A_359 : i32 to vector<16xi32>
    %add3A_361 = arith.addi %iota3A_357, %add3A_360 : vector<16xi32>
    %lt3A_362 = arith.constant 64 : i32
    %lt3A_363 = vector.broadcast %lt3A_362 : i32 to vector<16xi32>
    %lt3A_364 = arith.cmpi slt, %get3A_353, %lt3A_363 : vector<16xi32>
    %mul3A_365 = arith.constant 10240 : i32
    %mul3A_366 = vector.broadcast %mul3A_365 : i32 to vector<16xi32>
    %mul3A_367 = arith.muli %get3A_353, %mul3A_366 : vector<16xi32>
    %add3A_368 = arith.addi %mul3A_367, %add3A_361 : vector<16xi32>
    %jit3A_369 = arith.constant 0 : i32
    %broadcast_in_dim3A_370 = vector.broadcast %jit3A_369 : i32 to vector<16xi32>
    %select_n3A_371 = arith.select %lt3A_364, %add3A_368, %broadcast_in_dim3A_370 : vector<16xi1>, vector<16xi32>
    %swap3A_372 = arith.constant 48 : index
    %swap3A_373 = tpu.vector_load %arg10[%swap3A_372] {strides = array<i32>} : memref<80xi32, #tpu.memory_space<vmem>>, vector<16xi32>,
    %swap3A_374 = vector.shape_cast %swap3A_373 : vector<16xi32> to vector<16xi32>
    %swap3A_375 = vector.shape_cast %select_n3A_371 : vector<16xi32> to vector<16xi32>
    tpu.vector_store %arg10[%swap3A_372], %swap3A_375 {strides = array<i32>} : memref<80xi32, #tpu.memory_space<vmem>>, vector<16xi32>,
    %jit3A_376 = arith.constant 0.000000e+00 : f32
    %broadcast_in_dim3A_377 = vector.broadcast %jit3A_376 : f32 to vector<16xf32>
    %select_n3A_378 = arith.select %lt3A_364, %get3A_356, %broadcast_in_dim3A_377 : vector<16xi1>, vector<16xf32>
    %swap3A_379 = arith.constant 48 : index
    %swap3A_380 = tpu.vector_load %arg11[%swap3A_379] {strides = array<i32>} : memref<80xf32, #tpu.memory_space<vmem>>, vector<16xf32>,
    %swap3A_381 = vector.shape_cast %swap3A_380 : vector<16xf32> to vector<16xf32>
    %swap3A_382 = vector.shape_cast %select_n3A_378 : vector<16xf32> to vector<16xf32>
    tpu.vector_store %arg11[%swap3A_379], %swap3A_382 {strides = array<i32>} : memref<80xf32, #tpu.memory_space<vmem>>, vector<16xf32>,
    %get3A_383 = arith.constant 144 : index
    %get3A_384 = tpu.vector_load %arg14[%get3A_383] {strides = array<i32>} : memref<320xi32, #tpu.memory_space<vmem>>, vector<16xi32>,
    %get3A_385 = vector.shape_cast %get3A_384 : vector<16xi32> to vector<16xi32>
    %get3A_386 = arith.constant 144 : index
    %get3A_387 = tpu.vector_load %arg15[%get3A_386] {strides = array<i32>} : memref<320xf32, #tpu.memory_space<vmem>>, vector<16xf32>,
    %get3A_388 = vector.shape_cast %get3A_387 : vector<16xf32> to vector<16xf32>
    %iota3A_389 = tpu.iota {dimensions = array<i32: 0>} : vector<16xi32>
    %add3A_390 = arith.constant 144 : i32
    %add3A_391 = arith.addi %mul3A_100, %add3A_390 : i32
    %add3A_392 = vector.broadcast %add3A_391 : i32 to vector<16xi32>
    %add3A_393 = arith.addi %iota3A_389, %add3A_392 : vector<16xi32>
    %lt3A_394 = arith.constant 64 : i32
    %lt3A_395 = vector.broadcast %lt3A_394 : i32 to vector<16xi32>
    %lt3A_396 = arith.cmpi slt, %get3A_385, %lt3A_395 : vector<16xi32>
    %mul3A_397 = arith.constant 10240 : i32
    %mul3A_398 = vector.broadcast %mul3A_397 : i32 to vector<16xi32>
    %mul3A_399 = arith.muli %get3A_385, %mul3A_398 : vector<16xi32>
    %add3A_400 = arith.addi %mul3A_399, %add3A_393 : vector<16xi32>
    %jit3A_401 = arith.constant 0 : i32
    %broadcast_in_dim3A_402 = vector.broadcast %jit3A_401 : i32 to vector<16xi32>
    %select_n3A_403 = arith.select %lt3A_396, %add3A_400, %broadcast_in_dim3A_402 : vector<16xi1>, vector<16xi32>
    %swap3A_404 = arith.constant 64 : index
    %swap3A_405 = tpu.vector_load %arg10[%swap3A_404] {strides = array<i32>} : memref<80xi32, #tpu.memory_space<vmem>>, vector<16xi32>,
    %swap3A_406 = vector.shape_cast %swap3A_405 : vector<16xi32> to vector<16xi32>
    %swap3A_407 = vector.shape_cast %select_n3A_403 : vector<16xi32> to vector<16xi32>
    tpu.vector_store %arg10[%swap3A_404], %swap3A_407 {strides = array<i32>} : memref<80xi32, #tpu.memory_space<vmem>>, vector<16xi32>,
    %jit3A_408 = arith.constant 0.000000e+00 : f32
    %broadcast_in_dim3A_409 = vector.broadcast %jit3A_408 : f32 to vector<16xf32>
    %select_n3A_410 = arith.select %lt3A_396, %get3A_388, %broadcast_in_dim3A_409 : vector<16xi1>, vector<16xf32>
    %swap3A_411 = arith.constant 64 : index
    %swap3A_412 = tpu.vector_load %arg11[%swap3A_411] {strides = array<i32>} : memref<80xf32, #tpu.memory_space<vmem>>, vector<16xf32>,
    %swap3A_413 = vector.shape_cast %swap3A_412 : vector<16xf32> to vector<16xf32>
    %swap3A_414 = vector.shape_cast %select_n3A_410 : vector<16xf32> to vector<16xf32>
    tpu.vector_store %arg11[%swap3A_411], %swap3A_414 {strides = array<i32>} : memref<80xf32, #tpu.memory_space<vmem>>, vector<16xf32>,
    "tpu.region"() ({
      %run_scoped3A = tpu.sem_alloc : memref<!tpu.dma_semaphore, #tpu.memory_space<semaphore_mem>>
      %dma_start3A_740 = arith.constant 0 : i32
      %dma_start3A_741 = tpu.memref_slice %arg7[%dma_start3A_740] : memref<655360xf32, #tpu.memory_space<vmem_shared>> -> memref<655360xf32, #tpu.memory_space<vmem_shared>>
      tpu.enqueue_indirect_dma source(%arg11 : memref<80xf32, #tpu.memory_space<vmem>>) target(%dma_start3A_741 : memref<655360xf32, #tpu.memory_space<vmem_shared>>) offsets(%arg10 : memref<80xi32, #tpu.memory_space<vmem>>) semaphore(%run_scoped3A : memref<!tpu.dma_semaphore, #tpu.memory_space<semaphore_mem>>) {add = true}
      %dma_wait3A_742 = arith.constant 0 : i32
      %dma_wait3A_743 = tpu.memref_slice %arg7[%dma_wait3A_742] : memref<655360xf32, #tpu.memory_space<vmem_shared>> -> memref<655360xf32, #tpu.memory_space<vmem_shared>>
      tpu.wait_indirect_dma semaphore(%run_scoped3A : memref<!tpu.dma_semaphore, #tpu.memory_space<semaphore_mem>>) src(%arg11 : memref<80xf32, #tpu.memory_space<vmem>>) dst(%dma_wait3A_743 : memref<655360xf32, #tpu.memory_space<vmem_shared>>)
      tpu.yield
    }) : () -> ()
    %get3A_415 = arith.constant 160 : index
    %get3A_416 = tpu.vector_load %arg14[%get3A_415] {strides = array<i32>} : memref<320xi32, #tpu.memory_space<vmem>>, vector<16xi32>,
    %get3A_417 = vector.shape_cast %get3A_416 : vector<16xi32> to vector<16xi32>
    %get3A_418 = arith.constant 160 : index
    %get3A_419 = tpu.vector_load %arg15[%get3A_418] {strides = array<i32>} : memref<320xf32, #tpu.memory_space<vmem>>, vector<16xf32>,
    %get3A_420 = vector.shape_cast %get3A_419 : vector<16xf32> to vector<16xf32>
    %iota3A_421 = tpu.iota {dimensions = array<i32: 0>} : vector<16xi32>
    %add3A_422 = arith.constant 160 : i32
    %add3A_423 = arith.addi %mul3A_100, %add3A_422 : i32
    %add3A_424 = vector.broadcast %add3A_423 : i32 to vector<16xi32>
    %add3A_425 = arith.addi %iota3A_421, %add3A_424 : vector<16xi32>
    %lt3A_426 = arith.constant 64 : i32
    %lt3A_427 = vector.broadcast %lt3A_426 : i32 to vector<16xi32>
    %lt3A_428 = arith.cmpi slt, %get3A_417, %lt3A_427 : vector<16xi32>
    %mul3A_429 = arith.constant 10240 : i32
    %mul3A_430 = vector.broadcast %mul3A_429 : i32 to vector<16xi32>
    %mul3A_431 = arith.muli %get3A_417, %mul3A_430 : vector<16xi32>
    %add3A_432 = arith.addi %mul3A_431, %add3A_425 : vector<16xi32>
    %jit3A_433 = arith.constant 0 : i32
    %broadcast_in_dim3A_434 = vector.broadcast %jit3A_433 : i32 to vector<16xi32>
    %select_n3A_435 = arith.select %lt3A_428, %add3A_432, %broadcast_in_dim3A_434 : vector<16xi1>, vector<16xi32>
    %swap3A_436 = arith.constant 0 : index
    %swap3A_437 = tpu.vector_load %arg10[%swap3A_436] {strides = array<i32>} : memref<80xi32, #tpu.memory_space<vmem>>, vector<16xi32>,
    %swap3A_438 = vector.shape_cast %swap3A_437 : vector<16xi32> to vector<16xi32>
    %swap3A_439 = vector.shape_cast %select_n3A_435 : vector<16xi32> to vector<16xi32>
    tpu.vector_store %arg10[%swap3A_436], %swap3A_439 {strides = array<i32>} : memref<80xi32, #tpu.memory_space<vmem>>, vector<16xi32>,
    %jit3A_440 = arith.constant 0.000000e+00 : f32
    %broadcast_in_dim3A_441 = vector.broadcast %jit3A_440 : f32 to vector<16xf32>
    %select_n3A_442 = arith.select %lt3A_428, %get3A_420, %broadcast_in_dim3A_441 : vector<16xi1>, vector<16xf32>
    %swap3A_443 = arith.constant 0 : index
    %swap3A_444 = tpu.vector_load %arg11[%swap3A_443] {strides = array<i32>} : memref<80xf32, #tpu.memory_space<vmem>>, vector<16xf32>,
    %swap3A_445 = vector.shape_cast %swap3A_444 : vector<16xf32> to vector<16xf32>
    %swap3A_446 = vector.shape_cast %select_n3A_442 : vector<16xf32> to vector<16xf32>
    tpu.vector_store %arg11[%swap3A_443], %swap3A_446 {strides = array<i32>} : memref<80xf32, #tpu.memory_space<vmem>>, vector<16xf32>,
    %get3A_447 = arith.constant 176 : index
    %get3A_448 = tpu.vector_load %arg14[%get3A_447] {strides = array<i32>} : memref<320xi32, #tpu.memory_space<vmem>>, vector<16xi32>,
    %get3A_449 = vector.shape_cast %get3A_448 : vector<16xi32> to vector<16xi32>
    %get3A_450 = arith.constant 176 : index
    %get3A_451 = tpu.vector_load %arg15[%get3A_450] {strides = array<i32>} : memref<320xf32, #tpu.memory_space<vmem>>, vector<16xf32>,
    %get3A_452 = vector.shape_cast %get3A_451 : vector<16xf32> to vector<16xf32>
    %iota3A_453 = tpu.iota {dimensions = array<i32: 0>} : vector<16xi32>
    %add3A_454 = arith.constant 176 : i32
    %add3A_455 = arith.addi %mul3A_100, %add3A_454 : i32
    %add3A_456 = vector.broadcast %add3A_455 : i32 to vector<16xi32>
    %add3A_457 = arith.addi %iota3A_453, %add3A_456 : vector<16xi32>
    %lt3A_458 = arith.constant 64 : i32
    %lt3A_459 = vector.broadcast %lt3A_458 : i32 to vector<16xi32>
    %lt3A_460 = arith.cmpi slt, %get3A_449, %lt3A_459 : vector<16xi32>
    %mul3A_461 = arith.constant 10240 : i32
    %mul3A_462 = vector.broadcast %mul3A_461 : i32 to vector<16xi32>
    %mul3A_463 = arith.muli %get3A_449, %mul3A_462 : vector<16xi32>
    %add3A_464 = arith.addi %mul3A_463, %add3A_457 : vector<16xi32>
    %jit3A_465 = arith.constant 0 : i32
    %broadcast_in_dim3A_466 = vector.broadcast %jit3A_465 : i32 to vector<16xi32>
    %select_n3A_467 = arith.select %lt3A_460, %add3A_464, %broadcast_in_dim3A_466 : vector<16xi1>, vector<16xi32>
    %swap3A_468 = arith.constant 16 : index
    %swap3A_469 = tpu.vector_load %arg10[%swap3A_468] {strides = array<i32>} : memref<80xi32, #tpu.memory_space<vmem>>, vector<16xi32>,
    %swap3A_470 = vector.shape_cast %swap3A_469 : vector<16xi32> to vector<16xi32>
    %swap3A_471 = vector.shape_cast %select_n3A_467 : vector<16xi32> to vector<16xi32>
    tpu.vector_store %arg10[%swap3A_468], %swap3A_471 {strides = array<i32>} : memref<80xi32, #tpu.memory_space<vmem>>, vector<16xi32>,
    %jit3A_472 = arith.constant 0.000000e+00 : f32
    %broadcast_in_dim3A_473 = vector.broadcast %jit3A_472 : f32 to vector<16xf32>
    %select_n3A_474 = arith.select %lt3A_460, %get3A_452, %broadcast_in_dim3A_473 : vector<16xi1>, vector<16xf32>
    %swap3A_475 = arith.constant 16 : index
    %swap3A_476 = tpu.vector_load %arg11[%swap3A_475] {strides = array<i32>} : memref<80xf32, #tpu.memory_space<vmem>>, vector<16xf32>,
    %swap3A_477 = vector.shape_cast %swap3A_476 : vector<16xf32> to vector<16xf32>
    %swap3A_478 = vector.shape_cast %select_n3A_474 : vector<16xf32> to vector<16xf32>
    tpu.vector_store %arg11[%swap3A_475], %swap3A_478 {strides = array<i32>} : memref<80xf32, #tpu.memory_space<vmem>>, vector<16xf32>,
    %get3A_479 = arith.constant 192 : index
    %get3A_480 = tpu.vector_load %arg14[%get3A_479] {strides = array<i32>} : memref<320xi32, #tpu.memory_space<vmem>>, vector<16xi32>,
    %get3A_481 = vector.shape_cast %get3A_480 : vector<16xi32> to vector<16xi32>
    %get3A_482 = arith.constant 192 : index
    %get3A_483 = tpu.vector_load %arg15[%get3A_482] {strides = array<i32>} : memref<320xf32, #tpu.memory_space<vmem>>, vector<16xf32>,
    %get3A_484 = vector.shape_cast %get3A_483 : vector<16xf32> to vector<16xf32>
    %iota3A_485 = tpu.iota {dimensions = array<i32: 0>} : vector<16xi32>
    %add3A_486 = arith.constant 192 : i32
    %add3A_487 = arith.addi %mul3A_100, %add3A_486 : i32
    %add3A_488 = vector.broadcast %add3A_487 : i32 to vector<16xi32>
    %add3A_489 = arith.addi %iota3A_485, %add3A_488 : vector<16xi32>
    %lt3A_490 = arith.constant 64 : i32
    %lt3A_491 = vector.broadcast %lt3A_490 : i32 to vector<16xi32>
    %lt3A_492 = arith.cmpi slt, %get3A_481, %lt3A_491 : vector<16xi32>
    %mul3A_493 = arith.constant 10240 : i32
    %mul3A_494 = vector.broadcast %mul3A_493 : i32 to vector<16xi32>
    %mul3A_495 = arith.muli %get3A_481, %mul3A_494 : vector<16xi32>
    %add3A_496 = arith.addi %mul3A_495, %add3A_489 : vector<16xi32>
    %jit3A_497 = arith.constant 0 : i32
    %broadcast_in_dim3A_498 = vector.broadcast %jit3A_497 : i32 to vector<16xi32>
    %select_n3A_499 = arith.select %lt3A_492, %add3A_496, %broadcast_in_dim3A_498 : vector<16xi1>, vector<16xi32>
    %swap3A_500 = arith.constant 32 : index
    %swap3A_501 = tpu.vector_load %arg10[%swap3A_500] {strides = array<i32>} : memref<80xi32, #tpu.memory_space<vmem>>, vector<16xi32>,
    %swap3A_502 = vector.shape_cast %swap3A_501 : vector<16xi32> to vector<16xi32>
    %swap3A_503 = vector.shape_cast %select_n3A_499 : vector<16xi32> to vector<16xi32>
    tpu.vector_store %arg10[%swap3A_500], %swap3A_503 {strides = array<i32>} : memref<80xi32, #tpu.memory_space<vmem>>, vector<16xi32>,
    %jit3A_504 = arith.constant 0.000000e+00 : f32
    %broadcast_in_dim3A_505 = vector.broadcast %jit3A_504 : f32 to vector<16xf32>
    %select_n3A_506 = arith.select %lt3A_492, %get3A_484, %broadcast_in_dim3A_505 : vector<16xi1>, vector<16xf32>
    %swap3A_507 = arith.constant 32 : index
    %swap3A_508 = tpu.vector_load %arg11[%swap3A_507] {strides = array<i32>} : memref<80xf32, #tpu.memory_space<vmem>>, vector<16xf32>,
    %swap3A_509 = vector.shape_cast %swap3A_508 : vector<16xf32> to vector<16xf32>
    %swap3A_510 = vector.shape_cast %select_n3A_506 : vector<16xf32> to vector<16xf32>
    tpu.vector_store %arg11[%swap3A_507], %swap3A_510 {strides = array<i32>} : memref<80xf32, #tpu.memory_space<vmem>>, vector<16xf32>,
    %get3A_511 = arith.constant 208 : index
    %get3A_512 = tpu.vector_load %arg14[%get3A_511] {strides = array<i32>} : memref<320xi32, #tpu.memory_space<vmem>>, vector<16xi32>,
    %get3A_513 = vector.shape_cast %get3A_512 : vector<16xi32> to vector<16xi32>
    %get3A_514 = arith.constant 208 : index
    %get3A_515 = tpu.vector_load %arg15[%get3A_514] {strides = array<i32>} : memref<320xf32, #tpu.memory_space<vmem>>, vector<16xf32>,
    %get3A_516 = vector.shape_cast %get3A_515 : vector<16xf32> to vector<16xf32>
    %iota3A_517 = tpu.iota {dimensions = array<i32: 0>} : vector<16xi32>
    %add3A_518 = arith.constant 208 : i32
    %add3A_519 = arith.addi %mul3A_100, %add3A_518 : i32
    %add3A_520 = vector.broadcast %add3A_519 : i32 to vector<16xi32>
    %add3A_521 = arith.addi %iota3A_517, %add3A_520 : vector<16xi32>
    %lt3A_522 = arith.constant 64 : i32
    %lt3A_523 = vector.broadcast %lt3A_522 : i32 to vector<16xi32>
    %lt3A_524 = arith.cmpi slt, %get3A_513, %lt3A_523 : vector<16xi32>
    %mul3A_525 = arith.constant 10240 : i32
    %mul3A_526 = vector.broadcast %mul3A_525 : i32 to vector<16xi32>
    %mul3A_527 = arith.muli %get3A_513, %mul3A_526 : vector<16xi32>
    %add3A_528 = arith.addi %mul3A_527, %add3A_521 : vector<16xi32>
    %jit3A_529 = arith.constant 0 : i32
    %broadcast_in_dim3A_530 = vector.broadcast %jit3A_529 : i32 to vector<16xi32>
    %select_n3A_531 = arith.select %lt3A_524, %add3A_528, %broadcast_in_dim3A_530 : vector<16xi1>, vector<16xi32>
    %swap3A_532 = arith.constant 48 : index
    %swap3A_533 = tpu.vector_load %arg10[%swap3A_532] {strides = array<i32>} : memref<80xi32, #tpu.memory_space<vmem>>, vector<16xi32>,
    %swap3A_534 = vector.shape_cast %swap3A_533 : vector<16xi32> to vector<16xi32>
    %swap3A_535 = vector.shape_cast %select_n3A_531 : vector<16xi32> to vector<16xi32>
    tpu.vector_store %arg10[%swap3A_532], %swap3A_535 {strides = array<i32>} : memref<80xi32, #tpu.memory_space<vmem>>, vector<16xi32>,
    %jit3A_536 = arith.constant 0.000000e+00 : f32
    %broadcast_in_dim3A_537 = vector.broadcast %jit3A_536 : f32 to vector<16xf32>
    %select_n3A_538 = arith.select %lt3A_524, %get3A_516, %broadcast_in_dim3A_537 : vector<16xi1>, vector<16xf32>
    %swap3A_539 = arith.constant 48 : index
    %swap3A_540 = tpu.vector_load %arg11[%swap3A_539] {strides = array<i32>} : memref<80xf32, #tpu.memory_space<vmem>>, vector<16xf32>,
    %swap3A_541 = vector.shape_cast %swap3A_540 : vector<16xf32> to vector<16xf32>
    %swap3A_542 = vector.shape_cast %select_n3A_538 : vector<16xf32> to vector<16xf32>
    tpu.vector_store %arg11[%swap3A_539], %swap3A_542 {strides = array<i32>} : memref<80xf32, #tpu.memory_space<vmem>>, vector<16xf32>,
    %get3A_543 = arith.constant 224 : index
    %get3A_544 = tpu.vector_load %arg14[%get3A_543] {strides = array<i32>} : memref<320xi32, #tpu.memory_space<vmem>>, vector<16xi32>,
    %get3A_545 = vector.shape_cast %get3A_544 : vector<16xi32> to vector<16xi32>
    %get3A_546 = arith.constant 224 : index
    %get3A_547 = tpu.vector_load %arg15[%get3A_546] {strides = array<i32>} : memref<320xf32, #tpu.memory_space<vmem>>, vector<16xf32>,
    %get3A_548 = vector.shape_cast %get3A_547 : vector<16xf32> to vector<16xf32>
    %iota3A_549 = tpu.iota {dimensions = array<i32: 0>} : vector<16xi32>
    %add3A_550 = arith.constant 224 : i32
    %add3A_551 = arith.addi %mul3A_100, %add3A_550 : i32
    %add3A_552 = vector.broadcast %add3A_551 : i32 to vector<16xi32>
    %add3A_553 = arith.addi %iota3A_549, %add3A_552 : vector<16xi32>
    %lt3A_554 = arith.constant 64 : i32
    %lt3A_555 = vector.broadcast %lt3A_554 : i32 to vector<16xi32>
    %lt3A_556 = arith.cmpi slt, %get3A_545, %lt3A_555 : vector<16xi32>
    %mul3A_557 = arith.constant 10240 : i32
    %mul3A_558 = vector.broadcast %mul3A_557 : i32 to vector<16xi32>
    %mul3A_559 = arith.muli %get3A_545, %mul3A_558 : vector<16xi32>
    %add3A_560 = arith.addi %mul3A_559, %add3A_553 : vector<16xi32>
    %jit3A_561 = arith.constant 0 : i32
    %broadcast_in_dim3A_562 = vector.broadcast %jit3A_561 : i32 to vector<16xi32>
    %select_n3A_563 = arith.select %lt3A_556, %add3A_560, %broadcast_in_dim3A_562 : vector<16xi1>, vector<16xi32>
    %swap3A_564 = arith.constant 64 : index
    %swap3A_565 = tpu.vector_load %arg10[%swap3A_564] {strides = array<i32>} : memref<80xi32, #tpu.memory_space<vmem>>, vector<16xi32>,
    %swap3A_566 = vector.shape_cast %swap3A_565 : vector<16xi32> to vector<16xi32>
    %swap3A_567 = vector.shape_cast %select_n3A_563 : vector<16xi32> to vector<16xi32>
    tpu.vector_store %arg10[%swap3A_564], %swap3A_567 {strides = array<i32>} : memref<80xi32, #tpu.memory_space<vmem>>, vector<16xi32>,
    %jit3A_568 = arith.constant 0.000000e+00 : f32
    %broadcast_in_dim3A_569 = vector.broadcast %jit3A_568 : f32 to vector<16xf32>
    %select_n3A_570 = arith.select %lt3A_556, %get3A_548, %broadcast_in_dim3A_569 : vector<16xi1>, vector<16xf32>
    %swap3A_571 = arith.constant 64 : index
    %swap3A_572 = tpu.vector_load %arg11[%swap3A_571] {strides = array<i32>} : memref<80xf32, #tpu.memory_space<vmem>>, vector<16xf32>,
    %swap3A_573 = vector.shape_cast %swap3A_572 : vector<16xf32> to vector<16xf32>
    %swap3A_574 = vector.shape_cast %select_n3A_570 : vector<16xf32> to vector<16xf32>
    tpu.vector_store %arg11[%swap3A_571], %swap3A_574 {strides = array<i32>} : memref<80xf32, #tpu.memory_space<vmem>>, vector<16xf32>,
    "tpu.region"() ({
      %run_scoped3A = tpu.sem_alloc : memref<!tpu.dma_semaphore, #tpu.memory_space<semaphore_mem>>
      %dma_start3A_740 = arith.constant 0 : i32
      %dma_start3A_741 = tpu.memref_slice %arg7[%dma_start3A_740] : memref<655360xf32, #tpu.memory_space<vmem_shared>> -> memref<655360xf32, #tpu.memory_space<vmem_shared>>
      tpu.enqueue_indirect_dma source(%arg11 : memref<80xf32, #tpu.memory_space<vmem>>) target(%dma_start3A_741 : memref<655360xf32, #tpu.memory_space<vmem_shared>>) offsets(%arg10 : memref<80xi32, #tpu.memory_space<vmem>>) semaphore(%run_scoped3A : memref<!tpu.dma_semaphore, #tpu.memory_space<semaphore_mem>>) {add = true}
      %dma_wait3A_742 = arith.constant 0 : i32
      %dma_wait3A_743 = tpu.memref_slice %arg7[%dma_wait3A_742] : memref<655360xf32, #tpu.memory_space<vmem_shared>> -> memref<655360xf32, #tpu.memory_space<vmem_shared>>
      tpu.wait_indirect_dma semaphore(%run_scoped3A : memref<!tpu.dma_semaphore, #tpu.memory_space<semaphore_mem>>) src(%arg11 : memref<80xf32, #tpu.memory_space<vmem>>) dst(%dma_wait3A_743 : memref<655360xf32, #tpu.memory_space<vmem_shared>>)
      tpu.yield
    }) : () -> ()
    %get3A_575 = arith.constant 240 : index
    %get3A_576 = tpu.vector_load %arg14[%get3A_575] {strides = array<i32>} : memref<320xi32, #tpu.memory_space<vmem>>, vector<16xi32>,
    %get3A_577 = vector.shape_cast %get3A_576 : vector<16xi32> to vector<16xi32>
    %get3A_578 = arith.constant 240 : index
    %get3A_579 = tpu.vector_load %arg15[%get3A_578] {strides = array<i32>} : memref<320xf32, #tpu.memory_space<vmem>>, vector<16xf32>,
    %get3A_580 = vector.shape_cast %get3A_579 : vector<16xf32> to vector<16xf32>
    %iota3A_581 = tpu.iota {dimensions = array<i32: 0>} : vector<16xi32>
    %add3A_582 = arith.constant 240 : i32
    %add3A_583 = arith.addi %mul3A_100, %add3A_582 : i32
    %add3A_584 = vector.broadcast %add3A_583 : i32 to vector<16xi32>
    %add3A_585 = arith.addi %iota3A_581, %add3A_584 : vector<16xi32>
    %lt3A_586 = arith.constant 64 : i32
    %lt3A_587 = vector.broadcast %lt3A_586 : i32 to vector<16xi32>
    %lt3A_588 = arith.cmpi slt, %get3A_577, %lt3A_587 : vector<16xi32>
    %mul3A_589 = arith.constant 10240 : i32
    %mul3A_590 = vector.broadcast %mul3A_589 : i32 to vector<16xi32>
    %mul3A_591 = arith.muli %get3A_577, %mul3A_590 : vector<16xi32>
    %add3A_592 = arith.addi %mul3A_591, %add3A_585 : vector<16xi32>
    %jit3A_593 = arith.constant 0 : i32
    %broadcast_in_dim3A_594 = vector.broadcast %jit3A_593 : i32 to vector<16xi32>
    %select_n3A_595 = arith.select %lt3A_588, %add3A_592, %broadcast_in_dim3A_594 : vector<16xi1>, vector<16xi32>
    %swap3A_596 = arith.constant 0 : index
    %swap3A_597 = tpu.vector_load %arg10[%swap3A_596] {strides = array<i32>} : memref<80xi32, #tpu.memory_space<vmem>>, vector<16xi32>,
    %swap3A_598 = vector.shape_cast %swap3A_597 : vector<16xi32> to vector<16xi32>
    %swap3A_599 = vector.shape_cast %select_n3A_595 : vector<16xi32> to vector<16xi32>
    tpu.vector_store %arg10[%swap3A_596], %swap3A_599 {strides = array<i32>} : memref<80xi32, #tpu.memory_space<vmem>>, vector<16xi32>,
    %jit3A_600 = arith.constant 0.000000e+00 : f32
    %broadcast_in_dim3A_601 = vector.broadcast %jit3A_600 : f32 to vector<16xf32>
    %select_n3A_602 = arith.select %lt3A_588, %get3A_580, %broadcast_in_dim3A_601 : vector<16xi1>, vector<16xf32>
    %swap3A_603 = arith.constant 0 : index
    %swap3A_604 = tpu.vector_load %arg11[%swap3A_603] {strides = array<i32>} : memref<80xf32, #tpu.memory_space<vmem>>, vector<16xf32>,
    %swap3A_605 = vector.shape_cast %swap3A_604 : vector<16xf32> to vector<16xf32>
    %swap3A_606 = vector.shape_cast %select_n3A_602 : vector<16xf32> to vector<16xf32>
    tpu.vector_store %arg11[%swap3A_603], %swap3A_606 {strides = array<i32>} : memref<80xf32, #tpu.memory_space<vmem>>, vector<16xf32>,
    %get3A_607 = arith.constant 256 : index
    %get3A_608 = tpu.vector_load %arg14[%get3A_607] {strides = array<i32>} : memref<320xi32, #tpu.memory_space<vmem>>, vector<16xi32>,
    %get3A_609 = vector.shape_cast %get3A_608 : vector<16xi32> to vector<16xi32>
    %get3A_610 = arith.constant 256 : index
    %get3A_611 = tpu.vector_load %arg15[%get3A_610] {strides = array<i32>} : memref<320xf32, #tpu.memory_space<vmem>>, vector<16xf32>,
    %get3A_612 = vector.shape_cast %get3A_611 : vector<16xf32> to vector<16xf32>
    %iota3A_613 = tpu.iota {dimensions = array<i32: 0>} : vector<16xi32>
    %add3A_614 = arith.constant 256 : i32
    %add3A_615 = arith.addi %mul3A_100, %add3A_614 : i32
    %add3A_616 = vector.broadcast %add3A_615 : i32 to vector<16xi32>
    %add3A_617 = arith.addi %iota3A_613, %add3A_616 : vector<16xi32>
    %lt3A_618 = arith.constant 64 : i32
    %lt3A_619 = vector.broadcast %lt3A_618 : i32 to vector<16xi32>
    %lt3A_620 = arith.cmpi slt, %get3A_609, %lt3A_619 : vector<16xi32>
    %mul3A_621 = arith.constant 10240 : i32
    %mul3A_622 = vector.broadcast %mul3A_621 : i32 to vector<16xi32>
    %mul3A_623 = arith.muli %get3A_609, %mul3A_622 : vector<16xi32>
    %add3A_624 = arith.addi %mul3A_623, %add3A_617 : vector<16xi32>
    %jit3A_625 = arith.constant 0 : i32
    %broadcast_in_dim3A_626 = vector.broadcast %jit3A_625 : i32 to vector<16xi32>
    %select_n3A_627 = arith.select %lt3A_620, %add3A_624, %broadcast_in_dim3A_626 : vector<16xi1>, vector<16xi32>
    %swap3A_628 = arith.constant 16 : index
    %swap3A_629 = tpu.vector_load %arg10[%swap3A_628] {strides = array<i32>} : memref<80xi32, #tpu.memory_space<vmem>>, vector<16xi32>,
    %swap3A_630 = vector.shape_cast %swap3A_629 : vector<16xi32> to vector<16xi32>
    %swap3A_631 = vector.shape_cast %select_n3A_627 : vector<16xi32> to vector<16xi32>
    tpu.vector_store %arg10[%swap3A_628], %swap3A_631 {strides = array<i32>} : memref<80xi32, #tpu.memory_space<vmem>>, vector<16xi32>,
    %jit3A_632 = arith.constant 0.000000e+00 : f32
    %broadcast_in_dim3A_633 = vector.broadcast %jit3A_632 : f32 to vector<16xf32>
    %select_n3A_634 = arith.select %lt3A_620, %get3A_612, %broadcast_in_dim3A_633 : vector<16xi1>, vector<16xf32>
    %swap3A_635 = arith.constant 16 : index
    %swap3A_636 = tpu.vector_load %arg11[%swap3A_635] {strides = array<i32>} : memref<80xf32, #tpu.memory_space<vmem>>, vector<16xf32>,
    %swap3A_637 = vector.shape_cast %swap3A_636 : vector<16xf32> to vector<16xf32>
    %swap3A_638 = vector.shape_cast %select_n3A_634 : vector<16xf32> to vector<16xf32>
    tpu.vector_store %arg11[%swap3A_635], %swap3A_638 {strides = array<i32>} : memref<80xf32, #tpu.memory_space<vmem>>, vector<16xf32>,
    %get3A_639 = arith.constant 272 : index
    %get3A_640 = tpu.vector_load %arg14[%get3A_639] {strides = array<i32>} : memref<320xi32, #tpu.memory_space<vmem>>, vector<16xi32>,
    %get3A_641 = vector.shape_cast %get3A_640 : vector<16xi32> to vector<16xi32>
    %get3A_642 = arith.constant 272 : index
    %get3A_643 = tpu.vector_load %arg15[%get3A_642] {strides = array<i32>} : memref<320xf32, #tpu.memory_space<vmem>>, vector<16xf32>,
    %get3A_644 = vector.shape_cast %get3A_643 : vector<16xf32> to vector<16xf32>
    %iota3A_645 = tpu.iota {dimensions = array<i32: 0>} : vector<16xi32>
    %add3A_646 = arith.constant 272 : i32
    %add3A_647 = arith.addi %mul3A_100, %add3A_646 : i32
    %add3A_648 = vector.broadcast %add3A_647 : i32 to vector<16xi32>
    %add3A_649 = arith.addi %iota3A_645, %add3A_648 : vector<16xi32>
    %lt3A_650 = arith.constant 64 : i32
    %lt3A_651 = vector.broadcast %lt3A_650 : i32 to vector<16xi32>
    %lt3A_652 = arith.cmpi slt, %get3A_641, %lt3A_651 : vector<16xi32>
    %mul3A_653 = arith.constant 10240 : i32
    %mul3A_654 = vector.broadcast %mul3A_653 : i32 to vector<16xi32>
    %mul3A_655 = arith.muli %get3A_641, %mul3A_654 : vector<16xi32>
    %add3A_656 = arith.addi %mul3A_655, %add3A_649 : vector<16xi32>
    %jit3A_657 = arith.constant 0 : i32
    %broadcast_in_dim3A_658 = vector.broadcast %jit3A_657 : i32 to vector<16xi32>
    %select_n3A_659 = arith.select %lt3A_652, %add3A_656, %broadcast_in_dim3A_658 : vector<16xi1>, vector<16xi32>
    %swap3A_660 = arith.constant 32 : index
    %swap3A_661 = tpu.vector_load %arg10[%swap3A_660] {strides = array<i32>} : memref<80xi32, #tpu.memory_space<vmem>>, vector<16xi32>,
    %swap3A_662 = vector.shape_cast %swap3A_661 : vector<16xi32> to vector<16xi32>
    %swap3A_663 = vector.shape_cast %select_n3A_659 : vector<16xi32> to vector<16xi32>
    tpu.vector_store %arg10[%swap3A_660], %swap3A_663 {strides = array<i32>} : memref<80xi32, #tpu.memory_space<vmem>>, vector<16xi32>,
    %jit3A_664 = arith.constant 0.000000e+00 : f32
    %broadcast_in_dim3A_665 = vector.broadcast %jit3A_664 : f32 to vector<16xf32>
    %select_n3A_666 = arith.select %lt3A_652, %get3A_644, %broadcast_in_dim3A_665 : vector<16xi1>, vector<16xf32>
    %swap3A_667 = arith.constant 32 : index
    %swap3A_668 = tpu.vector_load %arg11[%swap3A_667] {strides = array<i32>} : memref<80xf32, #tpu.memory_space<vmem>>, vector<16xf32>,
    %swap3A_669 = vector.shape_cast %swap3A_668 : vector<16xf32> to vector<16xf32>
    %swap3A_670 = vector.shape_cast %select_n3A_666 : vector<16xf32> to vector<16xf32>
    tpu.vector_store %arg11[%swap3A_667], %swap3A_670 {strides = array<i32>} : memref<80xf32, #tpu.memory_space<vmem>>, vector<16xf32>,
    %get3A_671 = arith.constant 288 : index
    %get3A_672 = tpu.vector_load %arg14[%get3A_671] {strides = array<i32>} : memref<320xi32, #tpu.memory_space<vmem>>, vector<16xi32>,
    %get3A_673 = vector.shape_cast %get3A_672 : vector<16xi32> to vector<16xi32>
    %get3A_674 = arith.constant 288 : index
    %get3A_675 = tpu.vector_load %arg15[%get3A_674] {strides = array<i32>} : memref<320xf32, #tpu.memory_space<vmem>>, vector<16xf32>,
    %get3A_676 = vector.shape_cast %get3A_675 : vector<16xf32> to vector<16xf32>
    %iota3A_677 = tpu.iota {dimensions = array<i32: 0>} : vector<16xi32>
    %add3A_678 = arith.constant 288 : i32
    %add3A_679 = arith.addi %mul3A_100, %add3A_678 : i32
    %add3A_680 = vector.broadcast %add3A_679 : i32 to vector<16xi32>
    %add3A_681 = arith.addi %iota3A_677, %add3A_680 : vector<16xi32>
    %lt3A_682 = arith.constant 64 : i32
    %lt3A_683 = vector.broadcast %lt3A_682 : i32 to vector<16xi32>
    %lt3A_684 = arith.cmpi slt, %get3A_673, %lt3A_683 : vector<16xi32>
    %mul3A_685 = arith.constant 10240 : i32
    %mul3A_686 = vector.broadcast %mul3A_685 : i32 to vector<16xi32>
    %mul3A_687 = arith.muli %get3A_673, %mul3A_686 : vector<16xi32>
    %add3A_688 = arith.addi %mul3A_687, %add3A_681 : vector<16xi32>
    %jit3A_689 = arith.constant 0 : i32
    %broadcast_in_dim3A_690 = vector.broadcast %jit3A_689 : i32 to vector<16xi32>
    %select_n3A_691 = arith.select %lt3A_684, %add3A_688, %broadcast_in_dim3A_690 : vector<16xi1>, vector<16xi32>
    %swap3A_692 = arith.constant 48 : index
    %swap3A_693 = tpu.vector_load %arg10[%swap3A_692] {strides = array<i32>} : memref<80xi32, #tpu.memory_space<vmem>>, vector<16xi32>,
    %swap3A_694 = vector.shape_cast %swap3A_693 : vector<16xi32> to vector<16xi32>
    %swap3A_695 = vector.shape_cast %select_n3A_691 : vector<16xi32> to vector<16xi32>
    tpu.vector_store %arg10[%swap3A_692], %swap3A_695 {strides = array<i32>} : memref<80xi32, #tpu.memory_space<vmem>>, vector<16xi32>,
    %jit3A_696 = arith.constant 0.000000e+00 : f32
    %broadcast_in_dim3A_697 = vector.broadcast %jit3A_696 : f32 to vector<16xf32>
    %select_n3A_698 = arith.select %lt3A_684, %get3A_676, %broadcast_in_dim3A_697 : vector<16xi1>, vector<16xf32>
    %swap3A_699 = arith.constant 48 : index
    %swap3A_700 = tpu.vector_load %arg11[%swap3A_699] {strides = array<i32>} : memref<80xf32, #tpu.memory_space<vmem>>, vector<16xf32>,
    %swap3A_701 = vector.shape_cast %swap3A_700 : vector<16xf32> to vector<16xf32>
    %swap3A_702 = vector.shape_cast %select_n3A_698 : vector<16xf32> to vector<16xf32>
    tpu.vector_store %arg11[%swap3A_699], %swap3A_702 {strides = array<i32>} : memref<80xf32, #tpu.memory_space<vmem>>, vector<16xf32>,
    %get3A_703 = arith.constant 304 : index
    %get3A_704 = tpu.vector_load %arg14[%get3A_703] {strides = array<i32>} : memref<320xi32, #tpu.memory_space<vmem>>, vector<16xi32>,
    %get3A_705 = vector.shape_cast %get3A_704 : vector<16xi32> to vector<16xi32>
    %get3A_706 = arith.constant 304 : index
    %get3A_707 = tpu.vector_load %arg15[%get3A_706] {strides = array<i32>} : memref<320xf32, #tpu.memory_space<vmem>>, vector<16xf32>,
    %get3A_708 = vector.shape_cast %get3A_707 : vector<16xf32> to vector<16xf32>
    %iota3A_709 = tpu.iota {dimensions = array<i32: 0>} : vector<16xi32>
    %add3A_710 = arith.constant 304 : i32
    %add3A_711 = arith.addi %mul3A_100, %add3A_710 : i32
    %add3A_712 = vector.broadcast %add3A_711 : i32 to vector<16xi32>
    %add3A_713 = arith.addi %iota3A_709, %add3A_712 : vector<16xi32>
    %lt3A_714 = arith.constant 64 : i32
    %lt3A_715 = vector.broadcast %lt3A_714 : i32 to vector<16xi32>
    %lt3A_716 = arith.cmpi slt, %get3A_705, %lt3A_715 : vector<16xi32>
    %mul3A_717 = arith.constant 10240 : i32
    %mul3A_718 = vector.broadcast %mul3A_717 : i32 to vector<16xi32>
    %mul3A_719 = arith.muli %get3A_705, %mul3A_718 : vector<16xi32>
    %add3A_720 = arith.addi %mul3A_719, %add3A_713 : vector<16xi32>
    %jit3A_721 = arith.constant 0 : i32
    %broadcast_in_dim3A_722 = vector.broadcast %jit3A_721 : i32 to vector<16xi32>
    %select_n3A_723 = arith.select %lt3A_716, %add3A_720, %broadcast_in_dim3A_722 : vector<16xi1>, vector<16xi32>
    %swap3A_724 = arith.constant 64 : index
    %swap3A_725 = tpu.vector_load %arg10[%swap3A_724] {strides = array<i32>} : memref<80xi32, #tpu.memory_space<vmem>>, vector<16xi32>,
    %swap3A_726 = vector.shape_cast %swap3A_725 : vector<16xi32> to vector<16xi32>
    %swap3A_727 = vector.shape_cast %select_n3A_723 : vector<16xi32> to vector<16xi32>
    tpu.vector_store %arg10[%swap3A_724], %swap3A_727 {strides = array<i32>} : memref<80xi32, #tpu.memory_space<vmem>>, vector<16xi32>,
    %jit3A_728 = arith.constant 0.000000e+00 : f32
    %broadcast_in_dim3A_729 = vector.broadcast %jit3A_728 : f32 to vector<16xf32>
    %select_n3A_730 = arith.select %lt3A_716, %get3A_708, %broadcast_in_dim3A_729 : vector<16xi1>, vector<16xf32>
    %swap3A_731 = arith.constant 64 : index
    %swap3A_732 = tpu.vector_load %arg11[%swap3A_731] {strides = array<i32>} : memref<80xf32, #tpu.memory_space<vmem>>, vector<16xf32>,
    %swap3A_733 = vector.shape_cast %swap3A_732 : vector<16xf32> to vector<16xf32>
    %swap3A_734 = vector.shape_cast %select_n3A_730 : vector<16xf32> to vector<16xf32>
    tpu.vector_store %arg11[%swap3A_731], %swap3A_734 {strides = array<i32>} : memref<80xf32, #tpu.memory_space<vmem>>, vector<16xf32>,
    "tpu.region"() ({
      %run_scoped3A = tpu.sem_alloc : memref<!tpu.dma_semaphore, #tpu.memory_space<semaphore_mem>>
      %dma_start3A_740 = arith.constant 0 : i32
      %dma_start3A_741 = tpu.memref_slice %arg7[%dma_start3A_740] : memref<655360xf32, #tpu.memory_space<vmem_shared>> -> memref<655360xf32, #tpu.memory_space<vmem_shared>>
      tpu.enqueue_indirect_dma source(%arg11 : memref<80xf32, #tpu.memory_space<vmem>>) target(%dma_start3A_741 : memref<655360xf32, #tpu.memory_space<vmem_shared>>) offsets(%arg10 : memref<80xi32, #tpu.memory_space<vmem>>) semaphore(%run_scoped3A : memref<!tpu.dma_semaphore, #tpu.memory_space<semaphore_mem>>) {add = true}
      %dma_wait3A_742 = arith.constant 0 : i32
      %dma_wait3A_743 = tpu.memref_slice %arg7[%dma_wait3A_742] : memref<655360xf32, #tpu.memory_space<vmem_shared>> -> memref<655360xf32, #tpu.memory_space<vmem_shared>>
      tpu.wait_indirect_dma semaphore(%run_scoped3A : memref<!tpu.dma_semaphore, #tpu.memory_space<semaphore_mem>>) src(%arg11 : memref<80xf32, #tpu.memory_space<vmem>>) dst(%dma_wait3A_743 : memref<655360xf32, #tpu.memory_space<vmem_shared>>)
      tpu.yield
    }) : () -> ()
    %barrier3A_735 = arith.constant 0 : index
    tpu.barrier barrier_id(%barrier3A_735)
    %mul3A_736 = arith.constant 40960 : i32
    %mul3A_737 = arith.muli %arg1, %mul3A_736 : i32
    %mul3A_738 = arith.constant 40960 : i32
    %mul3A_739 = arith.muli %arg1, %mul3A_738 : i32
    "tpu.region"() ({
      %run_scoped3A = tpu.sem_alloc : memref<!tpu.dma_semaphore, #tpu.memory_space<semaphore_mem>>
      %dma_start3A_740 = tpu.memref_slice %arg6[%arg0, %mul3A_739] : memref<2x655360xf32, #tpu.memory_space<hbm>> -> memref<1x40960xf32, #tpu.memory_space<hbm>>
      %dma_start3A_741 = tpu.memref_squeeze %dma_start3A_740 : memref<1x40960xf32, #tpu.memory_space<hbm>> -> memref<40960xf32, #tpu.memory_space<hbm>>
      %dma_start3A_742 = tpu.memref_slice %arg7[%mul3A_737] : memref<655360xf32, #tpu.memory_space<vmem_shared>> -> memref<40960xf32, #tpu.memory_space<vmem_shared>>
      tpu.enqueue_dma source(%dma_start3A_742 : memref<40960xf32, #tpu.memory_space<vmem_shared>>) target(%dma_start3A_741 : memref<40960xf32, #tpu.memory_space<hbm>>) target_semaphore(%run_scoped3A : memref<!tpu.dma_semaphore, #tpu.memory_space<semaphore_mem>>)
      %dma_wait3A_743 = tpu.memref_slice %arg6[%arg0, %mul3A_739] : memref<2x655360xf32, #tpu.memory_space<hbm>> -> memref<1x40960xf32, #tpu.memory_space<hbm>>
      %dma_wait3A_744 = tpu.memref_squeeze %dma_wait3A_743 : memref<1x40960xf32, #tpu.memory_space<hbm>> -> memref<40960xf32, #tpu.memory_space<hbm>>
      %dma_wait3A_745 = tpu.memref_slice %arg7[%mul3A_737] : memref<655360xf32, #tpu.memory_space<vmem_shared>> -> memref<40960xf32, #tpu.memory_space<vmem_shared>>
      tpu.wait_dma2 semaphore(%run_scoped3A : memref<!tpu.dma_semaphore, #tpu.memory_space<semaphore_mem>>) src(%dma_wait3A_745 : memref<40960xf32, #tpu.memory_space<vmem_shared>>) dst(%dma_wait3A_744 : memref<40960xf32, #tpu.memory_space<hbm>>)
      tpu.yield
    }) : () -> ()
    return
  }
}

module attributes {stable_mosaic.version = 14 : i64} {
  func.func @_k0_body(%arg0: memref<2x10240x1xf32, #tpu.memory_space<vmem>>, %arg1: memref<10240x1xf32, #tpu.memory_space<vmem>>) attributes {dimension_semantics = [], scalar_prefetch = 0 : i64, scratch_operands = 0 : i64, tpu.core_type = #tpu.core_type<tc>} {
    %get3A = arith.constant 0 : index
    %get3A_0 = arith.constant 0 : index
    %get3A_1 = arith.constant 0 : index
    %get3A_2 = vector.load %arg0[%get3A, %get3A_0, %get3A_1] : memref<2x10240x1xf32, #tpu.memory_space<vmem>>, vector<1x10240x1xf32>
    %get3A_3 = vector.shape_cast %get3A_2 : vector<1x10240x1xf32> to vector<10240x1xf32>
    %get3A_4 = arith.constant 1 : index
    %get3A_5 = arith.constant 0 : index
    %get3A_6 = arith.constant 0 : index
    %get3A_7 = vector.load %arg0[%get3A_4, %get3A_5, %get3A_6] : memref<2x10240x1xf32, #tpu.memory_space<vmem>>, vector<1x10240x1xf32>
    %get3A_8 = vector.shape_cast %get3A_7 : vector<1x10240x1xf32> to vector<10240x1xf32>
    %add3A = arith.addf %get3A_3, %get3A_8 : vector<10240x1xf32>
    %add3A_9 = arith.constant 1.000000e+00 : f32
    %add3A_10 = vector.broadcast %add3A_9 : f32 to vector<10240x1xf32>
    %add3A_11 = arith.addf %add3A, %add3A_10 : vector<10240x1xf32>
    %rsqrt3A = math.rsqrt %add3A_11 : vector<10240x1xf32>
    %swap3A = arith.constant 0 : index
    %swap3A_12 = arith.constant 0 : index
    %swap3A_13 = vector.load %arg1[%swap3A, %swap3A_12] : memref<10240x1xf32, #tpu.memory_space<vmem>>, vector<10240x1xf32>
    tpu.vector_store %arg1[%swap3A, %swap3A_12], %rsqrt3A {strides = array<i32>} : memref<10240x1xf32, #tpu.memory_space<vmem>>, vector<10240x1xf32>,
    return
  }
}

module attributes {stable_mosaic.version = 14 : i64} {
  func.func @_k1_body(%arg0: i32, %arg1: memref<512x1xf32, #tpu.memory_space<vmem>>, %arg2: memref<512x128xf32, #tpu.memory_space<vmem>>, %arg3: memref<128x128xf32, #tpu.memory_space<vmem>>, %arg4: memref<512x128xf32, #tpu.memory_space<vmem>>) attributes {dimension_semantics = [#tpu.dimension_semantics<arbitrary>], iteration_bounds = array<i64: 20>, scalar_prefetch = 0 : i64, scratch_operands = 0 : i64, tpu.core_type = #tpu.core_type<tc>, window_params = [{transform_indices = @transform_0, window_bounds = array<i64: 512, 1>}, {transform_indices = @transform_1, window_bounds = array<i64: 512, 128>}, {pipeline_mode = #tpu.pipeline_mode<synchronous>, transform_indices = @transform_2, window_bounds = array<i64: 128, 128>}, {transform_indices = @transform_3, window_bounds = array<i64: 512, 128>}]} {
    %get3A = arith.constant 0 : index
    %get3A_0 = arith.constant 0 : index
    %get3A_1 = vector.load %arg1[%get3A, %get3A_0] : memref<512x1xf32, #tpu.memory_space<vmem>>, vector<512x1xf32>
    %get3A_2 = arith.constant 0 : index
    %get3A_3 = arith.constant 0 : index
    %get3A_4 = vector.load %arg2[%get3A_2, %get3A_3] : memref<512x128xf32, #tpu.memory_space<vmem>>, vector<512x128xf32>
    %get3A_5 = arith.constant 0 : index
    %get3A_6 = arith.constant 0 : index
    %get3A_7 = vector.load %arg3[%get3A_5, %get3A_6] : memref<128x128xf32, #tpu.memory_space<vmem>>, vector<128x128xf32>
    %dot_general3A = arith.constant dense<0.000000e+00> : vector<512x128xf32>
    %dot_general3A_8 = tpu.matmul %get3A_4, %get3A_7, %dot_general3A {dimension_numbers = #tpu.dot_dimension_numbers<[1], [0], [0], [1], [0, 0, 1, 1], [], []>, transpose_lhs_hint = false} : vector<512x128xf32>, vector<128x128xf32>, vector<512x128xf32> -> vector<512x128xf32>
    %mul3A = vector.broadcast %get3A_1 : vector<512x1xf32> to vector<512x128xf32>
    %mul3A_9 = arith.mulf %mul3A, %dot_general3A_8 : vector<512x128xf32>
    %swap3A = arith.constant 0 : index
    %swap3A_10 = arith.constant 0 : index
    %swap3A_11 = vector.load %arg4[%swap3A, %swap3A_10] : memref<512x128xf32, #tpu.memory_space<vmem>>, vector<512x128xf32>
    tpu.vector_store %arg4[%swap3A, %swap3A_10], %mul3A_9 {strides = array<i32>} : memref<512x128xf32, #tpu.memory_space<vmem>>, vector<512x128xf32>,
    return
  }
  func.func @transform_0(%arg0: i32) -> (i32, i32) {
    %c0_i32 = arith.constant 0 : i32
    %c0_i32_0 = arith.constant 0 : i32
    return %arg0, %c0_i32 : i32, i32
  }
  func.func @transform_1(%arg0: i32) -> (i32, i32) {
    %c0_i32 = arith.constant 0 : i32
    %c0_i32_0 = arith.constant 0 : i32
    return %arg0, %c0_i32 : i32, i32
  }
  func.func @transform_2(%arg0: i32) -> (i32, i32) {
    %c0_i32 = arith.constant 0 : i32
    %c0_i32_0 = arith.constant 0 : i32
    %c0_i32_1 = arith.constant 0 : i32
    return %c0_i32, %c0_i32_0 : i32, i32
  }
  func.func @transform_3(%arg0: i32) -> (i32, i32) {
    %c0_i32 = arith.constant 0 : i32
    %c0_i32_0 = arith.constant 0 : i32
    return %arg0, %c0_i32 : i32, i32
  }
}

module attributes {stable_mosaic.version = 14 : i64} {
  func.func @_k2_body(%arg0: i32, %arg1: memref<2x512x128xf32, #tpu.memory_space<vmem>>, %arg2: memref<512x128xf32, #tpu.memory_space<vmem>>, %arg3: memref<512x1xf32, #tpu.memory_space<vmem>>, %arg4: memref<128x128xf32, #tpu.memory_space<vmem>>, %arg5: memref<1x128xf32, #tpu.memory_space<vmem>>, %arg6: memref<2x64x512xf32, #tpu.memory_space<vmem>>, %arg7: memref<2x64x1xf32, #tpu.memory_space<vmem>>, %arg8: memref<1x128xf32, #tpu.memory_space<vmem>>, %arg9: memref<64x128xf32, #tpu.memory_space<vmem>>, %arg10: memref<64x128xf32, #tpu.memory_space<vmem>>) attributes {dimension_semantics = [#tpu.dimension_semantics<arbitrary>], iteration_bounds = array<i64: 20>, scalar_prefetch = 0 : i64, scratch_operands = 1 : i64, tpu.core_type = #tpu.core_type<tc>, window_params = [{transform_indices = @transform_0, window_bounds = array<i64: 2, 512, 128>}, {transform_indices = @transform_1, window_bounds = array<i64: 512, 128>}, {transform_indices = @transform_2, window_bounds = array<i64: 512, 1>}, {pipeline_mode = #tpu.pipeline_mode<synchronous>, transform_indices = @transform_3, window_bounds = array<i64: 128, 128>}, {pipeline_mode = #tpu.pipeline_mode<synchronous>, transform_indices = @transform_4, window_bounds = array<i64: 1, 128>}, {transform_indices = @transform_5, window_bounds = array<i64: 2, 64, 512>}, {pipeline_mode = #tpu.pipeline_mode<synchronous>, transform_indices = @transform_6, window_bounds = array<i64: 2, 64, 1>}, {pipeline_mode = #tpu.pipeline_mode<synchronous>, transform_indices = @transform_7, window_bounds = array<i64: 1, 128>}, {pipeline_mode = #tpu.pipeline_mode<synchronous>, transform_indices = @transform_8, window_bounds = array<i64: 64, 128>}]} {
    %get3A = arith.constant 0 : index
    %get3A_0 = arith.constant 0 : index
    %get3A_1 = arith.constant 0 : index
    %get3A_2 = vector.load %arg1[%get3A, %get3A_0, %get3A_1] : memref<2x512x128xf32, #tpu.memory_space<vmem>>, vector<1x512x128xf32>
    %get3A_3 = vector.shape_cast %get3A_2 : vector<1x512x128xf32> to vector<512x128xf32>
    %get3A_4 = arith.constant 1 : index
    %get3A_5 = arith.constant 0 : index
    %get3A_6 = arith.constant 0 : index
    %get3A_7 = vector.load %arg1[%get3A_4, %get3A_5, %get3A_6] : memref<2x512x128xf32, #tpu.memory_space<vmem>>, vector<1x512x128xf32>
    %get3A_8 = vector.shape_cast %get3A_7 : vector<1x512x128xf32> to vector<512x128xf32>
    %add3A = arith.addf %get3A_3, %get3A_8 : vector<512x128xf32>
    %get3A_9 = arith.constant 0 : index
    %get3A_10 = arith.constant 0 : index
    %get3A_11 = vector.load %arg2[%get3A_9, %get3A_10] : memref<512x128xf32, #tpu.memory_space<vmem>>, vector<512x128xf32>
    %add3A_12 = arith.addf %add3A, %get3A_11 : vector<512x128xf32>
    %get3A_13 = arith.constant 0 : index
    %get3A_14 = arith.constant 0 : index
    %get3A_15 = vector.load %arg3[%get3A_13, %get3A_14] : memref<512x1xf32, #tpu.memory_space<vmem>>, vector<512x1xf32>
    %mul3A = vector.broadcast %get3A_15 : vector<512x1xf32> to vector<512x128xf32>
    %mul3A_16 = arith.mulf %add3A_12, %mul3A : vector<512x128xf32>
    %get3A_17 = arith.constant 0 : index
    %get3A_18 = arith.constant 0 : index
    %get3A_19 = vector.load %arg5[%get3A_17, %get3A_18] : memref<1x128xf32, #tpu.memory_space<vmem>>, vector<1x128xf32>
    %add3A_20 = vector.broadcast %get3A_19 : vector<1x128xf32> to vector<512x128xf32>
    %add3A_21 = arith.addf %mul3A_16, %add3A_20 : vector<512x128xf32>
    %gt3A = arith.constant 0.000000e+00 : f32
    %gt3A_22 = vector.broadcast %gt3A : f32 to vector<512x128xf32>
    %gt3A_23 = arith.cmpf ogt, %add3A_21, %gt3A_22 : vector<512x128xf32>
    %mul3A_24 = arith.constant 0.00999999977 : f32
    %mul3A_25 = vector.broadcast %mul3A_24 : f32 to vector<512x128xf32>
    %mul3A_26 = arith.mulf %mul3A_25, %add3A_21 : vector<512x128xf32>
    %select_n3A = arith.select %gt3A_23, %add3A_21, %mul3A_26 : vector<512x128xi1>, vector<512x128xf32>
    %get3A_27 = arith.constant 0 : index
    %get3A_28 = arith.constant 0 : index
    %get3A_29 = vector.load %arg4[%get3A_27, %get3A_28] : memref<128x128xf32, #tpu.memory_space<vmem>>, vector<128x128xf32>
    %dot_general3A = arith.constant dense<0.000000e+00> : vector<512x128xf32>
    %dot_general3A_30 = tpu.matmul %select_n3A, %get3A_29, %dot_general3A {dimension_numbers = #tpu.dot_dimension_numbers<[1], [0], [0], [1], [0, 0, 1, 1], [], []>, transpose_lhs_hint = false} : vector<512x128xf32>, vector<128x128xf32>, vector<512x128xf32> -> vector<512x128xf32>
    %get3A_31 = arith.constant 0 : index
    %get3A_32 = arith.constant 0 : index
    %get3A_33 = vector.load %arg3[%get3A_31, %get3A_32] : memref<512x1xf32, #tpu.memory_space<vmem>>, vector<512x1xf32>
    %mul3A_34 = vector.broadcast %get3A_33 : vector<512x1xf32> to vector<512x128xf32>
    %mul3A_35 = arith.mulf %dot_general3A_30, %mul3A_34 : vector<512x128xf32>
    %get3A_36 = arith.constant 0 : index
    %get3A_37 = arith.constant 0 : index
    %get3A_38 = arith.constant 0 : index
    %get3A_39 = vector.load %arg6[%get3A_36, %get3A_37, %get3A_38] : memref<2x64x512xf32, #tpu.memory_space<vmem>>, vector<1x64x512xf32>
    %get3A_40 = vector.shape_cast %get3A_39 : vector<1x64x512xf32> to vector<64x512xf32>
    %get3A_41 = arith.constant 1 : index
    %get3A_42 = arith.constant 0 : index
    %get3A_43 = arith.constant 0 : index
    %get3A_44 = vector.load %arg6[%get3A_41, %get3A_42, %get3A_43] : memref<2x64x512xf32, #tpu.memory_space<vmem>>, vector<1x64x512xf32>
    %get3A_45 = vector.shape_cast %get3A_44 : vector<1x64x512xf32> to vector<64x512xf32>
    %add3A_46 = arith.addf %get3A_40, %get3A_45 : vector<64x512xf32>
    %dot_general3A_47 = arith.constant dense<0.000000e+00> : vector<64x128xf32>
    %dot_general3A_48 = tpu.matmul %add3A_46, %mul3A_35, %dot_general3A_47 {dimension_numbers = #tpu.dot_dimension_numbers<[1], [0], [0], [1], [0, 0, 1, 1], [], []>, transpose_lhs_hint = false} : vector<64x512xf32>, vector<512x128xf32>, vector<64x128xf32> -> vector<64x128xf32>
    %eq3A = arith.constant 0 : i32
    %eq3A_49 = arith.cmpi eq, %arg0, %eq3A : i32
    %convert_element_type3A = arith.extui %eq3A_49 : i1 to i32
    %cond3A = arith.constant 0 : i32
    %cond3A_50 = arith.cmpi ne, %convert_element_type3A, %cond3A : i32
    scf.if %cond3A_50 {
      %broadcast_in_dim3A = arith.constant 0.000000e+00 : f32
      %broadcast_in_dim3A_62 = vector.broadcast %broadcast_in_dim3A : f32 to vector<64x128xf32>
      %swap3A_63 = arith.constant 0 : index
      %swap3A_64 = arith.constant 0 : index
      %swap3A_65 = vector.load %arg10[%swap3A_63, %swap3A_64] : memref<64x128xf32, #tpu.memory_space<vmem>>, vector<64x128xf32>
      tpu.vector_store %arg10[%swap3A_63, %swap3A_64], %broadcast_in_dim3A_62 {strides = array<i32>} : memref<64x128xf32, #tpu.memory_space<vmem>>, vector<64x128xf32>,
    } else {
    }
    %get3A_51 = arith.constant 0 : index
    %get3A_52 = arith.constant 0 : index
    %get3A_53 = vector.load %arg10[%get3A_51, %get3A_52] : memref<64x128xf32, #tpu.memory_space<vmem>>, vector<64x128xf32>
    %add3A_54 = arith.addf %get3A_53, %dot_general3A_48 : vector<64x128xf32>
    %swap3A = arith.constant 0 : index
    %swap3A_55 = arith.constant 0 : index
    %swap3A_56 = vector.load %arg10[%swap3A, %swap3A_55] : memref<64x128xf32, #tpu.memory_space<vmem>>, vector<64x128xf32>
    tpu.vector_store %arg10[%swap3A, %swap3A_55], %add3A_54 {strides = array<i32>} : memref<64x128xf32, #tpu.memory_space<vmem>>, vector<64x128xf32>,
    %eq3A_57 = arith.constant 19 : i32
    %eq3A_58 = arith.cmpi eq, %arg0, %eq3A_57 : i32
    %convert_element_type3A_59 = arith.extui %eq3A_58 : i1 to i32
    %cond3A_60 = arith.constant 0 : i32
    %cond3A_61 = arith.cmpi ne, %convert_element_type3A_59, %cond3A_60 : i32
    scf.if %cond3A_61 {
      %get3A_62 = arith.constant 0 : index
      %get3A_63 = arith.constant 0 : index
      %get3A_64 = arith.constant 0 : index
      %get3A_65 = vector.load %arg7[%get3A_62, %get3A_63, %get3A_64] : memref<2x64x1xf32, #tpu.memory_space<vmem>>, vector<1x64x1xf32>
      %get3A_66 = vector.shape_cast %get3A_65 : vector<1x64x1xf32> to vector<64x1xf32>
      %get3A_67 = arith.constant 1 : index
      %get3A_68 = arith.constant 0 : index
      %get3A_69 = arith.constant 0 : index
      %get3A_70 = vector.load %arg7[%get3A_67, %get3A_68, %get3A_69] : memref<2x64x1xf32, #tpu.memory_space<vmem>>, vector<1x64x1xf32>
      %get3A_71 = vector.shape_cast %get3A_70 : vector<1x64x1xf32> to vector<64x1xf32>
      %add3A_72 = arith.addf %get3A_66, %get3A_71 : vector<64x1xf32>
      %get3A_73 = arith.constant 0 : index
      %get3A_74 = arith.constant 0 : index
      %get3A_75 = vector.load %arg10[%get3A_73, %get3A_74] : memref<64x128xf32, #tpu.memory_space<vmem>>, vector<64x128xf32>
      %max3A = arith.constant 1.000000e+00 : f32
      %max3A_76 = vector.broadcast %max3A : f32 to vector<64x1xf32>
      %max3A_77 = arith.maximumf %add3A_72, %max3A_76 : vector<64x1xf32>
      %div3A = vector.broadcast %max3A_77 : vector<64x1xf32> to vector<64x128xf32>
      %div3A_78 = arith.divf %get3A_75, %div3A : vector<64x128xf32>
      %get3A_79 = arith.constant 0 : index
      %get3A_80 = arith.constant 0 : index
      %get3A_81 = vector.load %arg8[%get3A_79, %get3A_80] : memref<1x128xf32, #tpu.memory_space<vmem>>, vector<1x128xf32>
      %ge3A = arith.constant 1.000000e+00 : f32
      %ge3A_82 = vector.broadcast %ge3A : f32 to vector<64x1xf32>
      %ge3A_83 = arith.cmpf oge, %add3A_72, %ge3A_82 : vector<64x1xf32>
      %convert_element_type3A_84 = arith.extui %ge3A_83 : vector<64x1xi1> to vector<64x1xi32>
      %convert_element_type3A_85 = arith.sitofp %convert_element_type3A_84 : vector<64x1xi32> to vector<64x1xf32>
      %mul3A_86 = vector.broadcast %get3A_81 : vector<1x128xf32> to vector<64x128xf32>
      %mul3A_87 = vector.broadcast %convert_element_type3A_85 : vector<64x1xf32> to vector<64x128xf32>
      %mul3A_88 = arith.mulf %mul3A_86, %mul3A_87 : vector<64x128xf32>
      %add3A_89 = arith.addf %div3A_78, %mul3A_88 : vector<64x128xf32>
      %swap3A_90 = arith.constant 0 : index
      %swap3A_91 = arith.constant 0 : index
      %swap3A_92 = vector.load %arg9[%swap3A_90, %swap3A_91] : memref<64x128xf32, #tpu.memory_space<vmem>>, vector<64x128xf32>
      tpu.vector_store %arg9[%swap3A_90, %swap3A_91], %add3A_89 {strides = array<i32>} : memref<64x128xf32, #tpu.memory_space<vmem>>, vector<64x128xf32>,
    } else {
    }
    return
  }
  func.func @transform_0(%arg0: i32) -> (i32, i32, i32) {
    %c0_i32 = arith.constant 0 : i32
    %c0_i32_0 = arith.constant 0 : i32
    %c0_i32_1 = arith.constant 0 : i32
    return %c0_i32, %arg0, %c0_i32_0 : i32, i32, i32
  }
  func.func @transform_1(%arg0: i32) -> (i32, i32) {
    %c0_i32 = arith.constant 0 : i32
    %c0_i32_0 = arith.constant 0 : i32
    return %arg0, %c0_i32 : i32, i32
  }
  func.func @transform_2(%arg0: i32) -> (i32, i32) {
    %c0_i32 = arith.constant 0 : i32
    %c0_i32_0 = arith.constant 0 : i32
    return %arg0, %c0_i32 : i32, i32
  }
  func.func @transform_3(%arg0: i32) -> (i32, i32) {
    %c0_i32 = arith.constant 0 : i32
    %c0_i32_0 = arith.constant 0 : i32
    %c0_i32_1 = arith.constant 0 : i32
    return %c0_i32, %c0_i32_0 : i32, i32
  }
  func.func @transform_4(%arg0: i32) -> (i32, i32) {
    %c0_i32 = arith.constant 0 : i32
    %c0_i32_0 = arith.constant 0 : i32
    %c0_i32_1 = arith.constant 0 : i32
    return %c0_i32, %c0_i32_0 : i32, i32
  }
  func.func @transform_5(%arg0: i32) -> (i32, i32, i32) {
    %c0_i32 = arith.constant 0 : i32
    %c0_i32_0 = arith.constant 0 : i32
    %c0_i32_1 = arith.constant 0 : i32
    return %c0_i32, %c0_i32_0, %arg0 : i32, i32, i32
  }
  func.func @transform_6(%arg0: i32) -> (i32, i32, i32) {
    %c0_i32 = arith.constant 0 : i32
    %c0_i32_0 = arith.constant 0 : i32
    %c0_i32_1 = arith.constant 0 : i32
    %c0_i32_2 = arith.constant 0 : i32
    return %c0_i32, %c0_i32_0, %c0_i32_1 : i32, i32, i32
  }
  func.func @transform_7(%arg0: i32) -> (i32, i32) {
    %c0_i32 = arith.constant 0 : i32
    %c0_i32_0 = arith.constant 0 : i32
    %c0_i32_1 = arith.constant 0 : i32
    return %c0_i32, %c0_i32_0 : i32, i32
  }
  func.func @transform_8(%arg0: i32) -> (i32, i32) {
    %c0_i32 = arith.constant 0 : i32
    %c0_i32_0 = arith.constant 0 : i32
    %c0_i32_1 = arith.constant 0 : i32
    return %c0_i32, %c0_i32_0 : i32, i32
  }
}

</mosaic_0001>

<sc_bundles>
// kernel: kernel.11.cloned.1.call-start
scs
__scs_entry_jumppad:
0x0: {  	(pc) =	sbr.rel $0x88, $3  }
0x1: {  	(tag) =	ssettag $0x0;
	lr =	simm.s32 $0x1  }
0x2: {  	[smem:$0x3F9A] =	sst lr;
	_ =	strace $0xD0000000  }
0x3: {  	_ = 	snop  }
0x4: {  	_ = 	snop  }
0x5: {  	_ = 	snop  }
0x6: {  	_ = 	snop  }
0x7: {  	_ = 	snop  }
__scs_overlays_trampoline_lowered:
0x8: {  	[smem:$0x3FA9] =	sst s0  }
0x9: {  	[smem:$0x3FAA] =	sst s1  }
0xa: {  	[smem:$0x3FAB] =	sst s2  }
0xb: {  	[smem:$0x3FAC] =	sst s3  }
0xc: {  	[smem:$0x3FAD] =	sst s4  }
0xd: {  	[smem:$0x3FAE] =	sst s5  }
0xe: {  	[smem:$0x3FAF] =	sst s6  }
0xf: {  	[smem:$0x3FB0] =	sst s7  }
0x10: {  	[smem:$0x3FB1] =	sst s8  }
0x11: {  	[smem:$0x3FB2] =	sst s9;
	s0 =	simm.s32 @!p0 $0x0  }
0x12: {  	s1 =	sld [smem:$0x3F98];
	s0 =	simm.s32 @p0 $0x1  }
0x13: {  	[smem:$0x3FB3] =	sst s0;
	s0 =	simm.s32 @!p1 $0x0  }
0x14: {  	s2 =	sld [smem:$0x3F97];
	s0 =	simm.s32 @p1 $0x1  }
0x15: {  	[smem:$0x3FB4] =	sst s0;
	s0 =	simm.s32 @!p2 $0x0  }
0x16: {  	s3 =	sld [smem:$0x3FDB];
	s0 =	simm.s32 @p2 $0x1  }
0x17: {  	s4 =	simm.s32 $0x1BF5;
	[smem:$0x3FB6] =	sst s0  }
0x18: {  	s0 =	sld [smem:$0x3F99];
	_ =	swait.ge [sflag:s4], $0x0  }
0x19: {  	s7 =	sld [smem:$0x3F9A]  }
0x1a: {  	s8 =	sadd.s32 $0xFFFFE003, lr  }
0x1b: {  	s9 =	sadd.s32 $0xFFFFFEF7, lr;
	s5 =	simm.s32 $0xFFFFFFFF;
	p2 =	slt.u32 s8, $0xFFFFF086  }
0x1c: {  	p1 =	slt.u32 s9, $0xF7A;
	s5 =	simm.s32 @!p2 $0x0  }
0x1d: {  	s5 =	simm.s32 @p1 $0x1;
	p0 =	seq.s32 s7, s2  }
0x1e: {  	s7 =	smul.u32 @!p0 $0xF7A, s2;
	p2 =	seq.s32 @!p0 s5, $0x0  }
0x1f: {  	s9 =	smul.u32 $0xF7A, s1;
	s8 =	simm.s32 @!p0 $0x1BF5;
	p2 =	por !p2, p0  }
0x20: {  	[sflag:s8] =	ssyncset.s32 @!p0 $0xFFFFF086;
	s6 =	sadd.s32 @!p0 s3, s7;
	s7 =	simm.s32 @!p0 $0x108  }
0x21: {  	s3 =	sadd.s32 s3, s9;
	s6 =	sadd.s32 @!p0 $0x88, s6;
	s7 =	simm.s32 @p2 $0x1082  }
0x22: {  	[simem:s7], [sflag:s8] =	dma.local @!p0 [hbm:s6], $0xF7A  }
0x23: {  	s9 =	sor.u32 $0xD0000000, s2;
	s6 =	simm.s32 $0x108;
	_ =	swait.ge @!p0 [sflag:s8], $0x0  }
0x24: {  	s3 =	sadd.s32 $0x88, s3;
	s6 =	simm.s32 @!p1 $0x1082;
	[sflag:s4] =	ssyncset.s32 $0xFFFFF086  }
0x25: {  	[simem:s6], [sflag:s4] =	dma.local [hbm:s3], $0xF7A  }
0x26: {  	[smem:$0x3F9A] =	sst s1;
	(tag) =	ssettag s2;
	_ =	strace s9  }
0x27: {  	s1 =	sld [smem:$0x3FAA]  }
0x28: {  	s2 =	sld [smem:$0x3FAB]  }
0x29: {  	s4 =	sld [smem:$0x3FAD]  }
0x2a: {  	p0 =	seq.s32 s5, $0x0;
	s5 =	sld [smem:$0x3FAE]  }
0x2b: {  	s6 =	sld [smem:$0x3FAF]  }
0x2c: {  	s7 =	sld [smem:$0x3FB0]  }
0x2d: {  	s3 =	simm.s32 $0x108;
	s8 =	sld [smem:$0x3FB1]  }
0x2e: {  	s3 =	simm.s32 @!p0 $0x1082;
	s9 =	sld [smem:$0x3FB2]  }
0x2f: {  	lr =	sadd.s32 s0, s3;
	s0 =	sld [smem:$0x3FA9]  }
0x30: {  	s3 =	sld [smem:$0x3FAC]  }
0x31: {  	[smem:$0x3FB5] =	sst s10  }
0x32: {  	s10 =	sld [smem:$0x3FB3];
	_ =	sdelay $0x3  }
0x33: {  	p0 =	seq.s32 s10, $0x1;
	s10 =	sld [smem:$0x3FB5];
	_ =	sdelay $0x3  }
0x34: {  	[smem:$0x3FB5] =	sst s10  }
0x35: {  	s10 =	sld [smem:$0x3FB4];
	_ =	sdelay $0x3  }
0x36: {  	p1 =	seq.s32 s10, $0x1;
	s10 =	sld [smem:$0x3FB5];
	_ =	sdelay $0x3  }
0x37: {  	[smem:$0x3FB5] =	sst s10  }
0x38: {  	s10 =	sld [smem:$0x3FB6]  }
0x39: {  	_ = 	snop;
	(pc) =	sbr.ind lr, $3  }
0x3a: {  	_ = 	snop  }
0x3b: {  	_ = 	snop  }
0x3c: {  	p2 =	seq.s32 s10, $0x1;
	s10 =	sld [smem:$0x3FB5]  }
0x3d: {  	_ =	shalt  }
0x3e: {  	_ =	shalt  }
0x3f: {  	_ =	shalt  }
0x40: {  	_ =	shalt  }
0x41: {  	_ =	shalt  }
0x42: {  	_ =	shalt  }
0x43: {  	_ =	shalt  }
0x44: {  	_ =	shalt  }
0x45: {  	_ =	shalt  }
0x46: {  	_ =	shalt  }
0x47: {  	_ =	shalt  }
0x48: {  	_ =	shalt  }
0x49: {  	_ =	shalt  }
0x4a: {  	_ =	shalt  }
0x4b: {  	_ =	shalt  }
0x4c: {  	_ =	shalt  }
0x4d: {  	_ =	shalt  }
0x4e: {  	_ =	shalt  }
0x4f: {  	_ =	shalt  }
0x50: {  	_ =	shalt  }
0x51: {  	_ =	shalt  }
0x52: {  	_ =	shalt  }
0x53: {  	_ =	shalt  }
0x54: {  	_ =	shalt  }
0x55: {  	_ =	shalt  }
0x56: {  	_ =	shalt  }
0x57: {  	_ =	shalt  }
0x58: {  	_ =	shalt  }
0x59: {  	_ =	shalt  }
0x5a: {  	_ =	shalt  }
0x5b: {  	_ =	shalt  }
0x5c: {  	_ =	shalt  }
0x5d: {  	_ =	shalt  }
0x5e: {  	_ =	shalt  }
0x5f: {  	_ =	shalt  }
0x60: {  	_ =	shalt  }
0x61: {  	_ =	shalt  }
0x62: {  	_ =	shalt  }
0x63: {  	_ =	shalt  }
0x64: {  	_ =	shalt  }
0x65: {  	_ =	shalt  }
0x66: {  	_ =	shalt  }
0x67: {  	_ =	shalt  }
0x68: {  	_ =	shalt  }
0x69: {  	_ =	shalt  }
0x6a: {  	_ =	shalt  }
0x6b: {  	_ =	shalt  }
0x6c: {  	_ =	shalt  }
0x6d: {  	_ =	shalt  }
0x6e: {  	_ =	shalt  }
0x6f: {  	_ =	shalt  }
0x70: {  	_ =	shalt  }
0x71: {  	_ =	shalt  }
0x72: {  	_ =	shalt  }
0x73: {  	_ =	shalt  }
0x74: {  	_ =	shalt  }
0x75: {  	_ =	shalt  }
0x76: {  	_ =	shalt  }
0x77: {  	_ =	shalt  }
0x78: {  	_ =	shalt  }
0x79: {  	_ =	shalt  }
0x7a: {  	_ =	shalt  }
0x7b: {  	_ =	shalt  }
0x7c: {  	_ =	shalt  }
0x7d: {  	_ =	shalt  }
0x7e: {  	_ =	shalt  }
0x7f: {  	_ =	shalt  }
0x80: {  	_ =	shalt  }
0x81: {  	_ =	shalt  }
0x82: {  	_ =	shalt  }
0x83: {  	_ =	shalt  }
0x84: {  	_ =	shalt  }
0x85: {  	_ =	shalt  }
0x86: {  	_ =	shalt  }
0x87: {  	_ =	shalt  }
.Lfunc_end0:
.L_simem_size_0:
called_computation.1_lowered:
.L_overlay_start_0:
0x88: {  	s2 =	sld [smem:$0x3FD9]  }
0x89: {  	s3 =	sld [smem:$0x3FFE];
	_ =	sdelay $0x1  }
0x8a: {  	s1 =	srdreg.scid  }
0x8b: {  	s0 =	sand.u32 $0x1, s1  }
0x8c: {  	s17 =	sshll.u32 s0, $0xA;
	s2 =	sadd.s32 s3, s2  }
0x8d: {  	s2 =	sadd.s32 s2, s17  }
0x8e: {  	[smem:$0x3FC1] =	sst s2  }
0x8f: {  	_ = 	snop  }
0x90: {  	(tm) =	ssettm $0x1  }
0x91: {  	s18 =	sld [smem:$0x3FFB];
	_ =	sdelay $0x3  }
0x92: {  	_ =	strace s18  }
0x93: {  	s2 =	sld [smem:$0x3FFC];
	_ =	sdelay $0x3  }
0x94: {  	_ =	strace s2  }
0x95: {  	s2 =	sld [smem:$0x3FFD];
	_ =	sdelay $0x3  }
0x96: {  	_ =	strace s2  }
0x97: {  	_ =	strace $0x8FFFFFFF  }
0x98: {  	s19 =	sld [smem:$0x3FDB];
	_ =	sdelay $0x1  }
0x99: {  	s20 =	simm.s32 $_scs_section_size  }
0x9a: {  	s4 =	simm.s32 $_size__tile_overlayer_lowered;
	s5 =	simm.s32 $_tile_overlayer_lowered  }
0x9b: {  	s6 =	simm.s32 $0x1BFF;
	s21 =	sshll.u32 s5, $0x1;
	s3 =	sadd.s32 s20, s19  }
0x9c: {  	s22 =	simm.s32 $0x0;
	s4 =	sshll.u32 s4, $0x1;
	s5 =	sadd.s32 s21, s3  }
0x9d: {  	[timem:s22], [sflag:s6] =	dma.local [hbm:s5], s4  }
0x9e: {  	_ =	swait.ge [sflag:s6], s4  }
0x9f: {  	s4 =	ssub.s32 $0x0, s4;
	[sflag:s6] =	ssyncset.done $0x0  }
0xa0: {  	[sflag:s6] =	ssyncadd.s32 s4;
	_ =	sdelay $0x1  }
0xa1: {  	s23 =	simm.s32 $0x1B8B  }
0xa2: {  	_ =	swait.ge [sflag:s23], $0x1  }
0xa3: {  	[sflag:s23] =	ssyncset.done $0x0  }
0xa4: {  	[sflag:s23] =	ssyncadd.s32 $0xFFFFFFFF  }
0xa5: {  	s4 =	sld [smem:$0x0]  }
0xa6: {  	s5 =	sand.u32 $0xFFFFFFFE, s1  }
0xa7: {  	p0 =	sne.s32 s1, s5  }
0xa8: {  	s5 =	sshll.u32 @p0 s5, $0xE  }
0xa9: {  	s5 =	sadd.s32 @p0 $0x11B8D, s5;
	s6 =	sshll.u32 @p0 s4, $0x11  }
0xaa: {  	s5 =	sor.u32 @p0 s6, s5  }
0xab: {  	[sflag:s5] =	ssyncadd.remote.s32 @p0 $0x1;
	_ =	sdelay $0x1  }
0xac: {  	s5 =	simm.s32 @p0 $0x1B8D  }
0xad: {  	_ =	swait.eq @p0 [sflag:s5], $0x1  }
0xae: {  	[sflag:s5] =	ssyncadd.s32 @p0 $0xFFFFFFFF  }
0xaf: {  	s6 =	sshll.u32 @!p0 s1, $0xE  }
0xb0: {  	s6 =	sor.u32 @!p0 $0x4000, s6;
	s5 =	simm.s32 @!p0 $0x1B8D  }
0xb1: {  	s4 =	sshll.u32 @!p0 s4, $0x11;
	s6 =	sadd.s32 @!p0 $0x11B8D, s6;
	_ =	swait.eq @!p0 [sflag:s5], $0x1  }
0xb2: {  	s4 =	sor.u32 @!p0 s4, s6;
	[sflag:s5] =	ssyncadd.s32 @!p0 $0xFFFFFFFF  }
0xb3: {  	s25 =	simm.s32 $0x1B8E;
	s24 =	sld [smem:$0x3FFE];
	[sflag:s4] =	ssyncadd.remote.s32 @!p0 $0x1  }
0xb4: {  	s26 =	simm.s32 $execute0_lowered;
	[smem:$0x3FD2] =	sst s25  }
0xb5: {  	s5 =	sshll.u32 s26, $0x1;
	_ =	strace $0x8000004C;
	[dreg:$0x1] =	wrdreg $0xFFFFFFFF  }
0xb6: {  	s28 =	simm.s32 $_size_execute0_lowered;
	s3 =	sadd.s32 s3, s5;
	[dreg:$0x0] =	wrdreg $0x0  }
0xb7: {  	s5 =	sshll.u32 s28, $0x1;
	[dreg:$0x2] =	wrdreg s3  }
0xb8: {  	[dreg:$0x3] =	wrdreg s5  }
0xb9: {  	[dreg:$0x4] =	wrdreg $0xC0  }
0xba: {  	_ =	task [dreg:s22], $0x5FFFF  }
0xbb: {  	[dreg:$0x1] =	wrdreg $0xFFFFFFFF  }
0xbc: {  	[dreg:$0x0] =	wrdreg $0x60  }
0xbd: {  	[dreg:$0x2] =	wrdreg s24  }
0xbe: {  	[dreg:$0x3] =	wrdreg $0x0  }
0xbf: {  	[dreg:$0x4] =	wrdreg $0x9  }
0xc0: {  	_ =	task.clear_ibuf [dreg:s22], $0x5FFFF;
	_ =	strace $0x9000004C  }
0xc1: {  	s29 =	simm.s32 $0x9;
	_ =	strace $0x8000004E  }
0xc2: {  	_ =	swait.ge [sflag:s29], $0x1  }
0xc3: {  	[sflag:s29] =	ssyncadd.s32 $0xFFFFFFFF  }
0xc4: {  	_ =	strace $0x9000004E  }
0xc5: {  	_ =	sfence  }
0xc6: {  	s30 =	sld [smem:$0x0];
	_ =	sdelay $0x2  }
0xc7: {  	s31 =	sshll.u32 s1, $0xD;
	s1 =	sshrl.u32 s1, $0x2  }
0xc8: {  	s4 =	sand.u32 $0x4000, s31;
	s1 =	sadd.s32 s1, s30  }
0xc9: {  	s0 =	sor.u32 s4, s0;
	s1 =	sshll.u32 s1, $0x11  }
0xca: {  	s0 =	sor.u32 s1, s0  }
0xcb: {  	s0 =	sadd.s32 $0x8F2B, s0  }
0xcc: {  	[sflag:s0] =	ssyncadd.remote.s32 $0x1  }
0xcd: {  	_ =	sfence.sel $0xFFFF  }
0xce: {  	[dreg:$0x0] =	wrdreg $0xFFFFFFFF;
	(pc) =	sbr.abs _section_cstart, $3  }
0xcf: {  	[dreg:$0x1] =	wrdreg $0xFFFFFFFF  }
0xd0: {  	_ =	task.clear_ibuf [dreg:s22], $0x2FFFF;
	_ =	strace $0x9FFFFFFF  }
0xd1: {  	(tm) =	ssettm $0x7FFFFFFF  }
tec
execute0_lowered:
.L_overlay_start_1:
0x0: {  	(tag) =	ssettag $0x1  }
0x1: {  	s0 =	rddreg [dreg:$0x0]  }
0x2: {  	s1 =	rddreg [dreg:$0x1]  }
0x3: {  	s3 =	simm.s32 $0x0;
	s2 =	srdreg.scid;
	s11 =	stileid.u32  }
0x4: {  	s30 =	simm.s32 $0x14000;
	s31 =	simm.s32 $0xC;
	s28 =	simm.s32 $0x9  }
0x5: {  	s2 =	sand.u32 $0x1, s2;
	s6 =	smul.u32 $0x14000, s11;
	s8 =	sshll.u32 s11, $0x1  }
0x6: {  	[smem:$0x7FF] =	sst s3;
	s5 =	smul.u32 $0x140000, s2;
	s24 =	sor.u32 s2, s8  }
0x7: {  	s4 =	sadd.s32 $0x5F000, s0;
	s7 =	sadd.s32 $0xC200, s0;
	s10 =	smul.u32 $0x2710, s24  }
0x8: {  	s9 =	sadd.s32 $0x2400, s0;
	s5 =	sadd.s32 s6, s5;
	s6 =	smul.u32 $0x4E2, s24  }
0x9: {  	s13 =	smul.u32 $0x50000, s11;
	_ =	strace $0x8000004D;
	s25 =	ssub.s32 $0x2, s2  }
0xa: {  	s26 =	sshrl.u32 s25, $0x1;
	s10 =	sshrl.u32 s10, $0x3;
	s12 =	sadd.s32 s7, s6  }
0xb: {  	s6 =	sadd.s32 s9, s6;
	s14 =	sadd.s32 $0xA, s10;
	[dreg:$0x3] =	wrdreg s12  }
0xc: {  	s5 =	sshrl.u32 s5, $0x3;
	[dreg:$0x4] =	wrdreg s6;
	s15 =	sadd.s32 s7, s14  }
0xd: {  	s8 =	sadd.s32 $0x14, s10;
	s6 =	sadd.s32 s9, s14;
	[dreg:$0x5] =	wrdreg s15  }
0xe: {  	s0 =	sadd.s32 s5, s0;
	s16 =	sadd.s32 s7, s8;
	[dreg:$0x6] =	wrdreg s6  }
0xf: {  	s5 =	ssub.s32 s25, s26;
	s17 =	sadd.s32 s9, s8;
	[dreg:$0x7] =	wrdreg s16  }
0x10: {  	s10 =	sshrl.u32 s13, $0x2;
	s0 =	sadd.s32 $0x87000, s0;
	[dreg:$0x8] =	wrdreg s17  }
0x11: {  	s10 =	sadd.s32 s10, s1;
	s5 =	smax.u32 s5, $0x1;
	[dreg:$0x10] =	wrdreg s0  }
0x12: {  	s29 =	simm.s32 $0x0;
	s18 =	sadd.s32 $0x2800, s10;
	[dreg:$0x11] =	wrdreg s5  }
0x13: {  	s22 =	smul.u32 $0x9C4, s11;
	s19 =	sadd.s32 $0x5000, s10;
	[dreg:$0x9] =	wrdreg s18  }
0x14: {  	s2 =	smul.u32 $0x4E2, s2;
	s20 =	sadd.s32 $0x7800, s10;
	[dreg:$0xa] =	wrdreg s19  }
0x15: {  	s7 =	sadd.s32 s22, s7;
	s21 =	sadd.s32 $0xA000, s10;
	[dreg:$0xb] =	wrdreg s20  }
0x16: {  	s8 =	simm.s32 $0x1B880;
	s23 =	sadd.s32 $0xC800, s10;
	[dreg:$0xc] =	wrdreg s21  }
0x17: {  	s24 =	sadd.s32 $0xF000, s10;
	s25 =	sadd.s32 $0x11800, s10;
	[dreg:$0xd] =	wrdreg s23  }
0x18: {  	s6 =	sadd.s32 s22, s9;
	s26 =	sadd.s32 s2, s7;
	[dreg:$0xe] =	wrdreg s24  }
0x19: {  	s7 =	simm.s32 $0x1B800;
	s0 =	simm.s32 $0x4;
	[dreg:$0xf] =	wrdreg s25  }
0x1a: {  	s2 =	sadd.s32 s2, s6;
	s11 =	sadd.s32 $0x1E, s26;
	s24 =	simm.s32 $0x8  }
0x1b: {  	v0 =	vimm.f32 $0.0e+00;
	s26 =	simm.s32 $0x50;
	s22 =	sadd.s32 $0x1E, s2;
	s2 =	simm.s32 $0x5  }
.LBB2_1:
0x1c: {  	s5 =	rddreg [dreg:$0x3]  }
0x1d: {  	s16 =	rddreg [dreg:$0x4]  }
0x1e: {  	[tilespmem:s7], [sflag:$0x4] =	stream.linear.gather [hbm4b:s5+s3], $0x50, $0x38;
	[tilespmem:$0x1BC00] =	vst v63  }
0x1f: {  	s6 =	simm.s32 $0x1BA00;
	s17 =	rddreg [dreg:$0x5]  }
0x20: {  	[tilespmem:s6], [sflag:$0x8] =	stream.linear.gather [hbm4b:s16+s3], $0x50, $0x38;
	[tilespmem:$0x1BC00] =	vst v63  }
0x21: {  	s18 =	rddreg [dreg:$0x6]  }
0x22: {  	[tilespmem:s8], [sflag:$0x5] =	stream.linear.gather [hbm4b:s17+s3], $0x50, $0x38;
	[tilespmem:$0x1BC00] =	vst v63  }
0x23: {  	s19 =	simm.s32 $0x1BA80;
	s20 =	rddreg [dreg:$0x7]  }
0x24: {  	[tilespmem:s19], [sflag:$0x9] =	stream.linear.gather [hbm4b:s18+s3], $0x50, $0x38;
	[tilespmem:$0x1BC00] =	vst v63  }
0x25: {  	s21 =	simm.s32 $0x1B900;
	s23 =	rddreg [dreg:$0x8]  }
0x26: {  	[tilespmem:s21], [sflag:$0x6] =	stream.linear.gather [hbm4b:s20+s3], $0x50, $0x38;
	[tilespmem:$0x1BC00] =	vst v63  }
0x27: {  	s25 =	simm.s32 $0x1BB00;
	s5 =	simm.s32 $0x0;
	s6 =	simm.s32 $0x200  }
0x28: {  	[tilespmem:s25], [sflag:$0xA] =	stream.linear.gather [hbm4b:s23+s3], $0x50, $0x38;
	[tilespmem:$0x1BC00] =	vst v63  }
.LBB2_2:
0x29: {  	p0 =	sne.s32 s6, $0x9E00;
	[tilespmem:s5+$0x14070] =	vst v0  }
0x2a: {  	[tilespmem:s5+$0x14000] =	vst v0  }
0x2b: {  	[tilespmem:s5+$0x14010] =	vst v0  }
.Ltmp0:
0x2c: {  	[tilespmem:s5+$0x14020] =	vst v0;
	(pc) =	sbr.rel @p0 .LBB2_2-.Ltmp0, $4  }
0x2d: {  	[tilespmem:s5+$0x14030] =	vst v0  }
0x2e: {  	[tilespmem:s5+$0x14040] =	vst v0  }
0x2f: {  	[tilespmem:s5+$0x14050] =	vst v0  }
0x30: {  	[tilespmem:s5+$0x14060] =	vst v0;
	s5 =	sshra.s32 s6, $0x2;
	s6 =	sadd.s32 $0x200, s6  }
0x31: {  	[tilespmem:s5+$0x14070] =	vst v0  }
0x32: {  	[tilespmem:s5+$0x14000] =	vst v0  }
0x33: {  	[tilespmem:s5+$0x14010] =	vst v0  }
0x34: {  	[tilespmem:s5+$0x14020] =	vst v0  }
0x35: {  	[tilespmem:s5+$0x14030] =	vst v0  }
0x36: {  	[tilespmem:s5+$0x14040] =	vst v0  }
0x37: {  	[tilespmem:s5+$0x14050] =	vst v0  }
0x38: {  	[tilespmem:s5+$0x14060] =	vst v0  }
0x39: {  	[spmem:s10] =	stream.linear.scatter [tilespmem:s30], [sflag:$0xC], $0x2800, $0x38;
	[tilespmem:$0x1BC00] =	vst v63  }
0x3a: {  	_ =	swait.ge [sflag:s31], $0x2800  }
0x3b: {  	[sflag:s31] =	ssyncset.done $0x0  }
0x3c: {  	s9 =	rddreg [dreg:$0x9];
	[sflag:s31] =	ssyncadd.s32 $0xFFFFD800  }
0x3d: {  	[spmem:s9] =	stream.linear.scatter [tilespmem:s30], [sflag:$0xC], $0x2800, $0x38;
	[tilespmem:$0x1BC00] =	vst v63  }
0x3e: {  	_ =	swait.ge [sflag:s31], $0x2800  }
0x3f: {  	[sflag:s31] =	ssyncset.done $0x0  }
0x40: {  	s12 =	rddreg [dreg:$0xa];
	[sflag:s31] =	ssyncadd.s32 $0xFFFFD800  }
0x41: {  	[spmem:s12] =	stream.linear.scatter [tilespmem:s30], [sflag:$0xC], $0x2800, $0x38;
	[tilespmem:$0x1BC00] =	vst v63  }
0x42: {  	_ =	swait.ge [sflag:s31], $0x2800  }
0x43: {  	[sflag:s31] =	ssyncset.done $0x0  }
0x44: {  	s13 =	rddreg [dreg:$0xb];
	[sflag:s31] =	ssyncadd.s32 $0xFFFFD800  }
0x45: {  	[spmem:s13] =	stream.linear.scatter [tilespmem:s30], [sflag:$0xC], $0x2800, $0x38;
	[tilespmem:$0x1BC00] =	vst v63  }
0x46: {  	_ =	swait.ge [sflag:s31], $0x2800  }
0x47: {  	[sflag:s31] =	ssyncset.done $0x0  }
0x48: {  	s14 =	rddreg [dreg:$0xc];
	[sflag:s31] =	ssyncadd.s32 $0xFFFFD800  }
0x49: {  	[spmem:s14] =	stream.linear.scatter [tilespmem:s30], [sflag:$0xC], $0x2800, $0x38;
	[tilespmem:$0x1BC00] =	vst v63  }
0x4a: {  	_ =	swait.ge [sflag:s31], $0x2800  }
0x4b: {  	[sflag:s31] =	ssyncset.done $0x0  }
0x4c: {  	s15 =	rddreg [dreg:$0xd];
	[sflag:s31] =	ssyncadd.s32 $0xFFFFD800  }
0x4d: {  	[spmem:s15] =	stream.linear.scatter [tilespmem:s30], [sflag:$0xC], $0x2800, $0x38;
	[tilespmem:$0x1BC00] =	vst v63  }
0x4e: {  	_ =	swait.ge [sflag:s31], $0x2800  }
0x4f: {  	[sflag:s31] =	ssyncset.done $0x0  }
0x50: {  	s16 =	rddreg [dreg:$0xe];
	[sflag:s31] =	ssyncadd.s32 $0xFFFFD800  }
0x51: {  	[spmem:s16] =	stream.linear.scatter [tilespmem:s30], [sflag:$0xC], $0x2800, $0x38;
	[tilespmem:$0x1BC00] =	vst v63  }
0x52: {  	_ =	swait.ge [sflag:s31], $0x2800  }
0x53: {  	[sflag:s31] =	ssyncset.done $0x0  }
0x54: {  	s17 =	rddreg [dreg:$0xf];
	[sflag:s31] =	ssyncadd.s32 $0xFFFFD800  }
0x55: {  	[spmem:s17] =	stream.linear.scatter [tilespmem:s30], [sflag:$0xC], $0x2800, $0x38;
	[tilespmem:$0x1BC00] =	vst v63  }
0x56: {  	_ =	swait.ge [sflag:s31], $0x2800  }
0x57: {  	[sflag:s31] =	ssyncset.done $0x0  }
0x58: {  	[sflag:s31] =	ssyncadd.s32 $0xFFFFD800  }
0x59: {  	[bflag:$0x0] =	sbarrier.arrive $0xFFFF  }
0x5a: {  	_ =	swait.ge [sflag:s0], $0x50  }
0x5b: {  	p0 =	por $0x0, $0x0;
	[sflag:s0] =	ssyncset.done $0x0  }
0x5c: {  	s5 =	simm.s32 @!p0 $0x2;
	[sflag:s0] =	ssyncadd.s32 $0xFFFFFFB0  }
0x5d: {  	s6 =	smul.u32 @!p0 $0xAB, s5;
	_ =	swait.ge [sflag:s24], $0x50  }
0x5e: {  	s18 =	simm.s32 $0x16800;
	s19 =	simm.s32 $0x0;
	[sflag:s24] =	ssyncset.done $0x0  }
0x5f: {  	p1 =	por @!p0 $0x0, $0x0;
	s6 =	sshrl.u32 @!p0 s6, $0x9;
	[sflag:s24] =	ssyncadd.s32 $0xFFFFFFB0  }
0x60: {  	[tilespmem:s30], [sflag:$0x1] =	stream.indirect.gather [hbm4b:s4+s26], $0x80, s7, s26, $0xb8;
	[tilespmem:$0x1BC00] =	vst v63  }
0x61: {  	s5 =	sand.u32 @!p0 $0x3, s5;
	s6 =	sand.u32 @!p0 $0x7F, s6;
	_ =	swait.ge [sflag:s2], $0x50  }
0x62: {  	s9 =	simm.s32 $0x0;
	s6 =	smul.u32 @!p0 $0x3, s6;
	[sflag:s2] =	ssyncset.done $0x0  }
0x63: {  	p1 =	por p1, p0;
	s21 =	sand.u32 $0x600, s9;
	[sflag:s2] =	ssyncadd.s32 $0xFFFFFFB0  }
0x64: {  	s9 =	simm.s32 @!p1 $0x0;
	s6 =	ssub.s32 @!p0 $0x2, s6;
	_ =	swait.ge [sflag:s28], $0x50  }
0x65: {  	s12 =	sshll.u32 @!p0 s5, $0x7;
	s6 =	sand.u32 @!p0 $0xFF, s6;
	[sflag:s28] =	ssyncset.done $0x0  }
0x66: {  	s12 =	sor.u32 @!p0 $0x1B800, s12;
	s13 =	simm.s32 @!p0 $0x50;
	[sflag:s28] =	ssyncadd.s32 $0xFFFFFFB0  }
0x67: {  	[tilespmem:s18], [sflag:$0x2] =	stream.indirect.gather [hbm4b:s4+s26], $0x80, s8, s26, $0xb8;
	[tilespmem:$0x1BC00] =	vst v63  }
0x68: {  	s14 =	sor.u32 @!p0 $0x8, s5;
	s5 =	sor.u32 @!p0 $0x4, s5;
	s8 =	smul.u32 $0xAB, s19  }
0x69: {  	s15 =	smul.u32 @!p0 $0xA000, s6;
	s6 =	sadd.s32 @!p0 $0x1, s6;
	_ =	swait.ge @!p0 [sflag:s5], $0x50  }
0x6a: {  	s7 =	simm.s32 $0x3;
	[sflag:s5] =	ssyncset.done @!p0 $0x0;
	s8 =	sshrl.u32 s8, $0x9  }
0x6b: {  	s7 =	sand.u32 @!p1 $0x3, s7;
	[sflag:s5] =	ssyncadd.s32 @!p0 $0xFFFFFFB0;
	s8 =	sand.u32 $0x7F, s8  }
0x6c: {  	s5 =	sshrl.u32 @!p0 s15, $0x2;
	_ =	swait.ge @!p0 [sflag:s14], $0x50;
	s20 =	smul.u32 $0x3, s8  }
0x6d: {  	s15 =	sshll.u32 @!p1 s7, $0x7;
	s5 =	sadd.s32 @!p0 $0x14000, s5;
	[sflag:s14] =	ssyncset.done @!p0 $0x0  }
0x6e: {  	s8 =	simm.s32 $0x4;
	[sflag:s14] =	ssyncadd.s32 @!p0 $0xFFFFFFB0;
	s23 =	ssub.s32 $0x0, s20  }
0x6f: {  	[tilespmem:s5], [sflag:s6] =	stream.indirect.gather @!p0 [hbm4b:s4+s13], $0x80, s12, s13, $0xb8;
	[tilespmem:$0x1BC00] =	vst v63  }
0x70: {  	s6 =	sor.u32 @!p1 $0x1B800, s15;
	s12 =	sor.u32 @!p1 $0x4, s7;
	s25 =	sand.u32 $0xFF, s23  }
0x71: {  	s7 =	sor.u32 @!p1 $0x8, s7;
	s5 =	simm.s32 $0x200;
	s14 =	sadd.s32 $0x1, s25  }
0x72: {  	[tilespmem:s6], [sflag:s12] =	stream.linear.gather @!p1 [hbm4b:s11+s9], $0x50, $0x38;
	[tilespmem:$0x1BC00] =	vst v63  }
0x73: {  	s16 =	smul.u32 $0xA000, s25;
	s6 =	sor.u32 @!p1 $0x1BA00, s15;
	s15 =	sshrl.u32 s21, $0x2  }
0x74: {  	[tilespmem:s6], [sflag:s7] =	stream.linear.gather @!p1 [hbm4b:s22+s9], $0x50, $0x38;
	[tilespmem:$0x1BC00] =	vst v63  }
0x75: {  	s21 =	smov.u32 s11;
	s9 =	simm.s32 $0x5;
	_ =	swait.ge [sflag:s14], $0x2800  }
0x76: {  	s7 =	simm.s32 $0x1;
	s6 =	sadd.s32 $0xA, s22;
	[sflag:s14] =	ssyncset.done $0x0  }
.LBB2_4:
0x77: {  	p1 =	sgt.u32 s7, $0x7A  }
0x78: {  	s21 =	sadd.s32 $0xA, s21;
	s12 =	smov.u32 s9;
	s9 =	sadd.s32 $0x1, s9  }
0x79: {  	s13 =	sand.u32 $0x600, s5;
	p0 =	sne.s32 s9, $0x80;
	s17 =	sadd.s32 @!p1 $0xFFFFFFFF, s8  }
0x7a: {  	s13 =	sshrl.u32 s13, $0x2;
	s18 =	sand.u32 @!p1 $0x3, s17;
	s19 =	smul.u32 @!p1 $0xAB, s17  }
0x7b: {  	s15 =	sor.u32 $0x1BA00, s15;
	s25 =	simm.s32 @!p1 $0x50;
	s23 =	sshll.u32 @!p1 s18, $0x7  }
0x7c: {  	s16 =	sshrl.u32 s16, $0x2;
	s23 =	sor.u32 @!p1 $0x1B800, s23;
	s19 =	sshrl.u32 @!p1 s19, $0x9  }
0x7d: {  	s16 =	sadd.s32 $0x14000, s16;
	s19 =	sand.u32 @!p1 $0x7F, s19;
	[sflag:s14] =	ssyncadd.s32 $0xFFFFD800  }
0x7e: {  	p2 =	seq.s32 @!p1 s8, $0x7D;
	s14 =	sor.u32 @!p1 $0x8, s18;
	s19 =	smul.u32 @!p1 $0x3, s19  }
0x7f: {  	[spmem:s1] =	stream.indirect.scatter.add.f32 [tilespmem:s16], [sflag:$0xC], $0x80, s15, s26, $0xb8;
	[tilespmem:$0x1BC00] =	vst v63  }
0x80: {  	s15 =	sor.u32 @!p1 $0x4, s18;
	s16 =	ssub.s32 @!p1 s17, s19;
	_ =	swait.ge [sflag:s31], $0x2800  }
0x81: {  	s17 =	smul.u32 $0xAB, s7;
	s16 =	sand.u32 @!p1 $0xFF, s16;
	[sflag:s31] =	ssyncset.done $0x0  }
0x82: {  	s18 =	smul.u32 @!p1 $0xA000, s16;
	s16 =	sadd.s32 @!p1 $0x1, s16;
	[sflag:s31] =	ssyncadd.s32 $0xFFFFD800  }
0x83: {  	p2 =	por p2, p1;
	s17 =	sshrl.u32 s17, $0x9;
	_ =	swait.ge @!p1 [sflag:s15], $0x50  }
0x84: {  	s8 =	sand.u32 @!p2 $0x3, s8;
	[sflag:s15] =	ssyncset.done @!p1 $0x0;
	s18 =	sshrl.u32 @!p1 s18, $0x2  }
0x85: {  	[sflag:s15] =	ssyncadd.s32 @!p1 $0xFFFFFFB0;
	s15 =	sadd.s32 @!p1 $0x14000, s18;
	s18 =	sshll.u32 @!p2 s8, $0x7  }
0x86: {  	s17 =	sand.u32 $0x7F, s17;
	_ =	swait.ge @!p1 [sflag:s14], $0x50;
	s19 =	sor.u32 @!p2 $0x1B800, s18  }
0x87: {  	s20 =	sor.u32 @!p2 $0x8, s8;
	s18 =	sor.u32 @!p2 $0x1BA00, s18;
	[sflag:s14] =	ssyncset.done @!p1 $0x0  }
0x88: {  	s17 =	smul.u32 $0x3, s17;
	[sflag:s14] =	ssyncadd.s32 @!p1 $0xFFFFFFB0;
	s14 =	simm.s32 @!p2 $0x0  }
0x89: {  	[tilespmem:s15], [sflag:s16] =	stream.indirect.gather @!p1 [hbm4b:s4+s25], $0x80, s23, s25, $0xb8;
	[tilespmem:$0x1BC00] =	vst v63  }
0x8a: {  	s7 =	ssub.s32 s7, s17;
	s15 =	sor.u32 @!p2 $0x4, s8;
	s8 =	smov.u32 s12  }
0x8b: {  	[tilespmem:s19], [sflag:s15] =	stream.linear.gather @!p2 [hbm4b:s21+s14], $0x50, $0x38;
	[tilespmem:$0x1BC00] =	vst v63  }
.Ltmp1:
0x8c: {  	s7 =	sand.u32 $0xFF, s7;
	s15 =	smov.u32 s13;
	(pc) =	sbr.rel @p0 .LBB2_4-.Ltmp1, $4  }
0x8d: {  	[tilespmem:s18], [sflag:s20] =	stream.linear.gather @!p2 [hbm4b:s6+s14], $0x50, $0x38;
	[tilespmem:$0x1BC00] =	vst v63  }
0x8e: {  	s16 =	smul.u32 $0xA000, s7;
	s14 =	sadd.s32 $0x1, s7  }
0x8f: {  	s5 =	sadd.s32 $0x200, s5;
	_ =	swait.ge [sflag:s14], $0x2800  }
0x90: {  	s7 =	sadd.s32 $0xFFFFFFFD, s8;
	s6 =	sadd.s32 $0xA, s6;
	[sflag:s14] =	ssyncset.done $0x0  }
0x91: {  	p0 =	sgt.u32 s7, $0x7A  }
0x92: {  	s13 =	sadd.s32 $0xA, s21;
	s15 =	sor.u32 $0x1BA00, s15;
	s16 =	sshrl.u32 s16, $0x2  }
0x93: {  	[sflag:s14] =	ssyncadd.s32 $0xFFFFD800;
	s25 =	smul.u32 $0xAB, s7;
	s9 =	sadd.s32 @!p0 $0xFFFFFFFF, s8  }
0x94: {  	s19 =	simm.s32 @!p0 $0x50;
	s16 =	sadd.s32 $0x14000, s16;
	s12 =	smul.u32 @!p0 $0xAB, s9  }
0x95: {  	[spmem:s1] =	stream.indirect.scatter.add.f32 [tilespmem:s16], [sflag:$0xC], $0x80, s15, s26, $0xb8;
	[tilespmem:$0x1BC00] =	vst v63  }
0x96: {  	p1 =	seq.s32 @!p0 s8, $0x7D;
	s17 =	sand.u32 @!p0 $0x3, s9;
	s12 =	sshrl.u32 @!p0 s12, $0x9  }
0x97: {  	p1 =	por p1, p0;
	_ =	swait.ge [sflag:s31], $0x2800;
	s12 =	sand.u32 @!p0 $0x7F, s12  }
0x98: {  	s18 =	sshll.u32 @!p0 s17, $0x7;
	[sflag:s31] =	ssyncset.done $0x0;
	s12 =	smul.u32 @!p0 $0x3, s12  }
0x99: {  	s15 =	sor.u32 @!p0 $0x8, s17;
	s16 =	sor.u32 @!p0 $0x4, s17;
	[sflag:s31] =	ssyncadd.s32 $0xFFFFD800  }
0x9a: {  	s8 =	sand.u32 @!p1 $0x3, s8;
	_ =	swait.ge @!p0 [sflag:s16], $0x50;
	s9 =	ssub.s32 @!p0 s9, s12  }
0x9b: {  	s14 =	sor.u32 @!p0 $0x1B800, s18;
	[sflag:s16] =	ssyncset.done @!p0 $0x0;
	s9 =	sand.u32 @!p0 $0xFF, s9  }
0x9c: {  	s12 =	sshrl.u32 s25, $0x9;
	[sflag:s16] =	ssyncadd.s32 @!p0 $0xFFFFFFB0;
	s17 =	smul.u32 @!p0 $0xA000, s9  }
0x9d: {  	_ =	swait.ge @!p0 [sflag:s15], $0x50;
	s12 =	sand.u32 $0x7F, s12;
	s9 =	sadd.s32 @!p0 $0x1, s9  }
0x9e: {  	[sflag:s15] =	ssyncset.done @!p0 $0x0;
	s12 =	smul.u32 $0x3, s12;
	s17 =	sshrl.u32 @!p0 s17, $0x2  }
0x9f: {  	[sflag:s15] =	ssyncadd.s32 @!p0 $0xFFFFFFB0;
	s16 =	sadd.s32 @!p0 $0x14000, s17;
	s17 =	sshll.u32 @!p1 s8, $0x7  }
0xa0: {  	[tilespmem:s16], [sflag:s9] =	stream.indirect.gather @!p0 [hbm4b:s4+s19], $0x80, s14, s19, $0xb8;
	[tilespmem:$0x1BC00] =	vst v63  }
0xa1: {  	s18 =	sor.u32 @!p1 $0x1B800, s17;
	s9 =	simm.s32 @!p1 $0x0;
	s16 =	ssub.s32 s7, s12  }
0xa2: {  	s14 =	sor.u32 @!p1 $0x4, s8;
	s12 =	sor.u32 @!p1 $0x1BA00, s17;
	s7 =	sand.u32 $0xFF, s16  }
0xa3: {  	[tilespmem:s18], [sflag:s14] =	stream.linear.gather @!p1 [hbm4b:s13+s9], $0x50, $0x38;
	[tilespmem:$0x1BC00] =	vst v63  }
0xa4: {  	s8 =	sor.u32 @!p1 $0x8, s8;
	s19 =	smul.u32 $0xA000, s7;
	s7 =	sadd.s32 $0x1, s7  }
0xa5: {  	[tilespmem:s12], [sflag:s8] =	stream.linear.gather @!p1 [hbm4b:s6+s9], $0x50, $0x38;
	[tilespmem:$0x1BC00] =	vst v63  }
0xa6: {  	s5 =	sand.u32 $0x600, s5;
	_ =	swait.ge [sflag:s7], $0x2800  }
0xa7: {  	s5 =	sshrl.u32 s5, $0x2;
	s6 =	sshrl.u32 s19, $0x2;
	[sflag:s7] =	ssyncset.done $0x0  }
0xa8: {  	s5 =	sor.u32 $0x1BA00, s5;
	s6 =	sadd.s32 $0x14000, s6;
	[sflag:s7] =	ssyncadd.s32 $0xFFFFD800  }
0xa9: {  	[spmem:s1] =	stream.indirect.scatter.add.f32 [tilespmem:s6], [sflag:$0xC], $0x80, s5, s26, $0xb8;
	[tilespmem:$0x1BC00] =	vst v63  }
0xaa: {  	_ =	swait.ge [sflag:s31], $0x2800  }
0xab: {  	[sflag:s31] =	ssyncset.done $0x0  }
0xac: {  	s20 =	stileid.u32;
	[sflag:s31] =	ssyncadd.s32 $0xFFFFD800  }
0xad: {  	s5 =	sshll.u32 s20, $0x6;
	[bflag:$0x0] =	sbarrier.arrive $0xFFFF  }
0xae: {  	s21 =	sshrl.u32 s10, $0x3;
	s5 =	sor.u32 $0x1C0C, s5;
	s23 =	rddreg [dreg:$0x10]  }
0xaf: {  	[hbm:s23], [sflag:s5] =	dma.local [spmem:s21], $0x2800  }
0xb0: {  	_ =	swait.ge [sflag:s31], $0x2800  }
0xb1: {  	s29 =	sadd.s32 $0x1, s29;
	s25 =	rddreg [dreg:$0x11]  }
0xb2: {  	p0 =	sne.s32 s29, s25  }
.Ltmp2:
0xb3: {  	_ = 	snop;
	(pc) =	sbr.rel @p0 .LBB2_1-.Ltmp2, $3  }
0xb4: {  	_ =	sdelay $0x1  }
0xb5: {  	[sflag:s31] =	ssyncset.done $0x0  }
0xb6: {  	s8 =	simm.s32 $0x1B880;
	s7 =	simm.s32 $0x1B800;
	[sflag:s31] =	ssyncadd.s32 $0xFFFFD800  }
0xb7: {  	_ =	sfence.sel $0x180000  }
0xb8: {  	[bflag:$0x0] =	sbarrier.arrive $0xFFFF  }
0xb9: {  	_ =	strace $0x9000004D  }
0xba: {  	s0 =	stileid.u32;
	[bflag:$0x2] =	sbarrier.arrive $0xFFFF  }
0xbb: {  	p0 =	sne.s32 s0, $0x0;
	s0 =	rddreg [dreg:$0x2]  }
0xbc: {  	s0 =	sadd.s32 @!p0 $0x100000, s0  }
0xbd: {  	[sflag:s0] =	ssyncadd.tile.s32 @!p0 $0x1;
	_ =	shalt  }
.Lfunc_end2:
_tile_overlayer_lowered:
.L_overlay_start_2:
0xbe: {  	(tag) =	ssettag $0x2  }
0xbf: {  	s0 =	rddreg [dreg:$0x0];
	s2 =	stileid.u32  }
0xc0: {  	s1 =	rddreg [dreg:$0x1];
	p0 =	sne.s32 s2, $0x0  }
0xc1: {  	s3 =	rddreg [dreg:$0x2];
	[bflag:$0x3] =	sbarrier.arrive $0xFFFF;
	s2 =	simm.s32 @!p0 $0x1C0C  }
0xc2: {  	[timem:s3], [sflag:s2] =	dma.local @!p0 [hbm:s0], s1  }
0xc3: {  	s0 =	simm.s32 @!p0 $0xC  }
0xc4: {  	_ =	swait.ge @!p0 [sflag:s0], s1  }
0xc5: {  	s1 =	ssub.s32 @!p0 $0x0, s1;
	[sflag:s0] =	ssyncset.done @!p0 $0x0  }
0xc6: {  	[sflag:s0] =	ssyncadd.s32 @!p0 s1  }
0xc7: {  	[bflag:$0x3] =	sbarrier.arrive $0xFFFF  }
0xc8: {  	_ =	shalt  }

// kernel: kernel.14.cloned.1.call-start
scs
__scs_entry_jumppad:
0x0: {  	(pc) =	sbr.rel $0x88, $3  }
0x1: {  	(tag) =	ssettag $0x0;
	lr =	simm.s32 $0x1  }
0x2: {  	[smem:$0x3F9A] =	sst lr;
	_ =	strace $0xD0000000  }
0x3: {  	_ = 	snop  }
0x4: {  	_ = 	snop  }
0x5: {  	_ = 	snop  }
0x6: {  	_ = 	snop  }
0x7: {  	_ = 	snop  }
__scs_overlays_trampoline_lowered:
0x8: {  	[smem:$0x3FA9] =	sst s0  }
0x9: {  	[smem:$0x3FAA] =	sst s1  }
0xa: {  	[smem:$0x3FAB] =	sst s2  }
0xb: {  	[smem:$0x3FAC] =	sst s3  }
0xc: {  	[smem:$0x3FAD] =	sst s4  }
0xd: {  	[smem:$0x3FAE] =	sst s5  }
0xe: {  	[smem:$0x3FAF] =	sst s6  }
0xf: {  	[smem:$0x3FB0] =	sst s7  }
0x10: {  	[smem:$0x3FB1] =	sst s8  }
0x11: {  	[smem:$0x3FB2] =	sst s9;
	s0 =	simm.s32 @!p0 $0x0  }
0x12: {  	s1 =	sld [smem:$0x3F98];
	s0 =	simm.s32 @p0 $0x1  }
0x13: {  	[smem:$0x3FB3] =	sst s0;
	s0 =	simm.s32 @!p1 $0x0  }
0x14: {  	s2 =	sld [smem:$0x3F97];
	s0 =	simm.s32 @p1 $0x1  }
0x15: {  	[smem:$0x3FB4] =	sst s0;
	s0 =	simm.s32 @!p2 $0x0  }
0x16: {  	s3 =	sld [smem:$0x3FDB];
	s0 =	simm.s32 @p2 $0x1  }
0x17: {  	s4 =	simm.s32 $0x1BF5;
	[smem:$0x3FB6] =	sst s0  }
0x18: {  	s0 =	sld [smem:$0x3F99];
	_ =	swait.ge [sflag:s4], $0x0  }
0x19: {  	s7 =	sld [smem:$0x3F9A]  }
0x1a: {  	s8 =	sadd.s32 $0xFFFFE003, lr  }
0x1b: {  	s9 =	sadd.s32 $0xFFFFFEF7, lr;
	s5 =	simm.s32 $0xFFFFFFFF;
	p2 =	slt.u32 s8, $0xFFFFF086  }
0x1c: {  	p1 =	slt.u32 s9, $0xF7A;
	s5 =	simm.s32 @!p2 $0x0  }
0x1d: {  	s5 =	simm.s32 @p1 $0x1;
	p0 =	seq.s32 s7, s2  }
0x1e: {  	s7 =	smul.u32 @!p0 $0xF7A, s2;
	p2 =	seq.s32 @!p0 s5, $0x0  }
0x1f: {  	s9 =	smul.u32 $0xF7A, s1;
	s8 =	simm.s32 @!p0 $0x1BF5;
	p2 =	por !p2, p0  }
0x20: {  	[sflag:s8] =	ssyncset.s32 @!p0 $0xFFFFF086;
	s6 =	sadd.s32 @!p0 s3, s7;
	s7 =	simm.s32 @!p0 $0x108  }
0x21: {  	s3 =	sadd.s32 s3, s9;
	s6 =	sadd.s32 @!p0 $0x88, s6;
	s7 =	simm.s32 @p2 $0x1082  }
0x22: {  	[simem:s7], [sflag:s8] =	dma.local @!p0 [hbm:s6], $0xF7A  }
0x23: {  	s9 =	sor.u32 $0xD0000000, s2;
	s6 =	simm.s32 $0x108;
	_ =	swait.ge @!p0 [sflag:s8], $0x0  }
0x24: {  	s3 =	sadd.s32 $0x88, s3;
	s6 =	simm.s32 @!p1 $0x1082;
	[sflag:s4] =	ssyncset.s32 $0xFFFFF086  }
0x25: {  	[simem:s6], [sflag:s4] =	dma.local [hbm:s3], $0xF7A  }
0x26: {  	[smem:$0x3F9A] =	sst s1;
	(tag) =	ssettag s2;
	_ =	strace s9  }
0x27: {  	s1 =	sld [smem:$0x3FAA]  }
0x28: {  	s2 =	sld [smem:$0x3FAB]  }
0x29: {  	s4 =	sld [smem:$0x3FAD]  }
0x2a: {  	p0 =	seq.s32 s5, $0x0;
	s5 =	sld [smem:$0x3FAE]  }
0x2b: {  	s6 =	sld [smem:$0x3FAF]  }
0x2c: {  	s7 =	sld [smem:$0x3FB0]  }
0x2d: {  	s3 =	simm.s32 $0x108;
	s8 =	sld [smem:$0x3FB1]  }
0x2e: {  	s3 =	simm.s32 @!p0 $0x1082;
	s9 =	sld [smem:$0x3FB2]  }
0x2f: {  	lr =	sadd.s32 s0, s3;
	s0 =	sld [smem:$0x3FA9]  }
0x30: {  	s3 =	sld [smem:$0x3FAC]  }
0x31: {  	[smem:$0x3FB5] =	sst s10  }
0x32: {  	s10 =	sld [smem:$0x3FB3];
	_ =	sdelay $0x3  }
0x33: {  	p0 =	seq.s32 s10, $0x1;
	s10 =	sld [smem:$0x3FB5];
	_ =	sdelay $0x3  }
0x34: {  	[smem:$0x3FB5] =	sst s10  }
0x35: {  	s10 =	sld [smem:$0x3FB4];
	_ =	sdelay $0x3  }
0x36: {  	p1 =	seq.s32 s10, $0x1;
	s10 =	sld [smem:$0x3FB5];
	_ =	sdelay $0x3  }
0x37: {  	[smem:$0x3FB5] =	sst s10  }
0x38: {  	s10 =	sld [smem:$0x3FB6]  }
0x39: {  	_ = 	snop;
	(pc) =	sbr.ind lr, $3  }
0x3a: {  	_ = 	snop  }
0x3b: {  	_ = 	snop  }
0x3c: {  	p2 =	seq.s32 s10, $0x1;
	s10 =	sld [smem:$0x3FB5]  }
0x3d: {  	_ =	shalt  }
0x3e: {  	_ =	shalt  }
0x3f: {  	_ =	shalt  }
0x40: {  	_ =	shalt  }
0x41: {  	_ =	shalt  }
0x42: {  	_ =	shalt  }
0x43: {  	_ =	shalt  }
0x44: {  	_ =	shalt  }
0x45: {  	_ =	shalt  }
0x46: {  	_ =	shalt  }
0x47: {  	_ =	shalt  }
0x48: {  	_ =	shalt  }
0x49: {  	_ =	shalt  }
0x4a: {  	_ =	shalt  }
0x4b: {  	_ =	shalt  }
0x4c: {  	_ =	shalt  }
0x4d: {  	_ =	shalt  }
0x4e: {  	_ =	shalt  }
0x4f: {  	_ =	shalt  }
0x50: {  	_ =	shalt  }
0x51: {  	_ =	shalt  }
0x52: {  	_ =	shalt  }
0x53: {  	_ =	shalt  }
0x54: {  	_ =	shalt  }
0x55: {  	_ =	shalt  }
0x56: {  	_ =	shalt  }
0x57: {  	_ =	shalt  }
0x58: {  	_ =	shalt  }
0x59: {  	_ =	shalt  }
0x5a: {  	_ =	shalt  }
0x5b: {  	_ =	shalt  }
0x5c: {  	_ =	shalt  }
0x5d: {  	_ =	shalt  }
0x5e: {  	_ =	shalt  }
0x5f: {  	_ =	shalt  }
0x60: {  	_ =	shalt  }
0x61: {  	_ =	shalt  }
0x62: {  	_ =	shalt  }
0x63: {  	_ =	shalt  }
0x64: {  	_ =	shalt  }
0x65: {  	_ =	shalt  }
0x66: {  	_ =	shalt  }
0x67: {  	_ =	shalt  }
0x68: {  	_ =	shalt  }
0x69: {  	_ =	shalt  }
0x6a: {  	_ =	shalt  }
0x6b: {  	_ =	shalt  }
0x6c: {  	_ =	shalt  }
0x6d: {  	_ =	shalt  }
0x6e: {  	_ =	shalt  }
0x6f: {  	_ =	shalt  }
0x70: {  	_ =	shalt  }
0x71: {  	_ =	shalt  }
0x72: {  	_ =	shalt  }
0x73: {  	_ =	shalt  }
0x74: {  	_ =	shalt  }
0x75: {  	_ =	shalt  }
0x76: {  	_ =	shalt  }
0x77: {  	_ =	shalt  }
0x78: {  	_ =	shalt  }
0x79: {  	_ =	shalt  }
0x7a: {  	_ =	shalt  }
0x7b: {  	_ =	shalt  }
0x7c: {  	_ =	shalt  }
0x7d: {  	_ =	shalt  }
0x7e: {  	_ =	shalt  }
0x7f: {  	_ =	shalt  }
0x80: {  	_ =	shalt  }
0x81: {  	_ =	shalt  }
0x82: {  	_ =	shalt  }
0x83: {  	_ =	shalt  }
0x84: {  	_ =	shalt  }
0x85: {  	_ =	shalt  }
0x86: {  	_ =	shalt  }
0x87: {  	_ =	shalt  }
.Lfunc_end0:
.L_simem_size_0:
called_computation.2_lowered:
.L_overlay_start_0:
0x88: {  	s2 =	sld [smem:$0x3FD9]  }
0x89: {  	s3 =	sld [smem:$0x3FFE];
	_ =	sdelay $0x1  }
0x8a: {  	s1 =	srdreg.scid  }
0x8b: {  	s0 =	sand.u32 $0x1, s1  }
0x8c: {  	s16 =	sshll.u32 s0, $0xA;
	s2 =	sadd.s32 s3, s2  }
0x8d: {  	s2 =	sadd.s32 s2, s16  }
0x8e: {  	[smem:$0x3FC1] =	sst s2  }
0x8f: {  	_ = 	snop  }
0x90: {  	(tm) =	ssettm $0x1  }
0x91: {  	s17 =	sld [smem:$0x3FFB];
	_ =	sdelay $0x3  }
0x92: {  	_ =	strace s17  }
0x93: {  	s2 =	sld [smem:$0x3FFC];
	_ =	sdelay $0x3  }
0x94: {  	_ =	strace s2  }
0x95: {  	s2 =	sld [smem:$0x3FFD];
	_ =	sdelay $0x3  }
0x96: {  	_ =	strace s2  }
0x97: {  	_ =	strace $0x8FFFFFFF  }
0x98: {  	s18 =	sld [smem:$0x3FDB];
	_ =	sdelay $0x1  }
0x99: {  	s19 =	simm.s32 $_scs_section_size  }
0x9a: {  	s4 =	simm.s32 $_size__tile_overlayer_lowered;
	s5 =	simm.s32 $_tile_overlayer_lowered  }
0x9b: {  	s22 =	simm.s32 $0x1BFF;
	s21 =	sshll.u32 s5, $0x1;
	s2 =	sadd.s32 s19, s18  }
0x9c: {  	s6 =	simm.s32 $0x0;
	s20 =	sshll.u32 s4, $0x1;
	s4 =	sadd.s32 s21, s2  }
0x9d: {  	[timem:s6], [sflag:s22] =	dma.local [hbm:s4], s20  }
0x9e: {  	_ =	swait.ge [sflag:s22], s20  }
0x9f: {  	s3 =	ssub.s32 $0x0, s20;
	[sflag:s22] =	ssyncset.done $0x0  }
0xa0: {  	[sflag:s22] =	ssyncadd.s32 s3;
	_ =	sdelay $0x1  }
0xa1: {  	s23 =	simm.s32 $0x1B8B  }
0xa2: {  	_ =	swait.ge [sflag:s23], $0x1  }
0xa3: {  	[sflag:s23] =	ssyncset.done $0x0  }
0xa4: {  	s25 =	simm.s32 $0x1B8E;
	s24 =	sld [smem:$0x3FFE];
	[sflag:s23] =	ssyncadd.s32 $0xFFFFFFFF  }
0xa5: {  	s26 =	simm.s32 $execute0_lowered;
	[smem:$0x3FD2] =	sst s25  }
0xa6: {  	s4 =	sshll.u32 s26, $0x1;
	_ =	strace $0x80000049;
	[dreg:$0x1] =	wrdreg $0xFFFFFFFF  }
0xa7: {  	s28 =	simm.s32 $_size_execute0_lowered;
	s2 =	sadd.s32 s2, s4;
	[dreg:$0x0] =	wrdreg $0x0  }
0xa8: {  	s4 =	sshll.u32 s28, $0x1;
	[dreg:$0x2] =	wrdreg s2  }
0xa9: {  	[dreg:$0x3] =	wrdreg s4  }
0xaa: {  	[dreg:$0x4] =	wrdreg $0xC0  }
0xab: {  	_ =	task [dreg:s6], $0x5FFFF  }
0xac: {  	[dreg:$0x1] =	wrdreg $0xFFFFFFFF  }
0xad: {  	[dreg:$0x0] =	wrdreg $0x60  }
0xae: {  	[dreg:$0x2] =	wrdreg s24  }
0xaf: {  	[dreg:$0x3] =	wrdreg $0x0  }
0xb0: {  	[dreg:$0x4] =	wrdreg $0xA  }
0xb1: {  	_ =	task.clear_ibuf [dreg:s6], $0x5FFFF;
	_ =	strace $0x90000049  }
0xb2: {  	s29 =	simm.s32 $0xA;
	_ =	strace $0x8000004B  }
0xb3: {  	_ =	swait.ge [sflag:s29], $0x1  }
0xb4: {  	[sflag:s29] =	ssyncadd.s32 $0xFFFFFFFF  }
0xb5: {  	_ =	strace $0x9000004B  }
0xb6: {  	_ =	sfence  }
0xb7: {  	s30 =	sld [smem:$0x0];
	_ =	sdelay $0x2  }
0xb8: {  	s31 =	sshll.u32 s1, $0xD;
	s1 =	sshrl.u32 s1, $0x2  }
0xb9: {  	s3 =	sand.u32 $0x4000, s31;
	s1 =	sadd.s32 s1, s30  }
0xba: {  	s0 =	sor.u32 s3, s0;
	s1 =	sshll.u32 s1, $0x11  }
0xbb: {  	s0 =	sor.u32 s1, s0  }
0xbc: {  	s0 =	sadd.s32 $0x8F2B, s0  }
0xbd: {  	[sflag:s0] =	ssyncadd.remote.s32 $0x1  }
0xbe: {  	_ =	sfence.sel $0xFFFF  }
0xbf: {  	[dreg:$0x0] =	wrdreg $0xFFFFFFFF;
	(pc) =	sbr.abs _section_cstart, $3  }
0xc0: {  	[dreg:$0x1] =	wrdreg $0xFFFFFFFF  }
0xc1: {  	_ =	task.clear_ibuf [dreg:s6], $0x2FFFF;
	_ =	strace $0x9FFFFFFF  }
0xc2: {  	(tm) =	ssettm $0x7FFFFFFF  }
0xc3: {  	_ =	shalt  }
tec
execute0_lowered:
.L_overlay_start_1:
0x0: {  	(tag) =	ssettag $0x1  }
0x1: {  	s0 =	rddreg [dreg:$0x0]  }
0x2: {  	s1 =	srdreg.scid;
	s10 =	stileid.u32  }
0x3: {  	s2 =	rddreg [dreg:$0x1];
	s3 =	simm.s32 $0x0;
	s1 =	sand.u32 $0x1, s1  }
0x4: {  	s4 =	sshll.u32 s10, $0x1;
	[smem:$0x7FF] =	sst s3;
	s7 =	smul.u32 $0x14000, s10  }
0x5: {  	s5 =	sadd.s32 $0x26000, s0;
	s26 =	smul.u32 $0x28000, s10;
	s6 =	sor.u32 s1, s4  }
0x6: {  	_ =	strace $0x8000004A;
	s9 =	sshll.u32 s1, $0x7;
	s1 =	ssub.s32 $0x2, s1  }
0x7: {  	s4 =	sshll.u32 s6, $0xB;
	s7 =	sor.u32 s9, s7;
	s28 =	sshrl.u32 s1, $0x1  }
0x8: {  	s11 =	smul.u32 $0x140, s6;
	s9 =	sshrl.u32 s26, $0x2;
	s8 =	sadd.s32 s4, s0  }
0x9: {  	s4 =	sadd.s32 $0x26600, s0;
	s7 =	sshrl.u32 s7, $0x3;
	s1 =	ssub.s32 s1, s28  }
0xa: {  	s0 =	sadd.s32 s7, s0;
	s29 =	sadd.s32 $0x27000, s8;
	s30 =	sadd.s32 $0x16000, s8  }
0xb: {  	s8 =	sadd.s32 s9, s2;
	s31 =	sshrl.u32 s11, $0x3;
	s12 =	sor.u32 $0x10, s11  }
0xc: {  	s13 =	sor.u32 $0x20, s11;
	s14 =	sor.u32 $0x30, s11;
	s15 =	sadd.s32 $0x40, s11  }
0xd: {  	s16 =	sadd.s32 $0x50, s11;
	s17 =	sadd.s32 $0x60, s11;
	s18 =	sadd.s32 $0x70, s11  }
0xe: {  	s19 =	sadd.s32 $0x80, s11;
	s20 =	sadd.s32 $0x90, s11;
	s21 =	sadd.s32 $0xA0, s11  }
0xf: {  	s22 =	sadd.s32 $0xB0, s11;
	s23 =	sadd.s32 $0xC0, s11;
	s24 =	sadd.s32 $0xD0, s11  }
0x10: {  	v19 =	vlaneseq.u32;
	s25 =	sadd.s32 $0xE0, s11;
	s26 =	sadd.s32 $0xF0, s11;
	[dreg:$0x3] =	wrdreg s29  }
0x11: {  	v20 =	vimm.f32 $0.0e+00;
	s28 =	sadd.s32 $0x100, s11;
	v0 =	vor.u32 s11, v19;
	[dreg:$0x4] =	wrdreg s30;
	s9 =	sadd.s32 s5, s31;
	v1 =	vor.u32 s12, v19  }
0x12: {  	s10 =	sadd.s32 s4, s31;
	s29 =	sadd.s32 $0x110, s11;
	s30 =	sadd.s32 $0x120, s11;
	v2 =	vor.u32 s13, v19;
	v3 =	vor.u32 s14, v19;
	v4 =	vor.u32 s15, v19  }
0x13: {  	s31 =	sadd.s32 $0x130, s11;
	s11 =	sadd.s32 $0x37000, s0;
	s12 =	smax.u32 s1, $0x1;
	v5 =	vor.u32 s16, v19;
	v6 =	vor.u32 s17, v19;
	v7 =	vor.u32 s18, v19  }
0x14: {  	s13 =	sadd.s32 $0x2800, s8;
	s14 =	sadd.s32 $0x5000, s8;
	s15 =	sadd.s32 $0x7800, s8;
	v8 =	vor.u32 s19, v19;
	v9 =	vor.u32 s20, v19;
	v10 =	vor.u32 s21, v19  }
0x15: {  	s17 =	simm.s32 $0xE000;
	s18 =	simm.s32 $0x12600;
	s19 =	simm.s32 $0x9;
	v11 =	vor.u32 s22, v19;
	v12 =	vor.u32 s23, v19;
	v13 =	vor.u32 s24, v19  }
0x16: {  	s20 =	simm.s32 $0x1;
	s21 =	simm.s32 $0x2;
	s22 =	simm.s32 $0x50;
	v14 =	vor.u32 s25, v19;
	v15 =	vor.u32 s26, v19;
	v16 =	vor.u32 s28, v19  }
0x17: {  	s25 =	simm.s32 $0x12000;
	s26 =	simm.s32 $0x12080;
	s1 =	simm.s32 $0x0;
	v17 =	vor.u32 s29, v19;
	v18 =	vor.u32 s30, v19;
	v19 =	vor.u32 s31, v19  }
.LBB2_1:
0x18: {  	s0 =	rddreg [dreg:$0x3];
	s6 =	simm.s32 $0xA000  }
0x19: {  	[tilespmem:s6], [sflag:$0x1] =	stream.linear.gather [hbm4b:s0+s3], $0x3E80, $0x38;
	[tilespmem:$0x14E00] =	vst v63  }
0x1a: {  	s31 =	rddreg [dreg:$0x4];
	s16 =	simm.s32 $0x0;
	s0 =	simm.s32 $0x40  }
0x1b: {  	[tilespmem:s17], [sflag:$0x2] =	stream.linear.gather [hbm4b:s31+s3], $0x3E80, $0x38;
	[tilespmem:$0x14E00] =	vst v63  }
.LBB2_2:
0x1c: {  	p0 =	sne.s32 s0, $0x9FC0;
	[tilespmem:s16+$0x12600] =	vst v20;
	s16 =	smov.u32 s0;
	s0 =	sadd.s32 $0x40, s0  }
.Ltmp0:
0x1d: {  	(pc) =	sbr.rel @p0 .LBB2_2-.Ltmp0, $2  }
0x1e: {  	_ =	sdelay $0x2  }
0x1f: {  	s16 =	sshra.s32 s16, $0x2  }
0x20: {  	[tilespmem:s16+$0x12600] =	vst v20  }
0x21: {  	[spmem:s8] =	stream.linear.scatter [tilespmem:s18], [sflag:$0x9], $0x2800, $0x38;
	[tilespmem:$0x14E00] =	vst v63  }
0x22: {  	_ =	swait.ge [sflag:s19], $0x2800  }
0x23: {  	[sflag:s19] =	ssyncset.done $0x0  }
0x24: {  	[sflag:s19] =	ssyncadd.s32 $0xFFFFD800  }
0x25: {  	[spmem:s13] =	stream.linear.scatter [tilespmem:s18], [sflag:$0x9], $0x2800, $0x38;
	[tilespmem:$0x14E00] =	vst v63  }
0x26: {  	_ =	swait.ge [sflag:s19], $0x2800  }
0x27: {  	[sflag:s19] =	ssyncset.done $0x0  }
0x28: {  	[sflag:s19] =	ssyncadd.s32 $0xFFFFD800  }
0x29: {  	[spmem:s14] =	stream.linear.scatter [tilespmem:s18], [sflag:$0x9], $0x2800, $0x38;
	[tilespmem:$0x14E00] =	vst v63  }
0x2a: {  	_ =	swait.ge [sflag:s19], $0x2800  }
0x2b: {  	[sflag:s19] =	ssyncset.done $0x0  }
0x2c: {  	[sflag:s19] =	ssyncadd.s32 $0xFFFFD800  }
0x2d: {  	[spmem:s15] =	stream.linear.scatter [tilespmem:s18], [sflag:$0x9], $0x2800, $0x38;
	[tilespmem:$0x14E00] =	vst v63  }
0x2e: {  	_ =	swait.ge [sflag:s19], $0x2800  }
0x2f: {  	[sflag:s19] =	ssyncset.done $0x0  }
0x30: {  	[sflag:s19] =	ssyncadd.s32 $0xFFFFD800  }
0x31: {  	_ =	swait.ge [sflag:s20], $0x3E80  }
0x32: {  	[sflag:s20] =	ssyncset.done $0x0  }
0x33: {  	[sflag:s20] =	ssyncadd.s32 $0xFFFFC180  }
0x34: {  	_ =	swait.ge [sflag:s21], $0x3E80  }
0x35: {  	[sflag:s21] =	ssyncset.done $0x0  }
0x36: {  	[sflag:s21] =	ssyncadd.s32 $0xFFFFC180  }
0x37: {  	s0 =	simm.s32 $0x12100;
	[bflag:$0x0] =	sbarrier.arrive $0xFFFF  }
0x38: {  	[tilespmem:s0], [sflag:$0x5] =	stream.indirect.gather [hbm4b:s5+s22], $0x1, s17, s22, $0xb8;
	[tilespmem:$0x14E00] =	vst v63  }
0x39: {  	s16 =	simm.s32 $0x12200  }
0x3a: {  	[tilespmem:s16], [sflag:$0x7] =	stream.indirect.gather [hbm4b:s4+s22], $0x1, s17, s22, $0xb8;
	[tilespmem:$0x14E00] =	vst v63  }
0x3b: {  	p0 =	por $0x0, $0x0;
	s16 =	simm.s32 $0x1  }
0x3c: {  	s0 =	sand.u32 @!p0 $0x1, s16  }
0x3d: {  	s23 =	simm.s32 $0xE080;
	s24 =	sshll.u32 @!p0 s0, $0x7  }
0x3e: {  	s28 =	simm.s32 @!p0 $0x50;
	s30 =	sadd.s32 @!p0 $0x5, s0;
	s29 =	sor.u32 @!p0 $0x12100, s24  }
0x3f: {  	[tilespmem:s29], [sflag:s30] =	stream.indirect.gather @!p0 [hbm4b:s5+s28], $0x1, s23, s28, $0xb8;
	[tilespmem:$0x14E00] =	vst v63  }
0x40: {  	s29 =	simm.s32 $0x0  }
0x41: {  	s0 =	sadd.s32 @!p0 $0x7, s0;
	s24 =	sor.u32 @!p0 $0x12200, s24;
	s29 =	sand.u32 $0x1, s29  }
0x42: {  	[tilespmem:s24], [sflag:s0] =	stream.indirect.gather @!p0 [hbm4b:s4+s28], $0x1, s23, s28, $0xb8;
	[tilespmem:$0x14E00] =	vst v63  }
0x43: {  	s23 =	sadd.s32 $0x5, s29  }
0x44: {  	_ =	swait.ge [sflag:s23], $0x50  }
0x45: {  	[sflag:s23] =	ssyncset.done $0x0  }
0x46: {  	s24 =	sadd.s32 $0x7, s29;
	[sflag:s23] =	ssyncadd.s32 $0xFFFFFFB0  }
0x47: {  	_ =	swait.ge [sflag:s24], $0x50  }
0x48: {  	[sflag:s24] =	ssyncset.done $0x0  }
0x49: {  	s30 =	sshll.u32 s29, $0x7;
	[sflag:s24] =	ssyncadd.s32 $0xFFFFFFB0  }
0x4a: {  	v21 =	vld [tilespmem:s30+$0x12100]  }
0x4b: {  	s31 =	simm.s32 $0xA020  }
0x4c: {  	v22 =	vld [tilespmem:s31+$0xFFFFFFE0];
	_ =	sdelay $0x2  }
0x4d: {  	v21 =	vmul.u32 $0x2800, v21;
	_ =	sdelay $0x1  }
0x4e: {  	v21 =	vadd.s32 v22, v21  }
0x4f: {  	[tilespmem:$0x12000] =	vst v21  }
0x50: {  	v21 =	vld [tilespmem:s30+$0x12200];
	_ =	sdelay $0x4  }
0x51: {  	[tilespmem:$0x12080] =	vst v21  }
0x52: {  	v21 =	vld [tilespmem:s30+$0x12110];
	_ =	sdelay $0x1  }
0x53: {  	v22 =	vld [tilespmem:s31+$0xFFFFFFF0];
	_ =	sdelay $0x2  }
0x54: {  	v21 =	vmul.u32 $0x2800, v21;
	_ =	sdelay $0x1  }
0x55: {  	v21 =	vadd.s32 v22, v21  }
0x56: {  	[tilespmem:$0x12010] =	vst v21  }
0x57: {  	v21 =	vld [tilespmem:s30+$0x12210];
	_ =	sdelay $0x4  }
0x58: {  	[tilespmem:$0x12090] =	vst v21  }
0x59: {  	v21 =	vld [tilespmem:s30+$0x12120];
	_ =	sdelay $0x1  }
0x5a: {  	v22 =	vld [tilespmem:s31+$0x0];
	_ =	sdelay $0x2  }
0x5b: {  	v21 =	vmul.u32 $0x2800, v21;
	_ =	sdelay $0x1  }
0x5c: {  	v21 =	vadd.s32 v22, v21  }
0x5d: {  	[tilespmem:$0x12020] =	vst v21  }
0x5e: {  	v21 =	vld [tilespmem:s30+$0x12220];
	_ =	sdelay $0x4  }
0x5f: {  	[tilespmem:$0x120A0] =	vst v21  }
0x60: {  	v21 =	vld [tilespmem:s30+$0x12130];
	_ =	sdelay $0x1  }
0x61: {  	v22 =	vld [tilespmem:s31+$0x10];
	_ =	sdelay $0x2  }
0x62: {  	v21 =	vmul.u32 $0x2800, v21;
	_ =	sdelay $0x1  }
0x63: {  	v21 =	vadd.s32 v22, v21  }
0x64: {  	[tilespmem:$0x12030] =	vst v21  }
0x65: {  	v21 =	vld [tilespmem:s30+$0x12230];
	_ =	sdelay $0x4  }
0x66: {  	[tilespmem:$0x120B0] =	vst v21  }
0x67: {  	v21 =	vld [tilespmem:s30+$0x12140];
	_ =	sdelay $0x1  }
0x68: {  	v22 =	vld [tilespmem:s31+$0x20];
	_ =	sdelay $0x2  }
0x69: {  	v21 =	vmul.u32 $0x2800, v21;
	_ =	sdelay $0x1  }
0x6a: {  	v21 =	vadd.s32 v22, v21  }
0x6b: {  	[tilespmem:$0x12040] =	vst v21  }
0x6c: {  	v21 =	vld [tilespmem:s30+$0x12240];
	_ =	sdelay $0x3  }
0x6d: {  	p1 =	por $0x0, $0x0  }
0x6e: {  	s0 =	simm.s32 $0xA0A0;
	s28 =	simm.s32 @!p1 $0x50;
	s24 =	simm.s32 $0x2;
	[tilespmem:$0x120C0] =	vst v21  }
0x6f: {  	[spmem:s2] =	stream.indirect.scatter.add.f32 [tilespmem:s26], [sflag:$0x9], $0x1, s25, s22, $0xb8;
	[tilespmem:$0x14E00] =	vst v63  }
0x70: {  	s23 =	simm.s32 $0xE100;
	s29 =	sand.u32 @!p1 $0x1, s24;
	_ =	swait.ge [sflag:s19], $0x50  }
.LBB2_4:
0x71: {  	s30 =	sshll.u32 @!p1 s29, $0x7  }
0x72: {  	[sflag:s19] =	ssyncset.done $0x0;
	s31 =	smov.u32 s24;
	s24 =	sadd.s32 $0x1, s24  }
0x73: {  	s7 =	sadd.s32 @!p1 $0x5, s29;
	s6 =	sor.u32 @!p1 $0x12100, s30;
	[sflag:s19] =	ssyncadd.s32 $0xFFFFFFB0  }
0x74: {  	[tilespmem:s6], [sflag:s7] =	stream.indirect.gather @!p1 [hbm4b:s5+s28], $0x1, s23, s28, $0xb8;
	[tilespmem:$0x14E00] =	vst v63  }
0x75: {  	s6 =	sand.u32 $0x1, s16;
	s7 =	sor.u32 @!p1 $0x12200, s30;
	s16 =	sadd.s32 @!p1 $0x7, s29  }
0x76: {  	[tilespmem:s7], [sflag:s16] =	stream.indirect.gather @!p1 [hbm4b:s4+s28], $0x1, s23, s28, $0xb8;
	[tilespmem:$0x14E00] =	vst v63  }
0x77: {  	p0 =	sne.s32 s24, $0x7D;
	s7 =	sadd.s32 $0x5, s6;
	s16 =	smov.u32 s31  }
0x78: {  	_ =	swait.ge [sflag:s7], $0x50  }
0x79: {  	s29 =	sadd.s32 $0x7, s6;
	[sflag:s7] =	ssyncset.done $0x0  }
0x7a: {  	[sflag:s7] =	ssyncadd.s32 $0xFFFFFFB0  }
0x7b: {  	_ =	swait.ge [sflag:s29], $0x50  }
0x7c: {  	s28 =	sshll.u32 s6, $0x7;
	[sflag:s29] =	ssyncset.done $0x0  }
0x7d: {  	[sflag:s29] =	ssyncadd.s32 $0xFFFFFFB0  }
0x7e: {  	v21 =	vld [tilespmem:s28+$0x12100]  }
0x7f: {  	v22 =	vld [tilespmem:s0+$0xFFFFFFE0];
	_ =	sdelay $0x3  }
0x80: {  	v21 =	vmul.u32 $0x2800, v21;
	_ =	sdelay $0x1  }
0x81: {  	v21 =	vadd.s32 v22, v21  }
0x82: {  	[tilespmem:$0x12000] =	vst v21  }
0x83: {  	v21 =	vld [tilespmem:s28+$0x12200];
	_ =	sdelay $0x4  }
0x84: {  	[tilespmem:$0x12080] =	vst v21  }
0x85: {  	v21 =	vld [tilespmem:s28+$0x12110]  }
0x86: {  	v22 =	vld [tilespmem:s0+$0xFFFFFFF0];
	_ =	sdelay $0x3  }
0x87: {  	v21 =	vmul.u32 $0x2800, v21;
	_ =	sdelay $0x1  }
0x88: {  	v21 =	vadd.s32 v22, v21  }
0x89: {  	[tilespmem:$0x12010] =	vst v21  }
0x8a: {  	v21 =	vld [tilespmem:s28+$0x12210];
	_ =	sdelay $0x4  }
0x8b: {  	[tilespmem:$0x12090] =	vst v21  }
0x8c: {  	v21 =	vld [tilespmem:s28+$0x12120]  }
0x8d: {  	v22 =	vld [tilespmem:s0+$0x0];
	_ =	sdelay $0x3  }
0x8e: {  	v21 =	vmul.u32 $0x2800, v21;
	_ =	sdelay $0x1  }
0x8f: {  	v21 =	vadd.s32 v22, v21  }
0x90: {  	[tilespmem:$0x12020] =	vst v21  }
0x91: {  	v21 =	vld [tilespmem:s28+$0x12220];
	_ =	sdelay $0x4  }
0x92: {  	[tilespmem:$0x120A0] =	vst v21  }
0x93: {  	v21 =	vld [tilespmem:s28+$0x12130]  }
0x94: {  	v22 =	vld [tilespmem:s0+$0x10];
	_ =	sdelay $0x3  }
0x95: {  	v21 =	vmul.u32 $0x2800, v21;
	_ =	sdelay $0x1  }
0x96: {  	v21 =	vadd.s32 v22, v21  }
0x97: {  	[tilespmem:$0x12030] =	vst v21  }
0x98: {  	v21 =	vld [tilespmem:s28+$0x12230];
	_ =	sdelay $0x4  }
0x99: {  	[tilespmem:$0x120B0] =	vst v21  }
0x9a: {  	v21 =	vld [tilespmem:s28+$0x12140]  }
0x9b: {  	v22 =	vld [tilespmem:s0+$0x20];
	_ =	sdelay $0x3  }
0x9c: {  	v21 =	vmul.u32 $0x2800, v21;
	_ =	sdelay $0x1  }
0x9d: {  	v21 =	vadd.s32 v22, v21  }
0x9e: {  	[tilespmem:$0x12040] =	vst v21  }
0x9f: {  	v21 =	vld [tilespmem:s28+$0x12240];
	_ =	sdelay $0x2  }
.Ltmp1:
0xa0: {  	(pc) =	sbr.rel @p0 .LBB2_4-.Ltmp1, $4  }
0xa1: {  	_ = 	snop  }
0xa2: {  	s23 =	sadd.s32 $0x80, s23;
	p1 =	seq.s32 s16, $0x7C;
	s0 =	sadd.s32 $0x80, s0;
	[tilespmem:$0x120C0] =	vst v21  }
0xa3: {  	[spmem:s2] =	stream.indirect.scatter.add.f32 [tilespmem:s26], [sflag:$0x9], $0x1, s25, s22, $0xb8;
	[tilespmem:$0x14E00] =	vst v63  }
0xa4: {  	s29 =	sand.u32 @!p1 $0x1, s24;
	s28 =	simm.s32 @!p1 $0x50;
	_ =	swait.ge [sflag:s19], $0x50  }
0xa5: {  	s6 =	sshll.u32 @!p1 s29, $0x7;
	[sflag:s19] =	ssyncset.done $0x0;
	s24 =	sadd.s32 @!p1 $0x5, s29  }
0xa6: {  	s30 =	sand.u32 $0x1, s16;
	s7 =	sor.u32 @!p1 $0x12100, s6;
	[sflag:s19] =	ssyncadd.s32 $0xFFFFFFB0  }
0xa7: {  	[tilespmem:s7], [sflag:s24] =	stream.indirect.gather @!p1 [hbm4b:s5+s28], $0x1, s23, s28, $0xb8;
	[tilespmem:$0x14E00] =	vst v63  }
0xa8: {  	s6 =	sor.u32 @!p1 $0x12200, s6;
	s31 =	sadd.s32 $0x5, s30;
	s7 =	sadd.s32 @!p1 $0x7, s29  }
0xa9: {  	[tilespmem:s6], [sflag:s7] =	stream.indirect.gather @!p1 [hbm4b:s4+s28], $0x1, s23, s28, $0xb8;
	[tilespmem:$0x14E00] =	vst v63  }
0xaa: {  	_ =	swait.ge [sflag:s31], $0x50  }
0xab: {  	[sflag:s31] =	ssyncset.done $0x0  }
0xac: {  	s16 =	sadd.s32 $0x7, s30;
	[sflag:s31] =	ssyncadd.s32 $0xFFFFFFB0  }
0xad: {  	_ =	swait.ge [sflag:s16], $0x50  }
0xae: {  	[sflag:s16] =	ssyncset.done $0x0  }
0xaf: {  	s6 =	sshll.u32 s30, $0x7;
	[sflag:s16] =	ssyncadd.s32 $0xFFFFFFB0  }
0xb0: {  	v21 =	vld [tilespmem:s6+$0x12100];
	_ =	sdelay $0x1  }
0xb1: {  	v22 =	vld [tilespmem:s0+$0xFFFFFFE0];
	_ =	sdelay $0x2  }
0xb2: {  	v21 =	vmul.u32 $0x2800, v21;
	_ =	sdelay $0x1  }
0xb3: {  	v21 =	vadd.s32 v22, v21  }
0xb4: {  	[tilespmem:$0x12000] =	vst v21  }
0xb5: {  	v21 =	vld [tilespmem:s6+$0x12200];
	_ =	sdelay $0x4  }
0xb6: {  	[tilespmem:$0x12080] =	vst v21  }
0xb7: {  	v21 =	vld [tilespmem:s6+$0x12110];
	_ =	sdelay $0x1  }
0xb8: {  	v22 =	vld [tilespmem:s0+$0xFFFFFFF0];
	_ =	sdelay $0x2  }
0xb9: {  	v21 =	vmul.u32 $0x2800, v21;
	_ =	sdelay $0x1  }
0xba: {  	v21 =	vadd.s32 v22, v21  }
0xbb: {  	[tilespmem:$0x12010] =	vst v21  }
0xbc: {  	v21 =	vld [tilespmem:s6+$0x12210];
	_ =	sdelay $0x4  }
0xbd: {  	[tilespmem:$0x12090] =	vst v21  }
0xbe: {  	v21 =	vld [tilespmem:s6+$0x12120];
	_ =	sdelay $0x1  }
0xbf: {  	v22 =	vld [tilespmem:s0+$0x0];
	_ =	sdelay $0x2  }
0xc0: {  	v21 =	vmul.u32 $0x2800, v21;
	_ =	sdelay $0x1  }
0xc1: {  	v21 =	vadd.s32 v22, v21  }
0xc2: {  	[tilespmem:$0x12020] =	vst v21  }
0xc3: {  	v21 =	vld [tilespmem:s6+$0x12220];
	_ =	sdelay $0x4  }
0xc4: {  	[tilespmem:$0x120A0] =	vst v21  }
0xc5: {  	v21 =	vld [tilespmem:s6+$0x12130];
	_ =	sdelay $0x1  }
0xc6: {  	v22 =	vld [tilespmem:s0+$0x10];
	_ =	sdelay $0x2  }
0xc7: {  	v21 =	vmul.u32 $0x2800, v21;
	_ =	sdelay $0x1  }
0xc8: {  	v21 =	vadd.s32 v22, v21  }
0xc9: {  	[tilespmem:$0x12030] =	vst v21  }
0xca: {  	v21 =	vld [tilespmem:s6+$0x12230];
	_ =	sdelay $0x4  }
0xcb: {  	[tilespmem:$0x120B0] =	vst v21  }
0xcc: {  	v21 =	vld [tilespmem:s6+$0x12140];
	_ =	sdelay $0x1  }
0xcd: {  	v22 =	vld [tilespmem:s0+$0x20];
	_ =	sdelay $0x2  }
0xce: {  	v21 =	vmul.u32 $0x2800, v21;
	_ =	sdelay $0x1  }
0xcf: {  	v21 =	vadd.s32 v22, v21  }
0xd0: {  	[tilespmem:$0x12040] =	vst v21  }
0xd1: {  	v21 =	vld [tilespmem:s6+$0x12240];
	_ =	sdelay $0x4  }
0xd2: {  	[tilespmem:$0x120C0] =	vst v21  }
0xd3: {  	[spmem:s2] =	stream.indirect.scatter.add.f32 [tilespmem:s26], [sflag:$0x9], $0x1, s25, s22, $0xb8;
	[tilespmem:$0x14E00] =	vst v63  }
0xd4: {  	_ =	swait.ge [sflag:s19], $0x50  }
0xd5: {  	[sflag:s19] =	ssyncset.done $0x0  }
0xd6: {  	s23 =	simm.s32 $0x12300;
	[sflag:s19] =	ssyncadd.s32 $0xFFFFFFB0  }
0xd7: {  	[tilespmem:s23], [sflag:$0x9] =	stream.linear.gather [hbm4b:s9+s3], $0x140, $0x38;
	[tilespmem:$0x14E00] =	vst v63  }
0xd8: {  	_ =	swait.ge [sflag:s19], $0x140  }
0xd9: {  	[sflag:s19] =	ssyncset.done $0x0  }
0xda: {  	s24 =	simm.s32 $0x12480;
	[sflag:s19] =	ssyncadd.s32 $0xFFFFFEC0  }
0xdb: {  	[tilespmem:s24], [sflag:$0x9] =	stream.linear.gather [hbm4b:s10+s3], $0x140, $0x38;
	[tilespmem:$0x14E00] =	vst v63  }
0xdc: {  	_ =	swait.ge [sflag:s19], $0x140  }
0xdd: {  	[sflag:s19] =	ssyncset.done $0x0  }
0xde: {  	[sflag:s19] =	ssyncadd.s32 $0xFFFFFEC0  }
0xdf: {  	v21 =	vld [tilespmem:$0x12300];
	_ =	sdelay $0x1  }
0xe0: {  	v22 =	vld [tilespmem:$0x12310]  }
0xe1: {  	v23 =	vld [tilespmem:$0x12480]  }
0xe2: {  	v24 =	vld [tilespmem:$0x12320]  }
0xe3: {  	v26 =	vld [tilespmem:$0x12490];
	v25 =	vmul.u32 $0x2800, v21  }
0xe4: {  	v27 =	vld [tilespmem:$0x12330]  }
0xe5: {  	v28 =	vld [tilespmem:$0x124A0];
	vm0 =	vlt.s32 v21, $0x40;
	v34 =	vmul.u32 $0x2800, v22;
	v21 =	vadd.s32 v25, v0  }
0xe6: {  	v29 =	vld [tilespmem:$0x12340];
	vm9 =	vlt.s32 v22, $0x40;
	v21 =	vnsel vm0, $0x0, v21  }
0xe7: {  	v22 =	vmul.u32 $0x2800, v24;
	v23 =	vnsel vm0, $0x0, v23;
	[tilespmem:$0x12000] =	vst v21;
	v21 =	vadd.s32 v34, v1  }
0xe8: {  	v35 =	vld [tilespmem:$0x124B0];
	vm10 =	vlt.s32 v24, $0x40;
	[tilespmem:$0x12080] =	vst v23;
	v21 =	vnsel vm9, $0x0, v21  }
0xe9: {  	v23 =	vnsel vm9, $0x0, v26;
	[tilespmem:$0x12010] =	vst v21;
	v21 =	vadd.s32 v22, v2;
	v22 =	vmul.u32 $0x2800, v27  }
0xea: {  	v36 =	vld [tilespmem:$0x124C0];
	vm11 =	vlt.s32 v27, $0x40;
	[tilespmem:$0x12090] =	vst v23;
	v21 =	vnsel vm10, $0x0, v21  }
0xeb: {  	v23 =	vnsel vm10, $0x0, v28;
	[tilespmem:$0x12020] =	vst v21;
	v21 =	vadd.s32 v22, v3;
	v22 =	vmul.u32 $0x2800, v29  }
0xec: {  	[tilespmem:$0x120A0] =	vst v23;
	v21 =	vnsel vm11, $0x0, v21  }
0xed: {  	vm12 =	vlt.s32 v29, $0x40;
	[tilespmem:$0x12030] =	vst v21;
	v21 =	vnsel vm11, $0x0, v35;
	v22 =	vadd.s32 v22, v4  }
0xee: {  	[tilespmem:$0x120B0] =	vst v21;
	v21 =	vnsel vm12, $0x0, v22  }
0xef: {  	[tilespmem:$0x12040] =	vst v21;
	v21 =	vnsel vm12, $0x0, v36  }
0xf0: {  	[tilespmem:$0x120C0] =	vst v21  }
0xf1: {  	[spmem:s2] =	stream.indirect.scatter.add.f32 [tilespmem:s26], [sflag:$0x9], $0x1, s25, s22, $0xb8;
	[tilespmem:$0x14E00] =	vst v63  }
0xf2: {  	_ =	swait.ge [sflag:s19], $0x50  }
0xf3: {  	[sflag:s19] =	ssyncset.done $0x0  }
0xf4: {  	[sflag:s19] =	ssyncadd.s32 $0xFFFFFFB0  }
0xf5: {  	v21 =	vld [tilespmem:$0x12350];
	_ =	sdelay $0x1  }
0xf6: {  	v22 =	vld [tilespmem:$0x12360]  }
0xf7: {  	v23 =	vld [tilespmem:$0x124D0]  }
0xf8: {  	v37 =	vld [tilespmem:$0x12370]  }
0xf9: {  	v39 =	vld [tilespmem:$0x124E0];
	v38 =	vmul.u32 $0x2800, v21  }
0xfa: {  	v40 =	vld [tilespmem:$0x12380]  }
0xfb: {  	v42 =	vld [tilespmem:$0x124F0];
	vm13 =	vlt.s32 v21, $0x40;
	v41 =	vmul.u32 $0x2800, v22;
	v21 =	vadd.s32 v38, v5  }
0xfc: {  	v43 =	vld [tilespmem:$0x12390];
	vm14 =	vlt.s32 v22, $0x40;
	v21 =	vnsel vm13, $0x0, v21  }
0xfd: {  	v22 =	vmul.u32 $0x2800, v37;
	v23 =	vnsel vm13, $0x0, v23;
	[tilespmem:$0x12000] =	vst v21;
	v21 =	vadd.s32 v41, v6  }
0xfe: {  	v44 =	vld [tilespmem:$0x12500];
	vm15 =	vlt.s32 v37, $0x40;
	[tilespmem:$0x12080] =	vst v23;
	v21 =	vnsel vm14, $0x0, v21  }
0xff: {  	v23 =	vnsel vm14, $0x0, v39;
	[tilespmem:$0x12010] =	vst v21;
	v21 =	vadd.s32 v22, v7;
	v22 =	vmul.u32 $0x2800, v40  }
0x100: {  	v45 =	vld [tilespmem:$0x12510];
	vm4 =	vlt.s32 v40, $0x40;
	[tilespmem:$0x12090] =	vst v23;
	v21 =	vnsel vm15, $0x0, v21  }
0x101: {  	v23 =	vnsel vm15, $0x0, v42;
	[tilespmem:$0x12020] =	vst v21;
	v21 =	vadd.s32 v22, v8;
	v22 =	vmul.u32 $0x2800, v43  }
0x102: {  	[tilespmem:$0x120A0] =	vst v23;
	v21 =	vnsel vm4, $0x0, v21  }
0x103: {  	vm5 =	vlt.s32 v43, $0x40;
	[tilespmem:$0x12030] =	vst v21;
	v21 =	vnsel vm4, $0x0, v44;
	v22 =	vadd.s32 v22, v9  }
0x104: {  	[tilespmem:$0x120B0] =	vst v21;
	v21 =	vnsel vm5, $0x0, v22  }
0x105: {  	[tilespmem:$0x12040] =	vst v21;
	v21 =	vnsel vm5, $0x0, v45  }
0x106: {  	[tilespmem:$0x120C0] =	vst v21  }
0x107: {  	[spmem:s2] =	stream.indirect.scatter.add.f32 [tilespmem:s26], [sflag:$0x9], $0x1, s25, s22, $0xb8;
	[tilespmem:$0x14E00] =	vst v63  }
0x108: {  	_ =	swait.ge [sflag:s19], $0x50  }
0x109: {  	[sflag:s19] =	ssyncset.done $0x0  }
0x10a: {  	[sflag:s19] =	ssyncadd.s32 $0xFFFFFFB0  }
0x10b: {  	v21 =	vld [tilespmem:$0x123A0];
	_ =	sdelay $0x1  }
0x10c: {  	v22 =	vld [tilespmem:$0x123B0]  }
0x10d: {  	v23 =	vld [tilespmem:$0x12520]  }
0x10e: {  	v46 =	vld [tilespmem:$0x123C0]  }
0x10f: {  	v48 =	vld [tilespmem:$0x12530];
	v47 =	vmul.u32 $0x2800, v21  }
0x110: {  	v49 =	vld [tilespmem:$0x123D0]  }
0x111: {  	v51 =	vld [tilespmem:$0x12540];
	vm6 =	vlt.s32 v21, $0x40;
	v50 =	vmul.u32 $0x2800, v22;
	v21 =	vadd.s32 v47, v10  }
0x112: {  	v52 =	vld [tilespmem:$0x123E0];
	vm7 =	vlt.s32 v22, $0x40;
	v21 =	vnsel vm6, $0x0, v21  }
0x113: {  	v22 =	vmul.u32 $0x2800, v46;
	v23 =	vnsel vm6, $0x0, v23;
	[tilespmem:$0x12000] =	vst v21;
	v21 =	vadd.s32 v50, v11  }
0x114: {  	v53 =	vld [tilespmem:$0x12550];
	vm8 =	vlt.s32 v46, $0x40;
	[tilespmem:$0x12080] =	vst v23;
	v21 =	vnsel vm7, $0x0, v21  }
0x115: {  	v23 =	vnsel vm7, $0x0, v48;
	[tilespmem:$0x12010] =	vst v21;
	v21 =	vadd.s32 v22, v12;
	v22 =	vmul.u32 $0x2800, v49  }
0x116: {  	v54 =	vld [tilespmem:$0x12560];
	vm9 =	vlt.s32 v49, $0x40;
	[tilespmem:$0x12090] =	vst v23;
	v21 =	vnsel vm8, $0x0, v21  }
0x117: {  	v23 =	vnsel vm8, $0x0, v51;
	[tilespmem:$0x12020] =	vst v21;
	v21 =	vadd.s32 v22, v13;
	v22 =	vmul.u32 $0x2800, v52  }
0x118: {  	[tilespmem:$0x120A0] =	vst v23;
	v21 =	vnsel vm9, $0x0, v21  }
0x119: {  	vm10 =	vlt.s32 v52, $0x40;
	[tilespmem:$0x12030] =	vst v21;
	v21 =	vnsel vm9, $0x0, v53;
	v22 =	vadd.s32 v22, v14  }
0x11a: {  	[tilespmem:$0x120B0] =	vst v21;
	v21 =	vnsel vm10, $0x0, v22  }
0x11b: {  	[tilespmem:$0x12040] =	vst v21;
	v21 =	vnsel vm10, $0x0, v54  }
0x11c: {  	[tilespmem:$0x120C0] =	vst v21  }
0x11d: {  	[spmem:s2] =	stream.indirect.scatter.add.f32 [tilespmem:s26], [sflag:$0x9], $0x1, s25, s22, $0xb8;
	[tilespmem:$0x14E00] =	vst v63  }
0x11e: {  	_ =	swait.ge [sflag:s19], $0x50  }
0x11f: {  	[sflag:s19] =	ssyncset.done $0x0  }
0x120: {  	[sflag:s19] =	ssyncadd.s32 $0xFFFFFFB0  }
0x121: {  	v21 =	vld [tilespmem:$0x123F0];
	_ =	sdelay $0x1  }
0x122: {  	v22 =	vld [tilespmem:$0x12400]  }
0x123: {  	v23 =	vld [tilespmem:$0x12570]  }
0x124: {  	v55 =	vld [tilespmem:$0x12410]  }
0x125: {  	v57 =	vld [tilespmem:$0x12580];
	v56 =	vmul.u32 $0x2800, v21  }
0x126: {  	v58 =	vld [tilespmem:$0x12420]  }
0x127: {  	v60 =	vld [tilespmem:$0x12590];
	vm11 =	vlt.s32 v21, $0x40;
	v59 =	vmul.u32 $0x2800, v22;
	v21 =	vadd.s32 v56, v15  }
0x128: {  	v61 =	vld [tilespmem:$0x12430];
	vm12 =	vlt.s32 v22, $0x40;
	v21 =	vnsel vm11, $0x0, v21  }
0x129: {  	v22 =	vmul.u32 $0x2800, v55;
	v23 =	vnsel vm11, $0x0, v23;
	[tilespmem:$0x12000] =	vst v21;
	v21 =	vadd.s32 v59, v16  }
0x12a: {  	v62 =	vld [tilespmem:$0x125A0];
	vm13 =	vlt.s32 v55, $0x40;
	[tilespmem:$0x12080] =	vst v23;
	v21 =	vnsel vm12, $0x0, v21  }
0x12b: {  	v23 =	vnsel vm12, $0x0, v57;
	[tilespmem:$0x12010] =	vst v21;
	v21 =	vadd.s32 v22, v17;
	v22 =	vmul.u32 $0x2800, v58  }
0x12c: {  	v63 =	vld [tilespmem:$0x125B0];
	vm14 =	vlt.s32 v58, $0x40;
	[tilespmem:$0x12090] =	vst v23;
	v21 =	vnsel vm13, $0x0, v21  }
0x12d: {  	v23 =	vnsel vm13, $0x0, v60;
	[tilespmem:$0x12020] =	vst v21;
	v21 =	vadd.s32 v22, v18;
	v22 =	vmul.u32 $0x2800, v61  }
0x12e: {  	[tilespmem:$0x120A0] =	vst v23;
	v21 =	vnsel vm14, $0x0, v21  }
0x12f: {  	vm15 =	vlt.s32 v61, $0x40;
	[tilespmem:$0x12030] =	vst v21;
	v21 =	vnsel vm14, $0x0, v62;
	v22 =	vadd.s32 v22, v19  }
0x130: {  	[tilespmem:$0x120B0] =	vst v21;
	v21 =	vnsel vm15, $0x0, v22  }
0x131: {  	[tilespmem:$0x12040] =	vst v21;
	v21 =	vnsel vm15, $0x0, v63  }
0x132: {  	s1 =	sadd.s32 $0x1, s1;
	[tilespmem:$0x120C0] =	vst v21  }
0x133: {  	[spmem:s2] =	stream.indirect.scatter.add.f32 [tilespmem:s26], [sflag:$0x9], $0x1, s25, s22, $0xb8;
	[tilespmem:$0x14E00] =	vst v63  }
0x134: {  	p0 =	sne.s32 s1, s12;
	s29 =	sshrl.u32 s8, $0x3;
	_ =	swait.ge [sflag:s19], $0x50  }
0x135: {  	s28 =	stileid.u32;
	s30 =	simm.s32 $0x20;
	[sflag:s19] =	ssyncset.done $0x0  }
0x136: {  	s31 =	simm.s32 $0x10;
	s0 =	sshll.u32 s28, $0x6;
	[sflag:s19] =	ssyncadd.s32 $0xFFFFFFB0  }
.Ltmp2:
0x137: {  	s0 =	sor.u32 $0x1C09, s0;
	[bflag:$0x0] =	sbarrier.arrive $0xFFFF;
	(pc) =	sbr.rel @p0 .LBB2_1-.Ltmp2, $4  }
0x138: {  	[hbm:s11@s30], [sflag:s0] =	dma.strided [spmem:s29@s31], $0x1400, s20, $0x10   }
0x139: {  	_ =	swait.ge [sflag:s19], $0x1400  }
0x13a: {  	[sflag:s19] =	ssyncset.done $0x0  }
0x13b: {  	[sflag:s19] =	ssyncadd.s32 $0xFFFFEC00  }
0x13c: {  	_ =	sfence.sel $0x180000  }
0x13d: {  	[bflag:$0x0] =	sbarrier.arrive $0xFFFF  }
0x13e: {  	_ =	strace $0x9000004A  }
0x13f: {  	s0 =	stileid.u32;
	[bflag:$0x2] =	sbarrier.arrive $0xFFFF  }
0x140: {  	p0 =	sne.s32 s0, $0x0;
	s0 =	rddreg [dreg:$0x2]  }
0x141: {  	s0 =	sadd.s32 @!p0 $0x100000, s0  }
0x142: {  	[sflag:s0] =	ssyncadd.tile.s32 @!p0 $0x1;
	_ =	shalt  }
.Lfunc_end2:
_tile_overlayer_lowered:
.L_overlay_start_2:
0x143: {  	(tag) =	ssettag $0x2  }
0x144: {  	s0 =	rddreg [dreg:$0x0];
	s2 =	stileid.u32  }
0x145: {  	s1 =	rddreg [dreg:$0x1];
	p0 =	sne.s32 s2, $0x0  }
0x146: {  	s3 =	rddreg [dreg:$0x2];
	[bflag:$0x3] =	sbarrier.arrive $0xFFFF;
	s2 =	simm.s32 @!p0 $0x1C09  }
0x147: {  	[timem:s3], [sflag:s2] =	dma.local @!p0 [hbm:s0], s1  }
0x148: {  	s0 =	simm.s32 @!p0 $0x9  }
0x149: {  	_ =	swait.ge @!p0 [sflag:s0], s1  }
0x14a: {  	s1 =	ssub.s32 @!p0 $0x0, s1;
	[sflag:s0] =	ssyncset.done @!p0 $0x0  }
0x14b: {  	[sflag:s0] =	ssyncadd.s32 @!p0 s1  }
0x14c: {  	[bflag:$0x3] =	sbarrier.arrive $0xFFFF  }
0x14d: {  	_ =	shalt  }

// kernel: kernel.8.cloned.1.call-start
scs
__scs_entry_jumppad:
0x0: {  	(pc) =	sbr.rel $0x88, $3  }
0x1: {  	(tag) =	ssettag $0x0;
	lr =	simm.s32 $0x1  }
0x2: {  	[smem:$0x3F9A] =	sst lr;
	_ =	strace $0xD0000000  }
0x3: {  	_ = 	snop  }
0x4: {  	_ = 	snop  }
0x5: {  	_ = 	snop  }
0x6: {  	_ = 	snop  }
0x7: {  	_ = 	snop  }
__scs_overlays_trampoline_lowered:
0x8: {  	[smem:$0x3FA9] =	sst s0  }
0x9: {  	[smem:$0x3FAA] =	sst s1  }
0xa: {  	[smem:$0x3FAB] =	sst s2  }
0xb: {  	[smem:$0x3FAC] =	sst s3  }
0xc: {  	[smem:$0x3FAD] =	sst s4  }
0xd: {  	[smem:$0x3FAE] =	sst s5  }
0xe: {  	[smem:$0x3FAF] =	sst s6  }
0xf: {  	[smem:$0x3FB0] =	sst s7  }
0x10: {  	[smem:$0x3FB1] =	sst s8  }
0x11: {  	[smem:$0x3FB2] =	sst s9;
	s0 =	simm.s32 @!p0 $0x0  }
0x12: {  	s1 =	sld [smem:$0x3F98];
	s0 =	simm.s32 @p0 $0x1  }
0x13: {  	[smem:$0x3FB3] =	sst s0;
	s0 =	simm.s32 @!p1 $0x0  }
0x14: {  	s2 =	sld [smem:$0x3F97];
	s0 =	simm.s32 @p1 $0x1  }
0x15: {  	[smem:$0x3FB4] =	sst s0;
	s0 =	simm.s32 @!p2 $0x0  }
0x16: {  	s3 =	sld [smem:$0x3FDB];
	s0 =	simm.s32 @p2 $0x1  }
0x17: {  	s4 =	simm.s32 $0x1BF5;
	[smem:$0x3FB6] =	sst s0  }
0x18: {  	s0 =	sld [smem:$0x3F99];
	_ =	swait.ge [sflag:s4], $0x0  }
0x19: {  	s7 =	sld [smem:$0x3F9A]  }
0x1a: {  	s8 =	sadd.s32 $0xFFFFE003, lr  }
0x1b: {  	s9 =	sadd.s32 $0xFFFFFEF7, lr;
	s5 =	simm.s32 $0xFFFFFFFF;
	p2 =	slt.u32 s8, $0xFFFFF086  }
0x1c: {  	p1 =	slt.u32 s9, $0xF7A;
	s5 =	simm.s32 @!p2 $0x0  }
0x1d: {  	s5 =	simm.s32 @p1 $0x1;
	p0 =	seq.s32 s7, s2  }
0x1e: {  	s7 =	smul.u32 @!p0 $0xF7A, s2;
	p2 =	seq.s32 @!p0 s5, $0x0  }
0x1f: {  	s9 =	smul.u32 $0xF7A, s1;
	s8 =	simm.s32 @!p0 $0x1BF5;
	p2 =	por !p2, p0  }
0x20: {  	[sflag:s8] =	ssyncset.s32 @!p0 $0xFFFFF086;
	s6 =	sadd.s32 @!p0 s3, s7;
	s7 =	simm.s32 @!p0 $0x108  }
0x21: {  	s3 =	sadd.s32 s3, s9;
	s6 =	sadd.s32 @!p0 $0x88, s6;
	s7 =	simm.s32 @p2 $0x1082  }
0x22: {  	[simem:s7], [sflag:s8] =	dma.local @!p0 [hbm:s6], $0xF7A  }
0x23: {  	s9 =	sor.u32 $0xD0000000, s2;
	s6 =	simm.s32 $0x108;
	_ =	swait.ge @!p0 [sflag:s8], $0x0  }
0x24: {  	s3 =	sadd.s32 $0x88, s3;
	s6 =	simm.s32 @!p1 $0x1082;
	[sflag:s4] =	ssyncset.s32 $0xFFFFF086  }
0x25: {  	[simem:s6], [sflag:s4] =	dma.local [hbm:s3], $0xF7A  }
0x26: {  	[smem:$0x3F9A] =	sst s1;
	(tag) =	ssettag s2;
	_ =	strace s9  }
0x27: {  	s1 =	sld [smem:$0x3FAA]  }
0x28: {  	s2 =	sld [smem:$0x3FAB]  }
0x29: {  	s4 =	sld [smem:$0x3FAD]  }
0x2a: {  	p0 =	seq.s32 s5, $0x0;
	s5 =	sld [smem:$0x3FAE]  }
0x2b: {  	s6 =	sld [smem:$0x3FAF]  }
0x2c: {  	s7 =	sld [smem:$0x3FB0]  }
0x2d: {  	s3 =	simm.s32 $0x108;
	s8 =	sld [smem:$0x3FB1]  }
0x2e: {  	s3 =	simm.s32 @!p0 $0x1082;
	s9 =	sld [smem:$0x3FB2]  }
0x2f: {  	lr =	sadd.s32 s0, s3;
	s0 =	sld [smem:$0x3FA9]  }
0x30: {  	s3 =	sld [smem:$0x3FAC]  }
0x31: {  	[smem:$0x3FB5] =	sst s10  }
0x32: {  	s10 =	sld [smem:$0x3FB3];
	_ =	sdelay $0x3  }
0x33: {  	p0 =	seq.s32 s10, $0x1;
	s10 =	sld [smem:$0x3FB5];
	_ =	sdelay $0x3  }
0x34: {  	[smem:$0x3FB5] =	sst s10  }
0x35: {  	s10 =	sld [smem:$0x3FB4];
	_ =	sdelay $0x3  }
0x36: {  	p1 =	seq.s32 s10, $0x1;
	s10 =	sld [smem:$0x3FB5];
	_ =	sdelay $0x3  }
0x37: {  	[smem:$0x3FB5] =	sst s10  }
0x38: {  	s10 =	sld [smem:$0x3FB6]  }
0x39: {  	_ = 	snop;
	(pc) =	sbr.ind lr, $3  }
0x3a: {  	_ = 	snop  }
0x3b: {  	_ = 	snop  }
0x3c: {  	p2 =	seq.s32 s10, $0x1;
	s10 =	sld [smem:$0x3FB5]  }
0x3d: {  	_ =	shalt  }
0x3e: {  	_ =	shalt  }
0x3f: {  	_ =	shalt  }
0x40: {  	_ =	shalt  }
0x41: {  	_ =	shalt  }
0x42: {  	_ =	shalt  }
0x43: {  	_ =	shalt  }
0x44: {  	_ =	shalt  }
0x45: {  	_ =	shalt  }
0x46: {  	_ =	shalt  }
0x47: {  	_ =	shalt  }
0x48: {  	_ =	shalt  }
0x49: {  	_ =	shalt  }
0x4a: {  	_ =	shalt  }
0x4b: {  	_ =	shalt  }
0x4c: {  	_ =	shalt  }
0x4d: {  	_ =	shalt  }
0x4e: {  	_ =	shalt  }
0x4f: {  	_ =	shalt  }
0x50: {  	_ =	shalt  }
0x51: {  	_ =	shalt  }
0x52: {  	_ =	shalt  }
0x53: {  	_ =	shalt  }
0x54: {  	_ =	shalt  }
0x55: {  	_ =	shalt  }
0x56: {  	_ =	shalt  }
0x57: {  	_ =	shalt  }
0x58: {  	_ =	shalt  }
0x59: {  	_ =	shalt  }
0x5a: {  	_ =	shalt  }
0x5b: {  	_ =	shalt  }
0x5c: {  	_ =	shalt  }
0x5d: {  	_ =	shalt  }
0x5e: {  	_ =	shalt  }
0x5f: {  	_ =	shalt  }
0x60: {  	_ =	shalt  }
0x61: {  	_ =	shalt  }
0x62: {  	_ =	shalt  }
0x63: {  	_ =	shalt  }
0x64: {  	_ =	shalt  }
0x65: {  	_ =	shalt  }
0x66: {  	_ =	shalt  }
0x67: {  	_ =	shalt  }
0x68: {  	_ =	shalt  }
0x69: {  	_ =	shalt  }
0x6a: {  	_ =	shalt  }
0x6b: {  	_ =	shalt  }
0x6c: {  	_ =	shalt  }
0x6d: {  	_ =	shalt  }
0x6e: {  	_ =	shalt  }
0x6f: {  	_ =	shalt  }
0x70: {  	_ =	shalt  }
0x71: {  	_ =	shalt  }
0x72: {  	_ =	shalt  }
0x73: {  	_ =	shalt  }
0x74: {  	_ =	shalt  }
0x75: {  	_ =	shalt  }
0x76: {  	_ =	shalt  }
0x77: {  	_ =	shalt  }
0x78: {  	_ =	shalt  }
0x79: {  	_ =	shalt  }
0x7a: {  	_ =	shalt  }
0x7b: {  	_ =	shalt  }
0x7c: {  	_ =	shalt  }
0x7d: {  	_ =	shalt  }
0x7e: {  	_ =	shalt  }
0x7f: {  	_ =	shalt  }
0x80: {  	_ =	shalt  }
0x81: {  	_ =	shalt  }
0x82: {  	_ =	shalt  }
0x83: {  	_ =	shalt  }
0x84: {  	_ =	shalt  }
0x85: {  	_ =	shalt  }
0x86: {  	_ =	shalt  }
0x87: {  	_ =	shalt  }
.Lfunc_end0:
.L_simem_size_0:
called_computation_lowered:
.L_overlay_start_0:
0x88: {  	s2 =	sld [smem:$0x3FD9]  }
0x89: {  	s3 =	sld [smem:$0x3FFE];
	_ =	sdelay $0x1  }
0x8a: {  	s1 =	srdreg.scid  }
0x8b: {  	s0 =	sand.u32 $0x1, s1  }
0x8c: {  	s17 =	sshll.u32 s0, $0xA;
	s2 =	sadd.s32 s3, s2  }
0x8d: {  	s2 =	sadd.s32 s2, s17  }
0x8e: {  	[smem:$0x3FC1] =	sst s2  }
0x8f: {  	_ = 	snop  }
0x90: {  	s2 =	sld [smem:$0x3FD0];
	(tm) =	ssettm $0x1  }
0x91: {  	s18 =	sld [smem:$0x3FFB];
	_ =	sdelay $0x3  }
0x92: {  	_ =	strace s18  }
0x93: {  	s3 =	sld [smem:$0x3FFC];
	_ =	sdelay $0x3  }
0x94: {  	_ =	strace s3  }
0x95: {  	s3 =	sld [smem:$0x3FFD];
	_ =	sdelay $0x3  }
0x96: {  	_ =	strace s3  }
0x97: {  	_ =	strace $0x8FFFFFFF  }
0x98: {  	s19 =	sld [smem:$0x3FDB];
	_ =	sdelay $0x1  }
0x99: {  	s4 =	simm.s32 $_scs_section_size  }
0x9a: {  	s5 =	simm.s32 $_size__tile_overlayer_lowered;
	s6 =	simm.s32 $_tile_overlayer_lowered  }
0x9b: {  	s22 =	simm.s32 $0x1BFF;
	s21 =	sshll.u32 s6, $0x1;
	s3 =	sadd.s32 s4, s19  }
0x9c: {  	s7 =	simm.s32 $0x0;
	s20 =	sshll.u32 s5, $0x1;
	s5 =	sadd.s32 s21, s3  }
0x9d: {  	[timem:s7], [sflag:s22] =	dma.local [hbm:s5], s20  }
0x9e: {  	_ =	swait.ge [sflag:s22], s20  }
0x9f: {  	s4 =	ssub.s32 $0x0, s20;
	[sflag:s22] =	ssyncset.done $0x0  }
0xa0: {  	[sflag:s22] =	ssyncadd.s32 s4;
	_ =	sdelay $0x1  }
0xa1: {  	s23 =	simm.s32 $0x1B8B  }
0xa2: {  	_ =	swait.ge [sflag:s23], $0x1  }
0xa3: {  	[sflag:s23] =	ssyncset.done $0x0  }
0xa4: {  	s25 =	simm.s32 $0x1B8E;
	s24 =	sld [smem:$0x3FFE];
	[sflag:s23] =	ssyncadd.s32 $0xFFFFFFFF  }
0xa5: {  	s26 =	simm.s32 $execute0_lowered;
	[smem:$0x3FD2] =	sst s25  }
0xa6: {  	s5 =	sshll.u32 s26, $0x1;
	_ =	strace $0x80000046;
	[dreg:$0x1] =	wrdreg $0xFFFFFFFF  }
0xa7: {  	s28 =	simm.s32 $_size_execute0_lowered;
	s3 =	sadd.s32 s3, s5;
	[dreg:$0x0] =	wrdreg $0x0  }
0xa8: {  	s5 =	sshll.u32 s28, $0x1;
	[dreg:$0x2] =	wrdreg s3  }
0xa9: {  	[dreg:$0x3] =	wrdreg s5  }
0xaa: {  	[dreg:$0x4] =	wrdreg $0xC0  }
0xab: {  	_ =	task [dreg:s7], $0x5FFFF  }
0xac: {  	[dreg:$0x1] =	wrdreg $0xFFFFFFFF  }
0xad: {  	[dreg:$0x0] =	wrdreg $0x60  }
0xae: {  	[dreg:$0x2] =	wrdreg s24  }
0xaf: {  	[dreg:$0x3] =	wrdreg s2  }
0xb0: {  	[dreg:$0x4] =	wrdreg $0x0  }
0xb1: {  	[dreg:$0x5] =	wrdreg $0x2800  }
0xb2: {  	[dreg:$0x6] =	wrdreg $0x9  }
0xb3: {  	_ =	task.clear_ibuf [dreg:s7], $0x7FFFF;
	_ =	strace $0x90000046  }
0xb4: {  	s29 =	simm.s32 $0x9;
	_ =	strace $0x80000048  }
0xb5: {  	_ =	swait.ge [sflag:s29], $0x1  }
0xb6: {  	[sflag:s29] =	ssyncadd.s32 $0xFFFFFFFF  }
0xb7: {  	_ =	strace $0x90000048  }
0xb8: {  	_ =	sfence  }
0xb9: {  	s30 =	sld [smem:$0x0];
	_ =	sdelay $0x2  }
0xba: {  	s31 =	sshll.u32 s1, $0xD;
	s1 =	sshrl.u32 s1, $0x2  }
0xbb: {  	s3 =	sand.u32 $0x4000, s31;
	s1 =	sadd.s32 s1, s30  }
0xbc: {  	s0 =	sor.u32 s3, s0;
	s1 =	sshll.u32 s1, $0x11  }
0xbd: {  	s0 =	sor.u32 s1, s0  }
0xbe: {  	s0 =	sadd.s32 $0x8F2B, s0  }
0xbf: {  	[sflag:s0] =	ssyncadd.remote.s32 $0x1  }
0xc0: {  	_ =	sfence.sel $0xFFFF  }
0xc1: {  	[dreg:$0x0] =	wrdreg $0xFFFFFFFF;
	(pc) =	sbr.abs _section_cstart, $3  }
0xc2: {  	[dreg:$0x1] =	wrdreg $0xFFFFFFFF  }
0xc3: {  	_ =	task.clear_ibuf [dreg:s7], $0x2FFFF;
	_ =	strace $0x9FFFFFFF  }
0xc4: {  	(tm) =	ssettm $0x7FFFFFFF  }
0xc5: {  	_ =	shalt  }
tec
execute0_lowered:
.L_overlay_start_1:
0x0: {  	(tag) =	ssettag $0x1  }
0x1: {  	s4 =	rddreg [dreg:$0x0]  }
0x2: {  	s11 =	rddreg [dreg:$0x1];
	s0 =	srdreg.scid  }
0x3: {  	s20 =	stileid.u32;
	s1 =	rddreg [dreg:$0x2]  }
0x4: {  	s2 =	rddreg [dreg:$0x3];
	s3 =	simm.s32 $0x0;
	s15 =	simm.s32 $0x2  }
0x5: {  	s16 =	simm.s32 $0x1;
	s17 =	simm.s32 $0x50;
	s18 =	simm.s32 $0x4288  }
0x6: {  	s19 =	simm.s32 $0x4308;
	s23 =	simm.s32 $0x20;
	s24 =	simm.s32 $0x10  }
0x7: {  	s25 =	simm.s32 $0x0;
	s10 =	sand.u32 $0x1, s0;
	s0 =	rddreg [dreg:$0x4]  }
0x8: {  	s26 =	sshll.u32 s20, $0x1;
	[smem:$0x7FF] =	sst s3;
	s7 =	smul.u32 $0x500, s20  }
0x9: {  	s9 =	smul.u32 $0xA00, s20;
	p0 =	sne.s32 s20, $0x0;
	s21 =	sshll.u32 s20, $0x6  }
0xa: {  	s20 =	simm.s32 $0x4388;
	s5 =	sor.u32 s10, s26;
	_ =	strace $0x80000047  }
0xb: {  	s8 =	sshll.u32 s10, $0x7;
	s28 =	ssub.s32 $0x2, s10;
	s31 =	sshll.u32 s10, $0x4  }
0xc: {  	s21 =	sor.u32 $0x1C02, s21;
	s6 =	smul.u32 $0x140, s5;
	s5 =	sshll.u32 s5, $0xB  }
0xd: {  	s7 =	sor.u32 s8, s7;
	s29 =	sshrl.u32 s28, $0x1;
	s30 =	sshrl.u32 s9, $0x2  }
0xe: {  	s11 =	sadd.s32 s11, s31;
	s5 =	sadd.s32 s5, s4;
	s7 =	sshrl.u32 s7, $0x3  }
0xf: {  	s14 =	ssub.s32 s28, s29;
	s6 =	sshrl.u32 s6, $0x3;
	s13 =	sadd.s32 s7, s4  }
0x10: {  	s12 =	sadd.s32 s6, s4;
	s4 =	sadd.s32 $0x16000, s5;
	s5 =	sadd.s32 s30, s1  }
0x11: {  	s10 =	sadd.s32 $0x26600, s13;
	s13 =	simm.s32 $0x288;
	s6 =	sadd.s32 $0x26000, s12  }
0x12: {  	s7 =	sadd.s32 $0x2600A, s12;
	s8 =	sadd.s32 $0x26014, s12;
	s9 =	sadd.s32 $0x2601E, s12  }
0x13: {  	v0 =	vimm.f32 $0.0e+00;
	v1 =	vimm.f32 $1.000000000e+00;
	s12 =	smax.u32 s14, $0x1;
	s14 =	simm.s32 $0x4408;
	s22 =	sshrl.u32 s5, $0x3  }
.LBB2_1:
0x14: {  	[tilespmem:s13], [sflag:$0x1] =	stream.linear.gather [hbm4b:s4+s3], $0x3E80, $0x38;
	[tilespmem:$0x4688] =	vst v63  }
0x15: {  	[tilespmem:$0x4408] =	vst v0  }
0x16: {  	[tilespmem:$0x4418] =	vst v0  }
0x17: {  	[tilespmem:$0x4428] =	vst v0  }
0x18: {  	[tilespmem:$0x4438] =	vst v0  }
0x19: {  	[tilespmem:$0x4448] =	vst v0  }
0x1a: {  	[tilespmem:$0x4458] =	vst v0  }
0x1b: {  	[tilespmem:$0x4468] =	vst v0  }
0x1c: {  	[tilespmem:$0x4478] =	vst v0  }
0x1d: {  	[tilespmem:$0x4488] =	vst v0  }
0x1e: {  	[tilespmem:$0x4498] =	vst v0  }
0x1f: {  	[tilespmem:$0x44A8] =	vst v0  }
0x20: {  	[tilespmem:$0x44B8] =	vst v0  }
0x21: {  	[tilespmem:$0x44C8] =	vst v0  }
0x22: {  	[tilespmem:$0x44D8] =	vst v0  }
0x23: {  	[tilespmem:$0x44E8] =	vst v0  }
0x24: {  	[tilespmem:$0x44F8] =	vst v0  }
0x25: {  	[tilespmem:$0x4508] =	vst v0  }
0x26: {  	[tilespmem:$0x4518] =	vst v0  }
0x27: {  	[tilespmem:$0x4528] =	vst v0  }
0x28: {  	[tilespmem:$0x4538] =	vst v0  }
0x29: {  	[tilespmem:$0x4548] =	vst v0  }
0x2a: {  	[tilespmem:$0x4558] =	vst v0  }
0x2b: {  	[tilespmem:$0x4568] =	vst v0  }
0x2c: {  	[tilespmem:$0x4578] =	vst v0  }
0x2d: {  	[tilespmem:$0x4588] =	vst v0  }
0x2e: {  	[tilespmem:$0x4598] =	vst v0  }
0x2f: {  	[tilespmem:$0x45A8] =	vst v0  }
0x30: {  	[tilespmem:$0x45B8] =	vst v0  }
0x31: {  	[tilespmem:$0x45C8] =	vst v0  }
0x32: {  	[tilespmem:$0x45D8] =	vst v0  }
0x33: {  	[tilespmem:$0x45E8] =	vst v0  }
0x34: {  	[tilespmem:$0x45F8] =	vst v0  }
0x35: {  	[tilespmem:$0x4608] =	vst v0  }
0x36: {  	[tilespmem:$0x4618] =	vst v0  }
0x37: {  	[tilespmem:$0x4628] =	vst v0  }
0x38: {  	[tilespmem:$0x4638] =	vst v0  }
0x39: {  	[tilespmem:$0x4648] =	vst v0  }
0x3a: {  	[tilespmem:$0x4658] =	vst v0  }
0x3b: {  	[tilespmem:$0x4668] =	vst v0  }
0x3c: {  	[tilespmem:$0x4678] =	vst v0  }
0x3d: {  	[spmem:s5] =	stream.linear.scatter [tilespmem:s14], [sflag:$0x2], $0x280, $0x38;
	[tilespmem:$0x4688] =	vst v63  }
0x3e: {  	_ =	swait.ge [sflag:s15], $0x280  }
0x3f: {  	[sflag:s15] =	ssyncset.done $0x0  }
0x40: {  	s26 =	simm.s32 @!p0 $0x4408;
	[sflag:s15] =	ssyncadd.s32 $0xFFFFFD80  }
0x41: {  	[spmem:s2] =	stream.linear.scatter @!p0 [tilespmem:s26], [sflag:$0x2], $0x40, $0x38;
	[tilespmem:$0x4688] =	vst v63  }
0x42: {  	s26 =	simm.s32 @!p0 $0x2  }
0x43: {  	_ =	swait.ge @!p0 [sflag:s26], $0x40  }
0x44: {  	[sflag:s26] =	ssyncset.done @!p0 $0x0  }
0x45: {  	[sflag:s26] =	ssyncadd.s32 @!p0 $0xFFFFFFC0  }
0x46: {  	[tilespmem:$0x4288] =	vst v1  }
0x47: {  	[tilespmem:$0x4298] =	vst v1  }
0x48: {  	[tilespmem:$0x42A8] =	vst v1  }
0x49: {  	[tilespmem:$0x42B8] =	vst v1  }
0x4a: {  	[tilespmem:$0x42C8] =	vst v1  }
0x4b: {  	_ =	swait.ge [sflag:s16], $0x3E80  }
0x4c: {  	[sflag:s16] =	ssyncset.done $0x0  }
0x4d: {  	[sflag:s16] =	ssyncadd.s32 $0xFFFFC180  }
0x4e: {  	s31 =	simm.s32 $0x288;
	[bflag:$0x0] =	sbarrier.arrive $0xFFFF  }
0x4f: {  	[spmem:s1] =	stream.indirect.scatter.add.f32 [tilespmem:s18], [sflag:$0x2], $0x1, s31, s17, $0xb8;
	[tilespmem:$0x4688] =	vst v63  }
0x50: {  	s26 =	simm.s32 $0x200;
	_ =	swait.ge [sflag:s15], $0x50  }
.LBB2_2:
0x51: {  	s28 =	sshra.s32 s26, $0x2;
	[sflag:s15] =	ssyncset.done $0x0;
	p1 =	sne.s32 s26, $0xF800  }
.Ltmp0:
0x52: {  	s28 =	sadd.s32 $0x288, s28;
	[sflag:s15] =	ssyncadd.s32 $0xFFFFFFB0;
	(pc) =	sbr.rel @p1 .LBB2_2-.Ltmp0, $3  }
0x53: {  	[spmem:s1] =	stream.indirect.scatter.add.f32 [tilespmem:s18], [sflag:$0x2], $0x1, s28, s17, $0xb8;
	[tilespmem:$0x4688] =	vst v63  }
0x54: {  	s26 =	sadd.s32 $0x200, s26;
	_ =	sdelay $0x1  }
0x55: {  	_ =	swait.ge [sflag:s15], $0x50  }
0x56: {  	[sflag:s15] =	ssyncset.done $0x0  }
0x57: {  	[sflag:s15] =	ssyncadd.s32 $0xFFFFFFB0  }
0x58: {  	[tilespmem:s19], [sflag:$0x2] =	stream.linear.gather [hbm4b:s6+s3], $0x50, $0x38;
	[tilespmem:$0x4688] =	vst v63  }
0x59: {  	_ =	swait.ge [sflag:s15], $0x50  }
0x5a: {  	[sflag:s15] =	ssyncset.done $0x0  }
0x5b: {  	[sflag:s15] =	ssyncadd.s32 $0xFFFFFFB0  }
0x5c: {  	v2 =	vld [tilespmem:$0x4308];
	_ =	sdelay $0x1  }
0x5d: {  	v3 =	vld [tilespmem:$0x4318];
	_ =	sdelay $0x1  }
0x5e: {  	v4 =	vld [tilespmem:$0x4328]  }
0x5f: {  	vm0 =	vlt.s32 v2, $0x40  }
0x60: {  	v5 =	vld [tilespmem:$0x4338];
	v2 =	vnsel vm0, $0x0, v2  }
0x61: {  	vm9 =	vlt.s32 v3, $0x40;
	[tilespmem:$0x4308] =	vst v2;
	v2 =	vsel vm0, $0x3F800000, v0  }
0x62: {  	[tilespmem:$0x4388] =	vst v2;
	v2 =	vnsel vm9, $0x0, v3;
	v3 =	vld [tilespmem:$0x4348]  }
0x63: {  	vm10 =	vlt.s32 v4, $0x40;
	[tilespmem:$0x4318] =	vst v2;
	v2 =	vsel vm9, $0x3F800000, v0  }
0x64: {  	[tilespmem:$0x4398] =	vst v2;
	v2 =	vnsel vm10, $0x0, v4  }
0x65: {  	vm11 =	vlt.s32 v5, $0x40;
	[tilespmem:$0x4328] =	vst v2;
	v2 =	vsel vm10, $0x3F800000, v0  }
0x66: {  	[tilespmem:$0x43A8] =	vst v2;
	v2 =	vnsel vm11, $0x0, v5  }
0x67: {  	[tilespmem:$0x4338] =	vst v2;
	v2 =	vsel vm11, $0x3F800000, v0;
	vm12 =	vlt.s32 v3, $0x40  }
0x68: {  	[tilespmem:$0x43B8] =	vst v2;
	v2 =	vnsel vm12, $0x0, v3  }
0x69: {  	[tilespmem:$0x4348] =	vst v2;
	v2 =	vsel vm12, $0x3F800000, v0  }
0x6a: {  	[tilespmem:$0x43C8] =	vst v2  }
0x6b: {  	[spmem:s2] =	stream.indirect.scatter.add.f32 [tilespmem:s20], [sflag:$0x2], $0x1, s19, s17, $0xb8;
	[tilespmem:$0x4688] =	vst v63  }
0x6c: {  	_ =	swait.ge [sflag:s15], $0x50  }
0x6d: {  	[sflag:s15] =	ssyncset.done $0x0  }
0x6e: {  	[sflag:s15] =	ssyncadd.s32 $0xFFFFFFB0  }
0x6f: {  	[tilespmem:s19], [sflag:$0x2] =	stream.linear.gather [hbm4b:s7+s3], $0x50, $0x38;
	[tilespmem:$0x4688] =	vst v63  }
0x70: {  	_ =	swait.ge [sflag:s15], $0x50  }
0x71: {  	[sflag:s15] =	ssyncset.done $0x0  }
0x72: {  	[sflag:s15] =	ssyncadd.s32 $0xFFFFFFB0  }
0x73: {  	v2 =	vld [tilespmem:$0x4308];
	_ =	sdelay $0x1  }
0x74: {  	v3 =	vld [tilespmem:$0x4318];
	_ =	sdelay $0x1  }
0x75: {  	v58 =	vld [tilespmem:$0x4328]  }
0x76: {  	vm13 =	vlt.s32 v2, $0x40  }
0x77: {  	v59 =	vld [tilespmem:$0x4338];
	v2 =	vnsel vm13, $0x0, v2  }
0x78: {  	vm14 =	vlt.s32 v3, $0x40;
	[tilespmem:$0x4308] =	vst v2;
	v2 =	vsel vm13, $0x3F800000, v0  }
0x79: {  	[tilespmem:$0x4388] =	vst v2;
	v2 =	vnsel vm14, $0x0, v3;
	v3 =	vld [tilespmem:$0x4348]  }
0x7a: {  	vm15 =	vlt.s32 v58, $0x40;
	[tilespmem:$0x4318] =	vst v2;
	v2 =	vsel vm14, $0x3F800000, v0  }
0x7b: {  	[tilespmem:$0x4398] =	vst v2;
	v2 =	vnsel vm15, $0x0, v58  }
0x7c: {  	vm4 =	vlt.s32 v59, $0x40;
	[tilespmem:$0x4328] =	vst v2;
	v2 =	vsel vm15, $0x3F800000, v0  }
0x7d: {  	[tilespmem:$0x43A8] =	vst v2;
	v2 =	vnsel vm4, $0x0, v59  }
0x7e: {  	[tilespmem:$0x4338] =	vst v2;
	v2 =	vsel vm4, $0x3F800000, v0;
	vm5 =	vlt.s32 v3, $0x40  }
0x7f: {  	[tilespmem:$0x43B8] =	vst v2;
	v2 =	vnsel vm5, $0x0, v3  }
0x80: {  	[tilespmem:$0x4348] =	vst v2;
	v2 =	vsel vm5, $0x3F800000, v0  }
0x81: {  	[tilespmem:$0x43C8] =	vst v2  }
0x82: {  	[spmem:s2] =	stream.indirect.scatter.add.f32 [tilespmem:s20], [sflag:$0x2], $0x1, s19, s17, $0xb8;
	[tilespmem:$0x4688] =	vst v63  }
0x83: {  	_ =	swait.ge [sflag:s15], $0x50  }
0x84: {  	[sflag:s15] =	ssyncset.done $0x0  }
0x85: {  	[sflag:s15] =	ssyncadd.s32 $0xFFFFFFB0  }
0x86: {  	[tilespmem:s19], [sflag:$0x2] =	stream.linear.gather [hbm4b:s8+s3], $0x50, $0x38;
	[tilespmem:$0x4688] =	vst v63  }
0x87: {  	_ =	swait.ge [sflag:s15], $0x50  }
0x88: {  	[sflag:s15] =	ssyncset.done $0x0  }
0x89: {  	[sflag:s15] =	ssyncadd.s32 $0xFFFFFFB0  }
0x8a: {  	v2 =	vld [tilespmem:$0x4308];
	_ =	sdelay $0x1  }
0x8b: {  	v3 =	vld [tilespmem:$0x4318];
	_ =	sdelay $0x1  }
0x8c: {  	v60 =	vld [tilespmem:$0x4328]  }
0x8d: {  	vm6 =	vlt.s32 v2, $0x40  }
0x8e: {  	v61 =	vld [tilespmem:$0x4338];
	v2 =	vnsel vm6, $0x0, v2  }
0x8f: {  	vm7 =	vlt.s32 v3, $0x40;
	[tilespmem:$0x4308] =	vst v2;
	v2 =	vsel vm6, $0x3F800000, v0  }
0x90: {  	[tilespmem:$0x4388] =	vst v2;
	v2 =	vnsel vm7, $0x0, v3;
	v3 =	vld [tilespmem:$0x4348]  }
0x91: {  	vm8 =	vlt.s32 v60, $0x40;
	[tilespmem:$0x4318] =	vst v2;
	v2 =	vsel vm7, $0x3F800000, v0  }
0x92: {  	[tilespmem:$0x4398] =	vst v2;
	v2 =	vnsel vm8, $0x0, v60  }
0x93: {  	vm9 =	vlt.s32 v61, $0x40;
	[tilespmem:$0x4328] =	vst v2;
	v2 =	vsel vm8, $0x3F800000, v0  }
0x94: {  	[tilespmem:$0x43A8] =	vst v2;
	v2 =	vnsel vm9, $0x0, v61  }
0x95: {  	[tilespmem:$0x4338] =	vst v2;
	v2 =	vsel vm9, $0x3F800000, v0;
	vm10 =	vlt.s32 v3, $0x40  }
0x96: {  	[tilespmem:$0x43B8] =	vst v2;
	v2 =	vnsel vm10, $0x0, v3  }
0x97: {  	[tilespmem:$0x4348] =	vst v2;
	v2 =	vsel vm10, $0x3F800000, v0  }
0x98: {  	[tilespmem:$0x43C8] =	vst v2  }
0x99: {  	[spmem:s2] =	stream.indirect.scatter.add.f32 [tilespmem:s20], [sflag:$0x2], $0x1, s19, s17, $0xb8;
	[tilespmem:$0x4688] =	vst v63  }
0x9a: {  	_ =	swait.ge [sflag:s15], $0x50  }
0x9b: {  	[sflag:s15] =	ssyncset.done $0x0  }
0x9c: {  	[sflag:s15] =	ssyncadd.s32 $0xFFFFFFB0  }
0x9d: {  	[tilespmem:s19], [sflag:$0x2] =	stream.linear.gather [hbm4b:s9+s3], $0x50, $0x38;
	[tilespmem:$0x4688] =	vst v63  }
0x9e: {  	_ =	swait.ge [sflag:s15], $0x50  }
0x9f: {  	[sflag:s15] =	ssyncset.done $0x0  }
0xa0: {  	[sflag:s15] =	ssyncadd.s32 $0xFFFFFFB0  }
0xa1: {  	v2 =	vld [tilespmem:$0x4308];
	_ =	sdelay $0x1  }
0xa2: {  	v3 =	vld [tilespmem:$0x4318];
	_ =	sdelay $0x1  }
0xa3: {  	v62 =	vld [tilespmem:$0x4328]  }
0xa4: {  	vm11 =	vlt.s32 v2, $0x40  }
0xa5: {  	v63 =	vld [tilespmem:$0x4338];
	v2 =	vnsel vm11, $0x0, v2  }
0xa6: {  	vm12 =	vlt.s32 v3, $0x40;
	[tilespmem:$0x4308] =	vst v2;
	v2 =	vsel vm11, $0x3F800000, v0  }
0xa7: {  	[tilespmem:$0x4388] =	vst v2;
	v2 =	vnsel vm12, $0x0, v3;
	v3 =	vld [tilespmem:$0x4348]  }
0xa8: {  	vm13 =	vlt.s32 v62, $0x40;
	[tilespmem:$0x4318] =	vst v2;
	v2 =	vsel vm12, $0x3F800000, v0  }
0xa9: {  	[tilespmem:$0x4398] =	vst v2;
	v2 =	vnsel vm13, $0x0, v62  }
0xaa: {  	vm14 =	vlt.s32 v63, $0x40;
	[tilespmem:$0x4328] =	vst v2;
	v2 =	vsel vm13, $0x3F800000, v0  }
0xab: {  	[tilespmem:$0x43A8] =	vst v2;
	v2 =	vnsel vm14, $0x0, v63  }
0xac: {  	[tilespmem:$0x4338] =	vst v2;
	v2 =	vsel vm14, $0x3F800000, v0;
	vm15 =	vlt.s32 v3, $0x40  }
0xad: {  	[tilespmem:$0x43B8] =	vst v2;
	v2 =	vnsel vm15, $0x0, v3  }
0xae: {  	[tilespmem:$0x4348] =	vst v2;
	v2 =	vsel vm15, $0x3F800000, v0  }
0xaf: {  	[tilespmem:$0x43C8] =	vst v2  }
0xb0: {  	[spmem:s2] =	stream.indirect.scatter.add.f32 [tilespmem:s20], [sflag:$0x2], $0x1, s19, s17, $0xb8;
	[tilespmem:$0x4688] =	vst v63  }
0xb1: {  	_ =	swait.ge [sflag:s15], $0x50  }
0xb2: {  	[sflag:s15] =	ssyncset.done $0x0  }
0xb3: {  	[sflag:s15] =	ssyncadd.s32 $0xFFFFFFB0  }
0xb4: {  	[bflag:$0x0] =	sbarrier.arrive $0xFFFF  }
0xb5: {  	[hbm:s10@s23], [sflag:s21] =	dma.strided [spmem:s22@s24], $0x50, s16, $0x10   }
0xb6: {  	_ =	swait.ge [sflag:s15], $0x50  }
0xb7: {  	s25 =	sadd.s32 $0x1, s25;
	[sflag:s15] =	ssyncset.done $0x0  }
0xb8: {  	s26 =	sshrl.u32 @!p0 s2, $0x3;
	p1 =	sne.s32 s25, s12;
	[sflag:s15] =	ssyncadd.s32 $0xFFFFFFB0  }
0xb9: {  	[hbm:s11], [sflag:s21] =	dma.local @!p0 [spmem:s26], $0x10  }
.Ltmp1:
0xba: {  	_ = 	snop;
	(pc) =	sbr.rel @p1 .LBB2_1-.Ltmp1, $4  }
0xbb: {  	s26 =	simm.s32 @!p0 $0x2  }
0xbc: {  	_ =	swait.ge @!p0 [sflag:s26], $0x10  }
0xbd: {  	[sflag:s26] =	ssyncset.done @!p0 $0x0  }
0xbe: {  	[sflag:s26] =	ssyncadd.s32 @!p0 $0xFFFFFFF0  }
0xbf: {  	_ =	sfence.sel $0x180000  }
0xc0: {  	[bflag:$0x0] =	sbarrier.arrive $0xFFFF  }
0xc1: {  	_ =	strace $0x90000047  }
0xc2: {  	s0 =	sadd.s32 @!p0 $0x100000, s0;
	[bflag:$0x2] =	sbarrier.arrive $0xFFFF  }
0xc3: {  	[sflag:s0] =	ssyncadd.tile.s32 @!p0 $0x1;
	_ =	shalt  }
.Lfunc_end2:
_tile_overlayer_lowered:
.L_overlay_start_2:
0xc4: {  	(tag) =	ssettag $0x2  }
0xc5: {  	s0 =	rddreg [dreg:$0x0];
	s2 =	stileid.u32  }
0xc6: {  	s1 =	rddreg [dreg:$0x1];
	p0 =	sne.s32 s2, $0x0  }
0xc7: {  	s3 =	rddreg [dreg:$0x2];
	[bflag:$0x3] =	sbarrier.arrive $0xFFFF;
	s2 =	simm.s32 @!p0 $0x1C02  }
0xc8: {  	[timem:s3], [sflag:s2] =	dma.local @!p0 [hbm:s0], s1  }
0xc9: {  	s0 =	simm.s32 @!p0 $0x2  }
0xca: {  	_ =	swait.ge @!p0 [sflag:s0], s1  }
0xcb: {  	s1 =	ssub.s32 @!p0 $0x0, s1;
	[sflag:s0] =	ssyncset.done @!p0 $0x0  }
0xcc: {  	[sflag:s0] =	ssyncadd.s32 @!p0 s1  }
0xcd: {  	[bflag:$0x3] =	sbarrier.arrive $0xFFFF  }
0xce: {  	_ =	shalt  }

</sc_bundles>
